<compile_context>
chip_gen: v7x
topology: tpu7x:2x2x1
jax: 0.10.2.dev20260603
libtpu: 0.0.44.dev20260713+nightly
codegen_flags: <defaults>
</compile_context>

<pallas_src>
import functools

import jax
import jax.numpy as jnp
from jax import lax
from jax.experimental import pallas as pl
from jax.experimental.pallas import tpu as pltpu
from jax.experimental.pallas import tpu_sc as plsc

B = 16384
D = 64
NC = 2
NS = 16
NW = NC * NS
BPW = B // NW
CHUNK = 128
NCHUNK = BPW // CHUNK
GROUPS = BPW // 16

V = 1000000
ROWS_PER_W = 2 * D // NW
VMAIN = (V // CHUNK) * CHUNK
VTAIL = V - VMAIN
VP = VMAIN + CHUNK

CCHUNK = 16128
NCH = VMAIN // CCHUNK
NSLOT = 4
TOTCH = ROWS_PER_W * NCH


def _depad_kernel(uwt_h, iwt_h, uflat_h, iflat_h,
                  buf0_v, buf1_v, buf2_v, buf3_v, tail_v,
                  rsem, wsem, tsem):
    bufs = [buf0_v, buf1_v, buf2_v, buf3_v]
    wid = lax.axis_index("s") * NC + lax.axis_index("c")

    def src_dst(g):
        k = lax.div(g, NCH)
        c = lax.rem(g, NCH)
        r = wid * ROWS_PER_W + k
        f = lax.rem(r, D)
        return r, f, c * CCHUNK

    def fire_read(slot, g):
        r, f, off = src_dst(g)

        @pl.when(r < D)
        def _():
            pltpu.async_copy(uwt_h.at[f].at[pl.ds(off, CCHUNK)],
                             bufs[slot], rsem)

        @pl.when(r >= D)
        def _():
            pltpu.async_copy(iwt_h.at[f].at[pl.ds(off, CCHUNK)],
                             bufs[slot], rsem)

    def wait_read(slot, g):
        r, f, off = src_dst(g)

        @pl.when(r < D)
        def _():
            pltpu.make_async_copy(uwt_h.at[f].at[pl.ds(off, CCHUNK)],
                                  bufs[slot], rsem).wait()

        @pl.when(r >= D)
        def _():
            pltpu.make_async_copy(iwt_h.at[f].at[pl.ds(off, CCHUNK)],
                                  bufs[slot], rsem).wait()

    def fire_write(slot, g):
        r, f, off = src_dst(g)

        @pl.when(r < D)
        def _():
            pltpu.async_copy(bufs[slot],
                             uflat_h.at[pl.ds(f * VP + off, CCHUNK)], wsem)

        @pl.when(r >= D)
        def _():
            pltpu.async_copy(bufs[slot],
                             iflat_h.at[pl.ds(f * VP + off, CCHUNK)], wsem)

    def wait_write(slot, g):
        r, f, off = src_dst(g)

        @pl.when(r < D)
        def _():
            pltpu.make_async_copy(bufs[slot],
                                  uflat_h.at[pl.ds(f * VP + off, CCHUNK)],
                                  wsem).wait()

        @pl.when(r >= D)
        def _():
            pltpu.make_async_copy(bufs[slot],
                                  iflat_h.at[pl.ds(f * VP + off, CCHUNK)],
                                  wsem).wait()

    for slot in range(NSLOT):
        fire_read(slot, jnp.int32(slot))

    def round_body(t, carry):
        for slot in range(NSLOT):
            g = t * NSLOT + slot
            wait_read(slot, g)
            fire_write(slot, g)
        for slot in range(NSLOT):
            g = t * NSLOT + slot
            wait_write(slot, g)

            @pl.when(g + NSLOT < TOTCH)
            def _():
                fire_read(slot, g + NSLOT)

        return carry

    lax.fori_loop(0, TOTCH // NSLOT, round_body, 0)

    def tail_body(k, carry):
        r = wid * ROWS_PER_W + k
        f = lax.rem(r, D)

        @pl.when(r < D)
        def _():
            pltpu.async_copy(uwt_h.at[f].at[pl.ds(VMAIN, VTAIL)],
                             tail_v, tsem)
            pltpu.make_async_copy(uwt_h.at[f].at[pl.ds(VMAIN, VTAIL)],
                                  tail_v, tsem).wait()
            pltpu.async_copy(tail_v,
                             uflat_h.at[pl.ds(f * VP + VMAIN, VTAIL)], tsem)
            pltpu.make_async_copy(tail_v,
                                  uflat_h.at[pl.ds(f * VP + VMAIN, VTAIL)],
                                  tsem).wait()

        @pl.when(r >= D)
        def _():
            pltpu.async_copy(iwt_h.at[f].at[pl.ds(VMAIN, VTAIL)],
                             tail_v, tsem)
            pltpu.make_async_copy(iwt_h.at[f].at[pl.ds(VMAIN, VTAIL)],
                                  tail_v, tsem).wait()
            pltpu.async_copy(tail_v,
                             iflat_h.at[pl.ds(f * VP + VMAIN, VTAIL)], tsem)
            pltpu.make_async_copy(tail_v,
                                  iflat_h.at[pl.ds(f * VP + VMAIN, VTAIL)],
                                  tsem).wait()

        return carry

    lax.fori_loop(0, ROWS_PER_W, tail_body, 0)


def _fm_kernel(user_h, item_h, uwt_h, iwt_h, ubt_h, ibt_h, bias_h, out_h,
               uidx_v, iidx_v, ubuf_v, ibuf_v, ub_v, ib_v, bias_v, out_v,
               sem):
    wid = lax.axis_index("s") * NC + lax.axis_index("c")

    pltpu.sync_copy(user_h.at[wid], uidx_v)
    pltpu.sync_copy(item_h.at[wid], iidx_v)
    pltpu.sync_copy(bias_h, bias_v)

    for j in range(NCHUNK):
        pltpu.async_copy(ubt_h.at[0].at[uidx_v.at[j]],
                         ub_v.at[pl.ds(j * CHUNK, CHUNK)], sem)
        pltpu.async_copy(ibt_h.at[0].at[iidx_v.at[j]],
                         ib_v.at[pl.ds(j * CHUNK, CHUNK)], sem)

    def fire_f(f):
        for j in range(NCHUNK):
            pltpu.async_copy(uwt_h.at[f].at[uidx_v.at[j]],
                             ubuf_v.at[f, pl.ds(j * CHUNK, CHUNK)], sem)
            pltpu.async_copy(iwt_h.at[f].at[iidx_v.at[j]],
                             ibuf_v.at[f, pl.ds(j * CHUNK, CHUNK)], sem)

    def drain_f(f):
        for j in range(NCHUNK):
            pltpu.make_async_copy(uwt_h.at[f].at[uidx_v.at[j]],
                                  ubuf_v.at[f, pl.ds(j * CHUNK, CHUNK)],
                                  sem).wait()
            pltpu.make_async_copy(iwt_h.at[f].at[iidx_v.at[j]],
                                  ibuf_v.at[f, pl.ds(j * CHUNK, CHUNK)],
                                  sem).wait()

    def gather_f(f, carry):
        fire_f(f)

        @pl.when(f > 0)
        def _():
            drain_f(f - 1)

        return carry

    lax.fori_loop(0, D, gather_f, 0)
    drain_f(jnp.int32(D - 1))

    for j in range(NCHUNK):
        pltpu.make_async_copy(ubt_h.at[0].at[uidx_v.at[j]],
                              ub_v.at[pl.ds(j * CHUNK, CHUNK)], sem).wait()
        pltpu.make_async_copy(ibt_h.at[0].at[iidx_v.at[j]],
                              ib_v.at[pl.ds(j * CHUNK, CHUNK)], sem).wait()

    b0 = bias_v[...]

    def group_body(g, carry):
        acc = ub_v[pl.ds(g * 16, 16)] + ib_v[pl.ds(g * 16, 16)] + b0
        for f in range(D):
            gu = ubuf_v[f, pl.ds(g * 16, 16)]
            gi = ibuf_v[f, pl.ds(g * 16, 16)]
            acc = acc + gu * gi
        out_v[pl.ds(g * 16, 16)] = acc
        return carry

    lax.fori_loop(0, GROUPS, group_body, 0)
    pltpu.sync_copy(out_v, out_h.at[pl.ds(wid * BPW, BPW)])


def kernel(user, item, context, embed_user_w, embed_item_w,
           u_bias_w, i_bias_w, bias_):
    del context
    user3 = user.astype(jnp.int32).reshape(NW, NCHUNK, CHUNK)
    item3 = item.astype(jnp.int32).reshape(NW, NCHUNK, CHUNK)
    uw_t = embed_user_w.T
    iw_t = embed_item_w.T
    ub_t = u_bias_w.T
    ib_t = i_bias_w.T
    bias16 = jnp.broadcast_to(bias_.reshape(()), (16,))

    mesh = plsc.VectorSubcoreMesh(core_axis_name="c", subcore_axis_name="s")

    depad = functools.partial(
        pl.kernel,
        out_type=(jax.ShapeDtypeStruct((D * VP,), jnp.float32),
                  jax.ShapeDtypeStruct((D * VP,), jnp.float32)),
        mesh=mesh,
        compiler_params=pltpu.CompilerParams(
            needs_layout_passes=False, use_tc_tiling_on_sc=True),
        scratch_types=[
            pltpu.VMEM((CCHUNK,), jnp.float32),
            pltpu.VMEM((CCHUNK,), jnp.float32),
            pltpu.VMEM((CCHUNK,), jnp.float32),
            pltpu.VMEM((CCHUNK,), jnp.float32),
            pltpu.VMEM((VTAIL,), jnp.float32),
            pltpu.SemaphoreType.DMA,
            pltpu.SemaphoreType.DMA,
            pltpu.SemaphoreType.DMA,
        ],
    )(_depad_kernel)
    uflat, iflat = depad(uw_t, iw_t)

    fm = functools.partial(
        pl.kernel,
        out_type=jax.ShapeDtypeStruct((B,), jnp.float32),
        mesh=mesh,
        compiler_params=pltpu.CompilerParams(
            needs_layout_passes=False, use_tc_tiling_on_sc=False),
        scratch_types=[
            pltpu.VMEM((NCHUNK, CHUNK), jnp.int32),
            pltpu.VMEM((NCHUNK, CHUNK), jnp.int32),
            pltpu.VMEM((D, BPW), jnp.float32),
            pltpu.VMEM((D, BPW), jnp.float32),
            pltpu.VMEM((BPW,), jnp.float32),
            pltpu.VMEM((BPW,), jnp.float32),
            pltpu.VMEM((16,), jnp.float32),
            pltpu.VMEM((BPW,), jnp.float32),
            pltpu.SemaphoreType.DMA,
        ],
    )(_fm_kernel)
    return fm(user3, item3, uflat.reshape(D, VP), iflat.reshape(D, VP),
              ub_t, ib_t, bias16)

# --- scband reference (transcript-rebuilt; emitter-appended) ---
"""Pipeline reference for scband-point-fm-66005057405474 (READ-ONLY COPY).

The authoritative reference and input builder live on the scoring server;
editing this copy changes nothing except your own understanding.
"""

import jax, jax.numpy as jnp
import numpy as np

USER_NUM = 1000000
MAX_DIM = 1000000
FACTORS = 64
BATCH = 16384


def setup_inputs(seed: int = 0) -> dict:
    key = jax.random.key(seed)
    k1, k2, k3, k4 = jax.random.split(key, 4)
    user = jax.random.randint(k1, (BATCH,), 0, USER_NUM, dtype=jnp.int64 if jax.config.jax_enable_x64 else jnp.int32)
    item = jax.random.randint(k2, (BATCH,), 0, MAX_DIM, dtype=jnp.int64 if jax.config.jax_enable_x64 else jnp.int32)
    context = jax.random.randint(k3, (BATCH,), 0, MAX_DIM, dtype=jnp.int64 if jax.config.jax_enable_x64 else jnp.int32)
    embed_user_w = jax.random.normal(k4, (USER_NUM, FACTORS), dtype=jnp.float32) * 0.01
    embed_item_w = jax.random.normal(jax.random.fold_in(key, 10), (MAX_DIM, FACTORS), dtype=jnp.float32) * 0.01
    u_bias_w = jnp.zeros((USER_NUM, 1), dtype=jnp.float32)
    i_bias_w = jnp.zeros((MAX_DIM, 1), dtype=jnp.float32)
    bias_ = jnp.zeros((1,), dtype=jnp.float32)
    return {"user": user, "item": item, "context": context,
            "embed_user_w": embed_user_w, "embed_item_w": embed_item_w,
            "u_bias_w": u_bias_w, "i_bias_w": i_bias_w, "bias_": bias_}


def reference(user, item, context, embed_user_w, embed_item_w, u_bias_w, i_bias_w, bias_):
    # non-reindex path of PointFM.forward (context is unused)
    embed_user = jnp.take(embed_user_w, user, axis=0)   # [B, F]
    embed_item = jnp.take(embed_item_w, item, axis=0)   # [B, F]
    pred = jnp.sum(embed_user * embed_item, axis=-1, keepdims=True)  # [B, 1]
    pred = pred + jnp.take(u_bias_w, user, axis=0) + jnp.take(i_bias_w, item, axis=0) + bias_
    return pred.reshape(-1)

if __name__ == "__main__":
    import jax
    _d = setup_inputs()
    print(jax.jit(kernel)(*tuple(_d.values())))

</pallas_src>

<mosaic_0001>
#map = affine_map<(d0, d1) -> (0, 0)>
#map1 = affine_map<(d0, d1) -> (0)>
module attributes {stable_mosaic.version = 14 : i64} {
  func.func @_depad_kernel(%arg0: i32, %arg1: i32, %arg2: memref<64x1000000xf32, #tpu.memory_space<hbm>>, %arg3: memref<64x1000000xf32, #tpu.memory_space<hbm>>, %arg4: memref<64004096xf32, #tpu.memory_space<hbm>>, %arg5: memref<64004096xf32, #tpu.memory_space<hbm>>, %arg6: memref<16128xf32, #tpu.memory_space<vmem>>, %arg7: memref<16128xf32, #tpu.memory_space<vmem>>, %arg8: memref<16128xf32, #tpu.memory_space<vmem>>, %arg9: memref<16128xf32, #tpu.memory_space<vmem>>, %arg10: memref<64xf32, #tpu.memory_space<vmem>>, %arg11: memref<!tpu.dma_semaphore, #tpu.memory_space<semaphore_mem>>, %arg12: memref<!tpu.dma_semaphore, #tpu.memory_space<semaphore_mem>>, %arg13: memref<!tpu.dma_semaphore, #tpu.memory_space<semaphore_mem>>) attributes {dimension_semantics = [#tpu.dimension_semantics<core_parallel>, #tpu.dimension_semantics<subcore_parallel>], iteration_bounds = array<i64: 2, 16>, scalar_prefetch = 0 : i64, scratch_operands = 8 : i64, tpu.core_type = #tpu.core_type<sc_vector_subcore>, window_params = [{transform_indices = #map}, {transform_indices = #map}, {transform_indices = #map1}, {transform_indices = #map1}]} {
    %mul3A = arith.constant 2 : i32
    %mul3A_0 = arith.muli %arg1, %mul3A : i32
    %add3A = arith.addi %mul3A_0, %arg0 : i32
    %div3A = arith.constant 0 : i32
    %div3A_1 = arith.constant 62 : i32
    %div3A_2 = arith.divsi %div3A, %div3A_1 : i32
    %rem3A = arith.constant 0 : i32
    %rem3A_3 = arith.constant 62 : i32
    %rem3A_4 = arith.remsi %rem3A, %rem3A_3 : i32
    %mul3A_5 = arith.constant 4 : i32
    %mul3A_6 = arith.muli %add3A, %mul3A_5 : i32
    %add3A_7 = arith.addi %mul3A_6, %div3A_2 : i32
    %rem3A_8 = arith.constant 64 : i32
    %rem3A_9 = arith.remsi %add3A_7, %rem3A_8 : i32
    %mul3A_10 = arith.constant 16128 : i32
    %mul3A_11 = arith.muli %rem3A_4, %mul3A_10 : i32
    %lt3A = arith.constant 64 : i32
    %lt3A_12 = arith.cmpi slt, %add3A_7, %lt3A : i32
    %convert_element_type3A = arith.extui %lt3A_12 : i1 to i32
    %cond3A = arith.constant 0 : i32
    %cond3A_13 = arith.cmpi ne, %convert_element_type3A, %cond3A : i32
    scf.if %cond3A_13 {
      %dma_start3A = arith.constant 0 : i32
      %dma_start3A_98 = tpu.memref_slice %arg2[%rem3A_9, %dma_start3A] : memref<64x1000000xf32, #tpu.memory_space<hbm>> -> memref<1x1000000xf32, #tpu.memory_space<hbm>>
      %dma_start3A_99 = tpu.memref_squeeze %dma_start3A_98 : memref<1x1000000xf32, #tpu.memory_space<hbm>> -> memref<1000000xf32, #tpu.memory_space<hbm>>
      %dma_start3A_100 = tpu.memref_slice %dma_start3A_99[%mul3A_11] : memref<1000000xf32, #tpu.memory_space<hbm>> -> memref<16128xf32, #tpu.memory_space<hbm>>
      %dma_start3A_101 = arith.constant 0 : i32
      %dma_start3A_102 = tpu.memref_slice %arg2[%rem3A_9, %dma_start3A_101] : memref<64x1000000xf32, #tpu.memory_space<hbm>> -> memref<1x1000000xf32, #tpu.memory_space<hbm>>
      %dma_start3A_103 = tpu.memref_squeeze %dma_start3A_102 : memref<1x1000000xf32, #tpu.memory_space<hbm>> -> memref<1000000xf32, #tpu.memory_space<hbm>>
      %dma_start3A_104 = tpu.memref_slice %dma_start3A_103[%mul3A_11] : memref<1000000xf32, #tpu.memory_space<hbm>> -> memref<16128xf32, #tpu.memory_space<hbm>>
      tpu.enqueue_dma source(%dma_start3A_104 : memref<16128xf32, #tpu.memory_space<hbm>>) target(%arg6 : memref<16128xf32, #tpu.memory_space<vmem>>) target_semaphore(%arg11 : memref<!tpu.dma_semaphore, #tpu.memory_space<semaphore_mem>>)
    } else {
    }
    %ge3A = arith.constant 64 : i32
    %ge3A_14 = arith.cmpi sge, %add3A_7, %ge3A : i32
    %convert_element_type3A_15 = arith.extui %ge3A_14 : i1 to i32
    %cond3A_16 = arith.constant 0 : i32
    %cond3A_17 = arith.cmpi ne, %convert_element_type3A_15, %cond3A_16 : i32
    scf.if %cond3A_17 {
      %dma_start3A = arith.constant 0 : i32
      %dma_start3A_98 = tpu.memref_slice %arg3[%rem3A_9, %dma_start3A] : memref<64x1000000xf32, #tpu.memory_space<hbm>> -> memref<1x1000000xf32, #tpu.memory_space<hbm>>
      %dma_start3A_99 = tpu.memref_squeeze %dma_start3A_98 : memref<1x1000000xf32, #tpu.memory_space<hbm>> -> memref<1000000xf32, #tpu.memory_space<hbm>>
      %dma_start3A_100 = tpu.memref_slice %dma_start3A_99[%mul3A_11] : memref<1000000xf32, #tpu.memory_space<hbm>> -> memref<16128xf32, #tpu.memory_space<hbm>>
      %dma_start3A_101 = arith.constant 0 : i32
      %dma_start3A_102 = tpu.memref_slice %arg3[%rem3A_9, %dma_start3A_101] : memref<64x1000000xf32, #tpu.memory_space<hbm>> -> memref<1x1000000xf32, #tpu.memory_space<hbm>>
      %dma_start3A_103 = tpu.memref_squeeze %dma_start3A_102 : memref<1x1000000xf32, #tpu.memory_space<hbm>> -> memref<1000000xf32, #tpu.memory_space<hbm>>
      %dma_start3A_104 = tpu.memref_slice %dma_start3A_103[%mul3A_11] : memref<1000000xf32, #tpu.memory_space<hbm>> -> memref<16128xf32, #tpu.memory_space<hbm>>
      tpu.enqueue_dma source(%dma_start3A_104 : memref<16128xf32, #tpu.memory_space<hbm>>) target(%arg6 : memref<16128xf32, #tpu.memory_space<vmem>>) target_semaphore(%arg11 : memref<!tpu.dma_semaphore, #tpu.memory_space<semaphore_mem>>)
    } else {
    }
    %div3A_18 = arith.constant 1 : i32
    %div3A_19 = arith.constant 62 : i32
    %div3A_20 = arith.divsi %div3A_18, %div3A_19 : i32
    %rem3A_21 = arith.constant 1 : i32
    %rem3A_22 = arith.constant 62 : i32
    %rem3A_23 = arith.remsi %rem3A_21, %rem3A_22 : i32
    %mul3A_24 = arith.constant 4 : i32
    %mul3A_25 = arith.muli %add3A, %mul3A_24 : i32
    %add3A_26 = arith.addi %mul3A_25, %div3A_20 : i32
    %rem3A_27 = arith.constant 64 : i32
    %rem3A_28 = arith.remsi %add3A_26, %rem3A_27 : i32
    %mul3A_29 = arith.constant 16128 : i32
    %mul3A_30 = arith.muli %rem3A_23, %mul3A_29 : i32
    %lt3A_31 = arith.constant 64 : i32
    %lt3A_32 = arith.cmpi slt, %add3A_26, %lt3A_31 : i32
    %convert_element_type3A_33 = arith.extui %lt3A_32 : i1 to i32
    %cond3A_34 = arith.constant 0 : i32
    %cond3A_35 = arith.cmpi ne, %convert_element_type3A_33, %cond3A_34 : i32
    scf.if %cond3A_35 {
      %dma_start3A = arith.constant 0 : i32
      %dma_start3A_98 = tpu.memref_slice %arg2[%rem3A_28, %dma_start3A] : memref<64x1000000xf32, #tpu.memory_space<hbm>> -> memref<1x1000000xf32, #tpu.memory_space<hbm>>
      %dma_start3A_99 = tpu.memref_squeeze %dma_start3A_98 : memref<1x1000000xf32, #tpu.memory_space<hbm>> -> memref<1000000xf32, #tpu.memory_space<hbm>>
      %dma_start3A_100 = tpu.memref_slice %dma_start3A_99[%mul3A_30] : memref<1000000xf32, #tpu.memory_space<hbm>> -> memref<16128xf32, #tpu.memory_space<hbm>>
      %dma_start3A_101 = arith.constant 0 : i32
      %dma_start3A_102 = tpu.memref_slice %arg2[%rem3A_28, %dma_start3A_101] : memref<64x1000000xf32, #tpu.memory_space<hbm>> -> memref<1x1000000xf32, #tpu.memory_space<hbm>>
      %dma_start3A_103 = tpu.memref_squeeze %dma_start3A_102 : memref<1x1000000xf32, #tpu.memory_space<hbm>> -> memref<1000000xf32, #tpu.memory_space<hbm>>
      %dma_start3A_104 = tpu.memref_slice %dma_start3A_103[%mul3A_30] : memref<1000000xf32, #tpu.memory_space<hbm>> -> memref<16128xf32, #tpu.memory_space<hbm>>
      tpu.enqueue_dma source(%dma_start3A_104 : memref<16128xf32, #tpu.memory_space<hbm>>) target(%arg7 : memref<16128xf32, #tpu.memory_space<vmem>>) target_semaphore(%arg11 : memref<!tpu.dma_semaphore, #tpu.memory_space<semaphore_mem>>)
    } else {
    }
    %ge3A_36 = arith.constant 64 : i32
    %ge3A_37 = arith.cmpi sge, %add3A_26, %ge3A_36 : i32
    %convert_element_type3A_38 = arith.extui %ge3A_37 : i1 to i32
    %cond3A_39 = arith.constant 0 : i32
    %cond3A_40 = arith.cmpi ne, %convert_element_type3A_38, %cond3A_39 : i32
    scf.if %cond3A_40 {
      %dma_start3A = arith.constant 0 : i32
      %dma_start3A_98 = tpu.memref_slice %arg3[%rem3A_28, %dma_start3A] : memref<64x1000000xf32, #tpu.memory_space<hbm>> -> memref<1x1000000xf32, #tpu.memory_space<hbm>>
      %dma_start3A_99 = tpu.memref_squeeze %dma_start3A_98 : memref<1x1000000xf32, #tpu.memory_space<hbm>> -> memref<1000000xf32, #tpu.memory_space<hbm>>
      %dma_start3A_100 = tpu.memref_slice %dma_start3A_99[%mul3A_30] : memref<1000000xf32, #tpu.memory_space<hbm>> -> memref<16128xf32, #tpu.memory_space<hbm>>
      %dma_start3A_101 = arith.constant 0 : i32
      %dma_start3A_102 = tpu.memref_slice %arg3[%rem3A_28, %dma_start3A_101] : memref<64x1000000xf32, #tpu.memory_space<hbm>> -> memref<1x1000000xf32, #tpu.memory_space<hbm>>
      %dma_start3A_103 = tpu.memref_squeeze %dma_start3A_102 : memref<1x1000000xf32, #tpu.memory_space<hbm>> -> memref<1000000xf32, #tpu.memory_space<hbm>>
      %dma_start3A_104 = tpu.memref_slice %dma_start3A_103[%mul3A_30] : memref<1000000xf32, #tpu.memory_space<hbm>> -> memref<16128xf32, #tpu.memory_space<hbm>>
      tpu.enqueue_dma source(%dma_start3A_104 : memref<16128xf32, #tpu.memory_space<hbm>>) target(%arg7 : memref<16128xf32, #tpu.memory_space<vmem>>) target_semaphore(%arg11 : memref<!tpu.dma_semaphore, #tpu.memory_space<semaphore_mem>>)
    } else {
    }
    %div3A_41 = arith.constant 2 : i32
    %div3A_42 = arith.constant 62 : i32
    %div3A_43 = arith.divsi %div3A_41, %div3A_42 : i32
    %rem3A_44 = arith.constant 2 : i32
    %rem3A_45 = arith.constant 62 : i32
    %rem3A_46 = arith.remsi %rem3A_44, %rem3A_45 : i32
    %mul3A_47 = arith.constant 4 : i32
    %mul3A_48 = arith.muli %add3A, %mul3A_47 : i32
    %add3A_49 = arith.addi %mul3A_48, %div3A_43 : i32
    %rem3A_50 = arith.constant 64 : i32
    %rem3A_51 = arith.remsi %add3A_49, %rem3A_50 : i32
    %mul3A_52 = arith.constant 16128 : i32
    %mul3A_53 = arith.muli %rem3A_46, %mul3A_52 : i32
    %lt3A_54 = arith.constant 64 : i32
    %lt3A_55 = arith.cmpi slt, %add3A_49, %lt3A_54 : i32
    %convert_element_type3A_56 = arith.extui %lt3A_55 : i1 to i32
    %cond3A_57 = arith.constant 0 : i32
    %cond3A_58 = arith.cmpi ne, %convert_element_type3A_56, %cond3A_57 : i32
    scf.if %cond3A_58 {
      %dma_start3A = arith.constant 0 : i32
      %dma_start3A_98 = tpu.memref_slice %arg2[%rem3A_51, %dma_start3A] : memref<64x1000000xf32, #tpu.memory_space<hbm>> -> memref<1x1000000xf32, #tpu.memory_space<hbm>>
      %dma_start3A_99 = tpu.memref_squeeze %dma_start3A_98 : memref<1x1000000xf32, #tpu.memory_space<hbm>> -> memref<1000000xf32, #tpu.memory_space<hbm>>
      %dma_start3A_100 = tpu.memref_slice %dma_start3A_99[%mul3A_53] : memref<1000000xf32, #tpu.memory_space<hbm>> -> memref<16128xf32, #tpu.memory_space<hbm>>
      %dma_start3A_101 = arith.constant 0 : i32
      %dma_start3A_102 = tpu.memref_slice %arg2[%rem3A_51, %dma_start3A_101] : memref<64x1000000xf32, #tpu.memory_space<hbm>> -> memref<1x1000000xf32, #tpu.memory_space<hbm>>
      %dma_start3A_103 = tpu.memref_squeeze %dma_start3A_102 : memref<1x1000000xf32, #tpu.memory_space<hbm>> -> memref<1000000xf32, #tpu.memory_space<hbm>>
      %dma_start3A_104 = tpu.memref_slice %dma_start3A_103[%mul3A_53] : memref<1000000xf32, #tpu.memory_space<hbm>> -> memref<16128xf32, #tpu.memory_space<hbm>>
      tpu.enqueue_dma source(%dma_start3A_104 : memref<16128xf32, #tpu.memory_space<hbm>>) target(%arg8 : memref<16128xf32, #tpu.memory_space<vmem>>) target_semaphore(%arg11 : memref<!tpu.dma_semaphore, #tpu.memory_space<semaphore_mem>>)
    } else {
    }
    %ge3A_59 = arith.constant 64 : i32
    %ge3A_60 = arith.cmpi sge, %add3A_49, %ge3A_59 : i32
    %convert_element_type3A_61 = arith.extui %ge3A_60 : i1 to i32
    %cond3A_62 = arith.constant 0 : i32
    %cond3A_63 = arith.cmpi ne, %convert_element_type3A_61, %cond3A_62 : i32
    scf.if %cond3A_63 {
      %dma_start3A = arith.constant 0 : i32
      %dma_start3A_98 = tpu.memref_slice %arg3[%rem3A_51, %dma_start3A] : memref<64x1000000xf32, #tpu.memory_space<hbm>> -> memref<1x1000000xf32, #tpu.memory_space<hbm>>
      %dma_start3A_99 = tpu.memref_squeeze %dma_start3A_98 : memref<1x1000000xf32, #tpu.memory_space<hbm>> -> memref<1000000xf32, #tpu.memory_space<hbm>>
      %dma_start3A_100 = tpu.memref_slice %dma_start3A_99[%mul3A_53] : memref<1000000xf32, #tpu.memory_space<hbm>> -> memref<16128xf32, #tpu.memory_space<hbm>>
      %dma_start3A_101 = arith.constant 0 : i32
      %dma_start3A_102 = tpu.memref_slice %arg3[%rem3A_51, %dma_start3A_101] : memref<64x1000000xf32, #tpu.memory_space<hbm>> -> memref<1x1000000xf32, #tpu.memory_space<hbm>>
      %dma_start3A_103 = tpu.memref_squeeze %dma_start3A_102 : memref<1x1000000xf32, #tpu.memory_space<hbm>> -> memref<1000000xf32, #tpu.memory_space<hbm>>
      %dma_start3A_104 = tpu.memref_slice %dma_start3A_103[%mul3A_53] : memref<1000000xf32, #tpu.memory_space<hbm>> -> memref<16128xf32, #tpu.memory_space<hbm>>
      tpu.enqueue_dma source(%dma_start3A_104 : memref<16128xf32, #tpu.memory_space<hbm>>) target(%arg8 : memref<16128xf32, #tpu.memory_space<vmem>>) target_semaphore(%arg11 : memref<!tpu.dma_semaphore, #tpu.memory_space<semaphore_mem>>)
    } else {
    }
    %div3A_64 = arith.constant 3 : i32
    %div3A_65 = arith.constant 62 : i32
    %div3A_66 = arith.divsi %div3A_64, %div3A_65 : i32
    %rem3A_67 = arith.constant 3 : i32
    %rem3A_68 = arith.constant 62 : i32
    %rem3A_69 = arith.remsi %rem3A_67, %rem3A_68 : i32
    %mul3A_70 = arith.constant 4 : i32
    %mul3A_71 = arith.muli %add3A, %mul3A_70 : i32
    %add3A_72 = arith.addi %mul3A_71, %div3A_66 : i32
    %rem3A_73 = arith.constant 64 : i32
    %rem3A_74 = arith.remsi %add3A_72, %rem3A_73 : i32
    %mul3A_75 = arith.constant 16128 : i32
    %mul3A_76 = arith.muli %rem3A_69, %mul3A_75 : i32
    %lt3A_77 = arith.constant 64 : i32
    %lt3A_78 = arith.cmpi slt, %add3A_72, %lt3A_77 : i32
    %convert_element_type3A_79 = arith.extui %lt3A_78 : i1 to i32
    %cond3A_80 = arith.constant 0 : i32
    %cond3A_81 = arith.cmpi ne, %convert_element_type3A_79, %cond3A_80 : i32
    scf.if %cond3A_81 {
      %dma_start3A = arith.constant 0 : i32
      %dma_start3A_98 = tpu.memref_slice %arg2[%rem3A_74, %dma_start3A] : memref<64x1000000xf32, #tpu.memory_space<hbm>> -> memref<1x1000000xf32, #tpu.memory_space<hbm>>
      %dma_start3A_99 = tpu.memref_squeeze %dma_start3A_98 : memref<1x1000000xf32, #tpu.memory_space<hbm>> -> memref<1000000xf32, #tpu.memory_space<hbm>>
      %dma_start3A_100 = tpu.memref_slice %dma_start3A_99[%mul3A_76] : memref<1000000xf32, #tpu.memory_space<hbm>> -> memref<16128xf32, #tpu.memory_space<hbm>>
      %dma_start3A_101 = arith.constant 0 : i32
      %dma_start3A_102 = tpu.memref_slice %arg2[%rem3A_74, %dma_start3A_101] : memref<64x1000000xf32, #tpu.memory_space<hbm>> -> memref<1x1000000xf32, #tpu.memory_space<hbm>>
      %dma_start3A_103 = tpu.memref_squeeze %dma_start3A_102 : memref<1x1000000xf32, #tpu.memory_space<hbm>> -> memref<1000000xf32, #tpu.memory_space<hbm>>
      %dma_start3A_104 = tpu.memref_slice %dma_start3A_103[%mul3A_76] : memref<1000000xf32, #tpu.memory_space<hbm>> -> memref<16128xf32, #tpu.memory_space<hbm>>
      tpu.enqueue_dma source(%dma_start3A_104 : memref<16128xf32, #tpu.memory_space<hbm>>) target(%arg9 : memref<16128xf32, #tpu.memory_space<vmem>>) target_semaphore(%arg11 : memref<!tpu.dma_semaphore, #tpu.memory_space<semaphore_mem>>)
    } else {
    }
    %ge3A_82 = arith.constant 64 : i32
    %ge3A_83 = arith.cmpi sge, %add3A_72, %ge3A_82 : i32
    %convert_element_type3A_84 = arith.extui %ge3A_83 : i1 to i32
    %cond3A_85 = arith.constant 0 : i32
    %cond3A_86 = arith.cmpi ne, %convert_element_type3A_84, %cond3A_85 : i32
    scf.if %cond3A_86 {
      %dma_start3A = arith.constant 0 : i32
      %dma_start3A_98 = tpu.memref_slice %arg3[%rem3A_74, %dma_start3A] : memref<64x1000000xf32, #tpu.memory_space<hbm>> -> memref<1x1000000xf32, #tpu.memory_space<hbm>>
      %dma_start3A_99 = tpu.memref_squeeze %dma_start3A_98 : memref<1x1000000xf32, #tpu.memory_space<hbm>> -> memref<1000000xf32, #tpu.memory_space<hbm>>
      %dma_start3A_100 = tpu.memref_slice %dma_start3A_99[%mul3A_76] : memref<1000000xf32, #tpu.memory_space<hbm>> -> memref<16128xf32, #tpu.memory_space<hbm>>
      %dma_start3A_101 = arith.constant 0 : i32
      %dma_start3A_102 = tpu.memref_slice %arg3[%rem3A_74, %dma_start3A_101] : memref<64x1000000xf32, #tpu.memory_space<hbm>> -> memref<1x1000000xf32, #tpu.memory_space<hbm>>
      %dma_start3A_103 = tpu.memref_squeeze %dma_start3A_102 : memref<1x1000000xf32, #tpu.memory_space<hbm>> -> memref<1000000xf32, #tpu.memory_space<hbm>>
      %dma_start3A_104 = tpu.memref_slice %dma_start3A_103[%mul3A_76] : memref<1000000xf32, #tpu.memory_space<hbm>> -> memref<16128xf32, #tpu.memory_space<hbm>>
      tpu.enqueue_dma source(%dma_start3A_104 : memref<16128xf32, #tpu.memory_space<hbm>>) target(%arg9 : memref<16128xf32, #tpu.memory_space<vmem>>) target_semaphore(%arg11 : memref<!tpu.dma_semaphore, #tpu.memory_space<semaphore_mem>>)
    } else {
    }
    %scan3A = arith.constant 0 : i32
    %scan3A_87 = arith.constant 0 : i32
    %scan3A_88 = arith.constant 62 : i32
    %scan3A_89 = arith.addi %scan3A_87, %scan3A_88 : i32
    %scan3A_90 = arith.constant 1 : i32
    scf.for %scan3A_98 = %scan3A_87 to %scan3A_89 step %scan3A_90  : i32 {
      %mul3A_99 = arith.constant 4 : i32
      %mul3A_100 = arith.muli %scan3A_98, %mul3A_99 : i32
      %add3A_101 = arith.constant 0 : i32
      %add3A_102 = arith.addi %mul3A_100, %add3A_101 : i32
      %div3A_103 = arith.constant 62 : i32
      %div3A_104 = arith.divsi %add3A_102, %div3A_103 : i32
      %rem3A_105 = arith.constant 62 : i32
      %rem3A_106 = arith.remsi %add3A_102, %rem3A_105 : i32
      %mul3A_107 = arith.constant 4 : i32
      %mul3A_108 = arith.muli %add3A, %mul3A_107 : i32
      %add3A_109 = arith.addi %mul3A_108, %div3A_104 : i32
      %rem3A_110 = arith.constant 64 : i32
      %rem3A_111 = arith.remsi %add3A_109, %rem3A_110 : i32
      %mul3A_112 = arith.constant 16128 : i32
      %mul3A_113 = arith.muli %rem3A_106, %mul3A_112 : i32
      %lt3A_114 = arith.constant 64 : i32
      %lt3A_115 = arith.cmpi slt, %add3A_109, %lt3A_114 : i32
      %convert_element_type3A_116 = arith.extui %lt3A_115 : i1 to i32
      %cond3A_117 = arith.constant 0 : i32
      %cond3A_118 = arith.cmpi ne, %convert_element_type3A_116, %cond3A_117 : i32
      scf.if %cond3A_118 {
        %dma_wait3A = arith.constant 0 : i32
        %dma_wait3A_411 = tpu.memref_slice %arg2[%rem3A_111, %dma_wait3A] : memref<64x1000000xf32, #tpu.memory_space<hbm>> -> memref<1x1000000xf32, #tpu.memory_space<hbm>>
        %dma_wait3A_412 = tpu.memref_squeeze %dma_wait3A_411 : memref<1x1000000xf32, #tpu.memory_space<hbm>> -> memref<1000000xf32, #tpu.memory_space<hbm>>
        %dma_wait3A_413 = tpu.memref_slice %dma_wait3A_412[%mul3A_113] : memref<1000000xf32, #tpu.memory_space<hbm>> -> memref<16128xf32, #tpu.memory_space<hbm>>
        %dma_wait3A_414 = arith.constant 0 : i32
        %dma_wait3A_415 = tpu.memref_slice %arg2[%rem3A_111, %dma_wait3A_414] : memref<64x1000000xf32, #tpu.memory_space<hbm>> -> memref<1x1000000xf32, #tpu.memory_space<hbm>>
        %dma_wait3A_416 = tpu.memref_squeeze %dma_wait3A_415 : memref<1x1000000xf32, #tpu.memory_space<hbm>> -> memref<1000000xf32, #tpu.memory_space<hbm>>
        %dma_wait3A_417 = tpu.memref_slice %dma_wait3A_416[%mul3A_113] : memref<1000000xf32, #tpu.memory_space<hbm>> -> memref<16128xf32, #tpu.memory_space<hbm>>
        tpu.wait_dma2 semaphore(%arg11 : memref<!tpu.dma_semaphore, #tpu.memory_space<semaphore_mem>>) src(%dma_wait3A_417 : memref<16128xf32, #tpu.memory_space<hbm>>) dst(%arg6 : memref<16128xf32, #tpu.memory_space<vmem>>)
      } else {
      }
      %ge3A_119 = arith.constant 64 : i32
      %ge3A_120 = arith.cmpi sge, %add3A_109, %ge3A_119 : i32
      %convert_element_type3A_121 = arith.extui %ge3A_120 : i1 to i32
      %cond3A_122 = arith.constant 0 : i32
      %cond3A_123 = arith.cmpi ne, %convert_element_type3A_121, %cond3A_122 : i32
      scf.if %cond3A_123 {
        %dma_wait3A = arith.constant 0 : i32
        %dma_wait3A_411 = tpu.memref_slice %arg3[%rem3A_111, %dma_wait3A] : memref<64x1000000xf32, #tpu.memory_space<hbm>> -> memref<1x1000000xf32, #tpu.memory_space<hbm>>
        %dma_wait3A_412 = tpu.memref_squeeze %dma_wait3A_411 : memref<1x1000000xf32, #tpu.memory_space<hbm>> -> memref<1000000xf32, #tpu.memory_space<hbm>>
        %dma_wait3A_413 = tpu.memref_slice %dma_wait3A_412[%mul3A_113] : memref<1000000xf32, #tpu.memory_space<hbm>> -> memref<16128xf32, #tpu.memory_space<hbm>>
        %dma_wait3A_414 = arith.constant 0 : i32
        %dma_wait3A_415 = tpu.memref_slice %arg3[%rem3A_111, %dma_wait3A_414] : memref<64x1000000xf32, #tpu.memory_space<hbm>> -> memref<1x1000000xf32, #tpu.memory_space<hbm>>
        %dma_wait3A_416 = tpu.memref_squeeze %dma_wait3A_415 : memref<1x1000000xf32, #tpu.memory_space<hbm>> -> memref<1000000xf32, #tpu.memory_space<hbm>>
        %dma_wait3A_417 = tpu.memref_slice %dma_wait3A_416[%mul3A_113] : memref<1000000xf32, #tpu.memory_space<hbm>> -> memref<16128xf32, #tpu.memory_space<hbm>>
        tpu.wait_dma2 semaphore(%arg11 : memref<!tpu.dma_semaphore, #tpu.memory_space<semaphore_mem>>) src(%dma_wait3A_417 : memref<16128xf32, #tpu.memory_space<hbm>>) dst(%arg6 : memref<16128xf32, #tpu.memory_space<vmem>>)
      } else {
      }
      %div3A_124 = arith.constant 62 : i32
      %div3A_125 = arith.divsi %add3A_102, %div3A_124 : i32
      %rem3A_126 = arith.constant 62 : i32
      %rem3A_127 = arith.remsi %add3A_102, %rem3A_126 : i32
      %mul3A_128 = arith.constant 4 : i32
      %mul3A_129 = arith.muli %add3A, %mul3A_128 : i32
      %add3A_130 = arith.addi %mul3A_129, %div3A_125 : i32
      %rem3A_131 = arith.constant 64 : i32
      %rem3A_132 = arith.remsi %add3A_130, %rem3A_131 : i32
      %mul3A_133 = arith.constant 16128 : i32
      %mul3A_134 = arith.muli %rem3A_127, %mul3A_133 : i32
      %lt3A_135 = arith.constant 64 : i32
      %lt3A_136 = arith.cmpi slt, %add3A_130, %lt3A_135 : i32
      %convert_element_type3A_137 = arith.extui %lt3A_136 : i1 to i32
      %cond3A_138 = arith.constant 0 : i32
      %cond3A_139 = arith.cmpi ne, %convert_element_type3A_137, %cond3A_138 : i32
      scf.if %cond3A_139 {
        %mul3A_411 = arith.constant 1000064 : i32
        %mul3A_412 = arith.muli %rem3A_132, %mul3A_411 : i32
        %add3A_413 = arith.addi %mul3A_412, %mul3A_134 : i32
        %dma_start3A = tpu.memref_slice %arg4[%add3A_413] : memref<64004096xf32, #tpu.memory_space<hbm>> -> memref<16128xf32, #tpu.memory_space<hbm>>
        %dma_start3A_414 = tpu.memref_slice %arg4[%add3A_413] : memref<64004096xf32, #tpu.memory_space<hbm>> -> memref<16128xf32, #tpu.memory_space<hbm>>
        tpu.enqueue_dma source(%arg6 : memref<16128xf32, #tpu.memory_space<vmem>>) target(%dma_start3A_414 : memref<16128xf32, #tpu.memory_space<hbm>>) target_semaphore(%arg12 : memref<!tpu.dma_semaphore, #tpu.memory_space<semaphore_mem>>)
      } else {
      }
      %ge3A_140 = arith.constant 64 : i32
      %ge3A_141 = arith.cmpi sge, %add3A_130, %ge3A_140 : i32
      %convert_element_type3A_142 = arith.extui %ge3A_141 : i1 to i32
      %cond3A_143 = arith.constant 0 : i32
      %cond3A_144 = arith.cmpi ne, %convert_element_type3A_142, %cond3A_143 : i32
      scf.if %cond3A_144 {
        %mul3A_411 = arith.constant 1000064 : i32
        %mul3A_412 = arith.muli %rem3A_132, %mul3A_411 : i32
        %add3A_413 = arith.addi %mul3A_412, %mul3A_134 : i32
        %dma_start3A = tpu.memref_slice %arg5[%add3A_413] : memref<64004096xf32, #tpu.memory_space<hbm>> -> memref<16128xf32, #tpu.memory_space<hbm>>
        %dma_start3A_414 = tpu.memref_slice %arg5[%add3A_413] : memref<64004096xf32, #tpu.memory_space<hbm>> -> memref<16128xf32, #tpu.memory_space<hbm>>
        tpu.enqueue_dma source(%arg6 : memref<16128xf32, #tpu.memory_space<vmem>>) target(%dma_start3A_414 : memref<16128xf32, #tpu.memory_space<hbm>>) target_semaphore(%arg12 : memref<!tpu.dma_semaphore, #tpu.memory_space<semaphore_mem>>)
      } else {
      }
      %mul3A_145 = arith.constant 4 : i32
      %mul3A_146 = arith.muli %scan3A_98, %mul3A_145 : i32
      %add3A_147 = arith.constant 1 : i32
      %add3A_148 = arith.addi %mul3A_146, %add3A_147 : i32
      %div3A_149 = arith.constant 62 : i32
      %div3A_150 = arith.divsi %add3A_148, %div3A_149 : i32
      %rem3A_151 = arith.constant 62 : i32
      %rem3A_152 = arith.remsi %add3A_148, %rem3A_151 : i32
      %mul3A_153 = arith.constant 4 : i32
      %mul3A_154 = arith.muli %add3A, %mul3A_153 : i32
      %add3A_155 = arith.addi %mul3A_154, %div3A_150 : i32
      %rem3A_156 = arith.constant 64 : i32
      %rem3A_157 = arith.remsi %add3A_155, %rem3A_156 : i32
      %mul3A_158 = arith.constant 16128 : i32
      %mul3A_159 = arith.muli %rem3A_152, %mul3A_158 : i32
      %lt3A_160 = arith.constant 64 : i32
      %lt3A_161 = arith.cmpi slt, %add3A_155, %lt3A_160 : i32
      %convert_element_type3A_162 = arith.extui %lt3A_161 : i1 to i32
      %cond3A_163 = arith.constant 0 : i32
      %cond3A_164 = arith.cmpi ne, %convert_element_type3A_162, %cond3A_163 : i32
      scf.if %cond3A_164 {
        %dma_wait3A = arith.constant 0 : i32
        %dma_wait3A_411 = tpu.memref_slice %arg2[%rem3A_157, %dma_wait3A] : memref<64x1000000xf32, #tpu.memory_space<hbm>> -> memref<1x1000000xf32, #tpu.memory_space<hbm>>
        %dma_wait3A_412 = tpu.memref_squeeze %dma_wait3A_411 : memref<1x1000000xf32, #tpu.memory_space<hbm>> -> memref<1000000xf32, #tpu.memory_space<hbm>>
        %dma_wait3A_413 = tpu.memref_slice %dma_wait3A_412[%mul3A_159] : memref<1000000xf32, #tpu.memory_space<hbm>> -> memref<16128xf32, #tpu.memory_space<hbm>>
        %dma_wait3A_414 = arith.constant 0 : i32
        %dma_wait3A_415 = tpu.memref_slice %arg2[%rem3A_157, %dma_wait3A_414] : memref<64x1000000xf32, #tpu.memory_space<hbm>> -> memref<1x1000000xf32, #tpu.memory_space<hbm>>
        %dma_wait3A_416 = tpu.memref_squeeze %dma_wait3A_415 : memref<1x1000000xf32, #tpu.memory_space<hbm>> -> memref<1000000xf32, #tpu.memory_space<hbm>>
        %dma_wait3A_417 = tpu.memref_slice %dma_wait3A_416[%mul3A_159] : memref<1000000xf32, #tpu.memory_space<hbm>> -> memref<16128xf32, #tpu.memory_space<hbm>>
        tpu.wait_dma2 semaphore(%arg11 : memref<!tpu.dma_semaphore, #tpu.memory_space<semaphore_mem>>) src(%dma_wait3A_417 : memref<16128xf32, #tpu.memory_space<hbm>>) dst(%arg7 : memref<16128xf32, #tpu.memory_space<vmem>>)
      } else {
      }
      %ge3A_165 = arith.constant 64 : i32
      %ge3A_166 = arith.cmpi sge, %add3A_155, %ge3A_165 : i32
      %convert_element_type3A_167 = arith.extui %ge3A_166 : i1 to i32
      %cond3A_168 = arith.constant 0 : i32
      %cond3A_169 = arith.cmpi ne, %convert_element_type3A_167, %cond3A_168 : i32
      scf.if %cond3A_169 {
        %dma_wait3A = arith.constant 0 : i32
        %dma_wait3A_411 = tpu.memref_slice %arg3[%rem3A_157, %dma_wait3A] : memref<64x1000000xf32, #tpu.memory_space<hbm>> -> memref<1x1000000xf32, #tpu.memory_space<hbm>>
        %dma_wait3A_412 = tpu.memref_squeeze %dma_wait3A_411 : memref<1x1000000xf32, #tpu.memory_space<hbm>> -> memref<1000000xf32, #tpu.memory_space<hbm>>
        %dma_wait3A_413 = tpu.memref_slice %dma_wait3A_412[%mul3A_159] : memref<1000000xf32, #tpu.memory_space<hbm>> -> memref<16128xf32, #tpu.memory_space<hbm>>
        %dma_wait3A_414 = arith.constant 0 : i32
        %dma_wait3A_415 = tpu.memref_slice %arg3[%rem3A_157, %dma_wait3A_414] : memref<64x1000000xf32, #tpu.memory_space<hbm>> -> memref<1x1000000xf32, #tpu.memory_space<hbm>>
        %dma_wait3A_416 = tpu.memref_squeeze %dma_wait3A_415 : memref<1x1000000xf32, #tpu.memory_space<hbm>> -> memref<1000000xf32, #tpu.memory_space<hbm>>
        %dma_wait3A_417 = tpu.memref_slice %dma_wait3A_416[%mul3A_159] : memref<1000000xf32, #tpu.memory_space<hbm>> -> memref<16128xf32, #tpu.memory_space<hbm>>
        tpu.wait_dma2 semaphore(%arg11 : memref<!tpu.dma_semaphore, #tpu.memory_space<semaphore_mem>>) src(%dma_wait3A_417 : memref<16128xf32, #tpu.memory_space<hbm>>) dst(%arg7 : memref<16128xf32, #tpu.memory_space<vmem>>)
      } else {
      }
      %div3A_170 = arith.constant 62 : i32
      %div3A_171 = arith.divsi %add3A_148, %div3A_170 : i32
      %rem3A_172 = arith.constant 62 : i32
      %rem3A_173 = arith.remsi %add3A_148, %rem3A_172 : i32
      %mul3A_174 = arith.constant 4 : i32
      %mul3A_175 = arith.muli %add3A, %mul3A_174 : i32
      %add3A_176 = arith.addi %mul3A_175, %div3A_171 : i32
      %rem3A_177 = arith.constant 64 : i32
      %rem3A_178 = arith.remsi %add3A_176, %rem3A_177 : i32
      %mul3A_179 = arith.constant 16128 : i32
      %mul3A_180 = arith.muli %rem3A_173, %mul3A_179 : i32
      %lt3A_181 = arith.constant 64 : i32
      %lt3A_182 = arith.cmpi slt, %add3A_176, %lt3A_181 : i32
      %convert_element_type3A_183 = arith.extui %lt3A_182 : i1 to i32
      %cond3A_184 = arith.constant 0 : i32
      %cond3A_185 = arith.cmpi ne, %convert_element_type3A_183, %cond3A_184 : i32
      scf.if %cond3A_185 {
        %mul3A_411 = arith.constant 1000064 : i32
        %mul3A_412 = arith.muli %rem3A_178, %mul3A_411 : i32
        %add3A_413 = arith.addi %mul3A_412, %mul3A_180 : i32
        %dma_start3A = tpu.memref_slice %arg4[%add3A_413] : memref<64004096xf32, #tpu.memory_space<hbm>> -> memref<16128xf32, #tpu.memory_space<hbm>>
        %dma_start3A_414 = tpu.memref_slice %arg4[%add3A_413] : memref<64004096xf32, #tpu.memory_space<hbm>> -> memref<16128xf32, #tpu.memory_space<hbm>>
        tpu.enqueue_dma source(%arg7 : memref<16128xf32, #tpu.memory_space<vmem>>) target(%dma_start3A_414 : memref<16128xf32, #tpu.memory_space<hbm>>) target_semaphore(%arg12 : memref<!tpu.dma_semaphore, #tpu.memory_space<semaphore_mem>>)
      } else {
      }
      %ge3A_186 = arith.constant 64 : i32
      %ge3A_187 = arith.cmpi sge, %add3A_176, %ge3A_186 : i32
      %convert_element_type3A_188 = arith.extui %ge3A_187 : i1 to i32
      %cond3A_189 = arith.constant 0 : i32
      %cond3A_190 = arith.cmpi ne, %convert_element_type3A_188, %cond3A_189 : i32
      scf.if %cond3A_190 {
        %mul3A_411 = arith.constant 1000064 : i32
        %mul3A_412 = arith.muli %rem3A_178, %mul3A_411 : i32
        %add3A_413 = arith.addi %mul3A_412, %mul3A_180 : i32
        %dma_start3A = tpu.memref_slice %arg5[%add3A_413] : memref<64004096xf32, #tpu.memory_space<hbm>> -> memref<16128xf32, #tpu.memory_space<hbm>>
        %dma_start3A_414 = tpu.memref_slice %arg5[%add3A_413] : memref<64004096xf32, #tpu.memory_space<hbm>> -> memref<16128xf32, #tpu.memory_space<hbm>>
        tpu.enqueue_dma source(%arg7 : memref<16128xf32, #tpu.memory_space<vmem>>) target(%dma_start3A_414 : memref<16128xf32, #tpu.memory_space<hbm>>) target_semaphore(%arg12 : memref<!tpu.dma_semaphore, #tpu.memory_space<semaphore_mem>>)
      } else {
      }
      %mul3A_191 = arith.constant 4 : i32
      %mul3A_192 = arith.muli %scan3A_98, %mul3A_191 : i32
      %add3A_193 = arith.constant 2 : i32
      %add3A_194 = arith.addi %mul3A_192, %add3A_193 : i32
      %div3A_195 = arith.constant 62 : i32
      %div3A_196 = arith.divsi %add3A_194, %div3A_195 : i32
      %rem3A_197 = arith.constant 62 : i32
      %rem3A_198 = arith.remsi %add3A_194, %rem3A_197 : i32
      %mul3A_199 = arith.constant 4 : i32
      %mul3A_200 = arith.muli %add3A, %mul3A_199 : i32
      %add3A_201 = arith.addi %mul3A_200, %div3A_196 : i32
      %rem3A_202 = arith.constant 64 : i32
      %rem3A_203 = arith.remsi %add3A_201, %rem3A_202 : i32
      %mul3A_204 = arith.constant 16128 : i32
      %mul3A_205 = arith.muli %rem3A_198, %mul3A_204 : i32
      %lt3A_206 = arith.constant 64 : i32
      %lt3A_207 = arith.cmpi slt, %add3A_201, %lt3A_206 : i32
      %convert_element_type3A_208 = arith.extui %lt3A_207 : i1 to i32
      %cond3A_209 = arith.constant 0 : i32
      %cond3A_210 = arith.cmpi ne, %convert_element_type3A_208, %cond3A_209 : i32
      scf.if %cond3A_210 {
        %dma_wait3A = arith.constant 0 : i32
        %dma_wait3A_411 = tpu.memref_slice %arg2[%rem3A_203, %dma_wait3A] : memref<64x1000000xf32, #tpu.memory_space<hbm>> -> memref<1x1000000xf32, #tpu.memory_space<hbm>>
        %dma_wait3A_412 = tpu.memref_squeeze %dma_wait3A_411 : memref<1x1000000xf32, #tpu.memory_space<hbm>> -> memref<1000000xf32, #tpu.memory_space<hbm>>
        %dma_wait3A_413 = tpu.memref_slice %dma_wait3A_412[%mul3A_205] : memref<1000000xf32, #tpu.memory_space<hbm>> -> memref<16128xf32, #tpu.memory_space<hbm>>
        %dma_wait3A_414 = arith.constant 0 : i32
        %dma_wait3A_415 = tpu.memref_slice %arg2[%rem3A_203, %dma_wait3A_414] : memref<64x1000000xf32, #tpu.memory_space<hbm>> -> memref<1x1000000xf32, #tpu.memory_space<hbm>>
        %dma_wait3A_416 = tpu.memref_squeeze %dma_wait3A_415 : memref<1x1000000xf32, #tpu.memory_space<hbm>> -> memref<1000000xf32, #tpu.memory_space<hbm>>
        %dma_wait3A_417 = tpu.memref_slice %dma_wait3A_416[%mul3A_205] : memref<1000000xf32, #tpu.memory_space<hbm>> -> memref<16128xf32, #tpu.memory_space<hbm>>
        tpu.wait_dma2 semaphore(%arg11 : memref<!tpu.dma_semaphore, #tpu.memory_space<semaphore_mem>>) src(%dma_wait3A_417 : memref<16128xf32, #tpu.memory_space<hbm>>) dst(%arg8 : memref<16128xf32, #tpu.memory_space<vmem>>)
      } else {
      }
      %ge3A_211 = arith.constant 64 : i32
      %ge3A_212 = arith.cmpi sge, %add3A_201, %ge3A_211 : i32
      %convert_element_type3A_213 = arith.extui %ge3A_212 : i1 to i32
      %cond3A_214 = arith.constant 0 : i32
      %cond3A_215 = arith.cmpi ne, %convert_element_type3A_213, %cond3A_214 : i32
      scf.if %cond3A_215 {
        %dma_wait3A = arith.constant 0 : i32
        %dma_wait3A_411 = tpu.memref_slice %arg3[%rem3A_203, %dma_wait3A] : memref<64x1000000xf32, #tpu.memory_space<hbm>> -> memref<1x1000000xf32, #tpu.memory_space<hbm>>
        %dma_wait3A_412 = tpu.memref_squeeze %dma_wait3A_411 : memref<1x1000000xf32, #tpu.memory_space<hbm>> -> memref<1000000xf32, #tpu.memory_space<hbm>>
        %dma_wait3A_413 = tpu.memref_slice %dma_wait3A_412[%mul3A_205] : memref<1000000xf32, #tpu.memory_space<hbm>> -> memref<16128xf32, #tpu.memory_space<hbm>>
        %dma_wait3A_414 = arith.constant 0 : i32
        %dma_wait3A_415 = tpu.memref_slice %arg3[%rem3A_203, %dma_wait3A_414] : memref<64x1000000xf32, #tpu.memory_space<hbm>> -> memref<1x1000000xf32, #tpu.memory_space<hbm>>
        %dma_wait3A_416 = tpu.memref_squeeze %dma_wait3A_415 : memref<1x1000000xf32, #tpu.memory_space<hbm>> -> memref<1000000xf32, #tpu.memory_space<hbm>>
        %dma_wait3A_417 = tpu.memref_slice %dma_wait3A_416[%mul3A_205] : memref<1000000xf32, #tpu.memory_space<hbm>> -> memref<16128xf32, #tpu.memory_space<hbm>>
        tpu.wait_dma2 semaphore(%arg11 : memref<!tpu.dma_semaphore, #tpu.memory_space<semaphore_mem>>) src(%dma_wait3A_417 : memref<16128xf32, #tpu.memory_space<hbm>>) dst(%arg8 : memref<16128xf32, #tpu.memory_space<vmem>>)
      } else {
      }
      %div3A_216 = arith.constant 62 : i32
      %div3A_217 = arith.divsi %add3A_194, %div3A_216 : i32
      %rem3A_218 = arith.constant 62 : i32
      %rem3A_219 = arith.remsi %add3A_194, %rem3A_218 : i32
      %mul3A_220 = arith.constant 4 : i32
      %mul3A_221 = arith.muli %add3A, %mul3A_220 : i32
      %add3A_222 = arith.addi %mul3A_221, %div3A_217 : i32
      %rem3A_223 = arith.constant 64 : i32
      %rem3A_224 = arith.remsi %add3A_222, %rem3A_223 : i32
      %mul3A_225 = arith.constant 16128 : i32
      %mul3A_226 = arith.muli %rem3A_219, %mul3A_225 : i32
      %lt3A_227 = arith.constant 64 : i32
      %lt3A_228 = arith.cmpi slt, %add3A_222, %lt3A_227 : i32
      %convert_element_type3A_229 = arith.extui %lt3A_228 : i1 to i32
      %cond3A_230 = arith.constant 0 : i32
      %cond3A_231 = arith.cmpi ne, %convert_element_type3A_229, %cond3A_230 : i32
      scf.if %cond3A_231 {
        %mul3A_411 = arith.constant 1000064 : i32
        %mul3A_412 = arith.muli %rem3A_224, %mul3A_411 : i32
        %add3A_413 = arith.addi %mul3A_412, %mul3A_226 : i32
        %dma_start3A = tpu.memref_slice %arg4[%add3A_413] : memref<64004096xf32, #tpu.memory_space<hbm>> -> memref<16128xf32, #tpu.memory_space<hbm>>
        %dma_start3A_414 = tpu.memref_slice %arg4[%add3A_413] : memref<64004096xf32, #tpu.memory_space<hbm>> -> memref<16128xf32, #tpu.memory_space<hbm>>
        tpu.enqueue_dma source(%arg8 : memref<16128xf32, #tpu.memory_space<vmem>>) target(%dma_start3A_414 : memref<16128xf32, #tpu.memory_space<hbm>>) target_semaphore(%arg12 : memref<!tpu.dma_semaphore, #tpu.memory_space<semaphore_mem>>)
      } else {
      }
      %ge3A_232 = arith.constant 64 : i32
      %ge3A_233 = arith.cmpi sge, %add3A_222, %ge3A_232 : i32
      %convert_element_type3A_234 = arith.extui %ge3A_233 : i1 to i32
      %cond3A_235 = arith.constant 0 : i32
      %cond3A_236 = arith.cmpi ne, %convert_element_type3A_234, %cond3A_235 : i32
      scf.if %cond3A_236 {
        %mul3A_411 = arith.constant 1000064 : i32
        %mul3A_412 = arith.muli %rem3A_224, %mul3A_411 : i32
        %add3A_413 = arith.addi %mul3A_412, %mul3A_226 : i32
        %dma_start3A = tpu.memref_slice %arg5[%add3A_413] : memref<64004096xf32, #tpu.memory_space<hbm>> -> memref<16128xf32, #tpu.memory_space<hbm>>
        %dma_start3A_414 = tpu.memref_slice %arg5[%add3A_413] : memref<64004096xf32, #tpu.memory_space<hbm>> -> memref<16128xf32, #tpu.memory_space<hbm>>
        tpu.enqueue_dma source(%arg8 : memref<16128xf32, #tpu.memory_space<vmem>>) target(%dma_start3A_414 : memref<16128xf32, #tpu.memory_space<hbm>>) target_semaphore(%arg12 : memref<!tpu.dma_semaphore, #tpu.memory_space<semaphore_mem>>)
      } else {
      }
      %mul3A_237 = arith.constant 4 : i32
      %mul3A_238 = arith.muli %scan3A_98, %mul3A_237 : i32
      %add3A_239 = arith.constant 3 : i32
      %add3A_240 = arith.addi %mul3A_238, %add3A_239 : i32
      %div3A_241 = arith.constant 62 : i32
      %div3A_242 = arith.divsi %add3A_240, %div3A_241 : i32
      %rem3A_243 = arith.constant 62 : i32
      %rem3A_244 = arith.remsi %add3A_240, %rem3A_243 : i32
      %mul3A_245 = arith.constant 4 : i32
      %mul3A_246 = arith.muli %add3A, %mul3A_245 : i32
      %add3A_247 = arith.addi %mul3A_246, %div3A_242 : i32
      %rem3A_248 = arith.constant 64 : i32
      %rem3A_249 = arith.remsi %add3A_247, %rem3A_248 : i32
      %mul3A_250 = arith.constant 16128 : i32
      %mul3A_251 = arith.muli %rem3A_244, %mul3A_250 : i32
      %lt3A_252 = arith.constant 64 : i32
      %lt3A_253 = arith.cmpi slt, %add3A_247, %lt3A_252 : i32
      %convert_element_type3A_254 = arith.extui %lt3A_253 : i1 to i32
      %cond3A_255 = arith.constant 0 : i32
      %cond3A_256 = arith.cmpi ne, %convert_element_type3A_254, %cond3A_255 : i32
      scf.if %cond3A_256 {
        %dma_wait3A = arith.constant 0 : i32
        %dma_wait3A_411 = tpu.memref_slice %arg2[%rem3A_249, %dma_wait3A] : memref<64x1000000xf32, #tpu.memory_space<hbm>> -> memref<1x1000000xf32, #tpu.memory_space<hbm>>
        %dma_wait3A_412 = tpu.memref_squeeze %dma_wait3A_411 : memref<1x1000000xf32, #tpu.memory_space<hbm>> -> memref<1000000xf32, #tpu.memory_space<hbm>>
        %dma_wait3A_413 = tpu.memref_slice %dma_wait3A_412[%mul3A_251] : memref<1000000xf32, #tpu.memory_space<hbm>> -> memref<16128xf32, #tpu.memory_space<hbm>>
        %dma_wait3A_414 = arith.constant 0 : i32
        %dma_wait3A_415 = tpu.memref_slice %arg2[%rem3A_249, %dma_wait3A_414] : memref<64x1000000xf32, #tpu.memory_space<hbm>> -> memref<1x1000000xf32, #tpu.memory_space<hbm>>
        %dma_wait3A_416 = tpu.memref_squeeze %dma_wait3A_415 : memref<1x1000000xf32, #tpu.memory_space<hbm>> -> memref<1000000xf32, #tpu.memory_space<hbm>>
        %dma_wait3A_417 = tpu.memref_slice %dma_wait3A_416[%mul3A_251] : memref<1000000xf32, #tpu.memory_space<hbm>> -> memref<16128xf32, #tpu.memory_space<hbm>>
        tpu.wait_dma2 semaphore(%arg11 : memref<!tpu.dma_semaphore, #tpu.memory_space<semaphore_mem>>) src(%dma_wait3A_417 : memref<16128xf32, #tpu.memory_space<hbm>>) dst(%arg9 : memref<16128xf32, #tpu.memory_space<vmem>>)
      } else {
      }
      %ge3A_257 = arith.constant 64 : i32
      %ge3A_258 = arith.cmpi sge, %add3A_247, %ge3A_257 : i32
      %convert_element_type3A_259 = arith.extui %ge3A_258 : i1 to i32
      %cond3A_260 = arith.constant 0 : i32
      %cond3A_261 = arith.cmpi ne, %convert_element_type3A_259, %cond3A_260 : i32
      scf.if %cond3A_261 {
        %dma_wait3A = arith.constant 0 : i32
        %dma_wait3A_411 = tpu.memref_slice %arg3[%rem3A_249, %dma_wait3A] : memref<64x1000000xf32, #tpu.memory_space<hbm>> -> memref<1x1000000xf32, #tpu.memory_space<hbm>>
        %dma_wait3A_412 = tpu.memref_squeeze %dma_wait3A_411 : memref<1x1000000xf32, #tpu.memory_space<hbm>> -> memref<1000000xf32, #tpu.memory_space<hbm>>
        %dma_wait3A_413 = tpu.memref_slice %dma_wait3A_412[%mul3A_251] : memref<1000000xf32, #tpu.memory_space<hbm>> -> memref<16128xf32, #tpu.memory_space<hbm>>
        %dma_wait3A_414 = arith.constant 0 : i32
        %dma_wait3A_415 = tpu.memref_slice %arg3[%rem3A_249, %dma_wait3A_414] : memref<64x1000000xf32, #tpu.memory_space<hbm>> -> memref<1x1000000xf32, #tpu.memory_space<hbm>>
        %dma_wait3A_416 = tpu.memref_squeeze %dma_wait3A_415 : memref<1x1000000xf32, #tpu.memory_space<hbm>> -> memref<1000000xf32, #tpu.memory_space<hbm>>
        %dma_wait3A_417 = tpu.memref_slice %dma_wait3A_416[%mul3A_251] : memref<1000000xf32, #tpu.memory_space<hbm>> -> memref<16128xf32, #tpu.memory_space<hbm>>
        tpu.wait_dma2 semaphore(%arg11 : memref<!tpu.dma_semaphore, #tpu.memory_space<semaphore_mem>>) src(%dma_wait3A_417 : memref<16128xf32, #tpu.memory_space<hbm>>) dst(%arg9 : memref<16128xf32, #tpu.memory_space<vmem>>)
      } else {
      }
      %div3A_262 = arith.constant 62 : i32
      %div3A_263 = arith.divsi %add3A_240, %div3A_262 : i32
      %rem3A_264 = arith.constant 62 : i32
      %rem3A_265 = arith.remsi %add3A_240, %rem3A_264 : i32
      %mul3A_266 = arith.constant 4 : i32
      %mul3A_267 = arith.muli %add3A, %mul3A_266 : i32
      %add3A_268 = arith.addi %mul3A_267, %div3A_263 : i32
      %rem3A_269 = arith.constant 64 : i32
      %rem3A_270 = arith.remsi %add3A_268, %rem3A_269 : i32
      %mul3A_271 = arith.constant 16128 : i32
      %mul3A_272 = arith.muli %rem3A_265, %mul3A_271 : i32
      %lt3A_273 = arith.constant 64 : i32
      %lt3A_274 = arith.cmpi slt, %add3A_268, %lt3A_273 : i32
      %convert_element_type3A_275 = arith.extui %lt3A_274 : i1 to i32
      %cond3A_276 = arith.constant 0 : i32
      %cond3A_277 = arith.cmpi ne, %convert_element_type3A_275, %cond3A_276 : i32
      scf.if %cond3A_277 {
        %mul3A_411 = arith.constant 1000064 : i32
        %mul3A_412 = arith.muli %rem3A_270, %mul3A_411 : i32
        %add3A_413 = arith.addi %mul3A_412, %mul3A_272 : i32
        %dma_start3A = tpu.memref_slice %arg4[%add3A_413] : memref<64004096xf32, #tpu.memory_space<hbm>> -> memref<16128xf32, #tpu.memory_space<hbm>>
        %dma_start3A_414 = tpu.memref_slice %arg4[%add3A_413] : memref<64004096xf32, #tpu.memory_space<hbm>> -> memref<16128xf32, #tpu.memory_space<hbm>>
        tpu.enqueue_dma source(%arg9 : memref<16128xf32, #tpu.memory_space<vmem>>) target(%dma_start3A_414 : memref<16128xf32, #tpu.memory_space<hbm>>) target_semaphore(%arg12 : memref<!tpu.dma_semaphore, #tpu.memory_space<semaphore_mem>>)
      } else {
      }
      %ge3A_278 = arith.constant 64 : i32
      %ge3A_279 = arith.cmpi sge, %add3A_268, %ge3A_278 : i32
      %convert_element_type3A_280 = arith.extui %ge3A_279 : i1 to i32
      %cond3A_281 = arith.constant 0 : i32
      %cond3A_282 = arith.cmpi ne, %convert_element_type3A_280, %cond3A_281 : i32
      scf.if %cond3A_282 {
        %mul3A_411 = arith.constant 1000064 : i32
        %mul3A_412 = arith.muli %rem3A_270, %mul3A_411 : i32
        %add3A_413 = arith.addi %mul3A_412, %mul3A_272 : i32
        %dma_start3A = tpu.memref_slice %arg5[%add3A_413] : memref<64004096xf32, #tpu.memory_space<hbm>> -> memref<16128xf32, #tpu.memory_space<hbm>>
        %dma_start3A_414 = tpu.memref_slice %arg5[%add3A_413] : memref<64004096xf32, #tpu.memory_space<hbm>> -> memref<16128xf32, #tpu.memory_space<hbm>>
        tpu.enqueue_dma source(%arg9 : memref<16128xf32, #tpu.memory_space<vmem>>) target(%dma_start3A_414 : memref<16128xf32, #tpu.memory_space<hbm>>) target_semaphore(%arg12 : memref<!tpu.dma_semaphore, #tpu.memory_space<semaphore_mem>>)
      } else {
      }
      %mul3A_283 = arith.constant 4 : i32
      %mul3A_284 = arith.muli %scan3A_98, %mul3A_283 : i32
      %add3A_285 = arith.constant 0 : i32
      %add3A_286 = arith.addi %mul3A_284, %add3A_285 : i32
      %div3A_287 = arith.constant 62 : i32
      %div3A_288 = arith.divsi %add3A_286, %div3A_287 : i32
      %rem3A_289 = arith.constant 62 : i32
      %rem3A_290 = arith.remsi %add3A_286, %rem3A_289 : i32
      %mul3A_291 = arith.constant 4 : i32
      %mul3A_292 = arith.muli %add3A, %mul3A_291 : i32
      %add3A_293 = arith.addi %mul3A_292, %div3A_288 : i32
      %rem3A_294 = arith.constant 64 : i32
      %rem3A_295 = arith.remsi %add3A_293, %rem3A_294 : i32
      %mul3A_296 = arith.constant 16128 : i32
      %mul3A_297 = arith.muli %rem3A_290, %mul3A_296 : i32
      %lt3A_298 = arith.constant 64 : i32
      %lt3A_299 = arith.cmpi slt, %add3A_293, %lt3A_298 : i32
      %convert_element_type3A_300 = arith.extui %lt3A_299 : i1 to i32
      %cond3A_301 = arith.constant 0 : i32
      %cond3A_302 = arith.cmpi ne, %convert_element_type3A_300, %cond3A_301 : i32
      scf.if %cond3A_302 {
        %mul3A_411 = arith.constant 1000064 : i32
        %mul3A_412 = arith.muli %rem3A_295, %mul3A_411 : i32
        %add3A_413 = arith.addi %mul3A_412, %mul3A_297 : i32
        %dma_wait3A = tpu.memref_slice %arg4[%add3A_413] : memref<64004096xf32, #tpu.memory_space<hbm>> -> memref<16128xf32, #tpu.memory_space<hbm>>
        %dma_wait3A_414 = tpu.memref_slice %arg4[%add3A_413] : memref<64004096xf32, #tpu.memory_space<hbm>> -> memref<16128xf32, #tpu.memory_space<hbm>>
        tpu.wait_dma2 semaphore(%arg12 : memref<!tpu.dma_semaphore, #tpu.memory_space<semaphore_mem>>) src(%arg6 : memref<16128xf32, #tpu.memory_space<vmem>>) dst(%dma_wait3A_414 : memref<16128xf32, #tpu.memory_space<hbm>>)
      } else {
      }
      %ge3A_303 = arith.constant 64 : i32
      %ge3A_304 = arith.cmpi sge, %add3A_293, %ge3A_303 : i32
      %convert_element_type3A_305 = arith.extui %ge3A_304 : i1 to i32
      %cond3A_306 = arith.constant 0 : i32
      %cond3A_307 = arith.cmpi ne, %convert_element_type3A_305, %cond3A_306 : i32
      scf.if %cond3A_307 {
        %mul3A_411 = arith.constant 1000064 : i32
        %mul3A_412 = arith.muli %rem3A_295, %mul3A_411 : i32
        %add3A_413 = arith.addi %mul3A_412, %mul3A_297 : i32
        %dma_wait3A = tpu.memref_slice %arg5[%add3A_413] : memref<64004096xf32, #tpu.memory_space<hbm>> -> memref<16128xf32, #tpu.memory_space<hbm>>
        %dma_wait3A_414 = tpu.memref_slice %arg5[%add3A_413] : memref<64004096xf32, #tpu.memory_space<hbm>> -> memref<16128xf32, #tpu.memory_space<hbm>>
        tpu.wait_dma2 semaphore(%arg12 : memref<!tpu.dma_semaphore, #tpu.memory_space<semaphore_mem>>) src(%arg6 : memref<16128xf32, #tpu.memory_space<vmem>>) dst(%dma_wait3A_414 : memref<16128xf32, #tpu.memory_space<hbm>>)
      } else {
      }
      %add3A_308 = arith.constant 4 : i32
      %add3A_309 = arith.addi %add3A_286, %add3A_308 : i32
      %lt3A_310 = arith.constant 248 : i32
      %lt3A_311 = arith.cmpi slt, %add3A_309, %lt3A_310 : i32
      %convert_element_type3A_312 = arith.extui %lt3A_311 : i1 to i32
      %cond3A_313 = arith.constant 0 : i32
      %cond3A_314 = arith.cmpi ne, %convert_element_type3A_312, %cond3A_313 : i32
      scf.if %cond3A_314 {
        %add3A_411 = arith.constant 4 : i32
        %add3A_412 = arith.addi %add3A_286, %add3A_411 : i32
        %div3A_413 = arith.constant 62 : i32
        %div3A_414 = arith.divsi %add3A_412, %div3A_413 : i32
        %rem3A_415 = arith.constant 62 : i32
        %rem3A_416 = arith.remsi %add3A_412, %rem3A_415 : i32
        %mul3A_417 = arith.constant 4 : i32
        %mul3A_418 = arith.muli %add3A, %mul3A_417 : i32
        %add3A_419 = arith.addi %mul3A_418, %div3A_414 : i32
        %rem3A_420 = arith.constant 64 : i32
        %rem3A_421 = arith.remsi %add3A_419, %rem3A_420 : i32
        %mul3A_422 = arith.constant 16128 : i32
        %mul3A_423 = arith.muli %rem3A_416, %mul3A_422 : i32
        %lt3A_424 = arith.constant 64 : i32
        %lt3A_425 = arith.cmpi slt, %add3A_419, %lt3A_424 : i32
        %convert_element_type3A_426 = arith.extui %lt3A_425 : i1 to i32
        %cond3A_427 = arith.constant 0 : i32
        %cond3A_428 = arith.cmpi ne, %convert_element_type3A_426, %cond3A_427 : i32
        scf.if %cond3A_428 {
          %dma_start3A = arith.constant 0 : i32
          %dma_start3A_434 = tpu.memref_slice %arg2[%rem3A_421, %dma_start3A] : memref<64x1000000xf32, #tpu.memory_space<hbm>> -> memref<1x1000000xf32, #tpu.memory_space<hbm>>
          %dma_start3A_435 = tpu.memref_squeeze %dma_start3A_434 : memref<1x1000000xf32, #tpu.memory_space<hbm>> -> memref<1000000xf32, #tpu.memory_space<hbm>>
          %dma_start3A_436 = tpu.memref_slice %dma_start3A_435[%mul3A_423] : memref<1000000xf32, #tpu.memory_space<hbm>> -> memref<16128xf32, #tpu.memory_space<hbm>>
          %dma_start3A_437 = arith.constant 0 : i32
          %dma_start3A_438 = tpu.memref_slice %arg2[%rem3A_421, %dma_start3A_437] : memref<64x1000000xf32, #tpu.memory_space<hbm>> -> memref<1x1000000xf32, #tpu.memory_space<hbm>>
          %dma_start3A_439 = tpu.memref_squeeze %dma_start3A_438 : memref<1x1000000xf32, #tpu.memory_space<hbm>> -> memref<1000000xf32, #tpu.memory_space<hbm>>
          %dma_start3A_440 = tpu.memref_slice %dma_start3A_439[%mul3A_423] : memref<1000000xf32, #tpu.memory_space<hbm>> -> memref<16128xf32, #tpu.memory_space<hbm>>
          tpu.enqueue_dma source(%dma_start3A_440 : memref<16128xf32, #tpu.memory_space<hbm>>) target(%arg6 : memref<16128xf32, #tpu.memory_space<vmem>>) target_semaphore(%arg11 : memref<!tpu.dma_semaphore, #tpu.memory_space<semaphore_mem>>)
        } else {
        }
        %ge3A_429 = arith.constant 64 : i32
        %ge3A_430 = arith.cmpi sge, %add3A_419, %ge3A_429 : i32
        %convert_element_type3A_431 = arith.extui %ge3A_430 : i1 to i32
        %cond3A_432 = arith.constant 0 : i32
        %cond3A_433 = arith.cmpi ne, %convert_element_type3A_431, %cond3A_432 : i32
        scf.if %cond3A_433 {
          %dma_start3A = arith.constant 0 : i32
          %dma_start3A_434 = tpu.memref_slice %arg3[%rem3A_421, %dma_start3A] : memref<64x1000000xf32, #tpu.memory_space<hbm>> -> memref<1x1000000xf32, #tpu.memory_space<hbm>>
          %dma_start3A_435 = tpu.memref_squeeze %dma_start3A_434 : memref<1x1000000xf32, #tpu.memory_space<hbm>> -> memref<1000000xf32, #tpu.memory_space<hbm>>
          %dma_start3A_436 = tpu.memref_slice %dma_start3A_435[%mul3A_423] : memref<1000000xf32, #tpu.memory_space<hbm>> -> memref<16128xf32, #tpu.memory_space<hbm>>
          %dma_start3A_437 = arith.constant 0 : i32
          %dma_start3A_438 = tpu.memref_slice %arg3[%rem3A_421, %dma_start3A_437] : memref<64x1000000xf32, #tpu.memory_space<hbm>> -> memref<1x1000000xf32, #tpu.memory_space<hbm>>
          %dma_start3A_439 = tpu.memref_squeeze %dma_start3A_438 : memref<1x1000000xf32, #tpu.memory_space<hbm>> -> memref<1000000xf32, #tpu.memory_space<hbm>>
          %dma_start3A_440 = tpu.memref_slice %dma_start3A_439[%mul3A_423] : memref<1000000xf32, #tpu.memory_space<hbm>> -> memref<16128xf32, #tpu.memory_space<hbm>>
          tpu.enqueue_dma source(%dma_start3A_440 : memref<16128xf32, #tpu.memory_space<hbm>>) target(%arg6 : memref<16128xf32, #tpu.memory_space<vmem>>) target_semaphore(%arg11 : memref<!tpu.dma_semaphore, #tpu.memory_space<semaphore_mem>>)
        } else {
        }
      } else {
      }
      %mul3A_315 = arith.constant 4 : i32
      %mul3A_316 = arith.muli %scan3A_98, %mul3A_315 : i32
      %add3A_317 = arith.constant 1 : i32
      %add3A_318 = arith.addi %mul3A_316, %add3A_317 : i32
      %div3A_319 = arith.constant 62 : i32
      %div3A_320 = arith.divsi %add3A_318, %div3A_319 : i32
      %rem3A_321 = arith.constant 62 : i32
      %rem3A_322 = arith.remsi %add3A_318, %rem3A_321 : i32
      %mul3A_323 = arith.constant 4 : i32
      %mul3A_324 = arith.muli %add3A, %mul3A_323 : i32
      %add3A_325 = arith.addi %mul3A_324, %div3A_320 : i32
      %rem3A_326 = arith.constant 64 : i32
      %rem3A_327 = arith.remsi %add3A_325, %rem3A_326 : i32
      %mul3A_328 = arith.constant 16128 : i32
      %mul3A_329 = arith.muli %rem3A_322, %mul3A_328 : i32
      %lt3A_330 = arith.constant 64 : i32
      %lt3A_331 = arith.cmpi slt, %add3A_325, %lt3A_330 : i32
      %convert_element_type3A_332 = arith.extui %lt3A_331 : i1 to i32
      %cond3A_333 = arith.constant 0 : i32
      %cond3A_334 = arith.cmpi ne, %convert_element_type3A_332, %cond3A_333 : i32
      scf.if %cond3A_334 {
        %mul3A_411 = arith.constant 1000064 : i32
        %mul3A_412 = arith.muli %rem3A_327, %mul3A_411 : i32
        %add3A_413 = arith.addi %mul3A_412, %mul3A_329 : i32
        %dma_wait3A = tpu.memref_slice %arg4[%add3A_413] : memref<64004096xf32, #tpu.memory_space<hbm>> -> memref<16128xf32, #tpu.memory_space<hbm>>
        %dma_wait3A_414 = tpu.memref_slice %arg4[%add3A_413] : memref<64004096xf32, #tpu.memory_space<hbm>> -> memref<16128xf32, #tpu.memory_space<hbm>>
        tpu.wait_dma2 semaphore(%arg12 : memref<!tpu.dma_semaphore, #tpu.memory_space<semaphore_mem>>) src(%arg7 : memref<16128xf32, #tpu.memory_space<vmem>>) dst(%dma_wait3A_414 : memref<16128xf32, #tpu.memory_space<hbm>>)
      } else {
      }
      %ge3A_335 = arith.constant 64 : i32
      %ge3A_336 = arith.cmpi sge, %add3A_325, %ge3A_335 : i32
      %convert_element_type3A_337 = arith.extui %ge3A_336 : i1 to i32
      %cond3A_338 = arith.constant 0 : i32
      %cond3A_339 = arith.cmpi ne, %convert_element_type3A_337, %cond3A_338 : i32
      scf.if %cond3A_339 {
        %mul3A_411 = arith.constant 1000064 : i32
        %mul3A_412 = arith.muli %rem3A_327, %mul3A_411 : i32
        %add3A_413 = arith.addi %mul3A_412, %mul3A_329 : i32
        %dma_wait3A = tpu.memref_slice %arg5[%add3A_413] : memref<64004096xf32, #tpu.memory_space<hbm>> -> memref<16128xf32, #tpu.memory_space<hbm>>
        %dma_wait3A_414 = tpu.memref_slice %arg5[%add3A_413] : memref<64004096xf32, #tpu.memory_space<hbm>> -> memref<16128xf32, #tpu.memory_space<hbm>>
        tpu.wait_dma2 semaphore(%arg12 : memref<!tpu.dma_semaphore, #tpu.memory_space<semaphore_mem>>) src(%arg7 : memref<16128xf32, #tpu.memory_space<vmem>>) dst(%dma_wait3A_414 : memref<16128xf32, #tpu.memory_space<hbm>>)
      } else {
      }
      %add3A_340 = arith.constant 4 : i32
      %add3A_341 = arith.addi %add3A_318, %add3A_340 : i32
      %lt3A_342 = arith.constant 248 : i32
      %lt3A_343 = arith.cmpi slt, %add3A_341, %lt3A_342 : i32
      %convert_element_type3A_344 = arith.extui %lt3A_343 : i1 to i32
      %cond3A_345 = arith.constant 0 : i32
      %cond3A_346 = arith.cmpi ne, %convert_element_type3A_344, %cond3A_345 : i32
      scf.if %cond3A_346 {
        %add3A_411 = arith.constant 4 : i32
        %add3A_412 = arith.addi %add3A_318, %add3A_411 : i32
        %div3A_413 = arith.constant 62 : i32
        %div3A_414 = arith.divsi %add3A_412, %div3A_413 : i32
        %rem3A_415 = arith.constant 62 : i32
        %rem3A_416 = arith.remsi %add3A_412, %rem3A_415 : i32
        %mul3A_417 = arith.constant 4 : i32
        %mul3A_418 = arith.muli %add3A, %mul3A_417 : i32
        %add3A_419 = arith.addi %mul3A_418, %div3A_414 : i32
        %rem3A_420 = arith.constant 64 : i32
        %rem3A_421 = arith.remsi %add3A_419, %rem3A_420 : i32
        %mul3A_422 = arith.constant 16128 : i32
        %mul3A_423 = arith.muli %rem3A_416, %mul3A_422 : i32
        %lt3A_424 = arith.constant 64 : i32
        %lt3A_425 = arith.cmpi slt, %add3A_419, %lt3A_424 : i32
        %convert_element_type3A_426 = arith.extui %lt3A_425 : i1 to i32
        %cond3A_427 = arith.constant 0 : i32
        %cond3A_428 = arith.cmpi ne, %convert_element_type3A_426, %cond3A_427 : i32
        scf.if %cond3A_428 {
          %dma_start3A = arith.constant 0 : i32
          %dma_start3A_434 = tpu.memref_slice %arg2[%rem3A_421, %dma_start3A] : memref<64x1000000xf32, #tpu.memory_space<hbm>> -> memref<1x1000000xf32, #tpu.memory_space<hbm>>
          %dma_start3A_435 = tpu.memref_squeeze %dma_start3A_434 : memref<1x1000000xf32, #tpu.memory_space<hbm>> -> memref<1000000xf32, #tpu.memory_space<hbm>>
          %dma_start3A_436 = tpu.memref_slice %dma_start3A_435[%mul3A_423] : memref<1000000xf32, #tpu.memory_space<hbm>> -> memref<16128xf32, #tpu.memory_space<hbm>>
          %dma_start3A_437 = arith.constant 0 : i32
          %dma_start3A_438 = tpu.memref_slice %arg2[%rem3A_421, %dma_start3A_437] : memref<64x1000000xf32, #tpu.memory_space<hbm>> -> memref<1x1000000xf32, #tpu.memory_space<hbm>>
          %dma_start3A_439 = tpu.memref_squeeze %dma_start3A_438 : memref<1x1000000xf32, #tpu.memory_space<hbm>> -> memref<1000000xf32, #tpu.memory_space<hbm>>
          %dma_start3A_440 = tpu.memref_slice %dma_start3A_439[%mul3A_423] : memref<1000000xf32, #tpu.memory_space<hbm>> -> memref<16128xf32, #tpu.memory_space<hbm>>
          tpu.enqueue_dma source(%dma_start3A_440 : memref<16128xf32, #tpu.memory_space<hbm>>) target(%arg7 : memref<16128xf32, #tpu.memory_space<vmem>>) target_semaphore(%arg11 : memref<!tpu.dma_semaphore, #tpu.memory_space<semaphore_mem>>)
        } else {
        }
        %ge3A_429 = arith.constant 64 : i32
        %ge3A_430 = arith.cmpi sge, %add3A_419, %ge3A_429 : i32
        %convert_element_type3A_431 = arith.extui %ge3A_430 : i1 to i32
        %cond3A_432 = arith.constant 0 : i32
        %cond3A_433 = arith.cmpi ne, %convert_element_type3A_431, %cond3A_432 : i32
        scf.if %cond3A_433 {
          %dma_start3A = arith.constant 0 : i32
          %dma_start3A_434 = tpu.memref_slice %arg3[%rem3A_421, %dma_start3A] : memref<64x1000000xf32, #tpu.memory_space<hbm>> -> memref<1x1000000xf32, #tpu.memory_space<hbm>>
          %dma_start3A_435 = tpu.memref_squeeze %dma_start3A_434 : memref<1x1000000xf32, #tpu.memory_space<hbm>> -> memref<1000000xf32, #tpu.memory_space<hbm>>
          %dma_start3A_436 = tpu.memref_slice %dma_start3A_435[%mul3A_423] : memref<1000000xf32, #tpu.memory_space<hbm>> -> memref<16128xf32, #tpu.memory_space<hbm>>
          %dma_start3A_437 = arith.constant 0 : i32
          %dma_start3A_438 = tpu.memref_slice %arg3[%rem3A_421, %dma_start3A_437] : memref<64x1000000xf32, #tpu.memory_space<hbm>> -> memref<1x1000000xf32, #tpu.memory_space<hbm>>
          %dma_start3A_439 = tpu.memref_squeeze %dma_start3A_438 : memref<1x1000000xf32, #tpu.memory_space<hbm>> -> memref<1000000xf32, #tpu.memory_space<hbm>>
          %dma_start3A_440 = tpu.memref_slice %dma_start3A_439[%mul3A_423] : memref<1000000xf32, #tpu.memory_space<hbm>> -> memref<16128xf32, #tpu.memory_space<hbm>>
          tpu.enqueue_dma source(%dma_start3A_440 : memref<16128xf32, #tpu.memory_space<hbm>>) target(%arg7 : memref<16128xf32, #tpu.memory_space<vmem>>) target_semaphore(%arg11 : memref<!tpu.dma_semaphore, #tpu.memory_space<semaphore_mem>>)
        } else {
        }
      } else {
      }
      %mul3A_347 = arith.constant 4 : i32
      %mul3A_348 = arith.muli %scan3A_98, %mul3A_347 : i32
      %add3A_349 = arith.constant 2 : i32
      %add3A_350 = arith.addi %mul3A_348, %add3A_349 : i32
      %div3A_351 = arith.constant 62 : i32
      %div3A_352 = arith.divsi %add3A_350, %div3A_351 : i32
      %rem3A_353 = arith.constant 62 : i32
      %rem3A_354 = arith.remsi %add3A_350, %rem3A_353 : i32
      %mul3A_355 = arith.constant 4 : i32
      %mul3A_356 = arith.muli %add3A, %mul3A_355 : i32
      %add3A_357 = arith.addi %mul3A_356, %div3A_352 : i32
      %rem3A_358 = arith.constant 64 : i32
      %rem3A_359 = arith.remsi %add3A_357, %rem3A_358 : i32
      %mul3A_360 = arith.constant 16128 : i32
      %mul3A_361 = arith.muli %rem3A_354, %mul3A_360 : i32
      %lt3A_362 = arith.constant 64 : i32
      %lt3A_363 = arith.cmpi slt, %add3A_357, %lt3A_362 : i32
      %convert_element_type3A_364 = arith.extui %lt3A_363 : i1 to i32
      %cond3A_365 = arith.constant 0 : i32
      %cond3A_366 = arith.cmpi ne, %convert_element_type3A_364, %cond3A_365 : i32
      scf.if %cond3A_366 {
        %mul3A_411 = arith.constant 1000064 : i32
        %mul3A_412 = arith.muli %rem3A_359, %mul3A_411 : i32
        %add3A_413 = arith.addi %mul3A_412, %mul3A_361 : i32
        %dma_wait3A = tpu.memref_slice %arg4[%add3A_413] : memref<64004096xf32, #tpu.memory_space<hbm>> -> memref<16128xf32, #tpu.memory_space<hbm>>
        %dma_wait3A_414 = tpu.memref_slice %arg4[%add3A_413] : memref<64004096xf32, #tpu.memory_space<hbm>> -> memref<16128xf32, #tpu.memory_space<hbm>>
        tpu.wait_dma2 semaphore(%arg12 : memref<!tpu.dma_semaphore, #tpu.memory_space<semaphore_mem>>) src(%arg8 : memref<16128xf32, #tpu.memory_space<vmem>>) dst(%dma_wait3A_414 : memref<16128xf32, #tpu.memory_space<hbm>>)
      } else {
      }
      %ge3A_367 = arith.constant 64 : i32
      %ge3A_368 = arith.cmpi sge, %add3A_357, %ge3A_367 : i32
      %convert_element_type3A_369 = arith.extui %ge3A_368 : i1 to i32
      %cond3A_370 = arith.constant 0 : i32
      %cond3A_371 = arith.cmpi ne, %convert_element_type3A_369, %cond3A_370 : i32
      scf.if %cond3A_371 {
        %mul3A_411 = arith.constant 1000064 : i32
        %mul3A_412 = arith.muli %rem3A_359, %mul3A_411 : i32
        %add3A_413 = arith.addi %mul3A_412, %mul3A_361 : i32
        %dma_wait3A = tpu.memref_slice %arg5[%add3A_413] : memref<64004096xf32, #tpu.memory_space<hbm>> -> memref<16128xf32, #tpu.memory_space<hbm>>
        %dma_wait3A_414 = tpu.memref_slice %arg5[%add3A_413] : memref<64004096xf32, #tpu.memory_space<hbm>> -> memref<16128xf32, #tpu.memory_space<hbm>>
        tpu.wait_dma2 semaphore(%arg12 : memref<!tpu.dma_semaphore, #tpu.memory_space<semaphore_mem>>) src(%arg8 : memref<16128xf32, #tpu.memory_space<vmem>>) dst(%dma_wait3A_414 : memref<16128xf32, #tpu.memory_space<hbm>>)
      } else {
      }
      %add3A_372 = arith.constant 4 : i32
      %add3A_373 = arith.addi %add3A_350, %add3A_372 : i32
      %lt3A_374 = arith.constant 248 : i32
      %lt3A_375 = arith.cmpi slt, %add3A_373, %lt3A_374 : i32
      %convert_element_type3A_376 = arith.extui %lt3A_375 : i1 to i32
      %cond3A_377 = arith.constant 0 : i32
      %cond3A_378 = arith.cmpi ne, %convert_element_type3A_376, %cond3A_377 : i32
      scf.if %cond3A_378 {
        %add3A_411 = arith.constant 4 : i32
        %add3A_412 = arith.addi %add3A_350, %add3A_411 : i32
        %div3A_413 = arith.constant 62 : i32
        %div3A_414 = arith.divsi %add3A_412, %div3A_413 : i32
        %rem3A_415 = arith.constant 62 : i32
        %rem3A_416 = arith.remsi %add3A_412, %rem3A_415 : i32
        %mul3A_417 = arith.constant 4 : i32
        %mul3A_418 = arith.muli %add3A, %mul3A_417 : i32
        %add3A_419 = arith.addi %mul3A_418, %div3A_414 : i32
        %rem3A_420 = arith.constant 64 : i32
        %rem3A_421 = arith.remsi %add3A_419, %rem3A_420 : i32
        %mul3A_422 = arith.constant 16128 : i32
        %mul3A_423 = arith.muli %rem3A_416, %mul3A_422 : i32
        %lt3A_424 = arith.constant 64 : i32
        %lt3A_425 = arith.cmpi slt, %add3A_419, %lt3A_424 : i32
        %convert_element_type3A_426 = arith.extui %lt3A_425 : i1 to i32
        %cond3A_427 = arith.constant 0 : i32
        %cond3A_428 = arith.cmpi ne, %convert_element_type3A_426, %cond3A_427 : i32
        scf.if %cond3A_428 {
          %dma_start3A = arith.constant 0 : i32
          %dma_start3A_434 = tpu.memref_slice %arg2[%rem3A_421, %dma_start3A] : memref<64x1000000xf32, #tpu.memory_space<hbm>> -> memref<1x1000000xf32, #tpu.memory_space<hbm>>
          %dma_start3A_435 = tpu.memref_squeeze %dma_start3A_434 : memref<1x1000000xf32, #tpu.memory_space<hbm>> -> memref<1000000xf32, #tpu.memory_space<hbm>>
          %dma_start3A_436 = tpu.memref_slice %dma_start3A_435[%mul3A_423] : memref<1000000xf32, #tpu.memory_space<hbm>> -> memref<16128xf32, #tpu.memory_space<hbm>>
          %dma_start3A_437 = arith.constant 0 : i32
          %dma_start3A_438 = tpu.memref_slice %arg2[%rem3A_421, %dma_start3A_437] : memref<64x1000000xf32, #tpu.memory_space<hbm>> -> memref<1x1000000xf32, #tpu.memory_space<hbm>>
          %dma_start3A_439 = tpu.memref_squeeze %dma_start3A_438 : memref<1x1000000xf32, #tpu.memory_space<hbm>> -> memref<1000000xf32, #tpu.memory_space<hbm>>
          %dma_start3A_440 = tpu.memref_slice %dma_start3A_439[%mul3A_423] : memref<1000000xf32, #tpu.memory_space<hbm>> -> memref<16128xf32, #tpu.memory_space<hbm>>
          tpu.enqueue_dma source(%dma_start3A_440 : memref<16128xf32, #tpu.memory_space<hbm>>) target(%arg8 : memref<16128xf32, #tpu.memory_space<vmem>>) target_semaphore(%arg11 : memref<!tpu.dma_semaphore, #tpu.memory_space<semaphore_mem>>)
        } else {
        }
        %ge3A_429 = arith.constant 64 : i32
        %ge3A_430 = arith.cmpi sge, %add3A_419, %ge3A_429 : i32
        %convert_element_type3A_431 = arith.extui %ge3A_430 : i1 to i32
        %cond3A_432 = arith.constant 0 : i32
        %cond3A_433 = arith.cmpi ne, %convert_element_type3A_431, %cond3A_432 : i32
        scf.if %cond3A_433 {
          %dma_start3A = arith.constant 0 : i32
          %dma_start3A_434 = tpu.memref_slice %arg3[%rem3A_421, %dma_start3A] : memref<64x1000000xf32, #tpu.memory_space<hbm>> -> memref<1x1000000xf32, #tpu.memory_space<hbm>>
          %dma_start3A_435 = tpu.memref_squeeze %dma_start3A_434 : memref<1x1000000xf32, #tpu.memory_space<hbm>> -> memref<1000000xf32, #tpu.memory_space<hbm>>
          %dma_start3A_436 = tpu.memref_slice %dma_start3A_435[%mul3A_423] : memref<1000000xf32, #tpu.memory_space<hbm>> -> memref<16128xf32, #tpu.memory_space<hbm>>
          %dma_start3A_437 = arith.constant 0 : i32
          %dma_start3A_438 = tpu.memref_slice %arg3[%rem3A_421, %dma_start3A_437] : memref<64x1000000xf32, #tpu.memory_space<hbm>> -> memref<1x1000000xf32, #tpu.memory_space<hbm>>
          %dma_start3A_439 = tpu.memref_squeeze %dma_start3A_438 : memref<1x1000000xf32, #tpu.memory_space<hbm>> -> memref<1000000xf32, #tpu.memory_space<hbm>>
          %dma_start3A_440 = tpu.memref_slice %dma_start3A_439[%mul3A_423] : memref<1000000xf32, #tpu.memory_space<hbm>> -> memref<16128xf32, #tpu.memory_space<hbm>>
          tpu.enqueue_dma source(%dma_start3A_440 : memref<16128xf32, #tpu.memory_space<hbm>>) target(%arg8 : memref<16128xf32, #tpu.memory_space<vmem>>) target_semaphore(%arg11 : memref<!tpu.dma_semaphore, #tpu.memory_space<semaphore_mem>>)
        } else {
        }
      } else {
      }
      %mul3A_379 = arith.constant 4 : i32
      %mul3A_380 = arith.muli %scan3A_98, %mul3A_379 : i32
      %add3A_381 = arith.constant 3 : i32
      %add3A_382 = arith.addi %mul3A_380, %add3A_381 : i32
      %div3A_383 = arith.constant 62 : i32
      %div3A_384 = arith.divsi %add3A_382, %div3A_383 : i32
      %rem3A_385 = arith.constant 62 : i32
      %rem3A_386 = arith.remsi %add3A_382, %rem3A_385 : i32
      %mul3A_387 = arith.constant 4 : i32
      %mul3A_388 = arith.muli %add3A, %mul3A_387 : i32
      %add3A_389 = arith.addi %mul3A_388, %div3A_384 : i32
      %rem3A_390 = arith.constant 64 : i32
      %rem3A_391 = arith.remsi %add3A_389, %rem3A_390 : i32
      %mul3A_392 = arith.constant 16128 : i32
      %mul3A_393 = arith.muli %rem3A_386, %mul3A_392 : i32
      %lt3A_394 = arith.constant 64 : i32
      %lt3A_395 = arith.cmpi slt, %add3A_389, %lt3A_394 : i32
      %convert_element_type3A_396 = arith.extui %lt3A_395 : i1 to i32
      %cond3A_397 = arith.constant 0 : i32
      %cond3A_398 = arith.cmpi ne, %convert_element_type3A_396, %cond3A_397 : i32
      scf.if %cond3A_398 {
        %mul3A_411 = arith.constant 1000064 : i32
        %mul3A_412 = arith.muli %rem3A_391, %mul3A_411 : i32
        %add3A_413 = arith.addi %mul3A_412, %mul3A_393 : i32
        %dma_wait3A = tpu.memref_slice %arg4[%add3A_413] : memref<64004096xf32, #tpu.memory_space<hbm>> -> memref<16128xf32, #tpu.memory_space<hbm>>
        %dma_wait3A_414 = tpu.memref_slice %arg4[%add3A_413] : memref<64004096xf32, #tpu.memory_space<hbm>> -> memref<16128xf32, #tpu.memory_space<hbm>>
        tpu.wait_dma2 semaphore(%arg12 : memref<!tpu.dma_semaphore, #tpu.memory_space<semaphore_mem>>) src(%arg9 : memref<16128xf32, #tpu.memory_space<vmem>>) dst(%dma_wait3A_414 : memref<16128xf32, #tpu.memory_space<hbm>>)
      } else {
      }
      %ge3A_399 = arith.constant 64 : i32
      %ge3A_400 = arith.cmpi sge, %add3A_389, %ge3A_399 : i32
      %convert_element_type3A_401 = arith.extui %ge3A_400 : i1 to i32
      %cond3A_402 = arith.constant 0 : i32
      %cond3A_403 = arith.cmpi ne, %convert_element_type3A_401, %cond3A_402 : i32
      scf.if %cond3A_403 {
        %mul3A_411 = arith.constant 1000064 : i32
        %mul3A_412 = arith.muli %rem3A_391, %mul3A_411 : i32
        %add3A_413 = arith.addi %mul3A_412, %mul3A_393 : i32
        %dma_wait3A = tpu.memref_slice %arg5[%add3A_413] : memref<64004096xf32, #tpu.memory_space<hbm>> -> memref<16128xf32, #tpu.memory_space<hbm>>
        %dma_wait3A_414 = tpu.memref_slice %arg5[%add3A_413] : memref<64004096xf32, #tpu.memory_space<hbm>> -> memref<16128xf32, #tpu.memory_space<hbm>>
        tpu.wait_dma2 semaphore(%arg12 : memref<!tpu.dma_semaphore, #tpu.memory_space<semaphore_mem>>) src(%arg9 : memref<16128xf32, #tpu.memory_space<vmem>>) dst(%dma_wait3A_414 : memref<16128xf32, #tpu.memory_space<hbm>>)
      } else {
      }
      %add3A_404 = arith.constant 4 : i32
      %add3A_405 = arith.addi %add3A_382, %add3A_404 : i32
      %lt3A_406 = arith.constant 248 : i32
      %lt3A_407 = arith.cmpi slt, %add3A_405, %lt3A_406 : i32
      %convert_element_type3A_408 = arith.extui %lt3A_407 : i1 to i32
      %cond3A_409 = arith.constant 0 : i32
      %cond3A_410 = arith.cmpi ne, %convert_element_type3A_408, %cond3A_409 : i32
      scf.if %cond3A_410 {
        %add3A_411 = arith.constant 4 : i32
        %add3A_412 = arith.addi %add3A_382, %add3A_411 : i32
        %div3A_413 = arith.constant 62 : i32
        %div3A_414 = arith.divsi %add3A_412, %div3A_413 : i32
        %rem3A_415 = arith.constant 62 : i32
        %rem3A_416 = arith.remsi %add3A_412, %rem3A_415 : i32
        %mul3A_417 = arith.constant 4 : i32
        %mul3A_418 = arith.muli %add3A, %mul3A_417 : i32
        %add3A_419 = arith.addi %mul3A_418, %div3A_414 : i32
        %rem3A_420 = arith.constant 64 : i32
        %rem3A_421 = arith.remsi %add3A_419, %rem3A_420 : i32
        %mul3A_422 = arith.constant 16128 : i32
        %mul3A_423 = arith.muli %rem3A_416, %mul3A_422 : i32
        %lt3A_424 = arith.constant 64 : i32
        %lt3A_425 = arith.cmpi slt, %add3A_419, %lt3A_424 : i32
        %convert_element_type3A_426 = arith.extui %lt3A_425 : i1 to i32
        %cond3A_427 = arith.constant 0 : i32
        %cond3A_428 = arith.cmpi ne, %convert_element_type3A_426, %cond3A_427 : i32
        scf.if %cond3A_428 {
          %dma_start3A = arith.constant 0 : i32
          %dma_start3A_434 = tpu.memref_slice %arg2[%rem3A_421, %dma_start3A] : memref<64x1000000xf32, #tpu.memory_space<hbm>> -> memref<1x1000000xf32, #tpu.memory_space<hbm>>
          %dma_start3A_435 = tpu.memref_squeeze %dma_start3A_434 : memref<1x1000000xf32, #tpu.memory_space<hbm>> -> memref<1000000xf32, #tpu.memory_space<hbm>>
          %dma_start3A_436 = tpu.memref_slice %dma_start3A_435[%mul3A_423] : memref<1000000xf32, #tpu.memory_space<hbm>> -> memref<16128xf32, #tpu.memory_space<hbm>>
          %dma_start3A_437 = arith.constant 0 : i32
          %dma_start3A_438 = tpu.memref_slice %arg2[%rem3A_421, %dma_start3A_437] : memref<64x1000000xf32, #tpu.memory_space<hbm>> -> memref<1x1000000xf32, #tpu.memory_space<hbm>>
          %dma_start3A_439 = tpu.memref_squeeze %dma_start3A_438 : memref<1x1000000xf32, #tpu.memory_space<hbm>> -> memref<1000000xf32, #tpu.memory_space<hbm>>
          %dma_start3A_440 = tpu.memref_slice %dma_start3A_439[%mul3A_423] : memref<1000000xf32, #tpu.memory_space<hbm>> -> memref<16128xf32, #tpu.memory_space<hbm>>
          tpu.enqueue_dma source(%dma_start3A_440 : memref<16128xf32, #tpu.memory_space<hbm>>) target(%arg9 : memref<16128xf32, #tpu.memory_space<vmem>>) target_semaphore(%arg11 : memref<!tpu.dma_semaphore, #tpu.memory_space<semaphore_mem>>)
        } else {
        }
        %ge3A_429 = arith.constant 64 : i32
        %ge3A_430 = arith.cmpi sge, %add3A_419, %ge3A_429 : i32
        %convert_element_type3A_431 = arith.extui %ge3A_430 : i1 to i32
        %cond3A_432 = arith.constant 0 : i32
        %cond3A_433 = arith.cmpi ne, %convert_element_type3A_431, %cond3A_432 : i32
        scf.if %cond3A_433 {
          %dma_start3A = arith.constant 0 : i32
          %dma_start3A_434 = tpu.memref_slice %arg3[%rem3A_421, %dma_start3A] : memref<64x1000000xf32, #tpu.memory_space<hbm>> -> memref<1x1000000xf32, #tpu.memory_space<hbm>>
          %dma_start3A_435 = tpu.memref_squeeze %dma_start3A_434 : memref<1x1000000xf32, #tpu.memory_space<hbm>> -> memref<1000000xf32, #tpu.memory_space<hbm>>
          %dma_start3A_436 = tpu.memref_slice %dma_start3A_435[%mul3A_423] : memref<1000000xf32, #tpu.memory_space<hbm>> -> memref<16128xf32, #tpu.memory_space<hbm>>
          %dma_start3A_437 = arith.constant 0 : i32
          %dma_start3A_438 = tpu.memref_slice %arg3[%rem3A_421, %dma_start3A_437] : memref<64x1000000xf32, #tpu.memory_space<hbm>> -> memref<1x1000000xf32, #tpu.memory_space<hbm>>
          %dma_start3A_439 = tpu.memref_squeeze %dma_start3A_438 : memref<1x1000000xf32, #tpu.memory_space<hbm>> -> memref<1000000xf32, #tpu.memory_space<hbm>>
          %dma_start3A_440 = tpu.memref_slice %dma_start3A_439[%mul3A_423] : memref<1000000xf32, #tpu.memory_space<hbm>> -> memref<16128xf32, #tpu.memory_space<hbm>>
          tpu.enqueue_dma source(%dma_start3A_440 : memref<16128xf32, #tpu.memory_space<hbm>>) target(%arg9 : memref<16128xf32, #tpu.memory_space<vmem>>) target_semaphore(%arg11 : memref<!tpu.dma_semaphore, #tpu.memory_space<semaphore_mem>>)
        } else {
        }
      } else {
      }
    }
    %scan3A_91 = arith.constant 62 : i32
    %scan3A_92 = arith.constant 0 : i32
    %scan3A_93 = arith.constant 0 : i32
    %scan3A_94 = arith.constant 4 : i32
    %scan3A_95 = arith.addi %scan3A_93, %scan3A_94 : i32
    %scan3A_96 = arith.constant 1 : i32
    scf.for %scan3A_98 = %scan3A_93 to %scan3A_95 step %scan3A_96  : i32 {
      %mul3A_99 = arith.constant 4 : i32
      %mul3A_100 = arith.muli %add3A, %mul3A_99 : i32
      %add3A_101 = arith.addi %mul3A_100, %scan3A_98 : i32
      %rem3A_102 = arith.constant 64 : i32
      %rem3A_103 = arith.remsi %add3A_101, %rem3A_102 : i32
      %lt3A_104 = arith.constant 64 : i32
      %lt3A_105 = arith.cmpi slt, %add3A_101, %lt3A_104 : i32
      %convert_element_type3A_106 = arith.extui %lt3A_105 : i1 to i32
      %cond3A_107 = arith.constant 0 : i32
      %cond3A_108 = arith.cmpi ne, %convert_element_type3A_106, %cond3A_107 : i32
      scf.if %cond3A_108 {
        %dma_start3A = arith.constant 0 : i32
        %dma_start3A_114 = tpu.memref_slice %arg2[%rem3A_103, %dma_start3A] : memref<64x1000000xf32, #tpu.memory_space<hbm>> -> memref<1x1000000xf32, #tpu.memory_space<hbm>>
        %dma_start3A_115 = tpu.memref_squeeze %dma_start3A_114 : memref<1x1000000xf32, #tpu.memory_space<hbm>> -> memref<1000000xf32, #tpu.memory_space<hbm>>
        %dma_start3A_116 = arith.constant 999936 : i32
        %dma_start3A_117 = tpu.memref_slice %dma_start3A_115[%dma_start3A_116] : memref<1000000xf32, #tpu.memory_space<hbm>> -> memref<64xf32, #tpu.memory_space<hbm>>
        %dma_start3A_118 = arith.constant 0 : i32
        %dma_start3A_119 = tpu.memref_slice %arg2[%rem3A_103, %dma_start3A_118] : memref<64x1000000xf32, #tpu.memory_space<hbm>> -> memref<1x1000000xf32, #tpu.memory_space<hbm>>
        %dma_start3A_120 = tpu.memref_squeeze %dma_start3A_119 : memref<1x1000000xf32, #tpu.memory_space<hbm>> -> memref<1000000xf32, #tpu.memory_space<hbm>>
        %dma_start3A_121 = arith.constant 999936 : i32
        %dma_start3A_122 = tpu.memref_slice %dma_start3A_120[%dma_start3A_121] : memref<1000000xf32, #tpu.memory_space<hbm>> -> memref<64xf32, #tpu.memory_space<hbm>>
        tpu.enqueue_dma source(%dma_start3A_122 : memref<64xf32, #tpu.memory_space<hbm>>) target(%arg10 : memref<64xf32, #tpu.memory_space<vmem>>) target_semaphore(%arg13 : memref<!tpu.dma_semaphore, #tpu.memory_space<semaphore_mem>>)
        %dma_wait3A = arith.constant 0 : i32
        %dma_wait3A_123 = tpu.memref_slice %arg2[%rem3A_103, %dma_wait3A] : memref<64x1000000xf32, #tpu.memory_space<hbm>> -> memref<1x1000000xf32, #tpu.memory_space<hbm>>
        %dma_wait3A_124 = tpu.memref_squeeze %dma_wait3A_123 : memref<1x1000000xf32, #tpu.memory_space<hbm>> -> memref<1000000xf32, #tpu.memory_space<hbm>>
        %dma_wait3A_125 = arith.constant 999936 : i32
        %dma_wait3A_126 = tpu.memref_slice %dma_wait3A_124[%dma_wait3A_125] : memref<1000000xf32, #tpu.memory_space<hbm>> -> memref<64xf32, #tpu.memory_space<hbm>>
        %dma_wait3A_127 = arith.constant 0 : i32
        %dma_wait3A_128 = tpu.memref_slice %arg2[%rem3A_103, %dma_wait3A_127] : memref<64x1000000xf32, #tpu.memory_space<hbm>> -> memref<1x1000000xf32, #tpu.memory_space<hbm>>
        %dma_wait3A_129 = tpu.memref_squeeze %dma_wait3A_128 : memref<1x1000000xf32, #tpu.memory_space<hbm>> -> memref<1000000xf32, #tpu.memory_space<hbm>>
        %dma_wait3A_130 = arith.constant 999936 : i32
        %dma_wait3A_131 = tpu.memref_slice %dma_wait3A_129[%dma_wait3A_130] : memref<1000000xf32, #tpu.memory_space<hbm>> -> memref<64xf32, #tpu.memory_space<hbm>>
        tpu.wait_dma2 semaphore(%arg13 : memref<!tpu.dma_semaphore, #tpu.memory_space<semaphore_mem>>) src(%dma_wait3A_131 : memref<64xf32, #tpu.memory_space<hbm>>) dst(%arg10 : memref<64xf32, #tpu.memory_space<vmem>>)
        %mul3A_132 = arith.constant 1000064 : i32
        %mul3A_133 = arith.muli %rem3A_103, %mul3A_132 : i32
        %add3A_134 = arith.constant 999936 : i32
        %add3A_135 = arith.addi %mul3A_133, %add3A_134 : i32
        %dma_start3A_136 = tpu.memref_slice %arg4[%add3A_135] : memref<64004096xf32, #tpu.memory_space<hbm>> -> memref<64xf32, #tpu.memory_space<hbm>>
        %dma_start3A_137 = tpu.memref_slice %arg4[%add3A_135] : memref<64004096xf32, #tpu.memory_space<hbm>> -> memref<64xf32, #tpu.memory_space<hbm>>
        tpu.enqueue_dma source(%arg10 : memref<64xf32, #tpu.memory_space<vmem>>) target(%dma_start3A_137 : memref<64xf32, #tpu.memory_space<hbm>>) target_semaphore(%arg13 : memref<!tpu.dma_semaphore, #tpu.memory_space<semaphore_mem>>)
        %mul3A_138 = arith.constant 1000064 : i32
        %mul3A_139 = arith.muli %rem3A_103, %mul3A_138 : i32
        %add3A_140 = arith.constant 999936 : i32
        %add3A_141 = arith.addi %mul3A_139, %add3A_140 : i32
        %dma_wait3A_142 = tpu.memref_slice %arg4[%add3A_141] : memref<64004096xf32, #tpu.memory_space<hbm>> -> memref<64xf32, #tpu.memory_space<hbm>>
        %dma_wait3A_143 = tpu.memref_slice %arg4[%add3A_141] : memref<64004096xf32, #tpu.memory_space<hbm>> -> memref<64xf32, #tpu.memory_space<hbm>>
        tpu.wait_dma2 semaphore(%arg13 : memref<!tpu.dma_semaphore, #tpu.memory_space<semaphore_mem>>) src(%arg10 : memref<64xf32, #tpu.memory_space<vmem>>) dst(%dma_wait3A_143 : memref<64xf32, #tpu.memory_space<hbm>>)
      } else {
      }
      %ge3A_109 = arith.constant 64 : i32
      %ge3A_110 = arith.cmpi sge, %add3A_101, %ge3A_109 : i32
      %convert_element_type3A_111 = arith.extui %ge3A_110 : i1 to i32
      %cond3A_112 = arith.constant 0 : i32
      %cond3A_113 = arith.cmpi ne, %convert_element_type3A_111, %cond3A_112 : i32
      scf.if %cond3A_113 {
        %dma_start3A = arith.constant 0 : i32
        %dma_start3A_114 = tpu.memref_slice %arg3[%rem3A_103, %dma_start3A] : memref<64x1000000xf32, #tpu.memory_space<hbm>> -> memref<1x1000000xf32, #tpu.memory_space<hbm>>
        %dma_start3A_115 = tpu.memref_squeeze %dma_start3A_114 : memref<1x1000000xf32, #tpu.memory_space<hbm>> -> memref<1000000xf32, #tpu.memory_space<hbm>>
        %dma_start3A_116 = arith.constant 999936 : i32
        %dma_start3A_117 = tpu.memref_slice %dma_start3A_115[%dma_start3A_116] : memref<1000000xf32, #tpu.memory_space<hbm>> -> memref<64xf32, #tpu.memory_space<hbm>>
        %dma_start3A_118 = arith.constant 0 : i32
        %dma_start3A_119 = tpu.memref_slice %arg3[%rem3A_103, %dma_start3A_118] : memref<64x1000000xf32, #tpu.memory_space<hbm>> -> memref<1x1000000xf32, #tpu.memory_space<hbm>>
        %dma_start3A_120 = tpu.memref_squeeze %dma_start3A_119 : memref<1x1000000xf32, #tpu.memory_space<hbm>> -> memref<1000000xf32, #tpu.memory_space<hbm>>
        %dma_start3A_121 = arith.constant 999936 : i32
        %dma_start3A_122 = tpu.memref_slice %dma_start3A_120[%dma_start3A_121] : memref<1000000xf32, #tpu.memory_space<hbm>> -> memref<64xf32, #tpu.memory_space<hbm>>
        tpu.enqueue_dma source(%dma_start3A_122 : memref<64xf32, #tpu.memory_space<hbm>>) target(%arg10 : memref<64xf32, #tpu.memory_space<vmem>>) target_semaphore(%arg13 : memref<!tpu.dma_semaphore, #tpu.memory_space<semaphore_mem>>)
        %dma_wait3A = arith.constant 0 : i32
        %dma_wait3A_123 = tpu.memref_slice %arg3[%rem3A_103, %dma_wait3A] : memref<64x1000000xf32, #tpu.memory_space<hbm>> -> memref<1x1000000xf32, #tpu.memory_space<hbm>>
        %dma_wait3A_124 = tpu.memref_squeeze %dma_wait3A_123 : memref<1x1000000xf32, #tpu.memory_space<hbm>> -> memref<1000000xf32, #tpu.memory_space<hbm>>
        %dma_wait3A_125 = arith.constant 999936 : i32
        %dma_wait3A_126 = tpu.memref_slice %dma_wait3A_124[%dma_wait3A_125] : memref<1000000xf32, #tpu.memory_space<hbm>> -> memref<64xf32, #tpu.memory_space<hbm>>
        %dma_wait3A_127 = arith.constant 0 : i32
        %dma_wait3A_128 = tpu.memref_slice %arg3[%rem3A_103, %dma_wait3A_127] : memref<64x1000000xf32, #tpu.memory_space<hbm>> -> memref<1x1000000xf32, #tpu.memory_space<hbm>>
        %dma_wait3A_129 = tpu.memref_squeeze %dma_wait3A_128 : memref<1x1000000xf32, #tpu.memory_space<hbm>> -> memref<1000000xf32, #tpu.memory_space<hbm>>
        %dma_wait3A_130 = arith.constant 999936 : i32
        %dma_wait3A_131 = tpu.memref_slice %dma_wait3A_129[%dma_wait3A_130] : memref<1000000xf32, #tpu.memory_space<hbm>> -> memref<64xf32, #tpu.memory_space<hbm>>
        tpu.wait_dma2 semaphore(%arg13 : memref<!tpu.dma_semaphore, #tpu.memory_space<semaphore_mem>>) src(%dma_wait3A_131 : memref<64xf32, #tpu.memory_space<hbm>>) dst(%arg10 : memref<64xf32, #tpu.memory_space<vmem>>)
        %mul3A_132 = arith.constant 1000064 : i32
        %mul3A_133 = arith.muli %rem3A_103, %mul3A_132 : i32
        %add3A_134 = arith.constant 999936 : i32
        %add3A_135 = arith.addi %mul3A_133, %add3A_134 : i32
        %dma_start3A_136 = tpu.memref_slice %arg5[%add3A_135] : memref<64004096xf32, #tpu.memory_space<hbm>> -> memref<64xf32, #tpu.memory_space<hbm>>
        %dma_start3A_137 = tpu.memref_slice %arg5[%add3A_135] : memref<64004096xf32, #tpu.memory_space<hbm>> -> memref<64xf32, #tpu.memory_space<hbm>>
        tpu.enqueue_dma source(%arg10 : memref<64xf32, #tpu.memory_space<vmem>>) target(%dma_start3A_137 : memref<64xf32, #tpu.memory_space<hbm>>) target_semaphore(%arg13 : memref<!tpu.dma_semaphore, #tpu.memory_space<semaphore_mem>>)
        %mul3A_138 = arith.constant 1000064 : i32
        %mul3A_139 = arith.muli %rem3A_103, %mul3A_138 : i32
        %add3A_140 = arith.constant 999936 : i32
        %add3A_141 = arith.addi %mul3A_139, %add3A_140 : i32
        %dma_wait3A_142 = tpu.memref_slice %arg5[%add3A_141] : memref<64004096xf32, #tpu.memory_space<hbm>> -> memref<64xf32, #tpu.memory_space<hbm>>
        %dma_wait3A_143 = tpu.memref_slice %arg5[%add3A_141] : memref<64004096xf32, #tpu.memory_space<hbm>> -> memref<64xf32, #tpu.memory_space<hbm>>
        tpu.wait_dma2 semaphore(%arg13 : memref<!tpu.dma_semaphore, #tpu.memory_space<semaphore_mem>>) src(%arg10 : memref<64xf32, #tpu.memory_space<vmem>>) dst(%dma_wait3A_143 : memref<64xf32, #tpu.memory_space<hbm>>)
      } else {
      }
    }
    %scan3A_97 = arith.constant 4 : i32
    return
  }
}

#map = affine_map<(d0, d1) -> (0, 0, 0)>
#map1 = affine_map<(d0, d1) -> (0, 0)>
#map2 = affine_map<(d0, d1) -> (0)>
module attributes {stable_mosaic.version = 14 : i64} {
  func.func @_fm_kernel(%arg0: i32, %arg1: i32, %arg2: memref<32x4x128xi32, #tpu.memory_space<hbm>>, %arg3: memref<32x4x128xi32, #tpu.memory_space<hbm>>, %arg4: memref<64x1000064xf32, #tpu.memory_space<hbm>>, %arg5: memref<64x1000064xf32, #tpu.memory_space<hbm>>, %arg6: memref<1x1000000xf32, #tpu.memory_space<hbm>>, %arg7: memref<1x1000000xf32, #tpu.memory_space<hbm>>, %arg8: memref<16xf32, #tpu.memory_space<hbm>>, %arg9: memref<16384xf32, #tpu.memory_space<hbm>>, %arg10: memref<4x128xi32, #tpu.memory_space<vmem>>, %arg11: memref<4x128xi32, #tpu.memory_space<vmem>>, %arg12: memref<64x512xf32, #tpu.memory_space<vmem>>, %arg13: memref<64x512xf32, #tpu.memory_space<vmem>>, %arg14: memref<512xf32, #tpu.memory_space<vmem>>, %arg15: memref<512xf32, #tpu.memory_space<vmem>>, %arg16: memref<16xf32, #tpu.memory_space<vmem>>, %arg17: memref<512xf32, #tpu.memory_space<vmem>>, %arg18: memref<!tpu.dma_semaphore, #tpu.memory_space<semaphore_mem>>) attributes {dimension_semantics = [#tpu.dimension_semantics<core_parallel>, #tpu.dimension_semantics<subcore_parallel>], iteration_bounds = array<i64: 2, 16>, scalar_prefetch = 0 : i64, scratch_operands = 9 : i64, tpu.core_type = #tpu.core_type<sc_vector_subcore>, window_params = [{transform_indices = #map}, {transform_indices = #map}, {transform_indices = #map1}, {transform_indices = #map1}, {transform_indices = #map1}, {transform_indices = #map1}, {transform_indices = #map2}, {transform_indices = #map2}]} {
    %mul3A = arith.constant 2 : i32
    %mul3A_0 = arith.muli %arg1, %mul3A : i32
    %add3A = arith.addi %mul3A_0, %arg0 : i32
    "tpu.region"() ({
      %run_scoped3A = tpu.sem_alloc : memref<!tpu.dma_semaphore, #tpu.memory_space<semaphore_mem>>
      %dma_start3A_317 = arith.constant 0 : i32
      %dma_start3A_318 = arith.constant 0 : i32
      %dma_start3A_319 = tpu.memref_slice %arg2[%add3A, %dma_start3A_317, %dma_start3A_318] : memref<32x4x128xi32, #tpu.memory_space<hbm>> -> memref<1x4x128xi32, #tpu.memory_space<hbm>>
      %dma_start3A_320 = tpu.memref_squeeze %dma_start3A_319 : memref<1x4x128xi32, #tpu.memory_space<hbm>> -> memref<4x128xi32, #tpu.memory_space<hbm>>
      %dma_start3A_321 = arith.constant 0 : i32
      %dma_start3A_322 = arith.constant 0 : i32
      %dma_start3A_323 = tpu.memref_slice %arg2[%add3A, %dma_start3A_321, %dma_start3A_322] : memref<32x4x128xi32, #tpu.memory_space<hbm>> -> memref<1x4x128xi32, #tpu.memory_space<hbm>>
      %dma_start3A_324 = tpu.memref_squeeze %dma_start3A_323 : memref<1x4x128xi32, #tpu.memory_space<hbm>> -> memref<4x128xi32, #tpu.memory_space<hbm>>
      tpu.enqueue_dma source(%dma_start3A_324 : memref<4x128xi32, #tpu.memory_space<hbm>>) target(%arg10 : memref<4x128xi32, #tpu.memory_space<vmem>>) target_semaphore(%run_scoped3A : memref<!tpu.dma_semaphore, #tpu.memory_space<semaphore_mem>>)
      %dma_wait3A_325 = arith.constant 0 : i32
      %dma_wait3A_326 = arith.constant 0 : i32
      %dma_wait3A_327 = tpu.memref_slice %arg2[%add3A, %dma_wait3A_325, %dma_wait3A_326] : memref<32x4x128xi32, #tpu.memory_space<hbm>> -> memref<1x4x128xi32, #tpu.memory_space<hbm>>
      %dma_wait3A_328 = tpu.memref_squeeze %dma_wait3A_327 : memref<1x4x128xi32, #tpu.memory_space<hbm>> -> memref<4x128xi32, #tpu.memory_space<hbm>>
      %dma_wait3A_329 = arith.constant 0 : i32
      %dma_wait3A_330 = arith.constant 0 : i32
      %dma_wait3A_331 = tpu.memref_slice %arg2[%add3A, %dma_wait3A_329, %dma_wait3A_330] : memref<32x4x128xi32, #tpu.memory_space<hbm>> -> memref<1x4x128xi32, #tpu.memory_space<hbm>>
      %dma_wait3A_332 = tpu.memref_squeeze %dma_wait3A_331 : memref<1x4x128xi32, #tpu.memory_space<hbm>> -> memref<4x128xi32, #tpu.memory_space<hbm>>
      tpu.wait_dma2 semaphore(%run_scoped3A : memref<!tpu.dma_semaphore, #tpu.memory_space<semaphore_mem>>) src(%dma_wait3A_332 : memref<4x128xi32, #tpu.memory_space<hbm>>) dst(%arg10 : memref<4x128xi32, #tpu.memory_space<vmem>>)
      tpu.yield
    }) : () -> ()
    "tpu.region"() ({
      %run_scoped3A = tpu.sem_alloc : memref<!tpu.dma_semaphore, #tpu.memory_space<semaphore_mem>>
      %dma_start3A_317 = arith.constant 0 : i32
      %dma_start3A_318 = arith.constant 0 : i32
      %dma_start3A_319 = tpu.memref_slice %arg3[%add3A, %dma_start3A_317, %dma_start3A_318] : memref<32x4x128xi32, #tpu.memory_space<hbm>> -> memref<1x4x128xi32, #tpu.memory_space<hbm>>
      %dma_start3A_320 = tpu.memref_squeeze %dma_start3A_319 : memref<1x4x128xi32, #tpu.memory_space<hbm>> -> memref<4x128xi32, #tpu.memory_space<hbm>>
      %dma_start3A_321 = arith.constant 0 : i32
      %dma_start3A_322 = arith.constant 0 : i32
      %dma_start3A_323 = tpu.memref_slice %arg3[%add3A, %dma_start3A_321, %dma_start3A_322] : memref<32x4x128xi32, #tpu.memory_space<hbm>> -> memref<1x4x128xi32, #tpu.memory_space<hbm>>
      %dma_start3A_324 = tpu.memref_squeeze %dma_start3A_323 : memref<1x4x128xi32, #tpu.memory_space<hbm>> -> memref<4x128xi32, #tpu.memory_space<hbm>>
      tpu.enqueue_dma source(%dma_start3A_324 : memref<4x128xi32, #tpu.memory_space<hbm>>) target(%arg11 : memref<4x128xi32, #tpu.memory_space<vmem>>) target_semaphore(%run_scoped3A : memref<!tpu.dma_semaphore, #tpu.memory_space<semaphore_mem>>)
      %dma_wait3A_325 = arith.constant 0 : i32
      %dma_wait3A_326 = arith.constant 0 : i32
      %dma_wait3A_327 = tpu.memref_slice %arg3[%add3A, %dma_wait3A_325, %dma_wait3A_326] : memref<32x4x128xi32, #tpu.memory_space<hbm>> -> memref<1x4x128xi32, #tpu.memory_space<hbm>>
      %dma_wait3A_328 = tpu.memref_squeeze %dma_wait3A_327 : memref<1x4x128xi32, #tpu.memory_space<hbm>> -> memref<4x128xi32, #tpu.memory_space<hbm>>
      %dma_wait3A_329 = arith.constant 0 : i32
      %dma_wait3A_330 = arith.constant 0 : i32
      %dma_wait3A_331 = tpu.memref_slice %arg3[%add3A, %dma_wait3A_329, %dma_wait3A_330] : memref<32x4x128xi32, #tpu.memory_space<hbm>> -> memref<1x4x128xi32, #tpu.memory_space<hbm>>
      %dma_wait3A_332 = tpu.memref_squeeze %dma_wait3A_331 : memref<1x4x128xi32, #tpu.memory_space<hbm>> -> memref<4x128xi32, #tpu.memory_space<hbm>>
      tpu.wait_dma2 semaphore(%run_scoped3A : memref<!tpu.dma_semaphore, #tpu.memory_space<semaphore_mem>>) src(%dma_wait3A_332 : memref<4x128xi32, #tpu.memory_space<hbm>>) dst(%arg11 : memref<4x128xi32, #tpu.memory_space<vmem>>)
      tpu.yield
    }) : () -> ()
    "tpu.region"() ({
      %run_scoped3A = tpu.sem_alloc : memref<!tpu.dma_semaphore, #tpu.memory_space<semaphore_mem>>
      tpu.enqueue_dma source(%arg8 : memref<16xf32, #tpu.memory_space<hbm>>) target(%arg16 : memref<16xf32, #tpu.memory_space<vmem>>) target_semaphore(%run_scoped3A : memref<!tpu.dma_semaphore, #tpu.memory_space<semaphore_mem>>)
      tpu.wait_dma2 semaphore(%run_scoped3A : memref<!tpu.dma_semaphore, #tpu.memory_space<semaphore_mem>>) src(%arg8 : memref<16xf32, #tpu.memory_space<hbm>>) dst(%arg16 : memref<16xf32, #tpu.memory_space<vmem>>)
      tpu.yield
    }) : () -> ()
    %dma_start3A = arith.constant 0 : i32
    %dma_start3A_1 = arith.constant 0 : i32
    %dma_start3A_2 = arith.constant 0 : i32
    %dma_start3A_3 = tpu.memref_slice %arg14[%dma_start3A_2] : memref<512xf32, #tpu.memory_space<vmem>> -> memref<128xf32, #tpu.memory_space<vmem>>
    %dma_start3A_4 = arith.constant 0 : i32
    %dma_start3A_5 = tpu.memref_slice %arg10[%dma_start3A_1, %dma_start3A_4] : memref<4x128xi32, #tpu.memory_space<vmem>> -> memref<1x128xi32, #tpu.memory_space<vmem>>
    %dma_start3A_6 = tpu.memref_squeeze %dma_start3A_5 : memref<1x128xi32, #tpu.memory_space<vmem>> -> memref<128xi32, #tpu.memory_space<vmem>>
    %dma_start3A_7 = arith.constant 0 : i32
    %dma_start3A_8 = tpu.memref_slice %arg6[%dma_start3A, %dma_start3A_7] : memref<1x1000000xf32, #tpu.memory_space<hbm>> -> memref<1x1000000xf32, #tpu.memory_space<hbm>>
    %dma_start3A_9 = tpu.memref_squeeze %dma_start3A_8 : memref<1x1000000xf32, #tpu.memory_space<hbm>> -> memref<1000000xf32, #tpu.memory_space<hbm>>
    %dma_start3A_10 = arith.constant 0 : i32
    %dma_start3A_11 = tpu.memref_slice %dma_start3A_9[%dma_start3A_10] : memref<1000000xf32, #tpu.memory_space<hbm>> -> memref<1000000xf32, #tpu.memory_space<hbm>>
    tpu.enqueue_indirect_dma source(%dma_start3A_11 : memref<1000000xf32, #tpu.memory_space<hbm>>) target(%dma_start3A_3 : memref<128xf32, #tpu.memory_space<vmem>>) offsets(%dma_start3A_6 : memref<128xi32, #tpu.memory_space<vmem>>) semaphore(%arg18 : memref<!tpu.dma_semaphore, #tpu.memory_space<semaphore_mem>>)
    %dma_start3A_12 = arith.constant 0 : i32
    %dma_start3A_13 = arith.constant 0 : i32
    %dma_start3A_14 = arith.constant 0 : i32
    %dma_start3A_15 = tpu.memref_slice %arg15[%dma_start3A_14] : memref<512xf32, #tpu.memory_space<vmem>> -> memref<128xf32, #tpu.memory_space<vmem>>
    %dma_start3A_16 = arith.constant 0 : i32
    %dma_start3A_17 = tpu.memref_slice %arg11[%dma_start3A_13, %dma_start3A_16] : memref<4x128xi32, #tpu.memory_space<vmem>> -> memref<1x128xi32, #tpu.memory_space<vmem>>
    %dma_start3A_18 = tpu.memref_squeeze %dma_start3A_17 : memref<1x128xi32, #tpu.memory_space<vmem>> -> memref<128xi32, #tpu.memory_space<vmem>>
    %dma_start3A_19 = arith.constant 0 : i32
    %dma_start3A_20 = tpu.memref_slice %arg7[%dma_start3A_12, %dma_start3A_19] : memref<1x1000000xf32, #tpu.memory_space<hbm>> -> memref<1x1000000xf32, #tpu.memory_space<hbm>>
    %dma_start3A_21 = tpu.memref_squeeze %dma_start3A_20 : memref<1x1000000xf32, #tpu.memory_space<hbm>> -> memref<1000000xf32, #tpu.memory_space<hbm>>
    %dma_start3A_22 = arith.constant 0 : i32
    %dma_start3A_23 = tpu.memref_slice %dma_start3A_21[%dma_start3A_22] : memref<1000000xf32, #tpu.memory_space<hbm>> -> memref<1000000xf32, #tpu.memory_space<hbm>>
    tpu.enqueue_indirect_dma source(%dma_start3A_23 : memref<1000000xf32, #tpu.memory_space<hbm>>) target(%dma_start3A_15 : memref<128xf32, #tpu.memory_space<vmem>>) offsets(%dma_start3A_18 : memref<128xi32, #tpu.memory_space<vmem>>) semaphore(%arg18 : memref<!tpu.dma_semaphore, #tpu.memory_space<semaphore_mem>>)
    %dma_start3A_24 = arith.constant 0 : i32
    %dma_start3A_25 = arith.constant 1 : i32
    %dma_start3A_26 = arith.constant 128 : i32
    %dma_start3A_27 = tpu.memref_slice %arg14[%dma_start3A_26] : memref<512xf32, #tpu.memory_space<vmem>> -> memref<128xf32, #tpu.memory_space<vmem>>
    %dma_start3A_28 = arith.constant 0 : i32
    %dma_start3A_29 = tpu.memref_slice %arg10[%dma_start3A_25, %dma_start3A_28] : memref<4x128xi32, #tpu.memory_space<vmem>> -> memref<1x128xi32, #tpu.memory_space<vmem>>
    %dma_start3A_30 = tpu.memref_squeeze %dma_start3A_29 : memref<1x128xi32, #tpu.memory_space<vmem>> -> memref<128xi32, #tpu.memory_space<vmem>>
    %dma_start3A_31 = arith.constant 0 : i32
    %dma_start3A_32 = tpu.memref_slice %arg6[%dma_start3A_24, %dma_start3A_31] : memref<1x1000000xf32, #tpu.memory_space<hbm>> -> memref<1x1000000xf32, #tpu.memory_space<hbm>>
    %dma_start3A_33 = tpu.memref_squeeze %dma_start3A_32 : memref<1x1000000xf32, #tpu.memory_space<hbm>> -> memref<1000000xf32, #tpu.memory_space<hbm>>
    %dma_start3A_34 = arith.constant 0 : i32
    %dma_start3A_35 = tpu.memref_slice %dma_start3A_33[%dma_start3A_34] : memref<1000000xf32, #tpu.memory_space<hbm>> -> memref<1000000xf32, #tpu.memory_space<hbm>>
    tpu.enqueue_indirect_dma source(%dma_start3A_35 : memref<1000000xf32, #tpu.memory_space<hbm>>) target(%dma_start3A_27 : memref<128xf32, #tpu.memory_space<vmem>>) offsets(%dma_start3A_30 : memref<128xi32, #tpu.memory_space<vmem>>) semaphore(%arg18 : memref<!tpu.dma_semaphore, #tpu.memory_space<semaphore_mem>>)
    %dma_start3A_36 = arith.constant 0 : i32
    %dma_start3A_37 = arith.constant 1 : i32
    %dma_start3A_38 = arith.constant 128 : i32
    %dma_start3A_39 = tpu.memref_slice %arg15[%dma_start3A_38] : memref<512xf32, #tpu.memory_space<vmem>> -> memref<128xf32, #tpu.memory_space<vmem>>
    %dma_start3A_40 = arith.constant 0 : i32
    %dma_start3A_41 = tpu.memref_slice %arg11[%dma_start3A_37, %dma_start3A_40] : memref<4x128xi32, #tpu.memory_space<vmem>> -> memref<1x128xi32, #tpu.memory_space<vmem>>
    %dma_start3A_42 = tpu.memref_squeeze %dma_start3A_41 : memref<1x128xi32, #tpu.memory_space<vmem>> -> memref<128xi32, #tpu.memory_space<vmem>>
    %dma_start3A_43 = arith.constant 0 : i32
    %dma_start3A_44 = tpu.memref_slice %arg7[%dma_start3A_36, %dma_start3A_43] : memref<1x1000000xf32, #tpu.memory_space<hbm>> -> memref<1x1000000xf32, #tpu.memory_space<hbm>>
    %dma_start3A_45 = tpu.memref_squeeze %dma_start3A_44 : memref<1x1000000xf32, #tpu.memory_space<hbm>> -> memref<1000000xf32, #tpu.memory_space<hbm>>
    %dma_start3A_46 = arith.constant 0 : i32
    %dma_start3A_47 = tpu.memref_slice %dma_start3A_45[%dma_start3A_46] : memref<1000000xf32, #tpu.memory_space<hbm>> -> memref<1000000xf32, #tpu.memory_space<hbm>>
    tpu.enqueue_indirect_dma source(%dma_start3A_47 : memref<1000000xf32, #tpu.memory_space<hbm>>) target(%dma_start3A_39 : memref<128xf32, #tpu.memory_space<vmem>>) offsets(%dma_start3A_42 : memref<128xi32, #tpu.memory_space<vmem>>) semaphore(%arg18 : memref<!tpu.dma_semaphore, #tpu.memory_space<semaphore_mem>>)
    %dma_start3A_48 = arith.constant 0 : i32
    %dma_start3A_49 = arith.constant 2 : i32
    %dma_start3A_50 = arith.constant 256 : i32
    %dma_start3A_51 = tpu.memref_slice %arg14[%dma_start3A_50] : memref<512xf32, #tpu.memory_space<vmem>> -> memref<128xf32, #tpu.memory_space<vmem>>
    %dma_start3A_52 = arith.constant 0 : i32
    %dma_start3A_53 = tpu.memref_slice %arg10[%dma_start3A_49, %dma_start3A_52] : memref<4x128xi32, #tpu.memory_space<vmem>> -> memref<1x128xi32, #tpu.memory_space<vmem>>
    %dma_start3A_54 = tpu.memref_squeeze %dma_start3A_53 : memref<1x128xi32, #tpu.memory_space<vmem>> -> memref<128xi32, #tpu.memory_space<vmem>>
    %dma_start3A_55 = arith.constant 0 : i32
    %dma_start3A_56 = tpu.memref_slice %arg6[%dma_start3A_48, %dma_start3A_55] : memref<1x1000000xf32, #tpu.memory_space<hbm>> -> memref<1x1000000xf32, #tpu.memory_space<hbm>>
    %dma_start3A_57 = tpu.memref_squeeze %dma_start3A_56 : memref<1x1000000xf32, #tpu.memory_space<hbm>> -> memref<1000000xf32, #tpu.memory_space<hbm>>
    %dma_start3A_58 = arith.constant 0 : i32
    %dma_start3A_59 = tpu.memref_slice %dma_start3A_57[%dma_start3A_58] : memref<1000000xf32, #tpu.memory_space<hbm>> -> memref<1000000xf32, #tpu.memory_space<hbm>>
    tpu.enqueue_indirect_dma source(%dma_start3A_59 : memref<1000000xf32, #tpu.memory_space<hbm>>) target(%dma_start3A_51 : memref<128xf32, #tpu.memory_space<vmem>>) offsets(%dma_start3A_54 : memref<128xi32, #tpu.memory_space<vmem>>) semaphore(%arg18 : memref<!tpu.dma_semaphore, #tpu.memory_space<semaphore_mem>>)
    %dma_start3A_60 = arith.constant 0 : i32
    %dma_start3A_61 = arith.constant 2 : i32
    %dma_start3A_62 = arith.constant 256 : i32
    %dma_start3A_63 = tpu.memref_slice %arg15[%dma_start3A_62] : memref<512xf32, #tpu.memory_space<vmem>> -> memref<128xf32, #tpu.memory_space<vmem>>
    %dma_start3A_64 = arith.constant 0 : i32
    %dma_start3A_65 = tpu.memref_slice %arg11[%dma_start3A_61, %dma_start3A_64] : memref<4x128xi32, #tpu.memory_space<vmem>> -> memref<1x128xi32, #tpu.memory_space<vmem>>
    %dma_start3A_66 = tpu.memref_squeeze %dma_start3A_65 : memref<1x128xi32, #tpu.memory_space<vmem>> -> memref<128xi32, #tpu.memory_space<vmem>>
    %dma_start3A_67 = arith.constant 0 : i32
    %dma_start3A_68 = tpu.memref_slice %arg7[%dma_start3A_60, %dma_start3A_67] : memref<1x1000000xf32, #tpu.memory_space<hbm>> -> memref<1x1000000xf32, #tpu.memory_space<hbm>>
    %dma_start3A_69 = tpu.memref_squeeze %dma_start3A_68 : memref<1x1000000xf32, #tpu.memory_space<hbm>> -> memref<1000000xf32, #tpu.memory_space<hbm>>
    %dma_start3A_70 = arith.constant 0 : i32
    %dma_start3A_71 = tpu.memref_slice %dma_start3A_69[%dma_start3A_70] : memref<1000000xf32, #tpu.memory_space<hbm>> -> memref<1000000xf32, #tpu.memory_space<hbm>>
    tpu.enqueue_indirect_dma source(%dma_start3A_71 : memref<1000000xf32, #tpu.memory_space<hbm>>) target(%dma_start3A_63 : memref<128xf32, #tpu.memory_space<vmem>>) offsets(%dma_start3A_66 : memref<128xi32, #tpu.memory_space<vmem>>) semaphore(%arg18 : memref<!tpu.dma_semaphore, #tpu.memory_space<semaphore_mem>>)
    %dma_start3A_72 = arith.constant 0 : i32
    %dma_start3A_73 = arith.constant 3 : i32
    %dma_start3A_74 = arith.constant 384 : i32
    %dma_start3A_75 = tpu.memref_slice %arg14[%dma_start3A_74] : memref<512xf32, #tpu.memory_space<vmem>> -> memref<128xf32, #tpu.memory_space<vmem>>
    %dma_start3A_76 = arith.constant 0 : i32
    %dma_start3A_77 = tpu.memref_slice %arg10[%dma_start3A_73, %dma_start3A_76] : memref<4x128xi32, #tpu.memory_space<vmem>> -> memref<1x128xi32, #tpu.memory_space<vmem>>
    %dma_start3A_78 = tpu.memref_squeeze %dma_start3A_77 : memref<1x128xi32, #tpu.memory_space<vmem>> -> memref<128xi32, #tpu.memory_space<vmem>>
    %dma_start3A_79 = arith.constant 0 : i32
    %dma_start3A_80 = tpu.memref_slice %arg6[%dma_start3A_72, %dma_start3A_79] : memref<1x1000000xf32, #tpu.memory_space<hbm>> -> memref<1x1000000xf32, #tpu.memory_space<hbm>>
    %dma_start3A_81 = tpu.memref_squeeze %dma_start3A_80 : memref<1x1000000xf32, #tpu.memory_space<hbm>> -> memref<1000000xf32, #tpu.memory_space<hbm>>
    %dma_start3A_82 = arith.constant 0 : i32
    %dma_start3A_83 = tpu.memref_slice %dma_start3A_81[%dma_start3A_82] : memref<1000000xf32, #tpu.memory_space<hbm>> -> memref<1000000xf32, #tpu.memory_space<hbm>>
    tpu.enqueue_indirect_dma source(%dma_start3A_83 : memref<1000000xf32, #tpu.memory_space<hbm>>) target(%dma_start3A_75 : memref<128xf32, #tpu.memory_space<vmem>>) offsets(%dma_start3A_78 : memref<128xi32, #tpu.memory_space<vmem>>) semaphore(%arg18 : memref<!tpu.dma_semaphore, #tpu.memory_space<semaphore_mem>>)
    %dma_start3A_84 = arith.constant 0 : i32
    %dma_start3A_85 = arith.constant 3 : i32
    %dma_start3A_86 = arith.constant 384 : i32
    %dma_start3A_87 = tpu.memref_slice %arg15[%dma_start3A_86] : memref<512xf32, #tpu.memory_space<vmem>> -> memref<128xf32, #tpu.memory_space<vmem>>
    %dma_start3A_88 = arith.constant 0 : i32
    %dma_start3A_89 = tpu.memref_slice %arg11[%dma_start3A_85, %dma_start3A_88] : memref<4x128xi32, #tpu.memory_space<vmem>> -> memref<1x128xi32, #tpu.memory_space<vmem>>
    %dma_start3A_90 = tpu.memref_squeeze %dma_start3A_89 : memref<1x128xi32, #tpu.memory_space<vmem>> -> memref<128xi32, #tpu.memory_space<vmem>>
    %dma_start3A_91 = arith.constant 0 : i32
    %dma_start3A_92 = tpu.memref_slice %arg7[%dma_start3A_84, %dma_start3A_91] : memref<1x1000000xf32, #tpu.memory_space<hbm>> -> memref<1x1000000xf32, #tpu.memory_space<hbm>>
    %dma_start3A_93 = tpu.memref_squeeze %dma_start3A_92 : memref<1x1000000xf32, #tpu.memory_space<hbm>> -> memref<1000000xf32, #tpu.memory_space<hbm>>
    %dma_start3A_94 = arith.constant 0 : i32
    %dma_start3A_95 = tpu.memref_slice %dma_start3A_93[%dma_start3A_94] : memref<1000000xf32, #tpu.memory_space<hbm>> -> memref<1000000xf32, #tpu.memory_space<hbm>>
    tpu.enqueue_indirect_dma source(%dma_start3A_95 : memref<1000000xf32, #tpu.memory_space<hbm>>) target(%dma_start3A_87 : memref<128xf32, #tpu.memory_space<vmem>>) offsets(%dma_start3A_90 : memref<128xi32, #tpu.memory_space<vmem>>) semaphore(%arg18 : memref<!tpu.dma_semaphore, #tpu.memory_space<semaphore_mem>>)
    %scan3A = arith.constant 0 : i32
    %scan3A_96 = arith.constant 0 : i32
    %scan3A_97 = arith.constant 64 : i32
    %scan3A_98 = arith.addi %scan3A_96, %scan3A_97 : i32
    %scan3A_99 = arith.constant 1 : i32
    scf.for %scan3A_317 = %scan3A_96 to %scan3A_98 step %scan3A_99  : i32 {
      %dma_start3A_318 = arith.constant 0 : i32
      %dma_start3A_319 = arith.constant 0 : i32
      %dma_start3A_320 = tpu.memref_slice %arg12[%scan3A_317, %dma_start3A_319] : memref<64x512xf32, #tpu.memory_space<vmem>> -> memref<1x128xf32, #tpu.memory_space<vmem>>
      %dma_start3A_321 = tpu.memref_squeeze %dma_start3A_320 : memref<1x128xf32, #tpu.memory_space<vmem>> -> memref<128xf32, #tpu.memory_space<vmem>>
      %dma_start3A_322 = arith.constant 0 : i32
      %dma_start3A_323 = tpu.memref_slice %arg10[%dma_start3A_318, %dma_start3A_322] : memref<4x128xi32, #tpu.memory_space<vmem>> -> memref<1x128xi32, #tpu.memory_space<vmem>>
      %dma_start3A_324 = tpu.memref_squeeze %dma_start3A_323 : memref<1x128xi32, #tpu.memory_space<vmem>> -> memref<128xi32, #tpu.memory_space<vmem>>
      %dma_start3A_325 = arith.constant 0 : i32
      %dma_start3A_326 = tpu.memref_slice %arg4[%scan3A_317, %dma_start3A_325] : memref<64x1000064xf32, #tpu.memory_space<hbm>> -> memref<1x1000064xf32, #tpu.memory_space<hbm>>
      %dma_start3A_327 = tpu.memref_squeeze %dma_start3A_326 : memref<1x1000064xf32, #tpu.memory_space<hbm>> -> memref<1000064xf32, #tpu.memory_space<hbm>>
      %dma_start3A_328 = arith.constant 0 : i32
      %dma_start3A_329 = tpu.memref_slice %dma_start3A_327[%dma_start3A_328] : memref<1000064xf32, #tpu.memory_space<hbm>> -> memref<1000064xf32, #tpu.memory_space<hbm>>
      tpu.enqueue_indirect_dma source(%dma_start3A_329 : memref<1000064xf32, #tpu.memory_space<hbm>>) target(%dma_start3A_321 : memref<128xf32, #tpu.memory_space<vmem>>) offsets(%dma_start3A_324 : memref<128xi32, #tpu.memory_space<vmem>>) semaphore(%arg18 : memref<!tpu.dma_semaphore, #tpu.memory_space<semaphore_mem>>)
      %dma_start3A_330 = arith.constant 0 : i32
      %dma_start3A_331 = arith.constant 0 : i32
      %dma_start3A_332 = tpu.memref_slice %arg13[%scan3A_317, %dma_start3A_331] : memref<64x512xf32, #tpu.memory_space<vmem>> -> memref<1x128xf32, #tpu.memory_space<vmem>>
      %dma_start3A_333 = tpu.memref_squeeze %dma_start3A_332 : memref<1x128xf32, #tpu.memory_space<vmem>> -> memref<128xf32, #tpu.memory_space<vmem>>
      %dma_start3A_334 = arith.constant 0 : i32
      %dma_start3A_335 = tpu.memref_slice %arg11[%dma_start3A_330, %dma_start3A_334] : memref<4x128xi32, #tpu.memory_space<vmem>> -> memref<1x128xi32, #tpu.memory_space<vmem>>
      %dma_start3A_336 = tpu.memref_squeeze %dma_start3A_335 : memref<1x128xi32, #tpu.memory_space<vmem>> -> memref<128xi32, #tpu.memory_space<vmem>>
      %dma_start3A_337 = arith.constant 0 : i32
      %dma_start3A_338 = tpu.memref_slice %arg5[%scan3A_317, %dma_start3A_337] : memref<64x1000064xf32, #tpu.memory_space<hbm>> -> memref<1x1000064xf32, #tpu.memory_space<hbm>>
      %dma_start3A_339 = tpu.memref_squeeze %dma_start3A_338 : memref<1x1000064xf32, #tpu.memory_space<hbm>> -> memref<1000064xf32, #tpu.memory_space<hbm>>
      %dma_start3A_340 = arith.constant 0 : i32
      %dma_start3A_341 = tpu.memref_slice %dma_start3A_339[%dma_start3A_340] : memref<1000064xf32, #tpu.memory_space<hbm>> -> memref<1000064xf32, #tpu.memory_space<hbm>>
      tpu.enqueue_indirect_dma source(%dma_start3A_341 : memref<1000064xf32, #tpu.memory_space<hbm>>) target(%dma_start3A_333 : memref<128xf32, #tpu.memory_space<vmem>>) offsets(%dma_start3A_336 : memref<128xi32, #tpu.memory_space<vmem>>) semaphore(%arg18 : memref<!tpu.dma_semaphore, #tpu.memory_space<semaphore_mem>>)
      %dma_start3A_342 = arith.constant 1 : i32
      %dma_start3A_343 = arith.constant 128 : i32
      %dma_start3A_344 = tpu.memref_slice %arg12[%scan3A_317, %dma_start3A_343] : memref<64x512xf32, #tpu.memory_space<vmem>> -> memref<1x128xf32, #tpu.memory_space<vmem>>
      %dma_start3A_345 = tpu.memref_squeeze %dma_start3A_344 : memref<1x128xf32, #tpu.memory_space<vmem>> -> memref<128xf32, #tpu.memory_space<vmem>>
      %dma_start3A_346 = arith.constant 0 : i32
      %dma_start3A_347 = tpu.memref_slice %arg10[%dma_start3A_342, %dma_start3A_346] : memref<4x128xi32, #tpu.memory_space<vmem>> -> memref<1x128xi32, #tpu.memory_space<vmem>>
      %dma_start3A_348 = tpu.memref_squeeze %dma_start3A_347 : memref<1x128xi32, #tpu.memory_space<vmem>> -> memref<128xi32, #tpu.memory_space<vmem>>
      %dma_start3A_349 = arith.constant 0 : i32
      %dma_start3A_350 = tpu.memref_slice %arg4[%scan3A_317, %dma_start3A_349] : memref<64x1000064xf32, #tpu.memory_space<hbm>> -> memref<1x1000064xf32, #tpu.memory_space<hbm>>
      %dma_start3A_351 = tpu.memref_squeeze %dma_start3A_350 : memref<1x1000064xf32, #tpu.memory_space<hbm>> -> memref<1000064xf32, #tpu.memory_space<hbm>>
      %dma_start3A_352 = arith.constant 0 : i32
      %dma_start3A_353 = tpu.memref_slice %dma_start3A_351[%dma_start3A_352] : memref<1000064xf32, #tpu.memory_space<hbm>> -> memref<1000064xf32, #tpu.memory_space<hbm>>
      tpu.enqueue_indirect_dma source(%dma_start3A_353 : memref<1000064xf32, #tpu.memory_space<hbm>>) target(%dma_start3A_345 : memref<128xf32, #tpu.memory_space<vmem>>) offsets(%dma_start3A_348 : memref<128xi32, #tpu.memory_space<vmem>>) semaphore(%arg18 : memref<!tpu.dma_semaphore, #tpu.memory_space<semaphore_mem>>)
      %dma_start3A_354 = arith.constant 1 : i32
      %dma_start3A_355 = arith.constant 128 : i32
      %dma_start3A_356 = tpu.memref_slice %arg13[%scan3A_317, %dma_start3A_355] : memref<64x512xf32, #tpu.memory_space<vmem>> -> memref<1x128xf32, #tpu.memory_space<vmem>>
      %dma_start3A_357 = tpu.memref_squeeze %dma_start3A_356 : memref<1x128xf32, #tpu.memory_space<vmem>> -> memref<128xf32, #tpu.memory_space<vmem>>
      %dma_start3A_358 = arith.constant 0 : i32
      %dma_start3A_359 = tpu.memref_slice %arg11[%dma_start3A_354, %dma_start3A_358] : memref<4x128xi32, #tpu.memory_space<vmem>> -> memref<1x128xi32, #tpu.memory_space<vmem>>
      %dma_start3A_360 = tpu.memref_squeeze %dma_start3A_359 : memref<1x128xi32, #tpu.memory_space<vmem>> -> memref<128xi32, #tpu.memory_space<vmem>>
      %dma_start3A_361 = arith.constant 0 : i32
      %dma_start3A_362 = tpu.memref_slice %arg5[%scan3A_317, %dma_start3A_361] : memref<64x1000064xf32, #tpu.memory_space<hbm>> -> memref<1x1000064xf32, #tpu.memory_space<hbm>>
      %dma_start3A_363 = tpu.memref_squeeze %dma_start3A_362 : memref<1x1000064xf32, #tpu.memory_space<hbm>> -> memref<1000064xf32, #tpu.memory_space<hbm>>
      %dma_start3A_364 = arith.constant 0 : i32
      %dma_start3A_365 = tpu.memref_slice %dma_start3A_363[%dma_start3A_364] : memref<1000064xf32, #tpu.memory_space<hbm>> -> memref<1000064xf32, #tpu.memory_space<hbm>>
      tpu.enqueue_indirect_dma source(%dma_start3A_365 : memref<1000064xf32, #tpu.memory_space<hbm>>) target(%dma_start3A_357 : memref<128xf32, #tpu.memory_space<vmem>>) offsets(%dma_start3A_360 : memref<128xi32, #tpu.memory_space<vmem>>) semaphore(%arg18 : memref<!tpu.dma_semaphore, #tpu.memory_space<semaphore_mem>>)
      %dma_start3A_366 = arith.constant 2 : i32
      %dma_start3A_367 = arith.constant 256 : i32
      %dma_start3A_368 = tpu.memref_slice %arg12[%scan3A_317, %dma_start3A_367] : memref<64x512xf32, #tpu.memory_space<vmem>> -> memref<1x128xf32, #tpu.memory_space<vmem>>
      %dma_start3A_369 = tpu.memref_squeeze %dma_start3A_368 : memref<1x128xf32, #tpu.memory_space<vmem>> -> memref<128xf32, #tpu.memory_space<vmem>>
      %dma_start3A_370 = arith.constant 0 : i32
      %dma_start3A_371 = tpu.memref_slice %arg10[%dma_start3A_366, %dma_start3A_370] : memref<4x128xi32, #tpu.memory_space<vmem>> -> memref<1x128xi32, #tpu.memory_space<vmem>>
      %dma_start3A_372 = tpu.memref_squeeze %dma_start3A_371 : memref<1x128xi32, #tpu.memory_space<vmem>> -> memref<128xi32, #tpu.memory_space<vmem>>
      %dma_start3A_373 = arith.constant 0 : i32
      %dma_start3A_374 = tpu.memref_slice %arg4[%scan3A_317, %dma_start3A_373] : memref<64x1000064xf32, #tpu.memory_space<hbm>> -> memref<1x1000064xf32, #tpu.memory_space<hbm>>
      %dma_start3A_375 = tpu.memref_squeeze %dma_start3A_374 : memref<1x1000064xf32, #tpu.memory_space<hbm>> -> memref<1000064xf32, #tpu.memory_space<hbm>>
      %dma_start3A_376 = arith.constant 0 : i32
      %dma_start3A_377 = tpu.memref_slice %dma_start3A_375[%dma_start3A_376] : memref<1000064xf32, #tpu.memory_space<hbm>> -> memref<1000064xf32, #tpu.memory_space<hbm>>
      tpu.enqueue_indirect_dma source(%dma_start3A_377 : memref<1000064xf32, #tpu.memory_space<hbm>>) target(%dma_start3A_369 : memref<128xf32, #tpu.memory_space<vmem>>) offsets(%dma_start3A_372 : memref<128xi32, #tpu.memory_space<vmem>>) semaphore(%arg18 : memref<!tpu.dma_semaphore, #tpu.memory_space<semaphore_mem>>)
      %dma_start3A_378 = arith.constant 2 : i32
      %dma_start3A_379 = arith.constant 256 : i32
      %dma_start3A_380 = tpu.memref_slice %arg13[%scan3A_317, %dma_start3A_379] : memref<64x512xf32, #tpu.memory_space<vmem>> -> memref<1x128xf32, #tpu.memory_space<vmem>>
      %dma_start3A_381 = tpu.memref_squeeze %dma_start3A_380 : memref<1x128xf32, #tpu.memory_space<vmem>> -> memref<128xf32, #tpu.memory_space<vmem>>
      %dma_start3A_382 = arith.constant 0 : i32
      %dma_start3A_383 = tpu.memref_slice %arg11[%dma_start3A_378, %dma_start3A_382] : memref<4x128xi32, #tpu.memory_space<vmem>> -> memref<1x128xi32, #tpu.memory_space<vmem>>
      %dma_start3A_384 = tpu.memref_squeeze %dma_start3A_383 : memref<1x128xi32, #tpu.memory_space<vmem>> -> memref<128xi32, #tpu.memory_space<vmem>>
      %dma_start3A_385 = arith.constant 0 : i32
      %dma_start3A_386 = tpu.memref_slice %arg5[%scan3A_317, %dma_start3A_385] : memref<64x1000064xf32, #tpu.memory_space<hbm>> -> memref<1x1000064xf32, #tpu.memory_space<hbm>>
      %dma_start3A_387 = tpu.memref_squeeze %dma_start3A_386 : memref<1x1000064xf32, #tpu.memory_space<hbm>> -> memref<1000064xf32, #tpu.memory_space<hbm>>
      %dma_start3A_388 = arith.constant 0 : i32
      %dma_start3A_389 = tpu.memref_slice %dma_start3A_387[%dma_start3A_388] : memref<1000064xf32, #tpu.memory_space<hbm>> -> memref<1000064xf32, #tpu.memory_space<hbm>>
      tpu.enqueue_indirect_dma source(%dma_start3A_389 : memref<1000064xf32, #tpu.memory_space<hbm>>) target(%dma_start3A_381 : memref<128xf32, #tpu.memory_space<vmem>>) offsets(%dma_start3A_384 : memref<128xi32, #tpu.memory_space<vmem>>) semaphore(%arg18 : memref<!tpu.dma_semaphore, #tpu.memory_space<semaphore_mem>>)
      %dma_start3A_390 = arith.constant 3 : i32
      %dma_start3A_391 = arith.constant 384 : i32
      %dma_start3A_392 = tpu.memref_slice %arg12[%scan3A_317, %dma_start3A_391] : memref<64x512xf32, #tpu.memory_space<vmem>> -> memref<1x128xf32, #tpu.memory_space<vmem>>
      %dma_start3A_393 = tpu.memref_squeeze %dma_start3A_392 : memref<1x128xf32, #tpu.memory_space<vmem>> -> memref<128xf32, #tpu.memory_space<vmem>>
      %dma_start3A_394 = arith.constant 0 : i32
      %dma_start3A_395 = tpu.memref_slice %arg10[%dma_start3A_390, %dma_start3A_394] : memref<4x128xi32, #tpu.memory_space<vmem>> -> memref<1x128xi32, #tpu.memory_space<vmem>>
      %dma_start3A_396 = tpu.memref_squeeze %dma_start3A_395 : memref<1x128xi32, #tpu.memory_space<vmem>> -> memref<128xi32, #tpu.memory_space<vmem>>
      %dma_start3A_397 = arith.constant 0 : i32
      %dma_start3A_398 = tpu.memref_slice %arg4[%scan3A_317, %dma_start3A_397] : memref<64x1000064xf32, #tpu.memory_space<hbm>> -> memref<1x1000064xf32, #tpu.memory_space<hbm>>
      %dma_start3A_399 = tpu.memref_squeeze %dma_start3A_398 : memref<1x1000064xf32, #tpu.memory_space<hbm>> -> memref<1000064xf32, #tpu.memory_space<hbm>>
      %dma_start3A_400 = arith.constant 0 : i32
      %dma_start3A_401 = tpu.memref_slice %dma_start3A_399[%dma_start3A_400] : memref<1000064xf32, #tpu.memory_space<hbm>> -> memref<1000064xf32, #tpu.memory_space<hbm>>
      tpu.enqueue_indirect_dma source(%dma_start3A_401 : memref<1000064xf32, #tpu.memory_space<hbm>>) target(%dma_start3A_393 : memref<128xf32, #tpu.memory_space<vmem>>) offsets(%dma_start3A_396 : memref<128xi32, #tpu.memory_space<vmem>>) semaphore(%arg18 : memref<!tpu.dma_semaphore, #tpu.memory_space<semaphore_mem>>)
      %dma_start3A_402 = arith.constant 3 : i32
      %dma_start3A_403 = arith.constant 384 : i32
      %dma_start3A_404 = tpu.memref_slice %arg13[%scan3A_317, %dma_start3A_403] : memref<64x512xf32, #tpu.memory_space<vmem>> -> memref<1x128xf32, #tpu.memory_space<vmem>>
      %dma_start3A_405 = tpu.memref_squeeze %dma_start3A_404 : memref<1x128xf32, #tpu.memory_space<vmem>> -> memref<128xf32, #tpu.memory_space<vmem>>
      %dma_start3A_406 = arith.constant 0 : i32
      %dma_start3A_407 = tpu.memref_slice %arg11[%dma_start3A_402, %dma_start3A_406] : memref<4x128xi32, #tpu.memory_space<vmem>> -> memref<1x128xi32, #tpu.memory_space<vmem>>
      %dma_start3A_408 = tpu.memref_squeeze %dma_start3A_407 : memref<1x128xi32, #tpu.memory_space<vmem>> -> memref<128xi32, #tpu.memory_space<vmem>>
      %dma_start3A_409 = arith.constant 0 : i32
      %dma_start3A_410 = tpu.memref_slice %arg5[%scan3A_317, %dma_start3A_409] : memref<64x1000064xf32, #tpu.memory_space<hbm>> -> memref<1x1000064xf32, #tpu.memory_space<hbm>>
      %dma_start3A_411 = tpu.memref_squeeze %dma_start3A_410 : memref<1x1000064xf32, #tpu.memory_space<hbm>> -> memref<1000064xf32, #tpu.memory_space<hbm>>
      %dma_start3A_412 = arith.constant 0 : i32
      %dma_start3A_413 = tpu.memref_slice %dma_start3A_411[%dma_start3A_412] : memref<1000064xf32, #tpu.memory_space<hbm>> -> memref<1000064xf32, #tpu.memory_space<hbm>>
      tpu.enqueue_indirect_dma source(%dma_start3A_413 : memref<1000064xf32, #tpu.memory_space<hbm>>) target(%dma_start3A_405 : memref<128xf32, #tpu.memory_space<vmem>>) offsets(%dma_start3A_408 : memref<128xi32, #tpu.memory_space<vmem>>) semaphore(%arg18 : memref<!tpu.dma_semaphore, #tpu.memory_space<semaphore_mem>>)
      %gt3A = arith.constant 0 : i32
      %gt3A_414 = arith.cmpi sgt, %scan3A_317, %gt3A : i32
      %convert_element_type3A = arith.extui %gt3A_414 : i1 to i32
      %cond3A = arith.constant 0 : i32
      %cond3A_415 = arith.cmpi ne, %convert_element_type3A, %cond3A : i32
      scf.if %cond3A_415 {
        %sub3A = arith.constant 1 : i32
        %sub3A_416 = arith.subi %scan3A_317, %sub3A : i32
        %dma_wait3A_417 = arith.constant 0 : i32
        %dma_wait3A_418 = arith.constant 0 : i32
        %dma_wait3A_419 = tpu.memref_slice %arg12[%sub3A_416, %dma_wait3A_418] : memref<64x512xf32, #tpu.memory_space<vmem>> -> memref<1x128xf32, #tpu.memory_space<vmem>>
        %dma_wait3A_420 = tpu.memref_squeeze %dma_wait3A_419 : memref<1x128xf32, #tpu.memory_space<vmem>> -> memref<128xf32, #tpu.memory_space<vmem>>
        %dma_wait3A_421 = arith.constant 0 : i32
        %dma_wait3A_422 = tpu.memref_slice %arg10[%dma_wait3A_417, %dma_wait3A_421] : memref<4x128xi32, #tpu.memory_space<vmem>> -> memref<1x128xi32, #tpu.memory_space<vmem>>
        %dma_wait3A_423 = tpu.memref_squeeze %dma_wait3A_422 : memref<1x128xi32, #tpu.memory_space<vmem>> -> memref<128xi32, #tpu.memory_space<vmem>>
        %dma_wait3A_424 = arith.constant 0 : i32
        %dma_wait3A_425 = tpu.memref_slice %arg4[%sub3A_416, %dma_wait3A_424] : memref<64x1000064xf32, #tpu.memory_space<hbm>> -> memref<1x1000064xf32, #tpu.memory_space<hbm>>
        %dma_wait3A_426 = tpu.memref_squeeze %dma_wait3A_425 : memref<1x1000064xf32, #tpu.memory_space<hbm>> -> memref<1000064xf32, #tpu.memory_space<hbm>>
        %dma_wait3A_427 = arith.constant 0 : i32
        %dma_wait3A_428 = tpu.memref_slice %dma_wait3A_426[%dma_wait3A_427] : memref<1000064xf32, #tpu.memory_space<hbm>> -> memref<1000064xf32, #tpu.memory_space<hbm>>
        tpu.wait_indirect_dma semaphore(%arg18 : memref<!tpu.dma_semaphore, #tpu.memory_space<semaphore_mem>>) src(%dma_wait3A_428 : memref<1000064xf32, #tpu.memory_space<hbm>>) dst(%dma_wait3A_420 : memref<128xf32, #tpu.memory_space<vmem>>)
        %dma_wait3A_429 = arith.constant 0 : i32
        %dma_wait3A_430 = arith.constant 0 : i32
        %dma_wait3A_431 = tpu.memref_slice %arg13[%sub3A_416, %dma_wait3A_430] : memref<64x512xf32, #tpu.memory_space<vmem>> -> memref<1x128xf32, #tpu.memory_space<vmem>>
        %dma_wait3A_432 = tpu.memref_squeeze %dma_wait3A_431 : memref<1x128xf32, #tpu.memory_space<vmem>> -> memref<128xf32, #tpu.memory_space<vmem>>
        %dma_wait3A_433 = arith.constant 0 : i32
        %dma_wait3A_434 = tpu.memref_slice %arg11[%dma_wait3A_429, %dma_wait3A_433] : memref<4x128xi32, #tpu.memory_space<vmem>> -> memref<1x128xi32, #tpu.memory_space<vmem>>
        %dma_wait3A_435 = tpu.memref_squeeze %dma_wait3A_434 : memref<1x128xi32, #tpu.memory_space<vmem>> -> memref<128xi32, #tpu.memory_space<vmem>>
        %dma_wait3A_436 = arith.constant 0 : i32
        %dma_wait3A_437 = tpu.memref_slice %arg5[%sub3A_416, %dma_wait3A_436] : memref<64x1000064xf32, #tpu.memory_space<hbm>> -> memref<1x1000064xf32, #tpu.memory_space<hbm>>
        %dma_wait3A_438 = tpu.memref_squeeze %dma_wait3A_437 : memref<1x1000064xf32, #tpu.memory_space<hbm>> -> memref<1000064xf32, #tpu.memory_space<hbm>>
        %dma_wait3A_439 = arith.constant 0 : i32
        %dma_wait3A_440 = tpu.memref_slice %dma_wait3A_438[%dma_wait3A_439] : memref<1000064xf32, #tpu.memory_space<hbm>> -> memref<1000064xf32, #tpu.memory_space<hbm>>
        tpu.wait_indirect_dma semaphore(%arg18 : memref<!tpu.dma_semaphore, #tpu.memory_space<semaphore_mem>>) src(%dma_wait3A_440 : memref<1000064xf32, #tpu.memory_space<hbm>>) dst(%dma_wait3A_432 : memref<128xf32, #tpu.memory_space<vmem>>)
        %dma_wait3A_441 = arith.constant 1 : i32
        %dma_wait3A_442 = arith.constant 128 : i32
        %dma_wait3A_443 = tpu.memref_slice %arg12[%sub3A_416, %dma_wait3A_442] : memref<64x512xf32, #tpu.memory_space<vmem>> -> memref<1x128xf32, #tpu.memory_space<vmem>>
        %dma_wait3A_444 = tpu.memref_squeeze %dma_wait3A_443 : memref<1x128xf32, #tpu.memory_space<vmem>> -> memref<128xf32, #tpu.memory_space<vmem>>
        %dma_wait3A_445 = arith.constant 0 : i32
        %dma_wait3A_446 = tpu.memref_slice %arg10[%dma_wait3A_441, %dma_wait3A_445] : memref<4x128xi32, #tpu.memory_space<vmem>> -> memref<1x128xi32, #tpu.memory_space<vmem>>
        %dma_wait3A_447 = tpu.memref_squeeze %dma_wait3A_446 : memref<1x128xi32, #tpu.memory_space<vmem>> -> memref<128xi32, #tpu.memory_space<vmem>>
        %dma_wait3A_448 = arith.constant 0 : i32
        %dma_wait3A_449 = tpu.memref_slice %arg4[%sub3A_416, %dma_wait3A_448] : memref<64x1000064xf32, #tpu.memory_space<hbm>> -> memref<1x1000064xf32, #tpu.memory_space<hbm>>
        %dma_wait3A_450 = tpu.memref_squeeze %dma_wait3A_449 : memref<1x1000064xf32, #tpu.memory_space<hbm>> -> memref<1000064xf32, #tpu.memory_space<hbm>>
        %dma_wait3A_451 = arith.constant 0 : i32
        %dma_wait3A_452 = tpu.memref_slice %dma_wait3A_450[%dma_wait3A_451] : memref<1000064xf32, #tpu.memory_space<hbm>> -> memref<1000064xf32, #tpu.memory_space<hbm>>
        tpu.wait_indirect_dma semaphore(%arg18 : memref<!tpu.dma_semaphore, #tpu.memory_space<semaphore_mem>>) src(%dma_wait3A_452 : memref<1000064xf32, #tpu.memory_space<hbm>>) dst(%dma_wait3A_444 : memref<128xf32, #tpu.memory_space<vmem>>)
        %dma_wait3A_453 = arith.constant 1 : i32
        %dma_wait3A_454 = arith.constant 128 : i32
        %dma_wait3A_455 = tpu.memref_slice %arg13[%sub3A_416, %dma_wait3A_454] : memref<64x512xf32, #tpu.memory_space<vmem>> -> memref<1x128xf32, #tpu.memory_space<vmem>>
        %dma_wait3A_456 = tpu.memref_squeeze %dma_wait3A_455 : memref<1x128xf32, #tpu.memory_space<vmem>> -> memref<128xf32, #tpu.memory_space<vmem>>
        %dma_wait3A_457 = arith.constant 0 : i32
        %dma_wait3A_458 = tpu.memref_slice %arg11[%dma_wait3A_453, %dma_wait3A_457] : memref<4x128xi32, #tpu.memory_space<vmem>> -> memref<1x128xi32, #tpu.memory_space<vmem>>
        %dma_wait3A_459 = tpu.memref_squeeze %dma_wait3A_458 : memref<1x128xi32, #tpu.memory_space<vmem>> -> memref<128xi32, #tpu.memory_space<vmem>>
        %dma_wait3A_460 = arith.constant 0 : i32
        %dma_wait3A_461 = tpu.memref_slice %arg5[%sub3A_416, %dma_wait3A_460] : memref<64x1000064xf32, #tpu.memory_space<hbm>> -> memref<1x1000064xf32, #tpu.memory_space<hbm>>
        %dma_wait3A_462 = tpu.memref_squeeze %dma_wait3A_461 : memref<1x1000064xf32, #tpu.memory_space<hbm>> -> memref<1000064xf32, #tpu.memory_space<hbm>>
        %dma_wait3A_463 = arith.constant 0 : i32
        %dma_wait3A_464 = tpu.memref_slice %dma_wait3A_462[%dma_wait3A_463] : memref<1000064xf32, #tpu.memory_space<hbm>> -> memref<1000064xf32, #tpu.memory_space<hbm>>
        tpu.wait_indirect_dma semaphore(%arg18 : memref<!tpu.dma_semaphore, #tpu.memory_space<semaphore_mem>>) src(%dma_wait3A_464 : memref<1000064xf32, #tpu.memory_space<hbm>>) dst(%dma_wait3A_456 : memref<128xf32, #tpu.memory_space<vmem>>)
        %dma_wait3A_465 = arith.constant 2 : i32
        %dma_wait3A_466 = arith.constant 256 : i32
        %dma_wait3A_467 = tpu.memref_slice %arg12[%sub3A_416, %dma_wait3A_466] : memref<64x512xf32, #tpu.memory_space<vmem>> -> memref<1x128xf32, #tpu.memory_space<vmem>>
        %dma_wait3A_468 = tpu.memref_squeeze %dma_wait3A_467 : memref<1x128xf32, #tpu.memory_space<vmem>> -> memref<128xf32, #tpu.memory_space<vmem>>
        %dma_wait3A_469 = arith.constant 0 : i32
        %dma_wait3A_470 = tpu.memref_slice %arg10[%dma_wait3A_465, %dma_wait3A_469] : memref<4x128xi32, #tpu.memory_space<vmem>> -> memref<1x128xi32, #tpu.memory_space<vmem>>
        %dma_wait3A_471 = tpu.memref_squeeze %dma_wait3A_470 : memref<1x128xi32, #tpu.memory_space<vmem>> -> memref<128xi32, #tpu.memory_space<vmem>>
        %dma_wait3A_472 = arith.constant 0 : i32
        %dma_wait3A_473 = tpu.memref_slice %arg4[%sub3A_416, %dma_wait3A_472] : memref<64x1000064xf32, #tpu.memory_space<hbm>> -> memref<1x1000064xf32, #tpu.memory_space<hbm>>
        %dma_wait3A_474 = tpu.memref_squeeze %dma_wait3A_473 : memref<1x1000064xf32, #tpu.memory_space<hbm>> -> memref<1000064xf32, #tpu.memory_space<hbm>>
        %dma_wait3A_475 = arith.constant 0 : i32
        %dma_wait3A_476 = tpu.memref_slice %dma_wait3A_474[%dma_wait3A_475] : memref<1000064xf32, #tpu.memory_space<hbm>> -> memref<1000064xf32, #tpu.memory_space<hbm>>
        tpu.wait_indirect_dma semaphore(%arg18 : memref<!tpu.dma_semaphore, #tpu.memory_space<semaphore_mem>>) src(%dma_wait3A_476 : memref<1000064xf32, #tpu.memory_space<hbm>>) dst(%dma_wait3A_468 : memref<128xf32, #tpu.memory_space<vmem>>)
        %dma_wait3A_477 = arith.constant 2 : i32
        %dma_wait3A_478 = arith.constant 256 : i32
        %dma_wait3A_479 = tpu.memref_slice %arg13[%sub3A_416, %dma_wait3A_478] : memref<64x512xf32, #tpu.memory_space<vmem>> -> memref<1x128xf32, #tpu.memory_space<vmem>>
        %dma_wait3A_480 = tpu.memref_squeeze %dma_wait3A_479 : memref<1x128xf32, #tpu.memory_space<vmem>> -> memref<128xf32, #tpu.memory_space<vmem>>
        %dma_wait3A_481 = arith.constant 0 : i32
        %dma_wait3A_482 = tpu.memref_slice %arg11[%dma_wait3A_477, %dma_wait3A_481] : memref<4x128xi32, #tpu.memory_space<vmem>> -> memref<1x128xi32, #tpu.memory_space<vmem>>
        %dma_wait3A_483 = tpu.memref_squeeze %dma_wait3A_482 : memref<1x128xi32, #tpu.memory_space<vmem>> -> memref<128xi32, #tpu.memory_space<vmem>>
        %dma_wait3A_484 = arith.constant 0 : i32
        %dma_wait3A_485 = tpu.memref_slice %arg5[%sub3A_416, %dma_wait3A_484] : memref<64x1000064xf32, #tpu.memory_space<hbm>> -> memref<1x1000064xf32, #tpu.memory_space<hbm>>
        %dma_wait3A_486 = tpu.memref_squeeze %dma_wait3A_485 : memref<1x1000064xf32, #tpu.memory_space<hbm>> -> memref<1000064xf32, #tpu.memory_space<hbm>>
        %dma_wait3A_487 = arith.constant 0 : i32
        %dma_wait3A_488 = tpu.memref_slice %dma_wait3A_486[%dma_wait3A_487] : memref<1000064xf32, #tpu.memory_space<hbm>> -> memref<1000064xf32, #tpu.memory_space<hbm>>
        tpu.wait_indirect_dma semaphore(%arg18 : memref<!tpu.dma_semaphore, #tpu.memory_space<semaphore_mem>>) src(%dma_wait3A_488 : memref<1000064xf32, #tpu.memory_space<hbm>>) dst(%dma_wait3A_480 : memref<128xf32, #tpu.memory_space<vmem>>)
        %dma_wait3A_489 = arith.constant 3 : i32
        %dma_wait3A_490 = arith.constant 384 : i32
        %dma_wait3A_491 = tpu.memref_slice %arg12[%sub3A_416, %dma_wait3A_490] : memref<64x512xf32, #tpu.memory_space<vmem>> -> memref<1x128xf32, #tpu.memory_space<vmem>>
        %dma_wait3A_492 = tpu.memref_squeeze %dma_wait3A_491 : memref<1x128xf32, #tpu.memory_space<vmem>> -> memref<128xf32, #tpu.memory_space<vmem>>
        %dma_wait3A_493 = arith.constant 0 : i32
        %dma_wait3A_494 = tpu.memref_slice %arg10[%dma_wait3A_489, %dma_wait3A_493] : memref<4x128xi32, #tpu.memory_space<vmem>> -> memref<1x128xi32, #tpu.memory_space<vmem>>
        %dma_wait3A_495 = tpu.memref_squeeze %dma_wait3A_494 : memref<1x128xi32, #tpu.memory_space<vmem>> -> memref<128xi32, #tpu.memory_space<vmem>>
        %dma_wait3A_496 = arith.constant 0 : i32
        %dma_wait3A_497 = tpu.memref_slice %arg4[%sub3A_416, %dma_wait3A_496] : memref<64x1000064xf32, #tpu.memory_space<hbm>> -> memref<1x1000064xf32, #tpu.memory_space<hbm>>
        %dma_wait3A_498 = tpu.memref_squeeze %dma_wait3A_497 : memref<1x1000064xf32, #tpu.memory_space<hbm>> -> memref<1000064xf32, #tpu.memory_space<hbm>>
        %dma_wait3A_499 = arith.constant 0 : i32
        %dma_wait3A_500 = tpu.memref_slice %dma_wait3A_498[%dma_wait3A_499] : memref<1000064xf32, #tpu.memory_space<hbm>> -> memref<1000064xf32, #tpu.memory_space<hbm>>
        tpu.wait_indirect_dma semaphore(%arg18 : memref<!tpu.dma_semaphore, #tpu.memory_space<semaphore_mem>>) src(%dma_wait3A_500 : memref<1000064xf32, #tpu.memory_space<hbm>>) dst(%dma_wait3A_492 : memref<128xf32, #tpu.memory_space<vmem>>)
        %dma_wait3A_501 = arith.constant 3 : i32
        %dma_wait3A_502 = arith.constant 384 : i32
        %dma_wait3A_503 = tpu.memref_slice %arg13[%sub3A_416, %dma_wait3A_502] : memref<64x512xf32, #tpu.memory_space<vmem>> -> memref<1x128xf32, #tpu.memory_space<vmem>>
        %dma_wait3A_504 = tpu.memref_squeeze %dma_wait3A_503 : memref<1x128xf32, #tpu.memory_space<vmem>> -> memref<128xf32, #tpu.memory_space<vmem>>
        %dma_wait3A_505 = arith.constant 0 : i32
        %dma_wait3A_506 = tpu.memref_slice %arg11[%dma_wait3A_501, %dma_wait3A_505] : memref<4x128xi32, #tpu.memory_space<vmem>> -> memref<1x128xi32, #tpu.memory_space<vmem>>
        %dma_wait3A_507 = tpu.memref_squeeze %dma_wait3A_506 : memref<1x128xi32, #tpu.memory_space<vmem>> -> memref<128xi32, #tpu.memory_space<vmem>>
        %dma_wait3A_508 = arith.constant 0 : i32
        %dma_wait3A_509 = tpu.memref_slice %arg5[%sub3A_416, %dma_wait3A_508] : memref<64x1000064xf32, #tpu.memory_space<hbm>> -> memref<1x1000064xf32, #tpu.memory_space<hbm>>
        %dma_wait3A_510 = tpu.memref_squeeze %dma_wait3A_509 : memref<1x1000064xf32, #tpu.memory_space<hbm>> -> memref<1000064xf32, #tpu.memory_space<hbm>>
        %dma_wait3A_511 = arith.constant 0 : i32
        %dma_wait3A_512 = tpu.memref_slice %dma_wait3A_510[%dma_wait3A_511] : memref<1000064xf32, #tpu.memory_space<hbm>> -> memref<1000064xf32, #tpu.memory_space<hbm>>
        tpu.wait_indirect_dma semaphore(%arg18 : memref<!tpu.dma_semaphore, #tpu.memory_space<semaphore_mem>>) src(%dma_wait3A_512 : memref<1000064xf32, #tpu.memory_space<hbm>>) dst(%dma_wait3A_504 : memref<128xf32, #tpu.memory_space<vmem>>)
      } else {
      }
    }
    %scan3A_100 = arith.constant 64 : i32
    %dma_wait3A = arith.constant 63 : i32
    %dma_wait3A_101 = arith.constant 0 : i32
    %dma_wait3A_102 = arith.constant 63 : i32
    %dma_wait3A_103 = arith.constant 0 : i32
    %dma_wait3A_104 = tpu.memref_slice %arg12[%dma_wait3A_102, %dma_wait3A_103] : memref<64x512xf32, #tpu.memory_space<vmem>> -> memref<1x128xf32, #tpu.memory_space<vmem>>
    %dma_wait3A_105 = tpu.memref_squeeze %dma_wait3A_104 : memref<1x128xf32, #tpu.memory_space<vmem>> -> memref<128xf32, #tpu.memory_space<vmem>>
    %dma_wait3A_106 = arith.constant 0 : i32
    %dma_wait3A_107 = tpu.memref_slice %arg10[%dma_wait3A_101, %dma_wait3A_106] : memref<4x128xi32, #tpu.memory_space<vmem>> -> memref<1x128xi32, #tpu.memory_space<vmem>>
    %dma_wait3A_108 = tpu.memref_squeeze %dma_wait3A_107 : memref<1x128xi32, #tpu.memory_space<vmem>> -> memref<128xi32, #tpu.memory_space<vmem>>
    %dma_wait3A_109 = arith.constant 0 : i32
    %dma_wait3A_110 = tpu.memref_slice %arg4[%dma_wait3A, %dma_wait3A_109] : memref<64x1000064xf32, #tpu.memory_space<hbm>> -> memref<1x1000064xf32, #tpu.memory_space<hbm>>
    %dma_wait3A_111 = tpu.memref_squeeze %dma_wait3A_110 : memref<1x1000064xf32, #tpu.memory_space<hbm>> -> memref<1000064xf32, #tpu.memory_space<hbm>>
    %dma_wait3A_112 = arith.constant 0 : i32
    %dma_wait3A_113 = tpu.memref_slice %dma_wait3A_111[%dma_wait3A_112] : memref<1000064xf32, #tpu.memory_space<hbm>> -> memref<1000064xf32, #tpu.memory_space<hbm>>
    tpu.wait_indirect_dma semaphore(%arg18 : memref<!tpu.dma_semaphore, #tpu.memory_space<semaphore_mem>>) src(%dma_wait3A_113 : memref<1000064xf32, #tpu.memory_space<hbm>>) dst(%dma_wait3A_105 : memref<128xf32, #tpu.memory_space<vmem>>)
    %dma_wait3A_114 = arith.constant 63 : i32
    %dma_wait3A_115 = arith.constant 0 : i32
    %dma_wait3A_116 = arith.constant 63 : i32
    %dma_wait3A_117 = arith.constant 0 : i32
    %dma_wait3A_118 = tpu.memref_slice %arg13[%dma_wait3A_116, %dma_wait3A_117] : memref<64x512xf32, #tpu.memory_space<vmem>> -> memref<1x128xf32, #tpu.memory_space<vmem>>
    %dma_wait3A_119 = tpu.memref_squeeze %dma_wait3A_118 : memref<1x128xf32, #tpu.memory_space<vmem>> -> memref<128xf32, #tpu.memory_space<vmem>>
    %dma_wait3A_120 = arith.constant 0 : i32
    %dma_wait3A_121 = tpu.memref_slice %arg11[%dma_wait3A_115, %dma_wait3A_120] : memref<4x128xi32, #tpu.memory_space<vmem>> -> memref<1x128xi32, #tpu.memory_space<vmem>>
    %dma_wait3A_122 = tpu.memref_squeeze %dma_wait3A_121 : memref<1x128xi32, #tpu.memory_space<vmem>> -> memref<128xi32, #tpu.memory_space<vmem>>
    %dma_wait3A_123 = arith.constant 0 : i32
    %dma_wait3A_124 = tpu.memref_slice %arg5[%dma_wait3A_114, %dma_wait3A_123] : memref<64x1000064xf32, #tpu.memory_space<hbm>> -> memref<1x1000064xf32, #tpu.memory_space<hbm>>
    %dma_wait3A_125 = tpu.memref_squeeze %dma_wait3A_124 : memref<1x1000064xf32, #tpu.memory_space<hbm>> -> memref<1000064xf32, #tpu.memory_space<hbm>>
    %dma_wait3A_126 = arith.constant 0 : i32
    %dma_wait3A_127 = tpu.memref_slice %dma_wait3A_125[%dma_wait3A_126] : memref<1000064xf32, #tpu.memory_space<hbm>> -> memref<1000064xf32, #tpu.memory_space<hbm>>
    tpu.wait_indirect_dma semaphore(%arg18 : memref<!tpu.dma_semaphore, #tpu.memory_space<semaphore_mem>>) src(%dma_wait3A_127 : memref<1000064xf32, #tpu.memory_space<hbm>>) dst(%dma_wait3A_119 : memref<128xf32, #tpu.memory_space<vmem>>)
    %dma_wait3A_128 = arith.constant 63 : i32
    %dma_wait3A_129 = arith.constant 1 : i32
    %dma_wait3A_130 = arith.constant 63 : i32
    %dma_wait3A_131 = arith.constant 128 : i32
    %dma_wait3A_132 = tpu.memref_slice %arg12[%dma_wait3A_130, %dma_wait3A_131] : memref<64x512xf32, #tpu.memory_space<vmem>> -> memref<1x128xf32, #tpu.memory_space<vmem>>
    %dma_wait3A_133 = tpu.memref_squeeze %dma_wait3A_132 : memref<1x128xf32, #tpu.memory_space<vmem>> -> memref<128xf32, #tpu.memory_space<vmem>>
    %dma_wait3A_134 = arith.constant 0 : i32
    %dma_wait3A_135 = tpu.memref_slice %arg10[%dma_wait3A_129, %dma_wait3A_134] : memref<4x128xi32, #tpu.memory_space<vmem>> -> memref<1x128xi32, #tpu.memory_space<vmem>>
    %dma_wait3A_136 = tpu.memref_squeeze %dma_wait3A_135 : memref<1x128xi32, #tpu.memory_space<vmem>> -> memref<128xi32, #tpu.memory_space<vmem>>
    %dma_wait3A_137 = arith.constant 0 : i32
    %dma_wait3A_138 = tpu.memref_slice %arg4[%dma_wait3A_128, %dma_wait3A_137] : memref<64x1000064xf32, #tpu.memory_space<hbm>> -> memref<1x1000064xf32, #tpu.memory_space<hbm>>
    %dma_wait3A_139 = tpu.memref_squeeze %dma_wait3A_138 : memref<1x1000064xf32, #tpu.memory_space<hbm>> -> memref<1000064xf32, #tpu.memory_space<hbm>>
    %dma_wait3A_140 = arith.constant 0 : i32
    %dma_wait3A_141 = tpu.memref_slice %dma_wait3A_139[%dma_wait3A_140] : memref<1000064xf32, #tpu.memory_space<hbm>> -> memref<1000064xf32, #tpu.memory_space<hbm>>
    tpu.wait_indirect_dma semaphore(%arg18 : memref<!tpu.dma_semaphore, #tpu.memory_space<semaphore_mem>>) src(%dma_wait3A_141 : memref<1000064xf32, #tpu.memory_space<hbm>>) dst(%dma_wait3A_133 : memref<128xf32, #tpu.memory_space<vmem>>)
    %dma_wait3A_142 = arith.constant 63 : i32
    %dma_wait3A_143 = arith.constant 1 : i32
    %dma_wait3A_144 = arith.constant 63 : i32
    %dma_wait3A_145 = arith.constant 128 : i32
    %dma_wait3A_146 = tpu.memref_slice %arg13[%dma_wait3A_144, %dma_wait3A_145] : memref<64x512xf32, #tpu.memory_space<vmem>> -> memref<1x128xf32, #tpu.memory_space<vmem>>
    %dma_wait3A_147 = tpu.memref_squeeze %dma_wait3A_146 : memref<1x128xf32, #tpu.memory_space<vmem>> -> memref<128xf32, #tpu.memory_space<vmem>>
    %dma_wait3A_148 = arith.constant 0 : i32
    %dma_wait3A_149 = tpu.memref_slice %arg11[%dma_wait3A_143, %dma_wait3A_148] : memref<4x128xi32, #tpu.memory_space<vmem>> -> memref<1x128xi32, #tpu.memory_space<vmem>>
    %dma_wait3A_150 = tpu.memref_squeeze %dma_wait3A_149 : memref<1x128xi32, #tpu.memory_space<vmem>> -> memref<128xi32, #tpu.memory_space<vmem>>
    %dma_wait3A_151 = arith.constant 0 : i32
    %dma_wait3A_152 = tpu.memref_slice %arg5[%dma_wait3A_142, %dma_wait3A_151] : memref<64x1000064xf32, #tpu.memory_space<hbm>> -> memref<1x1000064xf32, #tpu.memory_space<hbm>>
    %dma_wait3A_153 = tpu.memref_squeeze %dma_wait3A_152 : memref<1x1000064xf32, #tpu.memory_space<hbm>> -> memref<1000064xf32, #tpu.memory_space<hbm>>
    %dma_wait3A_154 = arith.constant 0 : i32
    %dma_wait3A_155 = tpu.memref_slice %dma_wait3A_153[%dma_wait3A_154] : memref<1000064xf32, #tpu.memory_space<hbm>> -> memref<1000064xf32, #tpu.memory_space<hbm>>
    tpu.wait_indirect_dma semaphore(%arg18 : memref<!tpu.dma_semaphore, #tpu.memory_space<semaphore_mem>>) src(%dma_wait3A_155 : memref<1000064xf32, #tpu.memory_space<hbm>>) dst(%dma_wait3A_147 : memref<128xf32, #tpu.memory_space<vmem>>)
    %dma_wait3A_156 = arith.constant 63 : i32
    %dma_wait3A_157 = arith.constant 2 : i32
    %dma_wait3A_158 = arith.constant 63 : i32
    %dma_wait3A_159 = arith.constant 256 : i32
    %dma_wait3A_160 = tpu.memref_slice %arg12[%dma_wait3A_158, %dma_wait3A_159] : memref<64x512xf32, #tpu.memory_space<vmem>> -> memref<1x128xf32, #tpu.memory_space<vmem>>
    %dma_wait3A_161 = tpu.memref_squeeze %dma_wait3A_160 : memref<1x128xf32, #tpu.memory_space<vmem>> -> memref<128xf32, #tpu.memory_space<vmem>>
    %dma_wait3A_162 = arith.constant 0 : i32
    %dma_wait3A_163 = tpu.memref_slice %arg10[%dma_wait3A_157, %dma_wait3A_162] : memref<4x128xi32, #tpu.memory_space<vmem>> -> memref<1x128xi32, #tpu.memory_space<vmem>>
    %dma_wait3A_164 = tpu.memref_squeeze %dma_wait3A_163 : memref<1x128xi32, #tpu.memory_space<vmem>> -> memref<128xi32, #tpu.memory_space<vmem>>
    %dma_wait3A_165 = arith.constant 0 : i32
    %dma_wait3A_166 = tpu.memref_slice %arg4[%dma_wait3A_156, %dma_wait3A_165] : memref<64x1000064xf32, #tpu.memory_space<hbm>> -> memref<1x1000064xf32, #tpu.memory_space<hbm>>
    %dma_wait3A_167 = tpu.memref_squeeze %dma_wait3A_166 : memref<1x1000064xf32, #tpu.memory_space<hbm>> -> memref<1000064xf32, #tpu.memory_space<hbm>>
    %dma_wait3A_168 = arith.constant 0 : i32
    %dma_wait3A_169 = tpu.memref_slice %dma_wait3A_167[%dma_wait3A_168] : memref<1000064xf32, #tpu.memory_space<hbm>> -> memref<1000064xf32, #tpu.memory_space<hbm>>
    tpu.wait_indirect_dma semaphore(%arg18 : memref<!tpu.dma_semaphore, #tpu.memory_space<semaphore_mem>>) src(%dma_wait3A_169 : memref<1000064xf32, #tpu.memory_space<hbm>>) dst(%dma_wait3A_161 : memref<128xf32, #tpu.memory_space<vmem>>)
    %dma_wait3A_170 = arith.constant 63 : i32
    %dma_wait3A_171 = arith.constant 2 : i32
    %dma_wait3A_172 = arith.constant 63 : i32
    %dma_wait3A_173 = arith.constant 256 : i32
    %dma_wait3A_174 = tpu.memref_slice %arg13[%dma_wait3A_172, %dma_wait3A_173] : memref<64x512xf32, #tpu.memory_space<vmem>> -> memref<1x128xf32, #tpu.memory_space<vmem>>
    %dma_wait3A_175 = tpu.memref_squeeze %dma_wait3A_174 : memref<1x128xf32, #tpu.memory_space<vmem>> -> memref<128xf32, #tpu.memory_space<vmem>>
    %dma_wait3A_176 = arith.constant 0 : i32
    %dma_wait3A_177 = tpu.memref_slice %arg11[%dma_wait3A_171, %dma_wait3A_176] : memref<4x128xi32, #tpu.memory_space<vmem>> -> memref<1x128xi32, #tpu.memory_space<vmem>>
    %dma_wait3A_178 = tpu.memref_squeeze %dma_wait3A_177 : memref<1x128xi32, #tpu.memory_space<vmem>> -> memref<128xi32, #tpu.memory_space<vmem>>
    %dma_wait3A_179 = arith.constant 0 : i32
    %dma_wait3A_180 = tpu.memref_slice %arg5[%dma_wait3A_170, %dma_wait3A_179] : memref<64x1000064xf32, #tpu.memory_space<hbm>> -> memref<1x1000064xf32, #tpu.memory_space<hbm>>
    %dma_wait3A_181 = tpu.memref_squeeze %dma_wait3A_180 : memref<1x1000064xf32, #tpu.memory_space<hbm>> -> memref<1000064xf32, #tpu.memory_space<hbm>>
    %dma_wait3A_182 = arith.constant 0 : i32
    %dma_wait3A_183 = tpu.memref_slice %dma_wait3A_181[%dma_wait3A_182] : memref<1000064xf32, #tpu.memory_space<hbm>> -> memref<1000064xf32, #tpu.memory_space<hbm>>
    tpu.wait_indirect_dma semaphore(%arg18 : memref<!tpu.dma_semaphore, #tpu.memory_space<semaphore_mem>>) src(%dma_wait3A_183 : memref<1000064xf32, #tpu.memory_space<hbm>>) dst(%dma_wait3A_175 : memref<128xf32, #tpu.memory_space<vmem>>)
    %dma_wait3A_184 = arith.constant 63 : i32
    %dma_wait3A_185 = arith.constant 3 : i32
    %dma_wait3A_186 = arith.constant 63 : i32
    %dma_wait3A_187 = arith.constant 384 : i32
    %dma_wait3A_188 = tpu.memref_slice %arg12[%dma_wait3A_186, %dma_wait3A_187] : memref<64x512xf32, #tpu.memory_space<vmem>> -> memref<1x128xf32, #tpu.memory_space<vmem>>
    %dma_wait3A_189 = tpu.memref_squeeze %dma_wait3A_188 : memref<1x128xf32, #tpu.memory_space<vmem>> -> memref<128xf32, #tpu.memory_space<vmem>>
    %dma_wait3A_190 = arith.constant 0 : i32
    %dma_wait3A_191 = tpu.memref_slice %arg10[%dma_wait3A_185, %dma_wait3A_190] : memref<4x128xi32, #tpu.memory_space<vmem>> -> memref<1x128xi32, #tpu.memory_space<vmem>>
    %dma_wait3A_192 = tpu.memref_squeeze %dma_wait3A_191 : memref<1x128xi32, #tpu.memory_space<vmem>> -> memref<128xi32, #tpu.memory_space<vmem>>
    %dma_wait3A_193 = arith.constant 0 : i32
    %dma_wait3A_194 = tpu.memref_slice %arg4[%dma_wait3A_184, %dma_wait3A_193] : memref<64x1000064xf32, #tpu.memory_space<hbm>> -> memref<1x1000064xf32, #tpu.memory_space<hbm>>
    %dma_wait3A_195 = tpu.memref_squeeze %dma_wait3A_194 : memref<1x1000064xf32, #tpu.memory_space<hbm>> -> memref<1000064xf32, #tpu.memory_space<hbm>>
    %dma_wait3A_196 = arith.constant 0 : i32
    %dma_wait3A_197 = tpu.memref_slice %dma_wait3A_195[%dma_wait3A_196] : memref<1000064xf32, #tpu.memory_space<hbm>> -> memref<1000064xf32, #tpu.memory_space<hbm>>
    tpu.wait_indirect_dma semaphore(%arg18 : memref<!tpu.dma_semaphore, #tpu.memory_space<semaphore_mem>>) src(%dma_wait3A_197 : memref<1000064xf32, #tpu.memory_space<hbm>>) dst(%dma_wait3A_189 : memref<128xf32, #tpu.memory_space<vmem>>)
    %dma_wait3A_198 = arith.constant 63 : i32
    %dma_wait3A_199 = arith.constant 3 : i32
    %dma_wait3A_200 = arith.constant 63 : i32
    %dma_wait3A_201 = arith.constant 384 : i32
    %dma_wait3A_202 = tpu.memref_slice %arg13[%dma_wait3A_200, %dma_wait3A_201] : memref<64x512xf32, #tpu.memory_space<vmem>> -> memref<1x128xf32, #tpu.memory_space<vmem>>
    %dma_wait3A_203 = tpu.memref_squeeze %dma_wait3A_202 : memref<1x128xf32, #tpu.memory_space<vmem>> -> memref<128xf32, #tpu.memory_space<vmem>>
    %dma_wait3A_204 = arith.constant 0 : i32
    %dma_wait3A_205 = tpu.memref_slice %arg11[%dma_wait3A_199, %dma_wait3A_204] : memref<4x128xi32, #tpu.memory_space<vmem>> -> memref<1x128xi32, #tpu.memory_space<vmem>>
    %dma_wait3A_206 = tpu.memref_squeeze %dma_wait3A_205 : memref<1x128xi32, #tpu.memory_space<vmem>> -> memref<128xi32, #tpu.memory_space<vmem>>
    %dma_wait3A_207 = arith.constant 0 : i32
    %dma_wait3A_208 = tpu.memref_slice %arg5[%dma_wait3A_198, %dma_wait3A_207] : memref<64x1000064xf32, #tpu.memory_space<hbm>> -> memref<1x1000064xf32, #tpu.memory_space<hbm>>
    %dma_wait3A_209 = tpu.memref_squeeze %dma_wait3A_208 : memref<1x1000064xf32, #tpu.memory_space<hbm>> -> memref<1000064xf32, #tpu.memory_space<hbm>>
    %dma_wait3A_210 = arith.constant 0 : i32
    %dma_wait3A_211 = tpu.memref_slice %dma_wait3A_209[%dma_wait3A_210] : memref<1000064xf32, #tpu.memory_space<hbm>> -> memref<1000064xf32, #tpu.memory_space<hbm>>
    tpu.wait_indirect_dma semaphore(%arg18 : memref<!tpu.dma_semaphore, #tpu.memory_space<semaphore_mem>>) src(%dma_wait3A_211 : memref<1000064xf32, #tpu.memory_space<hbm>>) dst(%dma_wait3A_203 : memref<128xf32, #tpu.memory_space<vmem>>)
    %dma_wait3A_212 = arith.constant 0 : i32
    %dma_wait3A_213 = arith.constant 0 : i32
    %dma_wait3A_214 = arith.constant 0 : i32
    %dma_wait3A_215 = tpu.memref_slice %arg14[%dma_wait3A_214] : memref<512xf32, #tpu.memory_space<vmem>> -> memref<128xf32, #tpu.memory_space<vmem>>
    %dma_wait3A_216 = arith.constant 0 : i32
    %dma_wait3A_217 = tpu.memref_slice %arg10[%dma_wait3A_213, %dma_wait3A_216] : memref<4x128xi32, #tpu.memory_space<vmem>> -> memref<1x128xi32, #tpu.memory_space<vmem>>
    %dma_wait3A_218 = tpu.memref_squeeze %dma_wait3A_217 : memref<1x128xi32, #tpu.memory_space<vmem>> -> memref<128xi32, #tpu.memory_space<vmem>>
    %dma_wait3A_219 = arith.constant 0 : i32
    %dma_wait3A_220 = tpu.memref_slice %arg6[%dma_wait3A_212, %dma_wait3A_219] : memref<1x1000000xf32, #tpu.memory_space<hbm>> -> memref<1x1000000xf32, #tpu.memory_space<hbm>>
    %dma_wait3A_221 = tpu.memref_squeeze %dma_wait3A_220 : memref<1x1000000xf32, #tpu.memory_space<hbm>> -> memref<1000000xf32, #tpu.memory_space<hbm>>
    %dma_wait3A_222 = arith.constant 0 : i32
    %dma_wait3A_223 = tpu.memref_slice %dma_wait3A_221[%dma_wait3A_222] : memref<1000000xf32, #tpu.memory_space<hbm>> -> memref<1000000xf32, #tpu.memory_space<hbm>>
    tpu.wait_indirect_dma semaphore(%arg18 : memref<!tpu.dma_semaphore, #tpu.memory_space<semaphore_mem>>) src(%dma_wait3A_223 : memref<1000000xf32, #tpu.memory_space<hbm>>) dst(%dma_wait3A_215 : memref<128xf32, #tpu.memory_space<vmem>>)
    %dma_wait3A_224 = arith.constant 0 : i32
    %dma_wait3A_225 = arith.constant 0 : i32
    %dma_wait3A_226 = arith.constant 0 : i32
    %dma_wait3A_227 = tpu.memref_slice %arg15[%dma_wait3A_226] : memref<512xf32, #tpu.memory_space<vmem>> -> memref<128xf32, #tpu.memory_space<vmem>>
    %dma_wait3A_228 = arith.constant 0 : i32
    %dma_wait3A_229 = tpu.memref_slice %arg11[%dma_wait3A_225, %dma_wait3A_228] : memref<4x128xi32, #tpu.memory_space<vmem>> -> memref<1x128xi32, #tpu.memory_space<vmem>>
    %dma_wait3A_230 = tpu.memref_squeeze %dma_wait3A_229 : memref<1x128xi32, #tpu.memory_space<vmem>> -> memref<128xi32, #tpu.memory_space<vmem>>
    %dma_wait3A_231 = arith.constant 0 : i32
    %dma_wait3A_232 = tpu.memref_slice %arg7[%dma_wait3A_224, %dma_wait3A_231] : memref<1x1000000xf32, #tpu.memory_space<hbm>> -> memref<1x1000000xf32, #tpu.memory_space<hbm>>
    %dma_wait3A_233 = tpu.memref_squeeze %dma_wait3A_232 : memref<1x1000000xf32, #tpu.memory_space<hbm>> -> memref<1000000xf32, #tpu.memory_space<hbm>>
    %dma_wait3A_234 = arith.constant 0 : i32
    %dma_wait3A_235 = tpu.memref_slice %dma_wait3A_233[%dma_wait3A_234] : memref<1000000xf32, #tpu.memory_space<hbm>> -> memref<1000000xf32, #tpu.memory_space<hbm>>
    tpu.wait_indirect_dma semaphore(%arg18 : memref<!tpu.dma_semaphore, #tpu.memory_space<semaphore_mem>>) src(%dma_wait3A_235 : memref<1000000xf32, #tpu.memory_space<hbm>>) dst(%dma_wait3A_227 : memref<128xf32, #tpu.memory_space<vmem>>)
    %dma_wait3A_236 = arith.constant 0 : i32
    %dma_wait3A_237 = arith.constant 1 : i32
    %dma_wait3A_238 = arith.constant 128 : i32
    %dma_wait3A_239 = tpu.memref_slice %arg14[%dma_wait3A_238] : memref<512xf32, #tpu.memory_space<vmem>> -> memref<128xf32, #tpu.memory_space<vmem>>
    %dma_wait3A_240 = arith.constant 0 : i32
    %dma_wait3A_241 = tpu.memref_slice %arg10[%dma_wait3A_237, %dma_wait3A_240] : memref<4x128xi32, #tpu.memory_space<vmem>> -> memref<1x128xi32, #tpu.memory_space<vmem>>
    %dma_wait3A_242 = tpu.memref_squeeze %dma_wait3A_241 : memref<1x128xi32, #tpu.memory_space<vmem>> -> memref<128xi32, #tpu.memory_space<vmem>>
    %dma_wait3A_243 = arith.constant 0 : i32
    %dma_wait3A_244 = tpu.memref_slice %arg6[%dma_wait3A_236, %dma_wait3A_243] : memref<1x1000000xf32, #tpu.memory_space<hbm>> -> memref<1x1000000xf32, #tpu.memory_space<hbm>>
    %dma_wait3A_245 = tpu.memref_squeeze %dma_wait3A_244 : memref<1x1000000xf32, #tpu.memory_space<hbm>> -> memref<1000000xf32, #tpu.memory_space<hbm>>
    %dma_wait3A_246 = arith.constant 0 : i32
    %dma_wait3A_247 = tpu.memref_slice %dma_wait3A_245[%dma_wait3A_246] : memref<1000000xf32, #tpu.memory_space<hbm>> -> memref<1000000xf32, #tpu.memory_space<hbm>>
    tpu.wait_indirect_dma semaphore(%arg18 : memref<!tpu.dma_semaphore, #tpu.memory_space<semaphore_mem>>) src(%dma_wait3A_247 : memref<1000000xf32, #tpu.memory_space<hbm>>) dst(%dma_wait3A_239 : memref<128xf32, #tpu.memory_space<vmem>>)
    %dma_wait3A_248 = arith.constant 0 : i32
    %dma_wait3A_249 = arith.constant 1 : i32
    %dma_wait3A_250 = arith.constant 128 : i32
    %dma_wait3A_251 = tpu.memref_slice %arg15[%dma_wait3A_250] : memref<512xf32, #tpu.memory_space<vmem>> -> memref<128xf32, #tpu.memory_space<vmem>>
    %dma_wait3A_252 = arith.constant 0 : i32
    %dma_wait3A_253 = tpu.memref_slice %arg11[%dma_wait3A_249, %dma_wait3A_252] : memref<4x128xi32, #tpu.memory_space<vmem>> -> memref<1x128xi32, #tpu.memory_space<vmem>>
    %dma_wait3A_254 = tpu.memref_squeeze %dma_wait3A_253 : memref<1x128xi32, #tpu.memory_space<vmem>> -> memref<128xi32, #tpu.memory_space<vmem>>
    %dma_wait3A_255 = arith.constant 0 : i32
    %dma_wait3A_256 = tpu.memref_slice %arg7[%dma_wait3A_248, %dma_wait3A_255] : memref<1x1000000xf32, #tpu.memory_space<hbm>> -> memref<1x1000000xf32, #tpu.memory_space<hbm>>
    %dma_wait3A_257 = tpu.memref_squeeze %dma_wait3A_256 : memref<1x1000000xf32, #tpu.memory_space<hbm>> -> memref<1000000xf32, #tpu.memory_space<hbm>>
    %dma_wait3A_258 = arith.constant 0 : i32
    %dma_wait3A_259 = tpu.memref_slice %dma_wait3A_257[%dma_wait3A_258] : memref<1000000xf32, #tpu.memory_space<hbm>> -> memref<1000000xf32, #tpu.memory_space<hbm>>
    tpu.wait_indirect_dma semaphore(%arg18 : memref<!tpu.dma_semaphore, #tpu.memory_space<semaphore_mem>>) src(%dma_wait3A_259 : memref<1000000xf32, #tpu.memory_space<hbm>>) dst(%dma_wait3A_251 : memref<128xf32, #tpu.memory_space<vmem>>)
    %dma_wait3A_260 = arith.constant 0 : i32
    %dma_wait3A_261 = arith.constant 2 : i32
    %dma_wait3A_262 = arith.constant 256 : i32
    %dma_wait3A_263 = tpu.memref_slice %arg14[%dma_wait3A_262] : memref<512xf32, #tpu.memory_space<vmem>> -> memref<128xf32, #tpu.memory_space<vmem>>
    %dma_wait3A_264 = arith.constant 0 : i32
    %dma_wait3A_265 = tpu.memref_slice %arg10[%dma_wait3A_261, %dma_wait3A_264] : memref<4x128xi32, #tpu.memory_space<vmem>> -> memref<1x128xi32, #tpu.memory_space<vmem>>
    %dma_wait3A_266 = tpu.memref_squeeze %dma_wait3A_265 : memref<1x128xi32, #tpu.memory_space<vmem>> -> memref<128xi32, #tpu.memory_space<vmem>>
    %dma_wait3A_267 = arith.constant 0 : i32
    %dma_wait3A_268 = tpu.memref_slice %arg6[%dma_wait3A_260, %dma_wait3A_267] : memref<1x1000000xf32, #tpu.memory_space<hbm>> -> memref<1x1000000xf32, #tpu.memory_space<hbm>>
    %dma_wait3A_269 = tpu.memref_squeeze %dma_wait3A_268 : memref<1x1000000xf32, #tpu.memory_space<hbm>> -> memref<1000000xf32, #tpu.memory_space<hbm>>
    %dma_wait3A_270 = arith.constant 0 : i32
    %dma_wait3A_271 = tpu.memref_slice %dma_wait3A_269[%dma_wait3A_270] : memref<1000000xf32, #tpu.memory_space<hbm>> -> memref<1000000xf32, #tpu.memory_space<hbm>>
    tpu.wait_indirect_dma semaphore(%arg18 : memref<!tpu.dma_semaphore, #tpu.memory_space<semaphore_mem>>) src(%dma_wait3A_271 : memref<1000000xf32, #tpu.memory_space<hbm>>) dst(%dma_wait3A_263 : memref<128xf32, #tpu.memory_space<vmem>>)
    %dma_wait3A_272 = arith.constant 0 : i32
    %dma_wait3A_273 = arith.constant 2 : i32
    %dma_wait3A_274 = arith.constant 256 : i32
    %dma_wait3A_275 = tpu.memref_slice %arg15[%dma_wait3A_274] : memref<512xf32, #tpu.memory_space<vmem>> -> memref<128xf32, #tpu.memory_space<vmem>>
    %dma_wait3A_276 = arith.constant 0 : i32
    %dma_wait3A_277 = tpu.memref_slice %arg11[%dma_wait3A_273, %dma_wait3A_276] : memref<4x128xi32, #tpu.memory_space<vmem>> -> memref<1x128xi32, #tpu.memory_space<vmem>>
    %dma_wait3A_278 = tpu.memref_squeeze %dma_wait3A_277 : memref<1x128xi32, #tpu.memory_space<vmem>> -> memref<128xi32, #tpu.memory_space<vmem>>
    %dma_wait3A_279 = arith.constant 0 : i32
    %dma_wait3A_280 = tpu.memref_slice %arg7[%dma_wait3A_272, %dma_wait3A_279] : memref<1x1000000xf32, #tpu.memory_space<hbm>> -> memref<1x1000000xf32, #tpu.memory_space<hbm>>
    %dma_wait3A_281 = tpu.memref_squeeze %dma_wait3A_280 : memref<1x1000000xf32, #tpu.memory_space<hbm>> -> memref<1000000xf32, #tpu.memory_space<hbm>>
    %dma_wait3A_282 = arith.constant 0 : i32
    %dma_wait3A_283 = tpu.memref_slice %dma_wait3A_281[%dma_wait3A_282] : memref<1000000xf32, #tpu.memory_space<hbm>> -> memref<1000000xf32, #tpu.memory_space<hbm>>
    tpu.wait_indirect_dma semaphore(%arg18 : memref<!tpu.dma_semaphore, #tpu.memory_space<semaphore_mem>>) src(%dma_wait3A_283 : memref<1000000xf32, #tpu.memory_space<hbm>>) dst(%dma_wait3A_275 : memref<128xf32, #tpu.memory_space<vmem>>)
    %dma_wait3A_284 = arith.constant 0 : i32
    %dma_wait3A_285 = arith.constant 3 : i32
    %dma_wait3A_286 = arith.constant 384 : i32
    %dma_wait3A_287 = tpu.memref_slice %arg14[%dma_wait3A_286] : memref<512xf32, #tpu.memory_space<vmem>> -> memref<128xf32, #tpu.memory_space<vmem>>
    %dma_wait3A_288 = arith.constant 0 : i32
    %dma_wait3A_289 = tpu.memref_slice %arg10[%dma_wait3A_285, %dma_wait3A_288] : memref<4x128xi32, #tpu.memory_space<vmem>> -> memref<1x128xi32, #tpu.memory_space<vmem>>
    %dma_wait3A_290 = tpu.memref_squeeze %dma_wait3A_289 : memref<1x128xi32, #tpu.memory_space<vmem>> -> memref<128xi32, #tpu.memory_space<vmem>>
    %dma_wait3A_291 = arith.constant 0 : i32
    %dma_wait3A_292 = tpu.memref_slice %arg6[%dma_wait3A_284, %dma_wait3A_291] : memref<1x1000000xf32, #tpu.memory_space<hbm>> -> memref<1x1000000xf32, #tpu.memory_space<hbm>>
    %dma_wait3A_293 = tpu.memref_squeeze %dma_wait3A_292 : memref<1x1000000xf32, #tpu.memory_space<hbm>> -> memref<1000000xf32, #tpu.memory_space<hbm>>
    %dma_wait3A_294 = arith.constant 0 : i32
    %dma_wait3A_295 = tpu.memref_slice %dma_wait3A_293[%dma_wait3A_294] : memref<1000000xf32, #tpu.memory_space<hbm>> -> memref<1000000xf32, #tpu.memory_space<hbm>>
    tpu.wait_indirect_dma semaphore(%arg18 : memref<!tpu.dma_semaphore, #tpu.memory_space<semaphore_mem>>) src(%dma_wait3A_295 : memref<1000000xf32, #tpu.memory_space<hbm>>) dst(%dma_wait3A_287 : memref<128xf32, #tpu.memory_space<vmem>>)
    %dma_wait3A_296 = arith.constant 0 : i32
    %dma_wait3A_297 = arith.constant 3 : i32
    %dma_wait3A_298 = arith.constant 384 : i32
    %dma_wait3A_299 = tpu.memref_slice %arg15[%dma_wait3A_298] : memref<512xf32, #tpu.memory_space<vmem>> -> memref<128xf32, #tpu.memory_space<vmem>>
    %dma_wait3A_300 = arith.constant 0 : i32
    %dma_wait3A_301 = tpu.memref_slice %arg11[%dma_wait3A_297, %dma_wait3A_300] : memref<4x128xi32, #tpu.memory_space<vmem>> -> memref<1x128xi32, #tpu.memory_space<vmem>>
    %dma_wait3A_302 = tpu.memref_squeeze %dma_wait3A_301 : memref<1x128xi32, #tpu.memory_space<vmem>> -> memref<128xi32, #tpu.memory_space<vmem>>
    %dma_wait3A_303 = arith.constant 0 : i32
    %dma_wait3A_304 = tpu.memref_slice %arg7[%dma_wait3A_296, %dma_wait3A_303] : memref<1x1000000xf32, #tpu.memory_space<hbm>> -> memref<1x1000000xf32, #tpu.memory_space<hbm>>
    %dma_wait3A_305 = tpu.memref_squeeze %dma_wait3A_304 : memref<1x1000000xf32, #tpu.memory_space<hbm>> -> memref<1000000xf32, #tpu.memory_space<hbm>>
    %dma_wait3A_306 = arith.constant 0 : i32
    %dma_wait3A_307 = tpu.memref_slice %dma_wait3A_305[%dma_wait3A_306] : memref<1000000xf32, #tpu.memory_space<hbm>> -> memref<1000000xf32, #tpu.memory_space<hbm>>
    tpu.wait_indirect_dma semaphore(%arg18 : memref<!tpu.dma_semaphore, #tpu.memory_space<semaphore_mem>>) src(%dma_wait3A_307 : memref<1000000xf32, #tpu.memory_space<hbm>>) dst(%dma_wait3A_299 : memref<128xf32, #tpu.memory_space<vmem>>)
    %get3A = arith.constant 0 : index
    %get3A_308 = tpu.vector_load %arg16[%get3A] {strides = array<i32>} : memref<16xf32, #tpu.memory_space<vmem>>, vector<16xf32>,
    %scan3A_309 = arith.constant 0 : i32
    %scan3A_310 = arith.constant 0 : i32
    %scan3A_311 = arith.constant 32 : i32
    %scan3A_312 = arith.addi %scan3A_310, %scan3A_311 : i32
    %scan3A_313 = arith.constant 1 : i32
    scf.for %scan3A_317 = %scan3A_310 to %scan3A_312 step %scan3A_313  : i32 {
      %mul3A_318 = arith.constant 16 : i32
      %mul3A_319 = arith.muli %scan3A_317, %mul3A_318 : i32
      %get3A_320 = arith.index_cast %mul3A_319 : i32 to index
      %get3A_321 = tpu.vector_load %arg14[%get3A_320] {strides = array<i32>} : memref<512xf32, #tpu.memory_space<vmem>>, vector<16xf32>,
      %mul3A_322 = arith.constant 16 : i32
      %mul3A_323 = arith.muli %scan3A_317, %mul3A_322 : i32
      %get3A_324 = arith.index_cast %mul3A_323 : i32 to index
      %get3A_325 = tpu.vector_load %arg15[%get3A_324] {strides = array<i32>} : memref<512xf32, #tpu.memory_space<vmem>>, vector<16xf32>,
      %add3A_326 = arith.addf %get3A_321, %get3A_325 : vector<16xf32>
      %add3A_327 = arith.addf %add3A_326, %get3A_308 : vector<16xf32>
      %mul3A_328 = arith.constant 16 : i32
      %mul3A_329 = arith.muli %scan3A_317, %mul3A_328 : i32
      %get3A_330 = arith.constant 0 : i32
      %get3A_331 = arith.index_cast %get3A_330 : i32 to index
      %get3A_332 = arith.index_cast %mul3A_329 : i32 to index
      %get3A_333 = tpu.vector_load %arg12[%get3A_331, %get3A_332] {strides = array<i32>} : memref<64x512xf32, #tpu.memory_space<vmem>>, vector<16xf32>,
      %mul3A_334 = arith.constant 16 : i32
      %mul3A_335 = arith.muli %scan3A_317, %mul3A_334 : i32
      %get3A_336 = arith.constant 0 : i32
      %get3A_337 = arith.index_cast %get3A_336 : i32 to index
      %get3A_338 = arith.index_cast %mul3A_335 : i32 to index
      %get3A_339 = tpu.vector_load %arg13[%get3A_337, %get3A_338] {strides = array<i32>} : memref<64x512xf32, #tpu.memory_space<vmem>>, vector<16xf32>,
      %mul3A_340 = arith.mulf %get3A_333, %get3A_339 : vector<16xf32>
      %add3A_341 = arith.addf %add3A_327, %mul3A_340 : vector<16xf32>
      %mul3A_342 = arith.constant 16 : i32
      %mul3A_343 = arith.muli %scan3A_317, %mul3A_342 : i32
      %get3A_344 = arith.constant 1 : i32
      %get3A_345 = arith.index_cast %get3A_344 : i32 to index
      %get3A_346 = arith.index_cast %mul3A_343 : i32 to index
      %get3A_347 = tpu.vector_load %arg12[%get3A_345, %get3A_346] {strides = array<i32>} : memref<64x512xf32, #tpu.memory_space<vmem>>, vector<16xf32>,
      %mul3A_348 = arith.constant 16 : i32
      %mul3A_349 = arith.muli %scan3A_317, %mul3A_348 : i32
      %get3A_350 = arith.constant 1 : i32
      %get3A_351 = arith.index_cast %get3A_350 : i32 to index
      %get3A_352 = arith.index_cast %mul3A_349 : i32 to index
      %get3A_353 = tpu.vector_load %arg13[%get3A_351, %get3A_352] {strides = array<i32>} : memref<64x512xf32, #tpu.memory_space<vmem>>, vector<16xf32>,
      %mul3A_354 = arith.mulf %get3A_347, %get3A_353 : vector<16xf32>
      %add3A_355 = arith.addf %add3A_341, %mul3A_354 : vector<16xf32>
      %mul3A_356 = arith.constant 16 : i32
      %mul3A_357 = arith.muli %scan3A_317, %mul3A_356 : i32
      %get3A_358 = arith.constant 2 : i32
      %get3A_359 = arith.index_cast %get3A_358 : i32 to index
      %get3A_360 = arith.index_cast %mul3A_357 : i32 to index
      %get3A_361 = tpu.vector_load %arg12[%get3A_359, %get3A_360] {strides = array<i32>} : memref<64x512xf32, #tpu.memory_space<vmem>>, vector<16xf32>,
      %mul3A_362 = arith.constant 16 : i32
      %mul3A_363 = arith.muli %scan3A_317, %mul3A_362 : i32
      %get3A_364 = arith.constant 2 : i32
      %get3A_365 = arith.index_cast %get3A_364 : i32 to index
      %get3A_366 = arith.index_cast %mul3A_363 : i32 to index
      %get3A_367 = tpu.vector_load %arg13[%get3A_365, %get3A_366] {strides = array<i32>} : memref<64x512xf32, #tpu.memory_space<vmem>>, vector<16xf32>,
      %mul3A_368 = arith.mulf %get3A_361, %get3A_367 : vector<16xf32>
      %add3A_369 = arith.addf %add3A_355, %mul3A_368 : vector<16xf32>
      %mul3A_370 = arith.constant 16 : i32
      %mul3A_371 = arith.muli %scan3A_317, %mul3A_370 : i32
      %get3A_372 = arith.constant 3 : i32
      %get3A_373 = arith.index_cast %get3A_372 : i32 to index
      %get3A_374 = arith.index_cast %mul3A_371 : i32 to index
      %get3A_375 = tpu.vector_load %arg12[%get3A_373, %get3A_374] {strides = array<i32>} : memref<64x512xf32, #tpu.memory_space<vmem>>, vector<16xf32>,
      %mul3A_376 = arith.constant 16 : i32
      %mul3A_377 = arith.muli %scan3A_317, %mul3A_376 : i32
      %get3A_378 = arith.constant 3 : i32
      %get3A_379 = arith.index_cast %get3A_378 : i32 to index
      %get3A_380 = arith.index_cast %mul3A_377 : i32 to index
      %get3A_381 = tpu.vector_load %arg13[%get3A_379, %get3A_380] {strides = array<i32>} : memref<64x512xf32, #tpu.memory_space<vmem>>, vector<16xf32>,
      %mul3A_382 = arith.mulf %get3A_375, %get3A_381 : vector<16xf32>
      %add3A_383 = arith.addf %add3A_369, %mul3A_382 : vector<16xf32>
      %mul3A_384 = arith.constant 16 : i32
      %mul3A_385 = arith.muli %scan3A_317, %mul3A_384 : i32
      %get3A_386 = arith.constant 4 : i32
      %get3A_387 = arith.index_cast %get3A_386 : i32 to index
      %get3A_388 = arith.index_cast %mul3A_385 : i32 to index
      %get3A_389 = tpu.vector_load %arg12[%get3A_387, %get3A_388] {strides = array<i32>} : memref<64x512xf32, #tpu.memory_space<vmem>>, vector<16xf32>,
      %mul3A_390 = arith.constant 16 : i32
      %mul3A_391 = arith.muli %scan3A_317, %mul3A_390 : i32
      %get3A_392 = arith.constant 4 : i32
      %get3A_393 = arith.index_cast %get3A_392 : i32 to index
      %get3A_394 = arith.index_cast %mul3A_391 : i32 to index
      %get3A_395 = tpu.vector_load %arg13[%get3A_393, %get3A_394] {strides = array<i32>} : memref<64x512xf32, #tpu.memory_space<vmem>>, vector<16xf32>,
      %mul3A_396 = arith.mulf %get3A_389, %get3A_395 : vector<16xf32>
      %add3A_397 = arith.addf %add3A_383, %mul3A_396 : vector<16xf32>
      %mul3A_398 = arith.constant 16 : i32
      %mul3A_399 = arith.muli %scan3A_317, %mul3A_398 : i32
      %get3A_400 = arith.constant 5 : i32
      %get3A_401 = arith.index_cast %get3A_400 : i32 to index
      %get3A_402 = arith.index_cast %mul3A_399 : i32 to index
      %get3A_403 = tpu.vector_load %arg12[%get3A_401, %get3A_402] {strides = array<i32>} : memref<64x512xf32, #tpu.memory_space<vmem>>, vector<16xf32>,
      %mul3A_404 = arith.constant 16 : i32
      %mul3A_405 = arith.muli %scan3A_317, %mul3A_404 : i32
      %get3A_406 = arith.constant 5 : i32
      %get3A_407 = arith.index_cast %get3A_406 : i32 to index
      %get3A_408 = arith.index_cast %mul3A_405 : i32 to index
      %get3A_409 = tpu.vector_load %arg13[%get3A_407, %get3A_408] {strides = array<i32>} : memref<64x512xf32, #tpu.memory_space<vmem>>, vector<16xf32>,
      %mul3A_410 = arith.mulf %get3A_403, %get3A_409 : vector<16xf32>
      %add3A_411 = arith.addf %add3A_397, %mul3A_410 : vector<16xf32>
      %mul3A_412 = arith.constant 16 : i32
      %mul3A_413 = arith.muli %scan3A_317, %mul3A_412 : i32
      %get3A_414 = arith.constant 6 : i32
      %get3A_415 = arith.index_cast %get3A_414 : i32 to index
      %get3A_416 = arith.index_cast %mul3A_413 : i32 to index
      %get3A_417 = tpu.vector_load %arg12[%get3A_415, %get3A_416] {strides = array<i32>} : memref<64x512xf32, #tpu.memory_space<vmem>>, vector<16xf32>,
      %mul3A_418 = arith.constant 16 : i32
      %mul3A_419 = arith.muli %scan3A_317, %mul3A_418 : i32
      %get3A_420 = arith.constant 6 : i32
      %get3A_421 = arith.index_cast %get3A_420 : i32 to index
      %get3A_422 = arith.index_cast %mul3A_419 : i32 to index
      %get3A_423 = tpu.vector_load %arg13[%get3A_421, %get3A_422] {strides = array<i32>} : memref<64x512xf32, #tpu.memory_space<vmem>>, vector<16xf32>,
      %mul3A_424 = arith.mulf %get3A_417, %get3A_423 : vector<16xf32>
      %add3A_425 = arith.addf %add3A_411, %mul3A_424 : vector<16xf32>
      %mul3A_426 = arith.constant 16 : i32
      %mul3A_427 = arith.muli %scan3A_317, %mul3A_426 : i32
      %get3A_428 = arith.constant 7 : i32
      %get3A_429 = arith.index_cast %get3A_428 : i32 to index
      %get3A_430 = arith.index_cast %mul3A_427 : i32 to index
      %get3A_431 = tpu.vector_load %arg12[%get3A_429, %get3A_430] {strides = array<i32>} : memref<64x512xf32, #tpu.memory_space<vmem>>, vector<16xf32>,
      %mul3A_432 = arith.constant 16 : i32
      %mul3A_433 = arith.muli %scan3A_317, %mul3A_432 : i32
      %get3A_434 = arith.constant 7 : i32
      %get3A_435 = arith.index_cast %get3A_434 : i32 to index
      %get3A_436 = arith.index_cast %mul3A_433 : i32 to index
      %get3A_437 = tpu.vector_load %arg13[%get3A_435, %get3A_436] {strides = array<i32>} : memref<64x512xf32, #tpu.memory_space<vmem>>, vector<16xf32>,
      %mul3A_438 = arith.mulf %get3A_431, %get3A_437 : vector<16xf32>
      %add3A_439 = arith.addf %add3A_425, %mul3A_438 : vector<16xf32>
      %mul3A_440 = arith.constant 16 : i32
      %mul3A_441 = arith.muli %scan3A_317, %mul3A_440 : i32
      %get3A_442 = arith.constant 8 : i32
      %get3A_443 = arith.index_cast %get3A_442 : i32 to index
      %get3A_444 = arith.index_cast %mul3A_441 : i32 to index
      %get3A_445 = tpu.vector_load %arg12[%get3A_443, %get3A_444] {strides = array<i32>} : memref<64x512xf32, #tpu.memory_space<vmem>>, vector<16xf32>,
      %mul3A_446 = arith.constant 16 : i32
      %mul3A_447 = arith.muli %scan3A_317, %mul3A_446 : i32
      %get3A_448 = arith.constant 8 : i32
      %get3A_449 = arith.index_cast %get3A_448 : i32 to index
      %get3A_450 = arith.index_cast %mul3A_447 : i32 to index
      %get3A_451 = tpu.vector_load %arg13[%get3A_449, %get3A_450] {strides = array<i32>} : memref<64x512xf32, #tpu.memory_space<vmem>>, vector<16xf32>,
      %mul3A_452 = arith.mulf %get3A_445, %get3A_451 : vector<16xf32>
      %add3A_453 = arith.addf %add3A_439, %mul3A_452 : vector<16xf32>
      %mul3A_454 = arith.constant 16 : i32
      %mul3A_455 = arith.muli %scan3A_317, %mul3A_454 : i32
      %get3A_456 = arith.constant 9 : i32
      %get3A_457 = arith.index_cast %get3A_456 : i32 to index
      %get3A_458 = arith.index_cast %mul3A_455 : i32 to index
      %get3A_459 = tpu.vector_load %arg12[%get3A_457, %get3A_458] {strides = array<i32>} : memref<64x512xf32, #tpu.memory_space<vmem>>, vector<16xf32>,
      %mul3A_460 = arith.constant 16 : i32
      %mul3A_461 = arith.muli %scan3A_317, %mul3A_460 : i32
      %get3A_462 = arith.constant 9 : i32
      %get3A_463 = arith.index_cast %get3A_462 : i32 to index
      %get3A_464 = arith.index_cast %mul3A_461 : i32 to index
      %get3A_465 = tpu.vector_load %arg13[%get3A_463, %get3A_464] {strides = array<i32>} : memref<64x512xf32, #tpu.memory_space<vmem>>, vector<16xf32>,
      %mul3A_466 = arith.mulf %get3A_459, %get3A_465 : vector<16xf32>
      %add3A_467 = arith.addf %add3A_453, %mul3A_466 : vector<16xf32>
      %mul3A_468 = arith.constant 16 : i32
      %mul3A_469 = arith.muli %scan3A_317, %mul3A_468 : i32
      %get3A_470 = arith.constant 10 : i32
      %get3A_471 = arith.index_cast %get3A_470 : i32 to index
      %get3A_472 = arith.index_cast %mul3A_469 : i32 to index
      %get3A_473 = tpu.vector_load %arg12[%get3A_471, %get3A_472] {strides = array<i32>} : memref<64x512xf32, #tpu.memory_space<vmem>>, vector<16xf32>,
      %mul3A_474 = arith.constant 16 : i32
      %mul3A_475 = arith.muli %scan3A_317, %mul3A_474 : i32
      %get3A_476 = arith.constant 10 : i32
      %get3A_477 = arith.index_cast %get3A_476 : i32 to index
      %get3A_478 = arith.index_cast %mul3A_475 : i32 to index
      %get3A_479 = tpu.vector_load %arg13[%get3A_477, %get3A_478] {strides = array<i32>} : memref<64x512xf32, #tpu.memory_space<vmem>>, vector<16xf32>,
      %mul3A_480 = arith.mulf %get3A_473, %get3A_479 : vector<16xf32>
      %add3A_481 = arith.addf %add3A_467, %mul3A_480 : vector<16xf32>
      %mul3A_482 = arith.constant 16 : i32
      %mul3A_483 = arith.muli %scan3A_317, %mul3A_482 : i32
      %get3A_484 = arith.constant 11 : i32
      %get3A_485 = arith.index_cast %get3A_484 : i32 to index
      %get3A_486 = arith.index_cast %mul3A_483 : i32 to index
      %get3A_487 = tpu.vector_load %arg12[%get3A_485, %get3A_486] {strides = array<i32>} : memref<64x512xf32, #tpu.memory_space<vmem>>, vector<16xf32>,
      %mul3A_488 = arith.constant 16 : i32
      %mul3A_489 = arith.muli %scan3A_317, %mul3A_488 : i32
      %get3A_490 = arith.constant 11 : i32
      %get3A_491 = arith.index_cast %get3A_490 : i32 to index
      %get3A_492 = arith.index_cast %mul3A_489 : i32 to index
      %get3A_493 = tpu.vector_load %arg13[%get3A_491, %get3A_492] {strides = array<i32>} : memref<64x512xf32, #tpu.memory_space<vmem>>, vector<16xf32>,
      %mul3A_494 = arith.mulf %get3A_487, %get3A_493 : vector<16xf32>
      %add3A_495 = arith.addf %add3A_481, %mul3A_494 : vector<16xf32>
      %mul3A_496 = arith.constant 16 : i32
      %mul3A_497 = arith.muli %scan3A_317, %mul3A_496 : i32
      %get3A_498 = arith.constant 12 : i32
      %get3A_499 = arith.index_cast %get3A_498 : i32 to index
      %get3A_500 = arith.index_cast %mul3A_497 : i32 to index
      %get3A_501 = tpu.vector_load %arg12[%get3A_499, %get3A_500] {strides = array<i32>} : memref<64x512xf32, #tpu.memory_space<vmem>>, vector<16xf32>,
      %mul3A_502 = arith.constant 16 : i32
      %mul3A_503 = arith.muli %scan3A_317, %mul3A_502 : i32
      %get3A_504 = arith.constant 12 : i32
      %get3A_505 = arith.index_cast %get3A_504 : i32 to index
      %get3A_506 = arith.index_cast %mul3A_503 : i32 to index
      %get3A_507 = tpu.vector_load %arg13[%get3A_505, %get3A_506] {strides = array<i32>} : memref<64x512xf32, #tpu.memory_space<vmem>>, vector<16xf32>,
      %mul3A_508 = arith.mulf %get3A_501, %get3A_507 : vector<16xf32>
      %add3A_509 = arith.addf %add3A_495, %mul3A_508 : vector<16xf32>
      %mul3A_510 = arith.constant 16 : i32
      %mul3A_511 = arith.muli %scan3A_317, %mul3A_510 : i32
      %get3A_512 = arith.constant 13 : i32
      %get3A_513 = arith.index_cast %get3A_512 : i32 to index
      %get3A_514 = arith.index_cast %mul3A_511 : i32 to index
      %get3A_515 = tpu.vector_load %arg12[%get3A_513, %get3A_514] {strides = array<i32>} : memref<64x512xf32, #tpu.memory_space<vmem>>, vector<16xf32>,
      %mul3A_516 = arith.constant 16 : i32
      %mul3A_517 = arith.muli %scan3A_317, %mul3A_516 : i32
      %get3A_518 = arith.constant 13 : i32
      %get3A_519 = arith.index_cast %get3A_518 : i32 to index
      %get3A_520 = arith.index_cast %mul3A_517 : i32 to index
      %get3A_521 = tpu.vector_load %arg13[%get3A_519, %get3A_520] {strides = array<i32>} : memref<64x512xf32, #tpu.memory_space<vmem>>, vector<16xf32>,
      %mul3A_522 = arith.mulf %get3A_515, %get3A_521 : vector<16xf32>
      %add3A_523 = arith.addf %add3A_509, %mul3A_522 : vector<16xf32>
      %mul3A_524 = arith.constant 16 : i32
      %mul3A_525 = arith.muli %scan3A_317, %mul3A_524 : i32
      %get3A_526 = arith.constant 14 : i32
      %get3A_527 = arith.index_cast %get3A_526 : i32 to index
      %get3A_528 = arith.index_cast %mul3A_525 : i32 to index
      %get3A_529 = tpu.vector_load %arg12[%get3A_527, %get3A_528] {strides = array<i32>} : memref<64x512xf32, #tpu.memory_space<vmem>>, vector<16xf32>,
      %mul3A_530 = arith.constant 16 : i32
      %mul3A_531 = arith.muli %scan3A_317, %mul3A_530 : i32
      %get3A_532 = arith.constant 14 : i32
      %get3A_533 = arith.index_cast %get3A_532 : i32 to index
      %get3A_534 = arith.index_cast %mul3A_531 : i32 to index
      %get3A_535 = tpu.vector_load %arg13[%get3A_533, %get3A_534] {strides = array<i32>} : memref<64x512xf32, #tpu.memory_space<vmem>>, vector<16xf32>,
      %mul3A_536 = arith.mulf %get3A_529, %get3A_535 : vector<16xf32>
      %add3A_537 = arith.addf %add3A_523, %mul3A_536 : vector<16xf32>
      %mul3A_538 = arith.constant 16 : i32
      %mul3A_539 = arith.muli %scan3A_317, %mul3A_538 : i32
      %get3A_540 = arith.constant 15 : i32
      %get3A_541 = arith.index_cast %get3A_540 : i32 to index
      %get3A_542 = arith.index_cast %mul3A_539 : i32 to index
      %get3A_543 = tpu.vector_load %arg12[%get3A_541, %get3A_542] {strides = array<i32>} : memref<64x512xf32, #tpu.memory_space<vmem>>, vector<16xf32>,
      %mul3A_544 = arith.constant 16 : i32
      %mul3A_545 = arith.muli %scan3A_317, %mul3A_544 : i32
      %get3A_546 = arith.constant 15 : i32
      %get3A_547 = arith.index_cast %get3A_546 : i32 to index
      %get3A_548 = arith.index_cast %mul3A_545 : i32 to index
      %get3A_549 = tpu.vector_load %arg13[%get3A_547, %get3A_548] {strides = array<i32>} : memref<64x512xf32, #tpu.memory_space<vmem>>, vector<16xf32>,
      %mul3A_550 = arith.mulf %get3A_543, %get3A_549 : vector<16xf32>
      %add3A_551 = arith.addf %add3A_537, %mul3A_550 : vector<16xf32>
      %mul3A_552 = arith.constant 16 : i32
      %mul3A_553 = arith.muli %scan3A_317, %mul3A_552 : i32
      %get3A_554 = arith.constant 16 : i32
      %get3A_555 = arith.index_cast %get3A_554 : i32 to index
      %get3A_556 = arith.index_cast %mul3A_553 : i32 to index
      %get3A_557 = tpu.vector_load %arg12[%get3A_555, %get3A_556] {strides = array<i32>} : memref<64x512xf32, #tpu.memory_space<vmem>>, vector<16xf32>,
      %mul3A_558 = arith.constant 16 : i32
      %mul3A_559 = arith.muli %scan3A_317, %mul3A_558 : i32
      %get3A_560 = arith.constant 16 : i32
      %get3A_561 = arith.index_cast %get3A_560 : i32 to index
      %get3A_562 = arith.index_cast %mul3A_559 : i32 to index
      %get3A_563 = tpu.vector_load %arg13[%get3A_561, %get3A_562] {strides = array<i32>} : memref<64x512xf32, #tpu.memory_space<vmem>>, vector<16xf32>,
      %mul3A_564 = arith.mulf %get3A_557, %get3A_563 : vector<16xf32>
      %add3A_565 = arith.addf %add3A_551, %mul3A_564 : vector<16xf32>
      %mul3A_566 = arith.constant 16 : i32
      %mul3A_567 = arith.muli %scan3A_317, %mul3A_566 : i32
      %get3A_568 = arith.constant 17 : i32
      %get3A_569 = arith.index_cast %get3A_568 : i32 to index
      %get3A_570 = arith.index_cast %mul3A_567 : i32 to index
      %get3A_571 = tpu.vector_load %arg12[%get3A_569, %get3A_570] {strides = array<i32>} : memref<64x512xf32, #tpu.memory_space<vmem>>, vector<16xf32>,
      %mul3A_572 = arith.constant 16 : i32
      %mul3A_573 = arith.muli %scan3A_317, %mul3A_572 : i32
      %get3A_574 = arith.constant 17 : i32
      %get3A_575 = arith.index_cast %get3A_574 : i32 to index
      %get3A_576 = arith.index_cast %mul3A_573 : i32 to index
      %get3A_577 = tpu.vector_load %arg13[%get3A_575, %get3A_576] {strides = array<i32>} : memref<64x512xf32, #tpu.memory_space<vmem>>, vector<16xf32>,
      %mul3A_578 = arith.mulf %get3A_571, %get3A_577 : vector<16xf32>
      %add3A_579 = arith.addf %add3A_565, %mul3A_578 : vector<16xf32>
      %mul3A_580 = arith.constant 16 : i32
      %mul3A_581 = arith.muli %scan3A_317, %mul3A_580 : i32
      %get3A_582 = arith.constant 18 : i32
      %get3A_583 = arith.index_cast %get3A_582 : i32 to index
      %get3A_584 = arith.index_cast %mul3A_581 : i32 to index
      %get3A_585 = tpu.vector_load %arg12[%get3A_583, %get3A_584] {strides = array<i32>} : memref<64x512xf32, #tpu.memory_space<vmem>>, vector<16xf32>,
      %mul3A_586 = arith.constant 16 : i32
      %mul3A_587 = arith.muli %scan3A_317, %mul3A_586 : i32
      %get3A_588 = arith.constant 18 : i32
      %get3A_589 = arith.index_cast %get3A_588 : i32 to index
      %get3A_590 = arith.index_cast %mul3A_587 : i32 to index
      %get3A_591 = tpu.vector_load %arg13[%get3A_589, %get3A_590] {strides = array<i32>} : memref<64x512xf32, #tpu.memory_space<vmem>>, vector<16xf32>,
      %mul3A_592 = arith.mulf %get3A_585, %get3A_591 : vector<16xf32>
      %add3A_593 = arith.addf %add3A_579, %mul3A_592 : vector<16xf32>
      %mul3A_594 = arith.constant 16 : i32
      %mul3A_595 = arith.muli %scan3A_317, %mul3A_594 : i32
      %get3A_596 = arith.constant 19 : i32
      %get3A_597 = arith.index_cast %get3A_596 : i32 to index
      %get3A_598 = arith.index_cast %mul3A_595 : i32 to index
      %get3A_599 = tpu.vector_load %arg12[%get3A_597, %get3A_598] {strides = array<i32>} : memref<64x512xf32, #tpu.memory_space<vmem>>, vector<16xf32>,
      %mul3A_600 = arith.constant 16 : i32
      %mul3A_601 = arith.muli %scan3A_317, %mul3A_600 : i32
      %get3A_602 = arith.constant 19 : i32
      %get3A_603 = arith.index_cast %get3A_602 : i32 to index
      %get3A_604 = arith.index_cast %mul3A_601 : i32 to index
      %get3A_605 = tpu.vector_load %arg13[%get3A_603, %get3A_604] {strides = array<i32>} : memref<64x512xf32, #tpu.memory_space<vmem>>, vector<16xf32>,
      %mul3A_606 = arith.mulf %get3A_599, %get3A_605 : vector<16xf32>
      %add3A_607 = arith.addf %add3A_593, %mul3A_606 : vector<16xf32>
      %mul3A_608 = arith.constant 16 : i32
      %mul3A_609 = arith.muli %scan3A_317, %mul3A_608 : i32
      %get3A_610 = arith.constant 20 : i32
      %get3A_611 = arith.index_cast %get3A_610 : i32 to index
      %get3A_612 = arith.index_cast %mul3A_609 : i32 to index
      %get3A_613 = tpu.vector_load %arg12[%get3A_611, %get3A_612] {strides = array<i32>} : memref<64x512xf32, #tpu.memory_space<vmem>>, vector<16xf32>,
      %mul3A_614 = arith.constant 16 : i32
      %mul3A_615 = arith.muli %scan3A_317, %mul3A_614 : i32
      %get3A_616 = arith.constant 20 : i32
      %get3A_617 = arith.index_cast %get3A_616 : i32 to index
      %get3A_618 = arith.index_cast %mul3A_615 : i32 to index
      %get3A_619 = tpu.vector_load %arg13[%get3A_617, %get3A_618] {strides = array<i32>} : memref<64x512xf32, #tpu.memory_space<vmem>>, vector<16xf32>,
      %mul3A_620 = arith.mulf %get3A_613, %get3A_619 : vector<16xf32>
      %add3A_621 = arith.addf %add3A_607, %mul3A_620 : vector<16xf32>
      %mul3A_622 = arith.constant 16 : i32
      %mul3A_623 = arith.muli %scan3A_317, %mul3A_622 : i32
      %get3A_624 = arith.constant 21 : i32
      %get3A_625 = arith.index_cast %get3A_624 : i32 to index
      %get3A_626 = arith.index_cast %mul3A_623 : i32 to index
      %get3A_627 = tpu.vector_load %arg12[%get3A_625, %get3A_626] {strides = array<i32>} : memref<64x512xf32, #tpu.memory_space<vmem>>, vector<16xf32>,
      %mul3A_628 = arith.constant 16 : i32
      %mul3A_629 = arith.muli %scan3A_317, %mul3A_628 : i32
      %get3A_630 = arith.constant 21 : i32
      %get3A_631 = arith.index_cast %get3A_630 : i32 to index
      %get3A_632 = arith.index_cast %mul3A_629 : i32 to index
      %get3A_633 = tpu.vector_load %arg13[%get3A_631, %get3A_632] {strides = array<i32>} : memref<64x512xf32, #tpu.memory_space<vmem>>, vector<16xf32>,
      %mul3A_634 = arith.mulf %get3A_627, %get3A_633 : vector<16xf32>
      %add3A_635 = arith.addf %add3A_621, %mul3A_634 : vector<16xf32>
      %mul3A_636 = arith.constant 16 : i32
      %mul3A_637 = arith.muli %scan3A_317, %mul3A_636 : i32
      %get3A_638 = arith.constant 22 : i32
      %get3A_639 = arith.index_cast %get3A_638 : i32 to index
      %get3A_640 = arith.index_cast %mul3A_637 : i32 to index
      %get3A_641 = tpu.vector_load %arg12[%get3A_639, %get3A_640] {strides = array<i32>} : memref<64x512xf32, #tpu.memory_space<vmem>>, vector<16xf32>,
      %mul3A_642 = arith.constant 16 : i32
      %mul3A_643 = arith.muli %scan3A_317, %mul3A_642 : i32
      %get3A_644 = arith.constant 22 : i32
      %get3A_645 = arith.index_cast %get3A_644 : i32 to index
      %get3A_646 = arith.index_cast %mul3A_643 : i32 to index
      %get3A_647 = tpu.vector_load %arg13[%get3A_645, %get3A_646] {strides = array<i32>} : memref<64x512xf32, #tpu.memory_space<vmem>>, vector<16xf32>,
      %mul3A_648 = arith.mulf %get3A_641, %get3A_647 : vector<16xf32>
      %add3A_649 = arith.addf %add3A_635, %mul3A_648 : vector<16xf32>
      %mul3A_650 = arith.constant 16 : i32
      %mul3A_651 = arith.muli %scan3A_317, %mul3A_650 : i32
      %get3A_652 = arith.constant 23 : i32
      %get3A_653 = arith.index_cast %get3A_652 : i32 to index
      %get3A_654 = arith.index_cast %mul3A_651 : i32 to index
      %get3A_655 = tpu.vector_load %arg12[%get3A_653, %get3A_654] {strides = array<i32>} : memref<64x512xf32, #tpu.memory_space<vmem>>, vector<16xf32>,
      %mul3A_656 = arith.constant 16 : i32
      %mul3A_657 = arith.muli %scan3A_317, %mul3A_656 : i32
      %get3A_658 = arith.constant 23 : i32
      %get3A_659 = arith.index_cast %get3A_658 : i32 to index
      %get3A_660 = arith.index_cast %mul3A_657 : i32 to index
      %get3A_661 = tpu.vector_load %arg13[%get3A_659, %get3A_660] {strides = array<i32>} : memref<64x512xf32, #tpu.memory_space<vmem>>, vector<16xf32>,
      %mul3A_662 = arith.mulf %get3A_655, %get3A_661 : vector<16xf32>
      %add3A_663 = arith.addf %add3A_649, %mul3A_662 : vector<16xf32>
      %mul3A_664 = arith.constant 16 : i32
      %mul3A_665 = arith.muli %scan3A_317, %mul3A_664 : i32
      %get3A_666 = arith.constant 24 : i32
      %get3A_667 = arith.index_cast %get3A_666 : i32 to index
      %get3A_668 = arith.index_cast %mul3A_665 : i32 to index
      %get3A_669 = tpu.vector_load %arg12[%get3A_667, %get3A_668] {strides = array<i32>} : memref<64x512xf32, #tpu.memory_space<vmem>>, vector<16xf32>,
      %mul3A_670 = arith.constant 16 : i32
      %mul3A_671 = arith.muli %scan3A_317, %mul3A_670 : i32
      %get3A_672 = arith.constant 24 : i32
      %get3A_673 = arith.index_cast %get3A_672 : i32 to index
      %get3A_674 = arith.index_cast %mul3A_671 : i32 to index
      %get3A_675 = tpu.vector_load %arg13[%get3A_673, %get3A_674] {strides = array<i32>} : memref<64x512xf32, #tpu.memory_space<vmem>>, vector<16xf32>,
      %mul3A_676 = arith.mulf %get3A_669, %get3A_675 : vector<16xf32>
      %add3A_677 = arith.addf %add3A_663, %mul3A_676 : vector<16xf32>
      %mul3A_678 = arith.constant 16 : i32
      %mul3A_679 = arith.muli %scan3A_317, %mul3A_678 : i32
      %get3A_680 = arith.constant 25 : i32
      %get3A_681 = arith.index_cast %get3A_680 : i32 to index
      %get3A_682 = arith.index_cast %mul3A_679 : i32 to index
      %get3A_683 = tpu.vector_load %arg12[%get3A_681, %get3A_682] {strides = array<i32>} : memref<64x512xf32, #tpu.memory_space<vmem>>, vector<16xf32>,
      %mul3A_684 = arith.constant 16 : i32
      %mul3A_685 = arith.muli %scan3A_317, %mul3A_684 : i32
      %get3A_686 = arith.constant 25 : i32
      %get3A_687 = arith.index_cast %get3A_686 : i32 to index
      %get3A_688 = arith.index_cast %mul3A_685 : i32 to index
      %get3A_689 = tpu.vector_load %arg13[%get3A_687, %get3A_688] {strides = array<i32>} : memref<64x512xf32, #tpu.memory_space<vmem>>, vector<16xf32>,
      %mul3A_690 = arith.mulf %get3A_683, %get3A_689 : vector<16xf32>
      %add3A_691 = arith.addf %add3A_677, %mul3A_690 : vector<16xf32>
      %mul3A_692 = arith.constant 16 : i32
      %mul3A_693 = arith.muli %scan3A_317, %mul3A_692 : i32
      %get3A_694 = arith.constant 26 : i32
      %get3A_695 = arith.index_cast %get3A_694 : i32 to index
      %get3A_696 = arith.index_cast %mul3A_693 : i32 to index
      %get3A_697 = tpu.vector_load %arg12[%get3A_695, %get3A_696] {strides = array<i32>} : memref<64x512xf32, #tpu.memory_space<vmem>>, vector<16xf32>,
      %mul3A_698 = arith.constant 16 : i32
      %mul3A_699 = arith.muli %scan3A_317, %mul3A_698 : i32
      %get3A_700 = arith.constant 26 : i32
      %get3A_701 = arith.index_cast %get3A_700 : i32 to index
      %get3A_702 = arith.index_cast %mul3A_699 : i32 to index
      %get3A_703 = tpu.vector_load %arg13[%get3A_701, %get3A_702] {strides = array<i32>} : memref<64x512xf32, #tpu.memory_space<vmem>>, vector<16xf32>,
      %mul3A_704 = arith.mulf %get3A_697, %get3A_703 : vector<16xf32>
      %add3A_705 = arith.addf %add3A_691, %mul3A_704 : vector<16xf32>
      %mul3A_706 = arith.constant 16 : i32
      %mul3A_707 = arith.muli %scan3A_317, %mul3A_706 : i32
      %get3A_708 = arith.constant 27 : i32
      %get3A_709 = arith.index_cast %get3A_708 : i32 to index
      %get3A_710 = arith.index_cast %mul3A_707 : i32 to index
      %get3A_711 = tpu.vector_load %arg12[%get3A_709, %get3A_710] {strides = array<i32>} : memref<64x512xf32, #tpu.memory_space<vmem>>, vector<16xf32>,
      %mul3A_712 = arith.constant 16 : i32
      %mul3A_713 = arith.muli %scan3A_317, %mul3A_712 : i32
      %get3A_714 = arith.constant 27 : i32
      %get3A_715 = arith.index_cast %get3A_714 : i32 to index
      %get3A_716 = arith.index_cast %mul3A_713 : i32 to index
      %get3A_717 = tpu.vector_load %arg13[%get3A_715, %get3A_716] {strides = array<i32>} : memref<64x512xf32, #tpu.memory_space<vmem>>, vector<16xf32>,
      %mul3A_718 = arith.mulf %get3A_711, %get3A_717 : vector<16xf32>
      %add3A_719 = arith.addf %add3A_705, %mul3A_718 : vector<16xf32>
      %mul3A_720 = arith.constant 16 : i32
      %mul3A_721 = arith.muli %scan3A_317, %mul3A_720 : i32
      %get3A_722 = arith.constant 28 : i32
      %get3A_723 = arith.index_cast %get3A_722 : i32 to index
      %get3A_724 = arith.index_cast %mul3A_721 : i32 to index
      %get3A_725 = tpu.vector_load %arg12[%get3A_723, %get3A_724] {strides = array<i32>} : memref<64x512xf32, #tpu.memory_space<vmem>>, vector<16xf32>,
      %mul3A_726 = arith.constant 16 : i32
      %mul3A_727 = arith.muli %scan3A_317, %mul3A_726 : i32
      %get3A_728 = arith.constant 28 : i32
      %get3A_729 = arith.index_cast %get3A_728 : i32 to index
      %get3A_730 = arith.index_cast %mul3A_727 : i32 to index
      %get3A_731 = tpu.vector_load %arg13[%get3A_729, %get3A_730] {strides = array<i32>} : memref<64x512xf32, #tpu.memory_space<vmem>>, vector<16xf32>,
      %mul3A_732 = arith.mulf %get3A_725, %get3A_731 : vector<16xf32>
      %add3A_733 = arith.addf %add3A_719, %mul3A_732 : vector<16xf32>
      %mul3A_734 = arith.constant 16 : i32
      %mul3A_735 = arith.muli %scan3A_317, %mul3A_734 : i32
      %get3A_736 = arith.constant 29 : i32
      %get3A_737 = arith.index_cast %get3A_736 : i32 to index
      %get3A_738 = arith.index_cast %mul3A_735 : i32 to index
      %get3A_739 = tpu.vector_load %arg12[%get3A_737, %get3A_738] {strides = array<i32>} : memref<64x512xf32, #tpu.memory_space<vmem>>, vector<16xf32>,
      %mul3A_740 = arith.constant 16 : i32
      %mul3A_741 = arith.muli %scan3A_317, %mul3A_740 : i32
      %get3A_742 = arith.constant 29 : i32
      %get3A_743 = arith.index_cast %get3A_742 : i32 to index
      %get3A_744 = arith.index_cast %mul3A_741 : i32 to index
      %get3A_745 = tpu.vector_load %arg13[%get3A_743, %get3A_744] {strides = array<i32>} : memref<64x512xf32, #tpu.memory_space<vmem>>, vector<16xf32>,
      %mul3A_746 = arith.mulf %get3A_739, %get3A_745 : vector<16xf32>
      %add3A_747 = arith.addf %add3A_733, %mul3A_746 : vector<16xf32>
      %mul3A_748 = arith.constant 16 : i32
      %mul3A_749 = arith.muli %scan3A_317, %mul3A_748 : i32
      %get3A_750 = arith.constant 30 : i32
      %get3A_751 = arith.index_cast %get3A_750 : i32 to index
      %get3A_752 = arith.index_cast %mul3A_749 : i32 to index
      %get3A_753 = tpu.vector_load %arg12[%get3A_751, %get3A_752] {strides = array<i32>} : memref<64x512xf32, #tpu.memory_space<vmem>>, vector<16xf32>,
      %mul3A_754 = arith.constant 16 : i32
      %mul3A_755 = arith.muli %scan3A_317, %mul3A_754 : i32
      %get3A_756 = arith.constant 30 : i32
      %get3A_757 = arith.index_cast %get3A_756 : i32 to index
      %get3A_758 = arith.index_cast %mul3A_755 : i32 to index
      %get3A_759 = tpu.vector_load %arg13[%get3A_757, %get3A_758] {strides = array<i32>} : memref<64x512xf32, #tpu.memory_space<vmem>>, vector<16xf32>,
      %mul3A_760 = arith.mulf %get3A_753, %get3A_759 : vector<16xf32>
      %add3A_761 = arith.addf %add3A_747, %mul3A_760 : vector<16xf32>
      %mul3A_762 = arith.constant 16 : i32
      %mul3A_763 = arith.muli %scan3A_317, %mul3A_762 : i32
      %get3A_764 = arith.constant 31 : i32
      %get3A_765 = arith.index_cast %get3A_764 : i32 to index
      %get3A_766 = arith.index_cast %mul3A_763 : i32 to index
      %get3A_767 = tpu.vector_load %arg12[%get3A_765, %get3A_766] {strides = array<i32>} : memref<64x512xf32, #tpu.memory_space<vmem>>, vector<16xf32>,
      %mul3A_768 = arith.constant 16 : i32
      %mul3A_769 = arith.muli %scan3A_317, %mul3A_768 : i32
      %get3A_770 = arith.constant 31 : i32
      %get3A_771 = arith.index_cast %get3A_770 : i32 to index
      %get3A_772 = arith.index_cast %mul3A_769 : i32 to index
      %get3A_773 = tpu.vector_load %arg13[%get3A_771, %get3A_772] {strides = array<i32>} : memref<64x512xf32, #tpu.memory_space<vmem>>, vector<16xf32>,
      %mul3A_774 = arith.mulf %get3A_767, %get3A_773 : vector<16xf32>
      %add3A_775 = arith.addf %add3A_761, %mul3A_774 : vector<16xf32>
      %mul3A_776 = arith.constant 16 : i32
      %mul3A_777 = arith.muli %scan3A_317, %mul3A_776 : i32
      %get3A_778 = arith.constant 32 : i32
      %get3A_779 = arith.index_cast %get3A_778 : i32 to index
      %get3A_780 = arith.index_cast %mul3A_777 : i32 to index
      %get3A_781 = tpu.vector_load %arg12[%get3A_779, %get3A_780] {strides = array<i32>} : memref<64x512xf32, #tpu.memory_space<vmem>>, vector<16xf32>,
      %mul3A_782 = arith.constant 16 : i32
      %mul3A_783 = arith.muli %scan3A_317, %mul3A_782 : i32
      %get3A_784 = arith.constant 32 : i32
      %get3A_785 = arith.index_cast %get3A_784 : i32 to index
      %get3A_786 = arith.index_cast %mul3A_783 : i32 to index
      %get3A_787 = tpu.vector_load %arg13[%get3A_785, %get3A_786] {strides = array<i32>} : memref<64x512xf32, #tpu.memory_space<vmem>>, vector<16xf32>,
      %mul3A_788 = arith.mulf %get3A_781, %get3A_787 : vector<16xf32>
      %add3A_789 = arith.addf %add3A_775, %mul3A_788 : vector<16xf32>
      %mul3A_790 = arith.constant 16 : i32
      %mul3A_791 = arith.muli %scan3A_317, %mul3A_790 : i32
      %get3A_792 = arith.constant 33 : i32
      %get3A_793 = arith.index_cast %get3A_792 : i32 to index
      %get3A_794 = arith.index_cast %mul3A_791 : i32 to index
      %get3A_795 = tpu.vector_load %arg12[%get3A_793, %get3A_794] {strides = array<i32>} : memref<64x512xf32, #tpu.memory_space<vmem>>, vector<16xf32>,
      %mul3A_796 = arith.constant 16 : i32
      %mul3A_797 = arith.muli %scan3A_317, %mul3A_796 : i32
      %get3A_798 = arith.constant 33 : i32
      %get3A_799 = arith.index_cast %get3A_798 : i32 to index
      %get3A_800 = arith.index_cast %mul3A_797 : i32 to index
      %get3A_801 = tpu.vector_load %arg13[%get3A_799, %get3A_800] {strides = array<i32>} : memref<64x512xf32, #tpu.memory_space<vmem>>, vector<16xf32>,
      %mul3A_802 = arith.mulf %get3A_795, %get3A_801 : vector<16xf32>
      %add3A_803 = arith.addf %add3A_789, %mul3A_802 : vector<16xf32>
      %mul3A_804 = arith.constant 16 : i32
      %mul3A_805 = arith.muli %scan3A_317, %mul3A_804 : i32
      %get3A_806 = arith.constant 34 : i32
      %get3A_807 = arith.index_cast %get3A_806 : i32 to index
      %get3A_808 = arith.index_cast %mul3A_805 : i32 to index
      %get3A_809 = tpu.vector_load %arg12[%get3A_807, %get3A_808] {strides = array<i32>} : memref<64x512xf32, #tpu.memory_space<vmem>>, vector<16xf32>,
      %mul3A_810 = arith.constant 16 : i32
      %mul3A_811 = arith.muli %scan3A_317, %mul3A_810 : i32
      %get3A_812 = arith.constant 34 : i32
      %get3A_813 = arith.index_cast %get3A_812 : i32 to index
      %get3A_814 = arith.index_cast %mul3A_811 : i32 to index
      %get3A_815 = tpu.vector_load %arg13[%get3A_813, %get3A_814] {strides = array<i32>} : memref<64x512xf32, #tpu.memory_space<vmem>>, vector<16xf32>,
      %mul3A_816 = arith.mulf %get3A_809, %get3A_815 : vector<16xf32>
      %add3A_817 = arith.addf %add3A_803, %mul3A_816 : vector<16xf32>
      %mul3A_818 = arith.constant 16 : i32
      %mul3A_819 = arith.muli %scan3A_317, %mul3A_818 : i32
      %get3A_820 = arith.constant 35 : i32
      %get3A_821 = arith.index_cast %get3A_820 : i32 to index
      %get3A_822 = arith.index_cast %mul3A_819 : i32 to index
      %get3A_823 = tpu.vector_load %arg12[%get3A_821, %get3A_822] {strides = array<i32>} : memref<64x512xf32, #tpu.memory_space<vmem>>, vector<16xf32>,
      %mul3A_824 = arith.constant 16 : i32
      %mul3A_825 = arith.muli %scan3A_317, %mul3A_824 : i32
      %get3A_826 = arith.constant 35 : i32
      %get3A_827 = arith.index_cast %get3A_826 : i32 to index
      %get3A_828 = arith.index_cast %mul3A_825 : i32 to index
      %get3A_829 = tpu.vector_load %arg13[%get3A_827, %get3A_828] {strides = array<i32>} : memref<64x512xf32, #tpu.memory_space<vmem>>, vector<16xf32>,
      %mul3A_830 = arith.mulf %get3A_823, %get3A_829 : vector<16xf32>
      %add3A_831 = arith.addf %add3A_817, %mul3A_830 : vector<16xf32>
      %mul3A_832 = arith.constant 16 : i32
      %mul3A_833 = arith.muli %scan3A_317, %mul3A_832 : i32
      %get3A_834 = arith.constant 36 : i32
      %get3A_835 = arith.index_cast %get3A_834 : i32 to index
      %get3A_836 = arith.index_cast %mul3A_833 : i32 to index
      %get3A_837 = tpu.vector_load %arg12[%get3A_835, %get3A_836] {strides = array<i32>} : memref<64x512xf32, #tpu.memory_space<vmem>>, vector<16xf32>,
      %mul3A_838 = arith.constant 16 : i32
      %mul3A_839 = arith.muli %scan3A_317, %mul3A_838 : i32
      %get3A_840 = arith.constant 36 : i32
      %get3A_841 = arith.index_cast %get3A_840 : i32 to index
      %get3A_842 = arith.index_cast %mul3A_839 : i32 to index
      %get3A_843 = tpu.vector_load %arg13[%get3A_841, %get3A_842] {strides = array<i32>} : memref<64x512xf32, #tpu.memory_space<vmem>>, vector<16xf32>,
      %mul3A_844 = arith.mulf %get3A_837, %get3A_843 : vector<16xf32>
      %add3A_845 = arith.addf %add3A_831, %mul3A_844 : vector<16xf32>
      %mul3A_846 = arith.constant 16 : i32
      %mul3A_847 = arith.muli %scan3A_317, %mul3A_846 : i32
      %get3A_848 = arith.constant 37 : i32
      %get3A_849 = arith.index_cast %get3A_848 : i32 to index
      %get3A_850 = arith.index_cast %mul3A_847 : i32 to index
      %get3A_851 = tpu.vector_load %arg12[%get3A_849, %get3A_850] {strides = array<i32>} : memref<64x512xf32, #tpu.memory_space<vmem>>, vector<16xf32>,
      %mul3A_852 = arith.constant 16 : i32
      %mul3A_853 = arith.muli %scan3A_317, %mul3A_852 : i32
      %get3A_854 = arith.constant 37 : i32
      %get3A_855 = arith.index_cast %get3A_854 : i32 to index
      %get3A_856 = arith.index_cast %mul3A_853 : i32 to index
      %get3A_857 = tpu.vector_load %arg13[%get3A_855, %get3A_856] {strides = array<i32>} : memref<64x512xf32, #tpu.memory_space<vmem>>, vector<16xf32>,
      %mul3A_858 = arith.mulf %get3A_851, %get3A_857 : vector<16xf32>
      %add3A_859 = arith.addf %add3A_845, %mul3A_858 : vector<16xf32>
      %mul3A_860 = arith.constant 16 : i32
      %mul3A_861 = arith.muli %scan3A_317, %mul3A_860 : i32
      %get3A_862 = arith.constant 38 : i32
      %get3A_863 = arith.index_cast %get3A_862 : i32 to index
      %get3A_864 = arith.index_cast %mul3A_861 : i32 to index
      %get3A_865 = tpu.vector_load %arg12[%get3A_863, %get3A_864] {strides = array<i32>} : memref<64x512xf32, #tpu.memory_space<vmem>>, vector<16xf32>,
      %mul3A_866 = arith.constant 16 : i32
      %mul3A_867 = arith.muli %scan3A_317, %mul3A_866 : i32
      %get3A_868 = arith.constant 38 : i32
      %get3A_869 = arith.index_cast %get3A_868 : i32 to index
      %get3A_870 = arith.index_cast %mul3A_867 : i32 to index
      %get3A_871 = tpu.vector_load %arg13[%get3A_869, %get3A_870] {strides = array<i32>} : memref<64x512xf32, #tpu.memory_space<vmem>>, vector<16xf32>,
      %mul3A_872 = arith.mulf %get3A_865, %get3A_871 : vector<16xf32>
      %add3A_873 = arith.addf %add3A_859, %mul3A_872 : vector<16xf32>
      %mul3A_874 = arith.constant 16 : i32
      %mul3A_875 = arith.muli %scan3A_317, %mul3A_874 : i32
      %get3A_876 = arith.constant 39 : i32
      %get3A_877 = arith.index_cast %get3A_876 : i32 to index
      %get3A_878 = arith.index_cast %mul3A_875 : i32 to index
      %get3A_879 = tpu.vector_load %arg12[%get3A_877, %get3A_878] {strides = array<i32>} : memref<64x512xf32, #tpu.memory_space<vmem>>, vector<16xf32>,
      %mul3A_880 = arith.constant 16 : i32
      %mul3A_881 = arith.muli %scan3A_317, %mul3A_880 : i32
      %get3A_882 = arith.constant 39 : i32
      %get3A_883 = arith.index_cast %get3A_882 : i32 to index
      %get3A_884 = arith.index_cast %mul3A_881 : i32 to index
      %get3A_885 = tpu.vector_load %arg13[%get3A_883, %get3A_884] {strides = array<i32>} : memref<64x512xf32, #tpu.memory_space<vmem>>, vector<16xf32>,
      %mul3A_886 = arith.mulf %get3A_879, %get3A_885 : vector<16xf32>
      %add3A_887 = arith.addf %add3A_873, %mul3A_886 : vector<16xf32>
      %mul3A_888 = arith.constant 16 : i32
      %mul3A_889 = arith.muli %scan3A_317, %mul3A_888 : i32
      %get3A_890 = arith.constant 40 : i32
      %get3A_891 = arith.index_cast %get3A_890 : i32 to index
      %get3A_892 = arith.index_cast %mul3A_889 : i32 to index
      %get3A_893 = tpu.vector_load %arg12[%get3A_891, %get3A_892] {strides = array<i32>} : memref<64x512xf32, #tpu.memory_space<vmem>>, vector<16xf32>,
      %mul3A_894 = arith.constant 16 : i32
      %mul3A_895 = arith.muli %scan3A_317, %mul3A_894 : i32
      %get3A_896 = arith.constant 40 : i32
      %get3A_897 = arith.index_cast %get3A_896 : i32 to index
      %get3A_898 = arith.index_cast %mul3A_895 : i32 to index
      %get3A_899 = tpu.vector_load %arg13[%get3A_897, %get3A_898] {strides = array<i32>} : memref<64x512xf32, #tpu.memory_space<vmem>>, vector<16xf32>,
      %mul3A_900 = arith.mulf %get3A_893, %get3A_899 : vector<16xf32>
      %add3A_901 = arith.addf %add3A_887, %mul3A_900 : vector<16xf32>
      %mul3A_902 = arith.constant 16 : i32
      %mul3A_903 = arith.muli %scan3A_317, %mul3A_902 : i32
      %get3A_904 = arith.constant 41 : i32
      %get3A_905 = arith.index_cast %get3A_904 : i32 to index
      %get3A_906 = arith.index_cast %mul3A_903 : i32 to index
      %get3A_907 = tpu.vector_load %arg12[%get3A_905, %get3A_906] {strides = array<i32>} : memref<64x512xf32, #tpu.memory_space<vmem>>, vector<16xf32>,
      %mul3A_908 = arith.constant 16 : i32
      %mul3A_909 = arith.muli %scan3A_317, %mul3A_908 : i32
      %get3A_910 = arith.constant 41 : i32
      %get3A_911 = arith.index_cast %get3A_910 : i32 to index
      %get3A_912 = arith.index_cast %mul3A_909 : i32 to index
      %get3A_913 = tpu.vector_load %arg13[%get3A_911, %get3A_912] {strides = array<i32>} : memref<64x512xf32, #tpu.memory_space<vmem>>, vector<16xf32>,
      %mul3A_914 = arith.mulf %get3A_907, %get3A_913 : vector<16xf32>
      %add3A_915 = arith.addf %add3A_901, %mul3A_914 : vector<16xf32>
      %mul3A_916 = arith.constant 16 : i32
      %mul3A_917 = arith.muli %scan3A_317, %mul3A_916 : i32
      %get3A_918 = arith.constant 42 : i32
      %get3A_919 = arith.index_cast %get3A_918 : i32 to index
      %get3A_920 = arith.index_cast %mul3A_917 : i32 to index
      %get3A_921 = tpu.vector_load %arg12[%get3A_919, %get3A_920] {strides = array<i32>} : memref<64x512xf32, #tpu.memory_space<vmem>>, vector<16xf32>,
      %mul3A_922 = arith.constant 16 : i32
      %mul3A_923 = arith.muli %scan3A_317, %mul3A_922 : i32
      %get3A_924 = arith.constant 42 : i32
      %get3A_925 = arith.index_cast %get3A_924 : i32 to index
      %get3A_926 = arith.index_cast %mul3A_923 : i32 to index
      %get3A_927 = tpu.vector_load %arg13[%get3A_925, %get3A_926] {strides = array<i32>} : memref<64x512xf32, #tpu.memory_space<vmem>>, vector<16xf32>,
      %mul3A_928 = arith.mulf %get3A_921, %get3A_927 : vector<16xf32>
      %add3A_929 = arith.addf %add3A_915, %mul3A_928 : vector<16xf32>
      %mul3A_930 = arith.constant 16 : i32
      %mul3A_931 = arith.muli %scan3A_317, %mul3A_930 : i32
      %get3A_932 = arith.constant 43 : i32
      %get3A_933 = arith.index_cast %get3A_932 : i32 to index
      %get3A_934 = arith.index_cast %mul3A_931 : i32 to index
      %get3A_935 = tpu.vector_load %arg12[%get3A_933, %get3A_934] {strides = array<i32>} : memref<64x512xf32, #tpu.memory_space<vmem>>, vector<16xf32>,
      %mul3A_936 = arith.constant 16 : i32
      %mul3A_937 = arith.muli %scan3A_317, %mul3A_936 : i32
      %get3A_938 = arith.constant 43 : i32
      %get3A_939 = arith.index_cast %get3A_938 : i32 to index
      %get3A_940 = arith.index_cast %mul3A_937 : i32 to index
      %get3A_941 = tpu.vector_load %arg13[%get3A_939, %get3A_940] {strides = array<i32>} : memref<64x512xf32, #tpu.memory_space<vmem>>, vector<16xf32>,
      %mul3A_942 = arith.mulf %get3A_935, %get3A_941 : vector<16xf32>
      %add3A_943 = arith.addf %add3A_929, %mul3A_942 : vector<16xf32>
      %mul3A_944 = arith.constant 16 : i32
      %mul3A_945 = arith.muli %scan3A_317, %mul3A_944 : i32
      %get3A_946 = arith.constant 44 : i32
      %get3A_947 = arith.index_cast %get3A_946 : i32 to index
      %get3A_948 = arith.index_cast %mul3A_945 : i32 to index
      %get3A_949 = tpu.vector_load %arg12[%get3A_947, %get3A_948] {strides = array<i32>} : memref<64x512xf32, #tpu.memory_space<vmem>>, vector<16xf32>,
      %mul3A_950 = arith.constant 16 : i32
      %mul3A_951 = arith.muli %scan3A_317, %mul3A_950 : i32
      %get3A_952 = arith.constant 44 : i32
      %get3A_953 = arith.index_cast %get3A_952 : i32 to index
      %get3A_954 = arith.index_cast %mul3A_951 : i32 to index
      %get3A_955 = tpu.vector_load %arg13[%get3A_953, %get3A_954] {strides = array<i32>} : memref<64x512xf32, #tpu.memory_space<vmem>>, vector<16xf32>,
      %mul3A_956 = arith.mulf %get3A_949, %get3A_955 : vector<16xf32>
      %add3A_957 = arith.addf %add3A_943, %mul3A_956 : vector<16xf32>
      %mul3A_958 = arith.constant 16 : i32
      %mul3A_959 = arith.muli %scan3A_317, %mul3A_958 : i32
      %get3A_960 = arith.constant 45 : i32
      %get3A_961 = arith.index_cast %get3A_960 : i32 to index
      %get3A_962 = arith.index_cast %mul3A_959 : i32 to index
      %get3A_963 = tpu.vector_load %arg12[%get3A_961, %get3A_962] {strides = array<i32>} : memref<64x512xf32, #tpu.memory_space<vmem>>, vector<16xf32>,
      %mul3A_964 = arith.constant 16 : i32
      %mul3A_965 = arith.muli %scan3A_317, %mul3A_964 : i32
      %get3A_966 = arith.constant 45 : i32
      %get3A_967 = arith.index_cast %get3A_966 : i32 to index
      %get3A_968 = arith.index_cast %mul3A_965 : i32 to index
      %get3A_969 = tpu.vector_load %arg13[%get3A_967, %get3A_968] {strides = array<i32>} : memref<64x512xf32, #tpu.memory_space<vmem>>, vector<16xf32>,
      %mul3A_970 = arith.mulf %get3A_963, %get3A_969 : vector<16xf32>
      %add3A_971 = arith.addf %add3A_957, %mul3A_970 : vector<16xf32>
      %mul3A_972 = arith.constant 16 : i32
      %mul3A_973 = arith.muli %scan3A_317, %mul3A_972 : i32
      %get3A_974 = arith.constant 46 : i32
      %get3A_975 = arith.index_cast %get3A_974 : i32 to index
      %get3A_976 = arith.index_cast %mul3A_973 : i32 to index
      %get3A_977 = tpu.vector_load %arg12[%get3A_975, %get3A_976] {strides = array<i32>} : memref<64x512xf32, #tpu.memory_space<vmem>>, vector<16xf32>,
      %mul3A_978 = arith.constant 16 : i32
      %mul3A_979 = arith.muli %scan3A_317, %mul3A_978 : i32
      %get3A_980 = arith.constant 46 : i32
      %get3A_981 = arith.index_cast %get3A_980 : i32 to index
      %get3A_982 = arith.index_cast %mul3A_979 : i32 to index
      %get3A_983 = tpu.vector_load %arg13[%get3A_981, %get3A_982] {strides = array<i32>} : memref<64x512xf32, #tpu.memory_space<vmem>>, vector<16xf32>,
      %mul3A_984 = arith.mulf %get3A_977, %get3A_983 : vector<16xf32>
      %add3A_985 = arith.addf %add3A_971, %mul3A_984 : vector<16xf32>
      %mul3A_986 = arith.constant 16 : i32
      %mul3A_987 = arith.muli %scan3A_317, %mul3A_986 : i32
      %get3A_988 = arith.constant 47 : i32
      %get3A_989 = arith.index_cast %get3A_988 : i32 to index
      %get3A_990 = arith.index_cast %mul3A_987 : i32 to index
      %get3A_991 = tpu.vector_load %arg12[%get3A_989, %get3A_990] {strides = array<i32>} : memref<64x512xf32, #tpu.memory_space<vmem>>, vector<16xf32>,
      %mul3A_992 = arith.constant 16 : i32
      %mul3A_993 = arith.muli %scan3A_317, %mul3A_992 : i32
      %get3A_994 = arith.constant 47 : i32
      %get3A_995 = arith.index_cast %get3A_994 : i32 to index
      %get3A_996 = arith.index_cast %mul3A_993 : i32 to index
      %get3A_997 = tpu.vector_load %arg13[%get3A_995, %get3A_996] {strides = array<i32>} : memref<64x512xf32, #tpu.memory_space<vmem>>, vector<16xf32>,
      %mul3A_998 = arith.mulf %get3A_991, %get3A_997 : vector<16xf32>
      %add3A_999 = arith.addf %add3A_985, %mul3A_998 : vector<16xf32>
      %mul3A_1000 = arith.constant 16 : i32
      %mul3A_1001 = arith.muli %scan3A_317, %mul3A_1000 : i32
      %get3A_1002 = arith.constant 48 : i32
      %get3A_1003 = arith.index_cast %get3A_1002 : i32 to index
      %get3A_1004 = arith.index_cast %mul3A_1001 : i32 to index
      %get3A_1005 = tpu.vector_load %arg12[%get3A_1003, %get3A_1004] {strides = array<i32>} : memref<64x512xf32, #tpu.memory_space<vmem>>, vector<16xf32>,
      %mul3A_1006 = arith.constant 16 : i32
      %mul3A_1007 = arith.muli %scan3A_317, %mul3A_1006 : i32
      %get3A_1008 = arith.constant 48 : i32
      %get3A_1009 = arith.index_cast %get3A_1008 : i32 to index
      %get3A_1010 = arith.index_cast %mul3A_1007 : i32 to index
      %get3A_1011 = tpu.vector_load %arg13[%get3A_1009, %get3A_1010] {strides = array<i32>} : memref<64x512xf32, #tpu.memory_space<vmem>>, vector<16xf32>,
      %mul3A_1012 = arith.mulf %get3A_1005, %get3A_1011 : vector<16xf32>
      %add3A_1013 = arith.addf %add3A_999, %mul3A_1012 : vector<16xf32>
      %mul3A_1014 = arith.constant 16 : i32
      %mul3A_1015 = arith.muli %scan3A_317, %mul3A_1014 : i32
      %get3A_1016 = arith.constant 49 : i32
      %get3A_1017 = arith.index_cast %get3A_1016 : i32 to index
      %get3A_1018 = arith.index_cast %mul3A_1015 : i32 to index
      %get3A_1019 = tpu.vector_load %arg12[%get3A_1017, %get3A_1018] {strides = array<i32>} : memref<64x512xf32, #tpu.memory_space<vmem>>, vector<16xf32>,
      %mul3A_1020 = arith.constant 16 : i32
      %mul3A_1021 = arith.muli %scan3A_317, %mul3A_1020 : i32
      %get3A_1022 = arith.constant 49 : i32
      %get3A_1023 = arith.index_cast %get3A_1022 : i32 to index
      %get3A_1024 = arith.index_cast %mul3A_1021 : i32 to index
      %get3A_1025 = tpu.vector_load %arg13[%get3A_1023, %get3A_1024] {strides = array<i32>} : memref<64x512xf32, #tpu.memory_space<vmem>>, vector<16xf32>,
      %mul3A_1026 = arith.mulf %get3A_1019, %get3A_1025 : vector<16xf32>
      %add3A_1027 = arith.addf %add3A_1013, %mul3A_1026 : vector<16xf32>
      %mul3A_1028 = arith.constant 16 : i32
      %mul3A_1029 = arith.muli %scan3A_317, %mul3A_1028 : i32
      %get3A_1030 = arith.constant 50 : i32
      %get3A_1031 = arith.index_cast %get3A_1030 : i32 to index
      %get3A_1032 = arith.index_cast %mul3A_1029 : i32 to index
      %get3A_1033 = tpu.vector_load %arg12[%get3A_1031, %get3A_1032] {strides = array<i32>} : memref<64x512xf32, #tpu.memory_space<vmem>>, vector<16xf32>,
      %mul3A_1034 = arith.constant 16 : i32
      %mul3A_1035 = arith.muli %scan3A_317, %mul3A_1034 : i32
      %get3A_1036 = arith.constant 50 : i32
      %get3A_1037 = arith.index_cast %get3A_1036 : i32 to index
      %get3A_1038 = arith.index_cast %mul3A_1035 : i32 to index
      %get3A_1039 = tpu.vector_load %arg13[%get3A_1037, %get3A_1038] {strides = array<i32>} : memref<64x512xf32, #tpu.memory_space<vmem>>, vector<16xf32>,
      %mul3A_1040 = arith.mulf %get3A_1033, %get3A_1039 : vector<16xf32>
      %add3A_1041 = arith.addf %add3A_1027, %mul3A_1040 : vector<16xf32>
      %mul3A_1042 = arith.constant 16 : i32
      %mul3A_1043 = arith.muli %scan3A_317, %mul3A_1042 : i32
      %get3A_1044 = arith.constant 51 : i32
      %get3A_1045 = arith.index_cast %get3A_1044 : i32 to index
      %get3A_1046 = arith.index_cast %mul3A_1043 : i32 to index
      %get3A_1047 = tpu.vector_load %arg12[%get3A_1045, %get3A_1046] {strides = array<i32>} : memref<64x512xf32, #tpu.memory_space<vmem>>, vector<16xf32>,
      %mul3A_1048 = arith.constant 16 : i32
      %mul3A_1049 = arith.muli %scan3A_317, %mul3A_1048 : i32
      %get3A_1050 = arith.constant 51 : i32
      %get3A_1051 = arith.index_cast %get3A_1050 : i32 to index
      %get3A_1052 = arith.index_cast %mul3A_1049 : i32 to index
      %get3A_1053 = tpu.vector_load %arg13[%get3A_1051, %get3A_1052] {strides = array<i32>} : memref<64x512xf32, #tpu.memory_space<vmem>>, vector<16xf32>,
      %mul3A_1054 = arith.mulf %get3A_1047, %get3A_1053 : vector<16xf32>
      %add3A_1055 = arith.addf %add3A_1041, %mul3A_1054 : vector<16xf32>
      %mul3A_1056 = arith.constant 16 : i32
      %mul3A_1057 = arith.muli %scan3A_317, %mul3A_1056 : i32
      %get3A_1058 = arith.constant 52 : i32
      %get3A_1059 = arith.index_cast %get3A_1058 : i32 to index
      %get3A_1060 = arith.index_cast %mul3A_1057 : i32 to index
      %get3A_1061 = tpu.vector_load %arg12[%get3A_1059, %get3A_1060] {strides = array<i32>} : memref<64x512xf32, #tpu.memory_space<vmem>>, vector<16xf32>,
      %mul3A_1062 = arith.constant 16 : i32
      %mul3A_1063 = arith.muli %scan3A_317, %mul3A_1062 : i32
      %get3A_1064 = arith.constant 52 : i32
      %get3A_1065 = arith.index_cast %get3A_1064 : i32 to index
      %get3A_1066 = arith.index_cast %mul3A_1063 : i32 to index
      %get3A_1067 = tpu.vector_load %arg13[%get3A_1065, %get3A_1066] {strides = array<i32>} : memref<64x512xf32, #tpu.memory_space<vmem>>, vector<16xf32>,
      %mul3A_1068 = arith.mulf %get3A_1061, %get3A_1067 : vector<16xf32>
      %add3A_1069 = arith.addf %add3A_1055, %mul3A_1068 : vector<16xf32>
      %mul3A_1070 = arith.constant 16 : i32
      %mul3A_1071 = arith.muli %scan3A_317, %mul3A_1070 : i32
      %get3A_1072 = arith.constant 53 : i32
      %get3A_1073 = arith.index_cast %get3A_1072 : i32 to index
      %get3A_1074 = arith.index_cast %mul3A_1071 : i32 to index
      %get3A_1075 = tpu.vector_load %arg12[%get3A_1073, %get3A_1074] {strides = array<i32>} : memref<64x512xf32, #tpu.memory_space<vmem>>, vector<16xf32>,
      %mul3A_1076 = arith.constant 16 : i32
      %mul3A_1077 = arith.muli %scan3A_317, %mul3A_1076 : i32
      %get3A_1078 = arith.constant 53 : i32
      %get3A_1079 = arith.index_cast %get3A_1078 : i32 to index
      %get3A_1080 = arith.index_cast %mul3A_1077 : i32 to index
      %get3A_1081 = tpu.vector_load %arg13[%get3A_1079, %get3A_1080] {strides = array<i32>} : memref<64x512xf32, #tpu.memory_space<vmem>>, vector<16xf32>,
      %mul3A_1082 = arith.mulf %get3A_1075, %get3A_1081 : vector<16xf32>
      %add3A_1083 = arith.addf %add3A_1069, %mul3A_1082 : vector<16xf32>
      %mul3A_1084 = arith.constant 16 : i32
      %mul3A_1085 = arith.muli %scan3A_317, %mul3A_1084 : i32
      %get3A_1086 = arith.constant 54 : i32
      %get3A_1087 = arith.index_cast %get3A_1086 : i32 to index
      %get3A_1088 = arith.index_cast %mul3A_1085 : i32 to index
      %get3A_1089 = tpu.vector_load %arg12[%get3A_1087, %get3A_1088] {strides = array<i32>} : memref<64x512xf32, #tpu.memory_space<vmem>>, vector<16xf32>,
      %mul3A_1090 = arith.constant 16 : i32
      %mul3A_1091 = arith.muli %scan3A_317, %mul3A_1090 : i32
      %get3A_1092 = arith.constant 54 : i32
      %get3A_1093 = arith.index_cast %get3A_1092 : i32 to index
      %get3A_1094 = arith.index_cast %mul3A_1091 : i32 to index
      %get3A_1095 = tpu.vector_load %arg13[%get3A_1093, %get3A_1094] {strides = array<i32>} : memref<64x512xf32, #tpu.memory_space<vmem>>, vector<16xf32>,
      %mul3A_1096 = arith.mulf %get3A_1089, %get3A_1095 : vector<16xf32>
      %add3A_1097 = arith.addf %add3A_1083, %mul3A_1096 : vector<16xf32>
      %mul3A_1098 = arith.constant 16 : i32
      %mul3A_1099 = arith.muli %scan3A_317, %mul3A_1098 : i32
      %get3A_1100 = arith.constant 55 : i32
      %get3A_1101 = arith.index_cast %get3A_1100 : i32 to index
      %get3A_1102 = arith.index_cast %mul3A_1099 : i32 to index
      %get3A_1103 = tpu.vector_load %arg12[%get3A_1101, %get3A_1102] {strides = array<i32>} : memref<64x512xf32, #tpu.memory_space<vmem>>, vector<16xf32>,
      %mul3A_1104 = arith.constant 16 : i32
      %mul3A_1105 = arith.muli %scan3A_317, %mul3A_1104 : i32
      %get3A_1106 = arith.constant 55 : i32
      %get3A_1107 = arith.index_cast %get3A_1106 : i32 to index
      %get3A_1108 = arith.index_cast %mul3A_1105 : i32 to index
      %get3A_1109 = tpu.vector_load %arg13[%get3A_1107, %get3A_1108] {strides = array<i32>} : memref<64x512xf32, #tpu.memory_space<vmem>>, vector<16xf32>,
      %mul3A_1110 = arith.mulf %get3A_1103, %get3A_1109 : vector<16xf32>
      %add3A_1111 = arith.addf %add3A_1097, %mul3A_1110 : vector<16xf32>
      %mul3A_1112 = arith.constant 16 : i32
      %mul3A_1113 = arith.muli %scan3A_317, %mul3A_1112 : i32
      %get3A_1114 = arith.constant 56 : i32
      %get3A_1115 = arith.index_cast %get3A_1114 : i32 to index
      %get3A_1116 = arith.index_cast %mul3A_1113 : i32 to index
      %get3A_1117 = tpu.vector_load %arg12[%get3A_1115, %get3A_1116] {strides = array<i32>} : memref<64x512xf32, #tpu.memory_space<vmem>>, vector<16xf32>,
      %mul3A_1118 = arith.constant 16 : i32
      %mul3A_1119 = arith.muli %scan3A_317, %mul3A_1118 : i32
      %get3A_1120 = arith.constant 56 : i32
      %get3A_1121 = arith.index_cast %get3A_1120 : i32 to index
      %get3A_1122 = arith.index_cast %mul3A_1119 : i32 to index
      %get3A_1123 = tpu.vector_load %arg13[%get3A_1121, %get3A_1122] {strides = array<i32>} : memref<64x512xf32, #tpu.memory_space<vmem>>, vector<16xf32>,
      %mul3A_1124 = arith.mulf %get3A_1117, %get3A_1123 : vector<16xf32>
      %add3A_1125 = arith.addf %add3A_1111, %mul3A_1124 : vector<16xf32>
      %mul3A_1126 = arith.constant 16 : i32
      %mul3A_1127 = arith.muli %scan3A_317, %mul3A_1126 : i32
      %get3A_1128 = arith.constant 57 : i32
      %get3A_1129 = arith.index_cast %get3A_1128 : i32 to index
      %get3A_1130 = arith.index_cast %mul3A_1127 : i32 to index
      %get3A_1131 = tpu.vector_load %arg12[%get3A_1129, %get3A_1130] {strides = array<i32>} : memref<64x512xf32, #tpu.memory_space<vmem>>, vector<16xf32>,
      %mul3A_1132 = arith.constant 16 : i32
      %mul3A_1133 = arith.muli %scan3A_317, %mul3A_1132 : i32
      %get3A_1134 = arith.constant 57 : i32
      %get3A_1135 = arith.index_cast %get3A_1134 : i32 to index
      %get3A_1136 = arith.index_cast %mul3A_1133 : i32 to index
      %get3A_1137 = tpu.vector_load %arg13[%get3A_1135, %get3A_1136] {strides = array<i32>} : memref<64x512xf32, #tpu.memory_space<vmem>>, vector<16xf32>,
      %mul3A_1138 = arith.mulf %get3A_1131, %get3A_1137 : vector<16xf32>
      %add3A_1139 = arith.addf %add3A_1125, %mul3A_1138 : vector<16xf32>
      %mul3A_1140 = arith.constant 16 : i32
      %mul3A_1141 = arith.muli %scan3A_317, %mul3A_1140 : i32
      %get3A_1142 = arith.constant 58 : i32
      %get3A_1143 = arith.index_cast %get3A_1142 : i32 to index
      %get3A_1144 = arith.index_cast %mul3A_1141 : i32 to index
      %get3A_1145 = tpu.vector_load %arg12[%get3A_1143, %get3A_1144] {strides = array<i32>} : memref<64x512xf32, #tpu.memory_space<vmem>>, vector<16xf32>,
      %mul3A_1146 = arith.constant 16 : i32
      %mul3A_1147 = arith.muli %scan3A_317, %mul3A_1146 : i32
      %get3A_1148 = arith.constant 58 : i32
      %get3A_1149 = arith.index_cast %get3A_1148 : i32 to index
      %get3A_1150 = arith.index_cast %mul3A_1147 : i32 to index
      %get3A_1151 = tpu.vector_load %arg13[%get3A_1149, %get3A_1150] {strides = array<i32>} : memref<64x512xf32, #tpu.memory_space<vmem>>, vector<16xf32>,
      %mul3A_1152 = arith.mulf %get3A_1145, %get3A_1151 : vector<16xf32>
      %add3A_1153 = arith.addf %add3A_1139, %mul3A_1152 : vector<16xf32>
      %mul3A_1154 = arith.constant 16 : i32
      %mul3A_1155 = arith.muli %scan3A_317, %mul3A_1154 : i32
      %get3A_1156 = arith.constant 59 : i32
      %get3A_1157 = arith.index_cast %get3A_1156 : i32 to index
      %get3A_1158 = arith.index_cast %mul3A_1155 : i32 to index
      %get3A_1159 = tpu.vector_load %arg12[%get3A_1157, %get3A_1158] {strides = array<i32>} : memref<64x512xf32, #tpu.memory_space<vmem>>, vector<16xf32>,
      %mul3A_1160 = arith.constant 16 : i32
      %mul3A_1161 = arith.muli %scan3A_317, %mul3A_1160 : i32
      %get3A_1162 = arith.constant 59 : i32
      %get3A_1163 = arith.index_cast %get3A_1162 : i32 to index
      %get3A_1164 = arith.index_cast %mul3A_1161 : i32 to index
      %get3A_1165 = tpu.vector_load %arg13[%get3A_1163, %get3A_1164] {strides = array<i32>} : memref<64x512xf32, #tpu.memory_space<vmem>>, vector<16xf32>,
      %mul3A_1166 = arith.mulf %get3A_1159, %get3A_1165 : vector<16xf32>
      %add3A_1167 = arith.addf %add3A_1153, %mul3A_1166 : vector<16xf32>
      %mul3A_1168 = arith.constant 16 : i32
      %mul3A_1169 = arith.muli %scan3A_317, %mul3A_1168 : i32
      %get3A_1170 = arith.constant 60 : i32
      %get3A_1171 = arith.index_cast %get3A_1170 : i32 to index
      %get3A_1172 = arith.index_cast %mul3A_1169 : i32 to index
      %get3A_1173 = tpu.vector_load %arg12[%get3A_1171, %get3A_1172] {strides = array<i32>} : memref<64x512xf32, #tpu.memory_space<vmem>>, vector<16xf32>,
      %mul3A_1174 = arith.constant 16 : i32
      %mul3A_1175 = arith.muli %scan3A_317, %mul3A_1174 : i32
      %get3A_1176 = arith.constant 60 : i32
      %get3A_1177 = arith.index_cast %get3A_1176 : i32 to index
      %get3A_1178 = arith.index_cast %mul3A_1175 : i32 to index
      %get3A_1179 = tpu.vector_load %arg13[%get3A_1177, %get3A_1178] {strides = array<i32>} : memref<64x512xf32, #tpu.memory_space<vmem>>, vector<16xf32>,
      %mul3A_1180 = arith.mulf %get3A_1173, %get3A_1179 : vector<16xf32>
      %add3A_1181 = arith.addf %add3A_1167, %mul3A_1180 : vector<16xf32>
      %mul3A_1182 = arith.constant 16 : i32
      %mul3A_1183 = arith.muli %scan3A_317, %mul3A_1182 : i32
      %get3A_1184 = arith.constant 61 : i32
      %get3A_1185 = arith.index_cast %get3A_1184 : i32 to index
      %get3A_1186 = arith.index_cast %mul3A_1183 : i32 to index
      %get3A_1187 = tpu.vector_load %arg12[%get3A_1185, %get3A_1186] {strides = array<i32>} : memref<64x512xf32, #tpu.memory_space<vmem>>, vector<16xf32>,
      %mul3A_1188 = arith.constant 16 : i32
      %mul3A_1189 = arith.muli %scan3A_317, %mul3A_1188 : i32
      %get3A_1190 = arith.constant 61 : i32
      %get3A_1191 = arith.index_cast %get3A_1190 : i32 to index
      %get3A_1192 = arith.index_cast %mul3A_1189 : i32 to index
      %get3A_1193 = tpu.vector_load %arg13[%get3A_1191, %get3A_1192] {strides = array<i32>} : memref<64x512xf32, #tpu.memory_space<vmem>>, vector<16xf32>,
      %mul3A_1194 = arith.mulf %get3A_1187, %get3A_1193 : vector<16xf32>
      %add3A_1195 = arith.addf %add3A_1181, %mul3A_1194 : vector<16xf32>
      %mul3A_1196 = arith.constant 16 : i32
      %mul3A_1197 = arith.muli %scan3A_317, %mul3A_1196 : i32
      %get3A_1198 = arith.constant 62 : i32
      %get3A_1199 = arith.index_cast %get3A_1198 : i32 to index
      %get3A_1200 = arith.index_cast %mul3A_1197 : i32 to index
      %get3A_1201 = tpu.vector_load %arg12[%get3A_1199, %get3A_1200] {strides = array<i32>} : memref<64x512xf32, #tpu.memory_space<vmem>>, vector<16xf32>,
      %mul3A_1202 = arith.constant 16 : i32
      %mul3A_1203 = arith.muli %scan3A_317, %mul3A_1202 : i32
      %get3A_1204 = arith.constant 62 : i32
      %get3A_1205 = arith.index_cast %get3A_1204 : i32 to index
      %get3A_1206 = arith.index_cast %mul3A_1203 : i32 to index
      %get3A_1207 = tpu.vector_load %arg13[%get3A_1205, %get3A_1206] {strides = array<i32>} : memref<64x512xf32, #tpu.memory_space<vmem>>, vector<16xf32>,
      %mul3A_1208 = arith.mulf %get3A_1201, %get3A_1207 : vector<16xf32>
      %add3A_1209 = arith.addf %add3A_1195, %mul3A_1208 : vector<16xf32>
      %mul3A_1210 = arith.constant 16 : i32
      %mul3A_1211 = arith.muli %scan3A_317, %mul3A_1210 : i32
      %get3A_1212 = arith.constant 63 : i32
      %get3A_1213 = arith.index_cast %get3A_1212 : i32 to index
      %get3A_1214 = arith.index_cast %mul3A_1211 : i32 to index
      %get3A_1215 = tpu.vector_load %arg12[%get3A_1213, %get3A_1214] {strides = array<i32>} : memref<64x512xf32, #tpu.memory_space<vmem>>, vector<16xf32>,
      %mul3A_1216 = arith.constant 16 : i32
      %mul3A_1217 = arith.muli %scan3A_317, %mul3A_1216 : i32
      %get3A_1218 = arith.constant 63 : i32
      %get3A_1219 = arith.index_cast %get3A_1218 : i32 to index
      %get3A_1220 = arith.index_cast %mul3A_1217 : i32 to index
      %get3A_1221 = tpu.vector_load %arg13[%get3A_1219, %get3A_1220] {strides = array<i32>} : memref<64x512xf32, #tpu.memory_space<vmem>>, vector<16xf32>,
      %mul3A_1222 = arith.mulf %get3A_1215, %get3A_1221 : vector<16xf32>
      %add3A_1223 = arith.addf %add3A_1209, %mul3A_1222 : vector<16xf32>
      %mul3A_1224 = arith.constant 16 : i32
      %mul3A_1225 = arith.muli %scan3A_317, %mul3A_1224 : i32
      %swap3A = arith.index_cast %mul3A_1225 : i32 to index
      %swap3A_1226 = tpu.vector_load %arg17[%swap3A] {strides = array<i32>} : memref<512xf32, #tpu.memory_space<vmem>>, vector<16xf32>,
      tpu.vector_store %arg17[%swap3A], %add3A_1223 {strides = array<i32>} : memref<512xf32, #tpu.memory_space<vmem>>, vector<16xf32>,
    }
    %scan3A_314 = arith.constant 32 : i32
    %mul3A_315 = arith.constant 512 : i32
    %mul3A_316 = arith.muli %add3A, %mul3A_315 : i32
    "tpu.region"() ({
      %run_scoped3A = tpu.sem_alloc : memref<!tpu.dma_semaphore, #tpu.memory_space<semaphore_mem>>
      %dma_start3A_317 = tpu.memref_slice %arg9[%mul3A_316] : memref<16384xf32, #tpu.memory_space<hbm>> -> memref<512xf32, #tpu.memory_space<hbm>>
      %dma_start3A_318 = tpu.memref_slice %arg9[%mul3A_316] : memref<16384xf32, #tpu.memory_space<hbm>> -> memref<512xf32, #tpu.memory_space<hbm>>
      tpu.enqueue_dma source(%arg17 : memref<512xf32, #tpu.memory_space<vmem>>) target(%dma_start3A_318 : memref<512xf32, #tpu.memory_space<hbm>>) target_semaphore(%run_scoped3A : memref<!tpu.dma_semaphore, #tpu.memory_space<semaphore_mem>>)
      %dma_wait3A_319 = tpu.memref_slice %arg9[%mul3A_316] : memref<16384xf32, #tpu.memory_space<hbm>> -> memref<512xf32, #tpu.memory_space<hbm>>
      %dma_wait3A_320 = tpu.memref_slice %arg9[%mul3A_316] : memref<16384xf32, #tpu.memory_space<hbm>> -> memref<512xf32, #tpu.memory_space<hbm>>
      tpu.wait_dma2 semaphore(%run_scoped3A : memref<!tpu.dma_semaphore, #tpu.memory_space<semaphore_mem>>) src(%arg17 : memref<512xf32, #tpu.memory_space<vmem>>) dst(%dma_wait3A_320 : memref<512xf32, #tpu.memory_space<hbm>>)
      tpu.yield
    }) : () -> ()
    return
  }
}

</mosaic_0001>

<sc_bundles>
// kernel: kernel.4.cloned.1.call-start
scs
__scs_entry_jumppad:
0x0: {  	(pc) =	sbr.rel $0x88, $3  }
0x1: {  	(tag) =	ssettag $0x0;
	lr =	simm.s32 $0x1  }
0x2: {  	[smem:$0x3F9A] =	sst lr;
	_ =	strace $0xD0000000  }
0x3: {  	_ = 	snop  }
0x4: {  	_ = 	snop  }
0x5: {  	_ = 	snop  }
0x6: {  	_ = 	snop  }
0x7: {  	_ = 	snop  }
__scs_overlays_trampoline_lowered:
0x8: {  	[smem:$0x3FA9] =	sst s0  }
0x9: {  	[smem:$0x3FAA] =	sst s1  }
0xa: {  	[smem:$0x3FAB] =	sst s2  }
0xb: {  	[smem:$0x3FAC] =	sst s3  }
0xc: {  	[smem:$0x3FAD] =	sst s4  }
0xd: {  	[smem:$0x3FAE] =	sst s5  }
0xe: {  	[smem:$0x3FAF] =	sst s6  }
0xf: {  	[smem:$0x3FB0] =	sst s7  }
0x10: {  	[smem:$0x3FB1] =	sst s8  }
0x11: {  	[smem:$0x3FB2] =	sst s9;
	s0 =	simm.s32 @!p0 $0x0  }
0x12: {  	s1 =	sld [smem:$0x3F98];
	s0 =	simm.s32 @p0 $0x1  }
0x13: {  	[smem:$0x3FB3] =	sst s0;
	s0 =	simm.s32 @!p1 $0x0  }
0x14: {  	s2 =	sld [smem:$0x3F97];
	s0 =	simm.s32 @p1 $0x1  }
0x15: {  	[smem:$0x3FB4] =	sst s0;
	s0 =	simm.s32 @!p2 $0x0  }
0x16: {  	s3 =	sld [smem:$0x3FDB];
	s0 =	simm.s32 @p2 $0x1  }
0x17: {  	s4 =	simm.s32 $0x1BF5;
	[smem:$0x3FB6] =	sst s0  }
0x18: {  	s0 =	sld [smem:$0x3F99];
	_ =	swait.ge [sflag:s4], $0x0  }
0x19: {  	s7 =	sld [smem:$0x3F9A]  }
0x1a: {  	s8 =	sadd.s32 $0xFFFFE003, lr  }
0x1b: {  	s9 =	sadd.s32 $0xFFFFFEF7, lr;
	s5 =	simm.s32 $0xFFFFFFFF;
	p2 =	slt.u32 s8, $0xFFFFF086  }
0x1c: {  	p1 =	slt.u32 s9, $0xF7A;
	s5 =	simm.s32 @!p2 $0x0  }
0x1d: {  	s5 =	simm.s32 @p1 $0x1;
	p0 =	seq.s32 s7, s2  }
0x1e: {  	s7 =	smul.u32 @!p0 $0xF7A, s2;
	p2 =	seq.s32 @!p0 s5, $0x0  }
0x1f: {  	s9 =	smul.u32 $0xF7A, s1;
	s8 =	simm.s32 @!p0 $0x1BF5;
	p2 =	por !p2, p0  }
0x20: {  	[sflag:s8] =	ssyncset.s32 @!p0 $0xFFFFF086;
	s6 =	sadd.s32 @!p0 s3, s7;
	s7 =	simm.s32 @!p0 $0x108  }
0x21: {  	s3 =	sadd.s32 s3, s9;
	s6 =	sadd.s32 @!p0 $0x88, s6;
	s7 =	simm.s32 @p2 $0x1082  }
0x22: {  	[simem:s7], [sflag:s8] =	dma.local @!p0 [hbm:s6], $0xF7A  }
0x23: {  	s9 =	sor.u32 $0xD0000000, s2;
	s6 =	simm.s32 $0x108;
	_ =	swait.ge @!p0 [sflag:s8], $0x0  }
0x24: {  	s3 =	sadd.s32 $0x88, s3;
	s6 =	simm.s32 @!p1 $0x1082;
	[sflag:s4] =	ssyncset.s32 $0xFFFFF086  }
0x25: {  	[simem:s6], [sflag:s4] =	dma.local [hbm:s3], $0xF7A  }
0x26: {  	[smem:$0x3F9A] =	sst s1;
	(tag) =	ssettag s2;
	_ =	strace s9  }
0x27: {  	s1 =	sld [smem:$0x3FAA]  }
0x28: {  	s2 =	sld [smem:$0x3FAB]  }
0x29: {  	s4 =	sld [smem:$0x3FAD]  }
0x2a: {  	p0 =	seq.s32 s5, $0x0;
	s5 =	sld [smem:$0x3FAE]  }
0x2b: {  	s6 =	sld [smem:$0x3FAF]  }
0x2c: {  	s7 =	sld [smem:$0x3FB0]  }
0x2d: {  	s3 =	simm.s32 $0x108;
	s8 =	sld [smem:$0x3FB1]  }
0x2e: {  	s3 =	simm.s32 @!p0 $0x1082;
	s9 =	sld [smem:$0x3FB2]  }
0x2f: {  	lr =	sadd.s32 s0, s3;
	s0 =	sld [smem:$0x3FA9]  }
0x30: {  	s3 =	sld [smem:$0x3FAC]  }
0x31: {  	[smem:$0x3FB5] =	sst s10  }
0x32: {  	s10 =	sld [smem:$0x3FB3];
	_ =	sdelay $0x3  }
0x33: {  	p0 =	seq.s32 s10, $0x1;
	s10 =	sld [smem:$0x3FB5];
	_ =	sdelay $0x3  }
0x34: {  	[smem:$0x3FB5] =	sst s10  }
0x35: {  	s10 =	sld [smem:$0x3FB4];
	_ =	sdelay $0x3  }
0x36: {  	p1 =	seq.s32 s10, $0x1;
	s10 =	sld [smem:$0x3FB5];
	_ =	sdelay $0x3  }
0x37: {  	[smem:$0x3FB5] =	sst s10  }
0x38: {  	s10 =	sld [smem:$0x3FB6]  }
0x39: {  	_ = 	snop;
	(pc) =	sbr.ind lr, $3  }
0x3a: {  	_ = 	snop  }
0x3b: {  	_ = 	snop  }
0x3c: {  	p2 =	seq.s32 s10, $0x1;
	s10 =	sld [smem:$0x3FB5]  }
0x3d: {  	_ =	shalt  }
0x3e: {  	_ =	shalt  }
0x3f: {  	_ =	shalt  }
0x40: {  	_ =	shalt  }
0x41: {  	_ =	shalt  }
0x42: {  	_ =	shalt  }
0x43: {  	_ =	shalt  }
0x44: {  	_ =	shalt  }
0x45: {  	_ =	shalt  }
0x46: {  	_ =	shalt  }
0x47: {  	_ =	shalt  }
0x48: {  	_ =	shalt  }
0x49: {  	_ =	shalt  }
0x4a: {  	_ =	shalt  }
0x4b: {  	_ =	shalt  }
0x4c: {  	_ =	shalt  }
0x4d: {  	_ =	shalt  }
0x4e: {  	_ =	shalt  }
0x4f: {  	_ =	shalt  }
0x50: {  	_ =	shalt  }
0x51: {  	_ =	shalt  }
0x52: {  	_ =	shalt  }
0x53: {  	_ =	shalt  }
0x54: {  	_ =	shalt  }
0x55: {  	_ =	shalt  }
0x56: {  	_ =	shalt  }
0x57: {  	_ =	shalt  }
0x58: {  	_ =	shalt  }
0x59: {  	_ =	shalt  }
0x5a: {  	_ =	shalt  }
0x5b: {  	_ =	shalt  }
0x5c: {  	_ =	shalt  }
0x5d: {  	_ =	shalt  }
0x5e: {  	_ =	shalt  }
0x5f: {  	_ =	shalt  }
0x60: {  	_ =	shalt  }
0x61: {  	_ =	shalt  }
0x62: {  	_ =	shalt  }
0x63: {  	_ =	shalt  }
0x64: {  	_ =	shalt  }
0x65: {  	_ =	shalt  }
0x66: {  	_ =	shalt  }
0x67: {  	_ =	shalt  }
0x68: {  	_ =	shalt  }
0x69: {  	_ =	shalt  }
0x6a: {  	_ =	shalt  }
0x6b: {  	_ =	shalt  }
0x6c: {  	_ =	shalt  }
0x6d: {  	_ =	shalt  }
0x6e: {  	_ =	shalt  }
0x6f: {  	_ =	shalt  }
0x70: {  	_ =	shalt  }
0x71: {  	_ =	shalt  }
0x72: {  	_ =	shalt  }
0x73: {  	_ =	shalt  }
0x74: {  	_ =	shalt  }
0x75: {  	_ =	shalt  }
0x76: {  	_ =	shalt  }
0x77: {  	_ =	shalt  }
0x78: {  	_ =	shalt  }
0x79: {  	_ =	shalt  }
0x7a: {  	_ =	shalt  }
0x7b: {  	_ =	shalt  }
0x7c: {  	_ =	shalt  }
0x7d: {  	_ =	shalt  }
0x7e: {  	_ =	shalt  }
0x7f: {  	_ =	shalt  }
0x80: {  	_ =	shalt  }
0x81: {  	_ =	shalt  }
0x82: {  	_ =	shalt  }
0x83: {  	_ =	shalt  }
0x84: {  	_ =	shalt  }
0x85: {  	_ =	shalt  }
0x86: {  	_ =	shalt  }
0x87: {  	_ =	shalt  }
.Lfunc_end0:
.L_simem_size_0:
called_computation_lowered:
.L_overlay_start_0:
0x88: {  	s2 =	sld [smem:$0x3FD9]  }
0x89: {  	s3 =	sld [smem:$0x3FFE];
	_ =	sdelay $0x1  }
0x8a: {  	s1 =	srdreg.scid  }
0x8b: {  	s0 =	sand.u32 $0x1, s1  }
0x8c: {  	s17 =	sshll.u32 s0, $0xA;
	s2 =	sadd.s32 s3, s2  }
0x8d: {  	s2 =	sadd.s32 s2, s17  }
0x8e: {  	[smem:$0x3FC1] =	sst s2  }
0x8f: {  	_ = 	snop  }
0x90: {  	s2 =	sld [smem:$0x3FC7]  }
0x91: {  	s18 =	sld [smem:$0x3FC6];
	(tm) =	ssettm $0x1  }
0x92: {  	s4 =	sld [smem:$0x3FFB];
	_ =	sdelay $0x3  }
0x93: {  	_ =	strace s4  }
0x94: {  	s4 =	sld [smem:$0x3FFC];
	_ =	sdelay $0x3  }
0x95: {  	_ =	strace s4  }
0x96: {  	s4 =	sld [smem:$0x3FFD];
	_ =	sdelay $0x3  }
0x97: {  	_ =	strace s4  }
0x98: {  	_ =	strace $0x8FFFFFFF  }
0x99: {  	s19 =	sld [smem:$0x3FDB];
	_ =	sdelay $0x1  }
0x9a: {  	s5 =	simm.s32 $_scs_section_size  }
0x9b: {  	s6 =	simm.s32 $_size__tile_overlayer_lowered;
	s7 =	simm.s32 $_tile_overlayer_lowered  }
0x9c: {  	s22 =	simm.s32 $0x1BFF;
	s21 =	sshll.u32 s7, $0x1;
	s4 =	sadd.s32 s5, s19  }
0x9d: {  	s8 =	simm.s32 $0x0;
	s20 =	sshll.u32 s6, $0x1;
	s6 =	sadd.s32 s21, s4  }
0x9e: {  	[timem:s8], [sflag:s22] =	dma.local [hbm:s6], s20  }
0x9f: {  	_ =	swait.ge [sflag:s22], s20  }
0xa0: {  	s5 =	ssub.s32 $0x0, s20;
	[sflag:s22] =	ssyncset.done $0x0  }
0xa1: {  	[sflag:s22] =	ssyncadd.s32 s5;
	_ =	sdelay $0x1  }
0xa2: {  	s23 =	simm.s32 $0x1B8B  }
0xa3: {  	_ =	swait.ge [sflag:s23], $0x1  }
0xa4: {  	[sflag:s23] =	ssyncset.done $0x0  }
0xa5: {  	s25 =	simm.s32 $0x1B8E;
	s24 =	sld [smem:$0x3FFE];
	[sflag:s23] =	ssyncadd.s32 $0xFFFFFFFF  }
0xa6: {  	s26 =	simm.s32 $execute0_lowered;
	[smem:$0x3FD2] =	sst s25  }
0xa7: {  	s6 =	sshll.u32 s26, $0x1;
	_ =	strace $0x80000046;
	[dreg:$0x1] =	wrdreg $0xFFFFFFFF  }
0xa8: {  	s28 =	simm.s32 $_size_execute0_lowered;
	s4 =	sadd.s32 s4, s6;
	[dreg:$0x0] =	wrdreg $0x0  }
0xa9: {  	s6 =	sshll.u32 s28, $0x1;
	[dreg:$0x2] =	wrdreg s4  }
0xaa: {  	[dreg:$0x3] =	wrdreg s6  }
0xab: {  	[dreg:$0x4] =	wrdreg $0xC0  }
0xac: {  	_ =	task [dreg:s8], $0x5FFFF  }
0xad: {  	[dreg:$0x1] =	wrdreg $0xFFFFFFFF  }
0xae: {  	[dreg:$0x0] =	wrdreg $0x60  }
0xaf: {  	[dreg:$0x2] =	wrdreg s2  }
0xb0: {  	[dreg:$0x3] =	wrdreg s18  }
0xb1: {  	[dreg:$0x4] =	wrdreg s24  }
0xb2: {  	[dreg:$0x5] =	wrdreg $0x9  }
0xb3: {  	_ =	task.clear_ibuf [dreg:s8], $0x6FFFF;
	_ =	strace $0x90000046  }
0xb4: {  	s29 =	simm.s32 $0x9;
	_ =	strace $0x80000048  }
0xb5: {  	_ =	swait.ge [sflag:s29], $0x1  }
0xb6: {  	[sflag:s29] =	ssyncadd.s32 $0xFFFFFFFF  }
0xb7: {  	_ =	strace $0x90000048  }
0xb8: {  	_ =	sfence  }
0xb9: {  	s30 =	sld [smem:$0x0];
	_ =	sdelay $0x2  }
0xba: {  	s31 =	sshll.u32 s1, $0xD;
	s1 =	sshrl.u32 s1, $0x2  }
0xbb: {  	s3 =	sand.u32 $0x4000, s31;
	s1 =	sadd.s32 s1, s30  }
0xbc: {  	s0 =	sor.u32 s3, s0;
	s1 =	sshll.u32 s1, $0x11  }
0xbd: {  	s0 =	sor.u32 s1, s0  }
0xbe: {  	s0 =	sadd.s32 $0x8F2B, s0  }
0xbf: {  	[sflag:s0] =	ssyncadd.remote.s32 $0x1  }
0xc0: {  	_ =	sfence.sel $0xFFFF  }
0xc1: {  	[dreg:$0x0] =	wrdreg $0xFFFFFFFF;
	(pc) =	sbr.abs _section_cstart, $3  }
0xc2: {  	[dreg:$0x1] =	wrdreg $0xFFFFFFFF  }
0xc3: {  	_ =	task.clear_ibuf [dreg:s8], $0x2FFFF;
	_ =	strace $0x9FFFFFFF  }
0xc4: {  	(tm) =	ssettm $0x7FFFFFFF  }
0xc5: {  	_ =	shalt  }
tec
execute0_lowered:
.L_overlay_start_1:
0x0: {  	(tag) =	ssettag $0x1  }
0x1: {  	s1 =	rddreg [dreg:$0x0]  }
0x2: {  	s2 =	rddreg [dreg:$0x1]  }
0x3: {  	s0 =	rddreg [dreg:$0x2]  }
0x4: {  	s4 =	simm.s32 $0x0;
	s3 =	srdreg.scid;
	s14 =	stileid.u32  }
0x5: {  	s28 =	simm.s32 $0x7E00;
	s29 =	simm.s32 $0xBD00;
	s30 =	simm.s32 $0x1  }
0x6: {  	s31 =	simm.s32 $0x2;
	[smem:$0x7FF] =	sst s4;
	s5 =	sadd.s32 $0x600, s0  }
0x7: {  	s3 =	sand.u32 $0x1, s3;
	s7 =	sand.u32 $0x7, s14;
	s6 =	sadd.s32 $0x7A1A00, s0  }
0x8: {  	s9 =	sshll.u32 s14, $0x3;
	s12 =	smul.u32 $0x7A1400, s14;
	p0 =	slt.u32 s14, $0x8  }
0x9: {  	p1 =	sgt.u32 s14, $0x7;
	s21 =	ssub.s32 $0x2, s3;
	s7 =	smul.u32 $0x7A1400, s7  }
0xa: {  	_ =	strace $0x80000047;
	s11 =	sshll.u32 s3, $0x9;
	s8 =	sshrl.u32 s21, $0x1  }
0xb: {  	s3 =	sshll.u32 s3, $0x2;
	s10 =	sor.u32 s11, s7;
	s0 =	ssub.s32 s21, s8  }
0xc: {  	s7 =	sor.u32 s3, s9;
	s3 =	sor.u32 s11, s12;
	s22 =	sshrl.u32 s10, $0x3  }
0xd: {  	s23 =	sshrl.u32 s3, $0x3;
	s24 =	sand.u32 $0x3C, s7;
	s15 =	sor.u32 $0x1, s7  }
0xe: {  	s0 =	smax.u32 s0, $0x1;
	s20 =	sor.u32 $0x2, s7;
	[dreg:$0x4] =	wrdreg s24  }
0xf: {  	s8 =	sadd.s32 s2, s22;
	s9 =	sadd.s32 s1, s23;
	[dreg:$0x7] =	wrdreg s0  }
0x10: {  	s13 =	sshrl.u32 s24, $0x3;
	s25 =	sand.u32 $0x3D, s15;
	[dreg:$0x5] =	wrdreg s15  }
0x11: {  	s18 =	sshll.u32 s15, $0x7;
	s21 =	sand.u32 $0x3E, s20;
	[dreg:$0x8] =	wrdreg s20  }
0x12: {  	s15 =	sor.u32 $0x3, s7;
	s26 =	smul.u32 $0x7A1400, s13;
	[dreg:$0x6] =	wrdreg s25  }
0x13: {  	s16 =	sshrl.u32 s25, $0x3;
	s8 =	smov.u32 @p0 s9;
	s19 =	sand.u32 $0x280, s18  }
0x14: {  	[dreg:$0x9] =	wrdreg s21;
	s22 =	sand.u32 $0x3F, s15;
	s18 =	sshll.u32 s20, $0x7  }
0x15: {  	s20 =	sshll.u32 s15, $0x7;
	s17 =	smul.u32 $0x7A1400, s16;
	[dreg:$0xa] =	wrdreg s22  }
0x16: {  	s18 =	sand.u32 $0x300, s18;
	s23 =	sand.u32 $0x380, s20;
	s25 =	sadd.s32 $0x3F00, s8  }
0x17: {  	s0 =	sor.u32 s11, s26;
	s11 =	sor.u32 s12, s19;
	s24 =	sor.u32 s12, s18  }
0x18: {  	s12 =	sor.u32 s12, s23;
	[dreg:$0xb] =	wrdreg s25;
	s26 =	sadd.s32 $0x7E00, s8  }
0x19: {  	s9 =	sor.u32 s19, s17;
	s17 =	sshrl.u32 s21, $0x3;
	s19 =	sshrl.u32 s22, $0x3  }
0x1a: {  	[dreg:$0xc] =	wrdreg s26;
	s0 =	smov.u32 @p0 s3;
	s17 =	smul.u32 $0x7A1400, s17  }
0x1b: {  	s26 =	simm.s32 $0x3F00;
	s3 =	simm.s32 $0x3;
	s19 =	smul.u32 $0x7A1400, s19  }
.Ltmp0:
0x1c: {  	s9 =	smov.u32 @p0 s11;
	s22 =	sshrl.u32 s0, $0x3;
	(pc) =	sbr.rel .LBB2_1-.Ltmp0, $4  }
0x1d: {  	s0 =	simm.s32 $0xFC00;
	s21 =	sor.u32 s18, s17;
	s20 =	sor.u32 s23, s19  }
0x1e: {  	s19 =	sadd.s32 $0xBD00, s8;
	s23 =	sshrl.u32 s9, $0x3;
	s12 =	smov.u32 @p1 s20  }
0x1f: {  	s20 =	simm.s32 $0x80;
	s24 =	smov.u32 @p1 s21;
	s21 =	simm.s32 $0x400  }
0x20: {  	s24 =	sshrl.u32 s24, $0x3;
	s25 =	sshrl.u32 s12, $0x3;
	s12 =	simm.s32 $0x0  }
.LBB2_4:
0x21: {  	_ =	swait.ge [sflag:s31], $0x3F00  }
0x22: {  	[sflag:s31] =	ssyncset.done $0x0  }
0x23: {  	[sflag:s31] =	ssyncadd.s32 $0xFFFFC100  }
0x24: {  	_ =	swait.ge [sflag:s31], $0x3F00  }
0x25: {  	[sflag:s31] =	ssyncset.done $0x0  }
0x26: {  	[sflag:s31] =	ssyncadd.s32 $0xFFFFC100  }
0x27: {  	s9 =	smov.u32 s2;
	_ =	swait.ge [sflag:s31], $0x3F00  }
0x28: {  	s13 =	smov.u32 s6;
	s9 =	smov.u32 @p0 s1;
	s10 =	rddreg [dreg:$0x4]  }
0x29: {  	s11 =	sadd.s32 s9, s22;
	[sflag:s31] =	ssyncset.done $0x0;
	s10 =	smov.u32 @p0 s7  }
0x2a: {  	s11 =	sadd.s32 $0xF4200, s11;
	[sflag:s31] =	ssyncadd.s32 $0xFFFFC100;
	s10 =	smul.u32 $0xF4280, s10  }
0x2b: {  	[tilespmem:s0], [sflag:$0x3] =	stream.linear.gather [hbm4b:s11+s4], $0x80, $0x38;
	[tilespmem:$0xFC80] =	vst v63  }
0x2c: {  	s13 =	smov.u32 @p0 s5;
	_ =	swait.ge [sflag:s3], $0x80;
	s10 =	sshrl.u32 s10, $0x3  }
0x2d: {  	[sflag:s3] =	ssyncset.done $0x0;
	s10 =	sadd.s32 s13, s10  }
0x2e: {  	[sflag:s3] =	ssyncadd.s32 $0xFFFFFF80;
	s10 =	sadd.s32 $0x1E840, s10  }
0x2f: {  	[hbm4b:s10+s4] =	stream.linear.scatter [tilespmem:s0], [sflag:$0x3], $0x40, $0x38;
	[tilespmem:$0xFC80] =	vst v63  }
0x30: {  	s10 =	rddreg [dreg:$0x6];
	_ =	swait.ge [sflag:s3], $0x40  }
0x31: {  	s11 =	rddreg [dreg:$0x5]  }
0x32: {  	s16 =	sadd.s32 s9, s23;
	[sflag:s3] =	ssyncset.done $0x0;
	s10 =	smov.u32 @p0 s11  }
0x33: {  	[sflag:s3] =	ssyncadd.s32 $0xFFFFFFC0;
	s11 =	sadd.s32 $0xF4200, s16;
	s10 =	smul.u32 $0xF4280, s10  }
0x34: {  	[tilespmem:s0], [sflag:$0x3] =	stream.linear.gather [hbm4b:s11+s4], $0x80, $0x38;
	[tilespmem:$0xFC80] =	vst v63  }
0x35: {  	_ =	swait.ge [sflag:s3], $0x80;
	s10 =	sshrl.u32 s10, $0x3  }
0x36: {  	[sflag:s3] =	ssyncset.done $0x0;
	s10 =	sadd.s32 s13, s10  }
0x37: {  	[sflag:s3] =	ssyncadd.s32 $0xFFFFFF80;
	s10 =	sadd.s32 $0x1E840, s10  }
0x38: {  	[hbm4b:s10+s4] =	stream.linear.scatter [tilespmem:s0], [sflag:$0x3], $0x40, $0x38;
	[tilespmem:$0xFC80] =	vst v63  }
0x39: {  	_ =	swait.ge [sflag:s3], $0x40  }
0x3a: {  	s10 =	smov.u32 s1;
	s11 =	rddreg [dreg:$0x8]  }
0x3b: {  	s10 =	smov.u32 @p1 s2;
	s14 =	rddreg [dreg:$0x9]  }
0x3c: {  	[sflag:s3] =	ssyncset.done $0x0;
	s10 =	sadd.s32 s10, s24;
	s11 =	smov.u32 @p1 s14  }
0x3d: {  	[sflag:s3] =	ssyncadd.s32 $0xFFFFFFC0;
	s10 =	sadd.s32 $0xF4200, s10;
	s11 =	smul.u32 $0xF4280, s11  }
0x3e: {  	[tilespmem:s0], [sflag:$0x3] =	stream.linear.gather [hbm4b:s10+s4], $0x80, $0x38;
	[tilespmem:$0xFC80] =	vst v63  }
0x3f: {  	s10 =	smov.u32 s5  }
0x40: {  	s10 =	smov.u32 @p1 s6;
	_ =	swait.ge [sflag:s3], $0x80;
	s11 =	sshrl.u32 s11, $0x3  }
0x41: {  	[sflag:s3] =	ssyncset.done $0x0;
	s10 =	sadd.s32 s10, s11  }
0x42: {  	[sflag:s3] =	ssyncadd.s32 $0xFFFFFF80;
	s10 =	sadd.s32 $0x1E840, s10  }
0x43: {  	[hbm4b:s10+s4] =	stream.linear.scatter [tilespmem:s0], [sflag:$0x3], $0x40, $0x38;
	[tilespmem:$0xFC80] =	vst v63  }
0x44: {  	_ =	swait.ge [sflag:s3], $0x40  }
0x45: {  	s10 =	smov.u32 s15;
	s11 =	rddreg [dreg:$0xa]  }
0x46: {  	s9 =	sadd.s32 s9, s25;
	[sflag:s3] =	ssyncset.done $0x0;
	s10 =	smov.u32 @p1 s11  }
0x47: {  	s9 =	sadd.s32 $0xF4200, s9;
	[sflag:s3] =	ssyncadd.s32 $0xFFFFFFC0;
	s10 =	smul.u32 $0xF4280, s10  }
0x48: {  	[tilespmem:s0], [sflag:$0x3] =	stream.linear.gather [hbm4b:s9+s4], $0x80, $0x38;
	[tilespmem:$0xFC80] =	vst v63  }
0x49: {  	_ =	swait.ge [sflag:s3], $0x80;
	s17 =	sshrl.u32 s10, $0x3  }
0x4a: {  	[sflag:s3] =	ssyncset.done $0x0;
	s9 =	sadd.s32 s13, s17  }
0x4b: {  	[sflag:s3] =	ssyncadd.s32 $0xFFFFFF80;
	s9 =	sadd.s32 $0x1E840, s9  }
0x4c: {  	[hbm4b:s9+s4] =	stream.linear.scatter [tilespmem:s0], [sflag:$0x3], $0x40, $0x38;
	[tilespmem:$0xFC80] =	vst v63  }
0x4d: {  	_ =	swait.ge [sflag:s3], $0x40  }
0x4e: {  	s12 =	sadd.s32 $0x1, s12;
	s18 =	rddreg [dreg:$0x7]  }
0x4f: {  	p2 =	sne.s32 s12, s18  }
.Ltmp1:
0x50: {  	_ = 	snop;
	(pc) =	sbr.rel @!p2 .LBB2_5-.Ltmp1, $3  }
0x51: {  	_ =	sdelay $0x1  }
0x52: {  	[sflag:s3] =	ssyncset.done $0x0  }
0x53: {  	[sflag:s3] =	ssyncadd.s32 $0xFFFFFFC0  }
.LBB2_1:
0x54: {  	[tilespmem:s4], [sflag:$0x1] =	stream.strided.gather [hbm4b:s8+s20], $0x3F00, s21, s20, $0x38;
	[tilespmem:$0xFC80] =	vst v63  }
0x55: {  	s9 =	rddreg [dreg:$0xb]  }
0x56: {  	[tilespmem:s26], [sflag:$0x1] =	stream.strided.gather [hbm4b:s9+s20], $0x3F00, s21, s20, $0x38;
	[tilespmem:$0xFC80] =	vst v63  }
0x57: {  	s18 =	rddreg [dreg:$0xc]  }
0x58: {  	[tilespmem:s28], [sflag:$0x1] =	stream.strided.gather [hbm4b:s18+s20], $0x3F00, s21, s20, $0x38;
	[tilespmem:$0xFC80] =	vst v63  }
0x59: {  	s9 =	simm.s32 $0x0  }
0x5a: {  	[tilespmem:s29], [sflag:$0x1] =	stream.strided.gather [hbm4b:s19+s20], $0x3F00, s21, s20, $0x38;
	[tilespmem:$0xFC80] =	vst v63  }
.LBB2_2:
0x5b: {  	s11 =	sshll.u32 s9, $0x1  }
0x5c: {  	s11 =	sand.u32 $0x7E, s11  }
0x5d: {  	s11 =	smul.u32 $0x85, s11;
	_ =	sdelay $0x1  }
0x5e: {  	s10 =	sshrl.u32 s11, $0xC  }
0x5f: {  	s14 =	smul.u32 $0x3E, s10  }
0x60: {  	s11 =	sshll.u32 s9, $0x2;
	s10 =	sadd.s32 s10, s7  }
0x61: {  	s17 =	sand.u32 $0x3F, s10;
	s16 =	ssub.s32 s11, s14  }
0x62: {  	s17 =	smul.u32 $0xF4280, s17;
	s16 =	sand.u32 $0xFE, s16  }
0x63: {  	_ =	swait.ge [sflag:s30], $0x3F00;
	s16 =	smul.u32 $0x3F00, s16  }
0x64: {  	[sflag:s30] =	ssyncset.done $0x0;
	s18 =	sor.u32 $0x1, s11;
	p2 =	sgt.u32 s10, $0x3F  }
0x65: {  	s10 =	smov.u32 s5;
	s14 =	ssub.s32 s18, s14;
	s16 =	sadd.s32 s16, s17  }
0x66: {  	s10 =	smov.u32 @p2 s6;
	s14 =	sand.u32 $0xFF, s14;
	s16 =	sshrl.u32 s16, $0x3  }
0x67: {  	[sflag:s30] =	ssyncadd.s32 $0xFFFFC100;
	s14 =	smul.u32 $0x3F00, s14;
	s16 =	sadd.s32 s10, s16  }
0x68: {  	[hbm4b:s16+s4] =	stream.linear.scatter [tilespmem:s4], [sflag:$0x2], $0x3F00, $0x38;
	[tilespmem:$0xFC80] =	vst v63  }
0x69: {  	s16 =	sor.u32 $0x2, s11  }
0x6a: {  	s14 =	sadd.s32 s14, s17;
	_ =	swait.ge [sflag:s30], $0x3F00;
	s13 =	sand.u32 $0xFE, s16  }
0x6b: {  	s14 =	sshrl.u32 s14, $0x3;
	[sflag:s30] =	ssyncset.done $0x0;
	s17 =	sshrl.u32 s13, $0x1  }
0x6c: {  	s10 =	sadd.s32 s10, s14;
	[sflag:s30] =	ssyncadd.s32 $0xFFFFC100;
	s18 =	smul.u32 $0x85, s17  }
0x6d: {  	[hbm4b:s10+s4] =	stream.linear.scatter [tilespmem:s26], [sflag:$0x2], $0x3F00, $0x38;
	[tilespmem:$0xFC80] =	vst v63  }
0x6e: {  	s14 =	sshllo.u32 s9, $0x2;
	s10 =	sshrl.u32 s18, $0xC  }
0x6f: {  	s18 =	sand.u32 $0xFE, s14;
	s13 =	smul.u32 $0x3E, s10  }
0x70: {  	s18 =	sshrl.u32 s18, $0x1;
	s10 =	sadd.s32 s10, s7  }
0x71: {  	s16 =	ssub.s32 s16, s13;
	s13 =	smul.u32 $0x85, s18;
	s18 =	sand.u32 $0x3F, s10  }
0x72: {  	s16 =	sand.u32 $0xFE, s16;
	s18 =	smul.u32 $0xF4280, s18  }
0x73: {  	_ =	swait.ge [sflag:s30], $0x3F00;
	s16 =	smul.u32 $0x3F00, s16;
	s17 =	sshrl.u32 s13, $0xC  }
0x74: {  	[sflag:s30] =	ssyncset.done $0x0;
	p2 =	sgt.u32 s10, $0x3F;
	s13 =	smul.u32 $0x3E, s17  }
0x75: {  	s10 =	smov.u32 s5;
	s18 =	sadd.s32 s16, s18;
	s16 =	sadd.s32 s17, s7  }
0x76: {  	s10 =	smov.u32 @p2 s6;
	s13 =	ssub.s32 s14, s13;
	s17 =	sand.u32 $0x3F, s16  }
0x77: {  	s14 =	sshrl.u32 s18, $0x3;
	s13 =	sand.u32 $0xFF, s13;
	s18 =	smul.u32 $0xF4280, s17  }
0x78: {  	[sflag:s30] =	ssyncadd.s32 $0xFFFFC100;
	s10 =	sadd.s32 s10, s14;
	s13 =	smul.u32 $0x3F00, s13  }
0x79: {  	[hbm4b:s10+s4] =	stream.linear.scatter [tilespmem:s28], [sflag:$0x2], $0x3F00, $0x38;
	[tilespmem:$0xFC80] =	vst v63  }
0x7a: {  	p2 =	sgt.u32 s16, $0x3F;
	s10 =	smov.u32 s5  }
0x7b: {  	_ =	swait.ge [sflag:s30], $0x3F00;
	s10 =	smov.u32 @p2 s6;
	s13 =	sadd.s32 s13, s18  }
0x7c: {  	p2 =	seq.s32 s9, $0x3D;
	[sflag:s30] =	ssyncset.done $0x0;
	s13 =	sshrl.u32 s13, $0x3  }
.Ltmp2:
0x7d: {  	[sflag:s30] =	ssyncadd.s32 $0xFFFFC100;
	s10 =	sadd.s32 s10, s13;
	(pc) =	sbr.rel @p2 .LBB2_4-.Ltmp2, $4  }
0x7e: {  	[hbm4b:s10+s4] =	stream.linear.scatter [tilespmem:s29], [sflag:$0x2], $0x3F00, $0x38;
	[tilespmem:$0xFC80] =	vst v63  }
0x7f: {  	_ =	swait.ge [sflag:s31], $0x3F00  }
0x80: {  	[sflag:s31] =	ssyncset.done $0x0  }
0x81: {  	[sflag:s31] =	ssyncadd.s32 $0xFFFFC100  }
0x82: {  	s10 =	sadd.s32 $0x4, s11  }
0x83: {  	s13 =	sand.u32 $0xFE, s10  }
0x84: {  	s13 =	sshrl.u32 s13, $0x1  }
0x85: {  	s13 =	smul.u32 $0x85, s13;
	_ =	sdelay $0x1  }
0x86: {  	s13 =	sshrl.u32 s13, $0xC  }
0x87: {  	s14 =	sadd.s32 s13, s7  }
0x88: {  	s16 =	sand.u32 $0x38, s14  }
0x89: {  	s13 =	smul.u32 $0x3E, s13;
	s17 =	sshll.u32 s14, $0x7;
	s16 =	sshrl.u32 s16, $0x3  }
0x8a: {  	p2 =	slt.u32 s14, $0x40;
	s14 =	smov.u32 s2;
	s18 =	smul.u32 $0x7A1400, s16  }
0x8b: {  	s10 =	ssub.s32 s10, s13;
	s14 =	smov.u32 @p2 s1;
	s16 =	sand.u32 $0x380, s17  }
0x8c: {  	s10 =	sand.u32 $0xFF, s10;
	s13 =	sor.u32 s16, s18;
	s16 =	sadd.s32 $0x5, s11  }
0x8d: {  	s10 =	smul.u32 $0x3F00, s10;
	s13 =	sshrl.u32 s13, $0x3;
	s17 =	sand.u32 $0xFE, s16  }
0x8e: {  	s13 =	sadd.s32 s14, s13;
	s18 =	sshrl.u32 s17, $0x1  }
0x8f: {  	s10 =	sadd.s32 s10, s13;
	s14 =	smul.u32 $0x85, s18  }
0x90: {  	[tilespmem:s4], [sflag:$0x1] =	stream.strided.gather [hbm4b:s10+s20], $0x3F00, s21, s20, $0x38;
	[tilespmem:$0xFC80] =	vst v63  }
0x91: {  	s17 =	sshrl.u32 s14, $0xC  }
0x92: {  	s13 =	sadd.s32 s17, s7  }
0x93: {  	_ =	swait.ge [sflag:s31], $0x3F00;
	s18 =	sand.u32 $0x38, s13  }
0x94: {  	s10 =	smul.u32 $0x3E, s17;
	s17 =	sshll.u32 s13, $0x7;
	s14 =	sshrl.u32 s18, $0x3  }
0x95: {  	p2 =	slt.u32 s13, $0x40;
	s13 =	smov.u32 s2;
	s14 =	smul.u32 $0x7A1400, s14  }
0x96: {  	s10 =	ssub.s32 s16, s10;
	s16 =	sand.u32 $0x380, s17;
	s13 =	smov.u32 @p2 s1  }
0x97: {  	s10 =	sand.u32 $0xFF, s10;
	s14 =	sor.u32 s16, s14;
	s16 =	sadd.s32 $0x6, s11  }
0x98: {  	s10 =	smul.u32 $0x3F00, s10;
	s14 =	sshrl.u32 s14, $0x3;
	s18 =	sand.u32 $0xFE, s16  }
0x99: {  	[sflag:s31] =	ssyncset.done $0x0;
	s13 =	sadd.s32 s13, s14;
	s18 =	sshrl.u32 s18, $0x1  }
0x9a: {  	[sflag:s31] =	ssyncadd.s32 $0xFFFFC100;
	s10 =	sadd.s32 s10, s13;
	s14 =	smul.u32 $0x85, s18  }
0x9b: {  	[tilespmem:s26], [sflag:$0x1] =	stream.strided.gather [hbm4b:s10+s20], $0x3F00, s21, s20, $0x38;
	[tilespmem:$0xFC80] =	vst v63  }
0x9c: {  	s17 =	sshrl.u32 s14, $0xC  }
0x9d: {  	s11 =	sadd.s32 $0x7, s11;
	s13 =	sadd.s32 s17, s7  }
0x9e: {  	_ =	swait.ge [sflag:s31], $0x3F00;
	s10 =	smul.u32 $0x3E, s17;
	s18 =	sand.u32 $0x38, s13  }
0x9f: {  	s17 =	sshll.u32 s13, $0x7;
	p2 =	slt.u32 s13, $0x40;
	s14 =	sshrl.u32 s18, $0x3  }
0xa0: {  	s13 =	smov.u32 s2;
	s18 =	sand.u32 $0xFE, s11;
	s14 =	smul.u32 $0x7A1400, s14  }
0xa1: {  	s10 =	ssub.s32 s16, s10;
	s16 =	sand.u32 $0x380, s17;
	s17 =	sshrl.u32 s18, $0x1  }
0xa2: {  	s10 =	sand.u32 $0xFF, s10;
	s18 =	smul.u32 $0x85, s17;
	s14 =	sor.u32 s16, s14  }
0xa3: {  	s13 =	smov.u32 @p2 s1;
	s10 =	smul.u32 $0x3F00, s10;
	s14 =	sshrl.u32 s14, $0x3  }
0xa4: {  	[sflag:s31] =	ssyncset.done $0x0;
	s13 =	sadd.s32 s13, s14;
	s14 =	sshrl.u32 s18, $0xC  }
0xa5: {  	[sflag:s31] =	ssyncadd.s32 $0xFFFFC100;
	s10 =	sadd.s32 s10, s13;
	s13 =	sadd.s32 s14, s7  }
0xa6: {  	[tilespmem:s28], [sflag:$0x1] =	stream.strided.gather [hbm4b:s10+s20], $0x3F00, s21, s20, $0x38;
	[tilespmem:$0xFC80] =	vst v63  }
0xa7: {  	s16 =	sand.u32 $0x38, s13  }
0xa8: {  	s10 =	smul.u32 $0x3E, s14;
	s17 =	sshll.u32 s13, $0x7;
	s14 =	sshrl.u32 s16, $0x3  }
0xa9: {  	p2 =	slt.u32 s13, $0x40;
	s13 =	smov.u32 s2;
	s14 =	smul.u32 $0x7A1400, s14  }
0xaa: {  	_ =	swait.ge [sflag:s31], $0x3F00;
	s18 =	sand.u32 $0x380, s17;
	s10 =	ssub.s32 s11, s10  }
.Ltmp3:
0xab: {  	s10 =	sand.u32 $0xFF, s10;
	s11 =	sor.u32 s18, s14;
	(pc) =	sbr.rel .LBB2_2-.Ltmp3, $4  }
0xac: {  	s13 =	smov.u32 @p2 s1;
	s10 =	smul.u32 $0x3F00, s10;
	s11 =	sshrl.u32 s11, $0x3  }
0xad: {  	[sflag:s31] =	ssyncset.done $0x0;
	s11 =	sadd.s32 s13, s11  }
0xae: {  	s9 =	sadd.s32 $0x1, s9;
	[sflag:s31] =	ssyncadd.s32 $0xFFFFC100;
	s10 =	sadd.s32 s10, s11  }
0xaf: {  	[tilespmem:s29], [sflag:$0x1] =	stream.strided.gather [hbm4b:s10+s20], $0x3F00, s21, s20, $0x38;
	[tilespmem:$0xFC80] =	vst v63  }
.LBB2_5:
0xb0: {  	_ =	sfence.sel $0x180000  }
0xb1: {  	[bflag:$0x0] =	sbarrier.arrive $0xFFFF  }
0xb2: {  	_ =	strace $0x90000047  }
0xb3: {  	s0 =	stileid.u32;
	[bflag:$0x2] =	sbarrier.arrive $0xFFFF  }
0xb4: {  	p0 =	sne.s32 s0, $0x0;
	s0 =	rddreg [dreg:$0x3]  }
0xb5: {  	s0 =	sadd.s32 @!p0 $0x100000, s0  }
0xb6: {  	[sflag:s0] =	ssyncadd.tile.s32 @!p0 $0x1;
	_ =	shalt  }
.Lfunc_end2:
_tile_overlayer_lowered:
.L_overlay_start_2:
0xb7: {  	(tag) =	ssettag $0x2  }
0xb8: {  	s0 =	rddreg [dreg:$0x0];
	s2 =	stileid.u32  }
0xb9: {  	s1 =	rddreg [dreg:$0x1];
	p0 =	sne.s32 s2, $0x0  }
0xba: {  	s3 =	rddreg [dreg:$0x2];
	[bflag:$0x3] =	sbarrier.arrive $0xFFFF;
	s2 =	simm.s32 @!p0 $0x1C04  }
0xbb: {  	[timem:s3], [sflag:s2] =	dma.local @!p0 [hbm:s0], s1  }
0xbc: {  	s0 =	simm.s32 @!p0 $0x4  }
0xbd: {  	_ =	swait.ge @!p0 [sflag:s0], s1  }
0xbe: {  	s1 =	ssub.s32 @!p0 $0x0, s1;
	[sflag:s0] =	ssyncset.done @!p0 $0x0  }
0xbf: {  	[sflag:s0] =	ssyncadd.s32 @!p0 s1  }
0xc0: {  	[bflag:$0x3] =	sbarrier.arrive $0xFFFF  }
0xc1: {  	_ =	shalt  }

// kernel: kernel.7.cloned.1.call-start
scs
__scs_entry_jumppad:
0x0: {  	(pc) =	sbr.rel $0x88, $3  }
0x1: {  	(tag) =	ssettag $0x0;
	lr =	simm.s32 $0x1  }
0x2: {  	[smem:$0x3F9A] =	sst lr;
	_ =	strace $0xD0000000  }
0x3: {  	_ = 	snop  }
0x4: {  	_ = 	snop  }
0x5: {  	_ = 	snop  }
0x6: {  	_ = 	snop  }
0x7: {  	_ = 	snop  }
__scs_overlays_trampoline_lowered:
0x8: {  	[smem:$0x3FA9] =	sst s0  }
0x9: {  	[smem:$0x3FAA] =	sst s1  }
0xa: {  	[smem:$0x3FAB] =	sst s2  }
0xb: {  	[smem:$0x3FAC] =	sst s3  }
0xc: {  	[smem:$0x3FAD] =	sst s4  }
0xd: {  	[smem:$0x3FAE] =	sst s5  }
0xe: {  	[smem:$0x3FAF] =	sst s6  }
0xf: {  	[smem:$0x3FB0] =	sst s7  }
0x10: {  	[smem:$0x3FB1] =	sst s8  }
0x11: {  	[smem:$0x3FB2] =	sst s9;
	s0 =	simm.s32 @!p0 $0x0  }
0x12: {  	s1 =	sld [smem:$0x3F98];
	s0 =	simm.s32 @p0 $0x1  }
0x13: {  	[smem:$0x3FB3] =	sst s0;
	s0 =	simm.s32 @!p1 $0x0  }
0x14: {  	s2 =	sld [smem:$0x3F97];
	s0 =	simm.s32 @p1 $0x1  }
0x15: {  	[smem:$0x3FB4] =	sst s0;
	s0 =	simm.s32 @!p2 $0x0  }
0x16: {  	s3 =	sld [smem:$0x3FDB];
	s0 =	simm.s32 @p2 $0x1  }
0x17: {  	s4 =	simm.s32 $0x1BF5;
	[smem:$0x3FB6] =	sst s0  }
0x18: {  	s0 =	sld [smem:$0x3F99];
	_ =	swait.ge [sflag:s4], $0x0  }
0x19: {  	s7 =	sld [smem:$0x3F9A]  }
0x1a: {  	s8 =	sadd.s32 $0xFFFFE003, lr  }
0x1b: {  	s9 =	sadd.s32 $0xFFFFFEF7, lr;
	s5 =	simm.s32 $0xFFFFFFFF;
	p2 =	slt.u32 s8, $0xFFFFF086  }
0x1c: {  	p1 =	slt.u32 s9, $0xF7A;
	s5 =	simm.s32 @!p2 $0x0  }
0x1d: {  	s5 =	simm.s32 @p1 $0x1;
	p0 =	seq.s32 s7, s2  }
0x1e: {  	s7 =	smul.u32 @!p0 $0xF7A, s2;
	p2 =	seq.s32 @!p0 s5, $0x0  }
0x1f: {  	s9 =	smul.u32 $0xF7A, s1;
	s8 =	simm.s32 @!p0 $0x1BF5;
	p2 =	por !p2, p0  }
0x20: {  	[sflag:s8] =	ssyncset.s32 @!p0 $0xFFFFF086;
	s6 =	sadd.s32 @!p0 s3, s7;
	s7 =	simm.s32 @!p0 $0x108  }
0x21: {  	s3 =	sadd.s32 s3, s9;
	s6 =	sadd.s32 @!p0 $0x88, s6;
	s7 =	simm.s32 @p2 $0x1082  }
0x22: {  	[simem:s7], [sflag:s8] =	dma.local @!p0 [hbm:s6], $0xF7A  }
0x23: {  	s9 =	sor.u32 $0xD0000000, s2;
	s6 =	simm.s32 $0x108;
	_ =	swait.ge @!p0 [sflag:s8], $0x0  }
0x24: {  	s3 =	sadd.s32 $0x88, s3;
	s6 =	simm.s32 @!p1 $0x1082;
	[sflag:s4] =	ssyncset.s32 $0xFFFFF086  }
0x25: {  	[simem:s6], [sflag:s4] =	dma.local [hbm:s3], $0xF7A  }
0x26: {  	[smem:$0x3F9A] =	sst s1;
	(tag) =	ssettag s2;
	_ =	strace s9  }
0x27: {  	s1 =	sld [smem:$0x3FAA]  }
0x28: {  	s2 =	sld [smem:$0x3FAB]  }
0x29: {  	s4 =	sld [smem:$0x3FAD]  }
0x2a: {  	p0 =	seq.s32 s5, $0x0;
	s5 =	sld [smem:$0x3FAE]  }
0x2b: {  	s6 =	sld [smem:$0x3FAF]  }
0x2c: {  	s7 =	sld [smem:$0x3FB0]  }
0x2d: {  	s3 =	simm.s32 $0x108;
	s8 =	sld [smem:$0x3FB1]  }
0x2e: {  	s3 =	simm.s32 @!p0 $0x1082;
	s9 =	sld [smem:$0x3FB2]  }
0x2f: {  	lr =	sadd.s32 s0, s3;
	s0 =	sld [smem:$0x3FA9]  }
0x30: {  	s3 =	sld [smem:$0x3FAC]  }
0x31: {  	[smem:$0x3FB5] =	sst s10  }
0x32: {  	s10 =	sld [smem:$0x3FB3];
	_ =	sdelay $0x3  }
0x33: {  	p0 =	seq.s32 s10, $0x1;
	s10 =	sld [smem:$0x3FB5];
	_ =	sdelay $0x3  }
0x34: {  	[smem:$0x3FB5] =	sst s10  }
0x35: {  	s10 =	sld [smem:$0x3FB4];
	_ =	sdelay $0x3  }
0x36: {  	p1 =	seq.s32 s10, $0x1;
	s10 =	sld [smem:$0x3FB5];
	_ =	sdelay $0x3  }
0x37: {  	[smem:$0x3FB5] =	sst s10  }
0x38: {  	s10 =	sld [smem:$0x3FB6]  }
0x39: {  	_ = 	snop;
	(pc) =	sbr.ind lr, $3  }
0x3a: {  	_ = 	snop  }
0x3b: {  	_ = 	snop  }
0x3c: {  	p2 =	seq.s32 s10, $0x1;
	s10 =	sld [smem:$0x3FB5]  }
0x3d: {  	_ =	shalt  }
0x3e: {  	_ =	shalt  }
0x3f: {  	_ =	shalt  }
0x40: {  	_ =	shalt  }
0x41: {  	_ =	shalt  }
0x42: {  	_ =	shalt  }
0x43: {  	_ =	shalt  }
0x44: {  	_ =	shalt  }
0x45: {  	_ =	shalt  }
0x46: {  	_ =	shalt  }
0x47: {  	_ =	shalt  }
0x48: {  	_ =	shalt  }
0x49: {  	_ =	shalt  }
0x4a: {  	_ =	shalt  }
0x4b: {  	_ =	shalt  }
0x4c: {  	_ =	shalt  }
0x4d: {  	_ =	shalt  }
0x4e: {  	_ =	shalt  }
0x4f: {  	_ =	shalt  }
0x50: {  	_ =	shalt  }
0x51: {  	_ =	shalt  }
0x52: {  	_ =	shalt  }
0x53: {  	_ =	shalt  }
0x54: {  	_ =	shalt  }
0x55: {  	_ =	shalt  }
0x56: {  	_ =	shalt  }
0x57: {  	_ =	shalt  }
0x58: {  	_ =	shalt  }
0x59: {  	_ =	shalt  }
0x5a: {  	_ =	shalt  }
0x5b: {  	_ =	shalt  }
0x5c: {  	_ =	shalt  }
0x5d: {  	_ =	shalt  }
0x5e: {  	_ =	shalt  }
0x5f: {  	_ =	shalt  }
0x60: {  	_ =	shalt  }
0x61: {  	_ =	shalt  }
0x62: {  	_ =	shalt  }
0x63: {  	_ =	shalt  }
0x64: {  	_ =	shalt  }
0x65: {  	_ =	shalt  }
0x66: {  	_ =	shalt  }
0x67: {  	_ =	shalt  }
0x68: {  	_ =	shalt  }
0x69: {  	_ =	shalt  }
0x6a: {  	_ =	shalt  }
0x6b: {  	_ =	shalt  }
0x6c: {  	_ =	shalt  }
0x6d: {  	_ =	shalt  }
0x6e: {  	_ =	shalt  }
0x6f: {  	_ =	shalt  }
0x70: {  	_ =	shalt  }
0x71: {  	_ =	shalt  }
0x72: {  	_ =	shalt  }
0x73: {  	_ =	shalt  }
0x74: {  	_ =	shalt  }
0x75: {  	_ =	shalt  }
0x76: {  	_ =	shalt  }
0x77: {  	_ =	shalt  }
0x78: {  	_ =	shalt  }
0x79: {  	_ =	shalt  }
0x7a: {  	_ =	shalt  }
0x7b: {  	_ =	shalt  }
0x7c: {  	_ =	shalt  }
0x7d: {  	_ =	shalt  }
0x7e: {  	_ =	shalt  }
0x7f: {  	_ =	shalt  }
0x80: {  	_ =	shalt  }
0x81: {  	_ =	shalt  }
0x82: {  	_ =	shalt  }
0x83: {  	_ =	shalt  }
0x84: {  	_ =	shalt  }
0x85: {  	_ =	shalt  }
0x86: {  	_ =	shalt  }
0x87: {  	_ =	shalt  }
.Lfunc_end0:
.L_simem_size_0:
called_computation.1_lowered:
.L_overlay_start_0:
0x88: {  	s2 =	sld [smem:$0x3FD9]  }
0x89: {  	s3 =	sld [smem:$0x3FFE];
	_ =	sdelay $0x1  }
0x8a: {  	s1 =	srdreg.scid  }
0x8b: {  	s0 =	sand.u32 $0x1, s1  }
0x8c: {  	s17 =	sshll.u32 s0, $0xA;
	s2 =	sadd.s32 s3, s2  }
0x8d: {  	s2 =	sadd.s32 s2, s17  }
0x8e: {  	[smem:$0x3FC1] =	sst s2  }
0x8f: {  	_ = 	snop  }
0x90: {  	s2 =	sld [smem:$0x3FC9]  }
0x91: {  	s18 =	sld [smem:$0x3FC8]  }
0x92: {  	s4 =	sld [smem:$0x3FD0];
	(tm) =	ssettm $0x1  }
0x93: {  	s5 =	sld [smem:$0x3FFB];
	_ =	sdelay $0x3  }
0x94: {  	_ =	strace s5  }
0x95: {  	s5 =	sld [smem:$0x3FFC];
	_ =	sdelay $0x3  }
0x96: {  	_ =	strace s5  }
0x97: {  	s5 =	sld [smem:$0x3FFD];
	_ =	sdelay $0x3  }
0x98: {  	_ =	strace s5  }
0x99: {  	_ =	strace $0x8FFFFFFF  }
0x9a: {  	s19 =	sld [smem:$0x3FDB];
	_ =	sdelay $0x1  }
0x9b: {  	s6 =	simm.s32 $_scs_section_size  }
0x9c: {  	s7 =	simm.s32 $_size__tile_overlayer_lowered;
	s8 =	simm.s32 $_tile_overlayer_lowered  }
0x9d: {  	s22 =	simm.s32 $0x1BFF;
	s21 =	sshll.u32 s8, $0x1;
	s5 =	sadd.s32 s6, s19  }
0x9e: {  	s9 =	simm.s32 $0x0;
	s20 =	sshll.u32 s7, $0x1;
	s7 =	sadd.s32 s21, s5  }
0x9f: {  	[timem:s9], [sflag:s22] =	dma.local [hbm:s7], s20  }
0xa0: {  	_ =	swait.ge [sflag:s22], s20  }
0xa1: {  	s6 =	ssub.s32 $0x0, s20;
	[sflag:s22] =	ssyncset.done $0x0  }
0xa2: {  	[sflag:s22] =	ssyncadd.s32 s6;
	_ =	sdelay $0x1  }
0xa3: {  	s23 =	simm.s32 $0x1B8B  }
0xa4: {  	_ =	swait.ge [sflag:s23], $0x1  }
0xa5: {  	[sflag:s23] =	ssyncset.done $0x0  }
0xa6: {  	s25 =	simm.s32 $0x1B8E;
	s24 =	sld [smem:$0x3FFE];
	[sflag:s23] =	ssyncadd.s32 $0xFFFFFFFF  }
0xa7: {  	s26 =	simm.s32 $execute0_lowered;
	[smem:$0x3FD2] =	sst s25  }
0xa8: {  	s7 =	sshll.u32 s26, $0x1;
	_ =	strace $0x80000049;
	[dreg:$0x1] =	wrdreg $0xFFFFFFFF  }
0xa9: {  	s28 =	simm.s32 $_size_execute0_lowered;
	s5 =	sadd.s32 s5, s7;
	[dreg:$0x0] =	wrdreg $0x0  }
0xaa: {  	s7 =	sshll.u32 s28, $0x1;
	[dreg:$0x2] =	wrdreg s5  }
0xab: {  	[dreg:$0x3] =	wrdreg s7  }
0xac: {  	[dreg:$0x4] =	wrdreg $0xC0  }
0xad: {  	_ =	task [dreg:s9], $0x5FFFF  }
0xae: {  	[dreg:$0x1] =	wrdreg $0xFFFFFFFF  }
0xaf: {  	[dreg:$0x0] =	wrdreg $0x60  }
0xb0: {  	[dreg:$0x2] =	wrdreg s2  }
0xb1: {  	[dreg:$0x3] =	wrdreg s18  }
0xb2: {  	[dreg:$0x4] =	wrdreg s24  }
0xb3: {  	[dreg:$0x5] =	wrdreg s4  }
0xb4: {  	[dreg:$0x6] =	wrdreg $0x9  }
0xb5: {  	_ =	task.clear_ibuf [dreg:s9], $0x7FFFF;
	_ =	strace $0x90000049  }
0xb6: {  	s29 =	simm.s32 $0x9;
	_ =	strace $0x8000004B  }
0xb7: {  	_ =	swait.ge [sflag:s29], $0x1  }
0xb8: {  	[sflag:s29] =	ssyncadd.s32 $0xFFFFFFFF  }
0xb9: {  	_ =	strace $0x9000004B  }
0xba: {  	_ =	sfence  }
0xbb: {  	s30 =	sld [smem:$0x0];
	_ =	sdelay $0x2  }
0xbc: {  	s31 =	sshll.u32 s1, $0xD;
	s1 =	sshrl.u32 s1, $0x2  }
0xbd: {  	s3 =	sand.u32 $0x4000, s31;
	s1 =	sadd.s32 s1, s30  }
0xbe: {  	s0 =	sor.u32 s3, s0;
	s1 =	sshll.u32 s1, $0x11  }
0xbf: {  	s0 =	sor.u32 s1, s0  }
0xc0: {  	s0 =	sadd.s32 $0x8F2B, s0  }
0xc1: {  	[sflag:s0] =	ssyncadd.remote.s32 $0x1  }
0xc2: {  	_ =	sfence.sel $0xFFFF  }
0xc3: {  	[dreg:$0x0] =	wrdreg $0xFFFFFFFF;
	(pc) =	sbr.abs _section_cstart, $3  }
0xc4: {  	[dreg:$0x1] =	wrdreg $0xFFFFFFFF  }
0xc5: {  	_ =	task.clear_ibuf [dreg:s9], $0x2FFFF;
	_ =	strace $0x9FFFFFFF  }
0xc6: {  	(tm) =	ssettm $0x7FFFFFFF  }
0xc7: {  	_ =	shalt  }
tec
execute0_lowered:
.L_overlay_start_1:
0x0: {  	(tag) =	ssettag $0x1  }
0x1: {  	s0 =	rddreg [dreg:$0x0]  }
0x2: {  	s2 =	rddreg [dreg:$0x1]  }
0x3: {  	s13 =	rddreg [dreg:$0x2]  }
0x4: {  	s10 =	rddreg [dreg:$0x3];
	s1 =	simm.s32 $0x0;
	s6 =	srdreg.scid  }
0x5: {  	s7 =	stileid.u32;
	s14 =	simm.s32 $0x2;
	s15 =	simm.s32 $0x200  }
0x6: {  	s17 =	simm.s32 $0x80;
	s21 =	simm.s32 $0x280;
	s23 =	simm.s32 $0x100  }
0x7: {  	s25 =	simm.s32 $0x300;
	s28 =	simm.s32 $0x180;
	s30 =	simm.s32 $0x380  }
0x8: {  	s24 =	simm.s32 $0x8580;
	s26 =	simm.s32 $0x1;
	s29 =	simm.s32 $0x10810  }
0x9: {  	s31 =	simm.s32 $0x0;
	[smem:$0x7FF] =	sst s1;
	s3 =	sadd.s32 $0x600, s13  }
0xa: {  	s4 =	sadd.s32 $0x7A1A00, s13;
	s5 =	sadd.s32 $0xF42E00, s13;
	s6 =	sand.u32 $0x1, s6  }
0xb: {  	s7 =	sshll.u32 s7, $0x7;
	_ =	strace $0x8000004A;
	s8 =	ssub.s32 $0x2, s6  }
0xc: {  	s9 =	sshll.u32 s6, $0x6;
	s6 =	sadd.s32 $0xF61800, s13;
	s11 =	sshrl.u32 s8, $0x1  }
0xd: {  	s12 =	sor.u32 s9, s7;
	s7 =	sadd.s32 $0xF80200, s13;
	s11 =	ssub.s32 s8, s11  }
0xe: {  	s8 =	sadd.s32 s0, s12;
	s9 =	sadd.s32 s2, s12;
	s10 =	sadd.s32 s10, s12  }
0xf: {  	s12 =	sadd.s32 $0x1EE50, s13;
	s13 =	sadd.s32 $0x7C0250, s13;
	s11 =	smax.u32 s11, $0x1  }
.LBB2_1:
0x10: {  	[tilespmem:s1], [sflag:$0x2] =	stream.linear.gather [hbm4b:s8+s1], $0x200, $0x38;
	[tilespmem:$0x10A10] =	vst v63  }
0x11: {  	_ =	swait.ge [sflag:s14], $0x200  }
0x12: {  	[sflag:s14] =	ssyncset.done $0x0  }
0x13: {  	[sflag:s14] =	ssyncadd.s32 $0xFFFFFE00  }
0x14: {  	[tilespmem:s15], [sflag:$0x2] =	stream.linear.gather [hbm4b:s9+s1], $0x200, $0x38;
	[tilespmem:$0x10A10] =	vst v63  }
0x15: {  	_ =	swait.ge [sflag:s14], $0x200  }
0x16: {  	[sflag:s14] =	ssyncset.done $0x0  }
0x17: {  	s0 =	simm.s32 $0x10800;
	[sflag:s14] =	ssyncadd.s32 $0xFFFFFE00  }
0x18: {  	[tilespmem:s0], [sflag:$0x2] =	stream.linear.gather [hbm4b:s7+s1], $0x10, $0x38;
	[tilespmem:$0x10A10] =	vst v63  }
0x19: {  	_ =	swait.ge [sflag:s14], $0x10  }
0x1a: {  	[sflag:s14] =	ssyncset.done $0x0  }
0x1b: {  	s16 =	simm.s32 $0x10400;
	[sflag:s14] =	ssyncadd.s32 $0xFFFFFFF0  }
0x1c: {  	[tilespmem:s16], [sflag:$0x1] =	stream.indirect.gather [hbm4b:s5+s17], $0x1, s1, s17, $0xb8;
	[tilespmem:$0x10A10] =	vst v63  }
0x1d: {  	s18 =	simm.s32 $0x10600  }
0x1e: {  	[tilespmem:s18], [sflag:$0x1] =	stream.indirect.gather [hbm4b:s6+s17], $0x1, s15, s17, $0xb8;
	[tilespmem:$0x10A10] =	vst v63  }
0x1f: {  	s19 =	simm.s32 $0x10480  }
0x20: {  	[tilespmem:s19], [sflag:$0x1] =	stream.indirect.gather [hbm4b:s5+s17], $0x1, s17, s17, $0xb8;
	[tilespmem:$0x10A10] =	vst v63  }
0x21: {  	s20 =	simm.s32 $0x10680  }
0x22: {  	[tilespmem:s20], [sflag:$0x1] =	stream.indirect.gather [hbm4b:s6+s17], $0x1, s21, s17, $0xb8;
	[tilespmem:$0x10A10] =	vst v63  }
0x23: {  	s22 =	simm.s32 $0x10500  }
0x24: {  	[tilespmem:s22], [sflag:$0x1] =	stream.indirect.gather [hbm4b:s5+s17], $0x1, s23, s17, $0xb8;
	[tilespmem:$0x10A10] =	vst v63  }
0x25: {  	s2 =	simm.s32 $0x10700  }
0x26: {  	[tilespmem:s2], [sflag:$0x1] =	stream.indirect.gather [hbm4b:s6+s17], $0x1, s25, s17, $0xb8;
	[tilespmem:$0x10A10] =	vst v63  }
0x27: {  	s16 =	simm.s32 $0x10580  }
0x28: {  	[tilespmem:s16], [sflag:$0x1] =	stream.indirect.gather [hbm4b:s5+s17], $0x1, s28, s17, $0xb8;
	[tilespmem:$0x10A10] =	vst v63  }
0x29: {  	s18 =	simm.s32 $0x10780  }
0x2a: {  	[tilespmem:s18], [sflag:$0x1] =	stream.indirect.gather [hbm4b:s6+s17], $0x1, s30, s17, $0xb8;
	[tilespmem:$0x10A10] =	vst v63  }
0x2b: {  	s19 =	simm.s32 $0x400  }
0x2c: {  	[tilespmem:s19], [sflag:$0x1] =	stream.indirect.gather [hbm4b:s3+s17], $0x1, s1, s17, $0xb8;
	[tilespmem:$0x10A10] =	vst v63  }
0x2d: {  	s20 =	simm.s32 $0x8400  }
0x2e: {  	[tilespmem:s20], [sflag:$0x1] =	stream.indirect.gather [hbm4b:s4+s17], $0x1, s15, s17, $0xb8;
	[tilespmem:$0x10A10] =	vst v63  }
0x2f: {  	s22 =	simm.s32 $0x480  }
0x30: {  	[tilespmem:s22], [sflag:$0x1] =	stream.indirect.gather [hbm4b:s3+s17], $0x1, s17, s17, $0xb8;
	[tilespmem:$0x10A10] =	vst v63  }
0x31: {  	s2 =	simm.s32 $0x8480  }
0x32: {  	[tilespmem:s2], [sflag:$0x1] =	stream.indirect.gather [hbm4b:s4+s17], $0x1, s21, s17, $0xb8;
	[tilespmem:$0x10A10] =	vst v63  }
0x33: {  	s16 =	simm.s32 $0x500  }
0x34: {  	[tilespmem:s16], [sflag:$0x1] =	stream.indirect.gather [hbm4b:s3+s17], $0x1, s23, s17, $0xb8;
	[tilespmem:$0x10A10] =	vst v63  }
0x35: {  	s18 =	simm.s32 $0x8500  }
0x36: {  	[tilespmem:s18], [sflag:$0x1] =	stream.indirect.gather [hbm4b:s4+s17], $0x1, s25, s17, $0xb8;
	[tilespmem:$0x10A10] =	vst v63  }
0x37: {  	s19 =	simm.s32 $0x580  }
0x38: {  	[tilespmem:s19], [sflag:$0x1] =	stream.indirect.gather [hbm4b:s3+s17], $0x1, s28, s17, $0xb8;
	[tilespmem:$0x10A10] =	vst v63  }
0x39: {  	_ = 	snop  }
0x3a: {  	[tilespmem:s24], [sflag:$0x1] =	stream.indirect.gather [hbm4b:s4+s17], $0x1, s30, s17, $0xb8;
	[tilespmem:$0x10A10] =	vst v63  }
0x3b: {  	s20 =	simm.s32 $0x600  }
0x3c: {  	[tilespmem:s20], [sflag:$0x1] =	stream.indirect.gather [hbm4b:s12+s17], $0x1, s1, s17, $0xb8;
	[tilespmem:$0x10A10] =	vst v63  }
0x3d: {  	s22 =	simm.s32 $0x8600  }
0x3e: {  	[tilespmem:s22], [sflag:$0x1] =	stream.indirect.gather [hbm4b:s13+s17], $0x1, s15, s17, $0xb8;
	[tilespmem:$0x10A10] =	vst v63  }
0x3f: {  	s2 =	simm.s32 $0x680  }
0x40: {  	[tilespmem:s2], [sflag:$0x1] =	stream.indirect.gather [hbm4b:s12+s17], $0x1, s17, s17, $0xb8;
	[tilespmem:$0x10A10] =	vst v63  }
0x41: {  	s16 =	simm.s32 $0x8680  }
0x42: {  	[tilespmem:s16], [sflag:$0x1] =	stream.indirect.gather [hbm4b:s13+s17], $0x1, s21, s17, $0xb8;
	[tilespmem:$0x10A10] =	vst v63  }
0x43: {  	s18 =	simm.s32 $0x700  }
0x44: {  	[tilespmem:s18], [sflag:$0x1] =	stream.indirect.gather [hbm4b:s12+s17], $0x1, s23, s17, $0xb8;
	[tilespmem:$0x10A10] =	vst v63  }
0x45: {  	s19 =	simm.s32 $0x8700  }
0x46: {  	[tilespmem:s19], [sflag:$0x1] =	stream.indirect.gather [hbm4b:s13+s17], $0x1, s25, s17, $0xb8;
	[tilespmem:$0x10A10] =	vst v63  }
0x47: {  	s20 =	simm.s32 $0x780  }
0x48: {  	[tilespmem:s20], [sflag:$0x1] =	stream.indirect.gather [hbm4b:s12+s17], $0x1, s28, s17, $0xb8;
	[tilespmem:$0x10A10] =	vst v63  }
0x49: {  	s22 =	simm.s32 $0x8780  }
0x4a: {  	[tilespmem:s22], [sflag:$0x1] =	stream.indirect.gather [hbm4b:s13+s17], $0x1, s30, s17, $0xb8;
	[tilespmem:$0x10A10] =	vst v63  }
0x4b: {  	_ =	swait.ge [sflag:s26], $0x80  }
0x4c: {  	[sflag:s26] =	ssyncset.done $0x0  }
0x4d: {  	[sflag:s26] =	ssyncadd.s32 $0xFFFFFF80  }
0x4e: {  	_ =	swait.ge [sflag:s26], $0x80  }
0x4f: {  	[sflag:s26] =	ssyncset.done $0x0  }
0x50: {  	[sflag:s26] =	ssyncadd.s32 $0xFFFFFF80  }
0x51: {  	_ =	swait.ge [sflag:s26], $0x80  }
0x52: {  	[sflag:s26] =	ssyncset.done $0x0  }
0x53: {  	[sflag:s26] =	ssyncadd.s32 $0xFFFFFF80  }
0x54: {  	_ =	swait.ge [sflag:s26], $0x80  }
0x55: {  	[sflag:s26] =	ssyncset.done $0x0  }
0x56: {  	[sflag:s26] =	ssyncadd.s32 $0xFFFFFF80  }
0x57: {  	_ =	swait.ge [sflag:s26], $0x80  }
0x58: {  	[sflag:s26] =	ssyncset.done $0x0  }
0x59: {  	[sflag:s26] =	ssyncadd.s32 $0xFFFFFF80  }
0x5a: {  	_ =	swait.ge [sflag:s26], $0x80  }
0x5b: {  	[sflag:s26] =	ssyncset.done $0x0  }
0x5c: {  	[sflag:s26] =	ssyncadd.s32 $0xFFFFFF80  }
0x5d: {  	_ =	swait.ge [sflag:s26], $0x80  }
0x5e: {  	[sflag:s26] =	ssyncset.done $0x0  }
0x5f: {  	[sflag:s26] =	ssyncadd.s32 $0xFFFFFF80  }
0x60: {  	s0 =	sadd.s32 $0x1E850, s13;
	s2 =	sadd.s32 $0x1E850, s12;
	_ =	swait.ge [sflag:s26], $0x80  }
0x61: {  	s16 =	simm.s32 $0x1000;
	s19 =	simm.s32 $0x200;
	[sflag:s26] =	ssyncset.done $0x0  }
.LBB2_2:
0x62: {  	s22 =	sadd.s32 $0x600, s19  }
0x63: {  	[sflag:s26] =	ssyncadd.s32 $0xFFFFFF80;
	s18 =	smov.u32 s16;
	s20 =	sadd.s32 $0x800, s16  }
0x64: {  	[tilespmem:s22], [sflag:$0x1] =	stream.indirect.gather [hbm4b:s2+s17], $0x1, s1, s17, $0xb8;
	[tilespmem:$0x10A10] =	vst v63  }
0x65: {  	p0 =	sne.s32 s16, $0x1F000;
	s16 =	sadd.s32 $0x8600, s19  }
0x66: {  	[tilespmem:s16], [sflag:$0x1] =	stream.indirect.gather [hbm4b:s0+s17], $0x1, s15, s17, $0xb8;
	[tilespmem:$0x10A10] =	vst v63  }
0x67: {  	s16 =	sadd.s32 $0x680, s19  }
0x68: {  	[tilespmem:s16], [sflag:$0x1] =	stream.indirect.gather [hbm4b:s2+s17], $0x1, s17, s17, $0xb8;
	[tilespmem:$0x10A10] =	vst v63  }
0x69: {  	s16 =	sadd.s32 $0x8680, s19  }
0x6a: {  	[tilespmem:s16], [sflag:$0x1] =	stream.indirect.gather [hbm4b:s0+s17], $0x1, s21, s17, $0xb8;
	[tilespmem:$0x10A10] =	vst v63  }
0x6b: {  	s16 =	sadd.s32 $0x700, s19  }
0x6c: {  	[tilespmem:s16], [sflag:$0x1] =	stream.indirect.gather [hbm4b:s2+s17], $0x1, s23, s17, $0xb8;
	[tilespmem:$0x10A10] =	vst v63  }
0x6d: {  	s16 =	sadd.s32 $0x8700, s19  }
0x6e: {  	[tilespmem:s16], [sflag:$0x1] =	stream.indirect.gather [hbm4b:s0+s17], $0x1, s25, s17, $0xb8;
	[tilespmem:$0x10A10] =	vst v63  }
0x6f: {  	s16 =	sadd.s32 $0x780, s19  }
0x70: {  	[tilespmem:s16], [sflag:$0x1] =	stream.indirect.gather [hbm4b:s2+s17], $0x1, s28, s17, $0xb8;
	[tilespmem:$0x10A10] =	vst v63  }
0x71: {  	s16 =	sadd.s32 $0x8780, s19  }
0x72: {  	[tilespmem:s16], [sflag:$0x1] =	stream.indirect.gather [hbm4b:s0+s17], $0x1, s30, s17, $0xb8;
	[tilespmem:$0x10A10] =	vst v63  }
0x73: {  	_ =	swait.ge [sflag:s26], $0x80  }
0x74: {  	[sflag:s26] =	ssyncset.done $0x0  }
0x75: {  	[sflag:s26] =	ssyncadd.s32 $0xFFFFFF80  }
0x76: {  	_ =	swait.ge [sflag:s26], $0x80  }
0x77: {  	[sflag:s26] =	ssyncset.done $0x0  }
0x78: {  	[sflag:s26] =	ssyncadd.s32 $0xFFFFFF80  }
0x79: {  	_ =	swait.ge [sflag:s26], $0x80  }
0x7a: {  	[sflag:s26] =	ssyncset.done $0x0  }
0x7b: {  	[sflag:s26] =	ssyncadd.s32 $0xFFFFFF80  }
0x7c: {  	_ =	swait.ge [sflag:s26], $0x80  }
0x7d: {  	[sflag:s26] =	ssyncset.done $0x0  }
0x7e: {  	[sflag:s26] =	ssyncadd.s32 $0xFFFFFF80  }
0x7f: {  	_ =	swait.ge [sflag:s26], $0x80  }
0x80: {  	[sflag:s26] =	ssyncset.done $0x0  }
0x81: {  	[sflag:s26] =	ssyncadd.s32 $0xFFFFFF80  }
0x82: {  	_ =	swait.ge [sflag:s26], $0x80  }
0x83: {  	[sflag:s26] =	ssyncset.done $0x0  }
0x84: {  	[sflag:s26] =	ssyncadd.s32 $0xFFFFFF80  }
.Ltmp0:
0x85: {  	_ =	swait.ge [sflag:s26], $0x80;
	(pc) =	sbr.rel @p0 .LBB2_2-.Ltmp0, $4  }
0x86: {  	[sflag:s26] =	ssyncset.done $0x0  }
0x87: {  	[sflag:s26] =	ssyncadd.s32 $0xFFFFFF80  }
0x88: {  	s19 =	sshra.s32 s18, $0x2;
	s0 =	sadd.s32 $0x1E850, s0;
	_ =	swait.ge [sflag:s26], $0x80  }
0x89: {  	s2 =	sadd.s32 $0x1E850, s2;
	s16 =	smov.u32 s20;
	[sflag:s26] =	ssyncset.done $0x0  }
0x8a: {  	s16 =	sadd.s32 $0x600, s19;
	[sflag:s26] =	ssyncadd.s32 $0xFFFFFF80  }
0x8b: {  	[tilespmem:s16], [sflag:$0x1] =	stream.indirect.gather [hbm4b:s2+s17], $0x1, s1, s17, $0xb8;
	[tilespmem:$0x10A10] =	vst v63  }
0x8c: {  	s22 =	sadd.s32 $0x8600, s19  }
0x8d: {  	[tilespmem:s22], [sflag:$0x1] =	stream.indirect.gather [hbm4b:s0+s17], $0x1, s15, s17, $0xb8;
	[tilespmem:$0x10A10] =	vst v63  }
0x8e: {  	s18 =	sadd.s32 $0x680, s19  }
0x8f: {  	[tilespmem:s18], [sflag:$0x1] =	stream.indirect.gather [hbm4b:s2+s17], $0x1, s17, s17, $0xb8;
	[tilespmem:$0x10A10] =	vst v63  }
0x90: {  	s20 =	sadd.s32 $0x8680, s19  }
0x91: {  	[tilespmem:s20], [sflag:$0x1] =	stream.indirect.gather [hbm4b:s0+s17], $0x1, s21, s17, $0xb8;
	[tilespmem:$0x10A10] =	vst v63  }
0x92: {  	s22 =	sadd.s32 $0x700, s19  }
0x93: {  	[tilespmem:s22], [sflag:$0x1] =	stream.indirect.gather [hbm4b:s2+s17], $0x1, s23, s17, $0xb8;
	[tilespmem:$0x10A10] =	vst v63  }
0x94: {  	s18 =	sadd.s32 $0x8700, s19  }
0x95: {  	[tilespmem:s18], [sflag:$0x1] =	stream.indirect.gather [hbm4b:s0+s17], $0x1, s25, s17, $0xb8;
	[tilespmem:$0x10A10] =	vst v63  }
0x96: {  	s20 =	sadd.s32 $0x780, s19  }
0x97: {  	[tilespmem:s20], [sflag:$0x1] =	stream.indirect.gather [hbm4b:s2+s17], $0x1, s28, s17, $0xb8;
	[tilespmem:$0x10A10] =	vst v63  }
0x98: {  	s22 =	sadd.s32 $0x8780, s19  }
0x99: {  	[tilespmem:s22], [sflag:$0x1] =	stream.indirect.gather [hbm4b:s0+s17], $0x1, s30, s17, $0xb8;
	[tilespmem:$0x10A10] =	vst v63  }
0x9a: {  	_ =	swait.ge [sflag:s26], $0x80  }
0x9b: {  	[sflag:s26] =	ssyncset.done $0x0  }
0x9c: {  	[sflag:s26] =	ssyncadd.s32 $0xFFFFFF80  }
0x9d: {  	_ =	swait.ge [sflag:s26], $0x80  }
0x9e: {  	[sflag:s26] =	ssyncset.done $0x0  }
0x9f: {  	[sflag:s26] =	ssyncadd.s32 $0xFFFFFF80  }
0xa0: {  	_ =	swait.ge [sflag:s26], $0x80  }
0xa1: {  	[sflag:s26] =	ssyncset.done $0x0  }
0xa2: {  	[sflag:s26] =	ssyncadd.s32 $0xFFFFFF80  }
0xa3: {  	_ =	swait.ge [sflag:s26], $0x80  }
0xa4: {  	[sflag:s26] =	ssyncset.done $0x0  }
0xa5: {  	[sflag:s26] =	ssyncadd.s32 $0xFFFFFF80  }
0xa6: {  	_ =	swait.ge [sflag:s26], $0x80  }
0xa7: {  	[sflag:s26] =	ssyncset.done $0x0  }
0xa8: {  	[sflag:s26] =	ssyncadd.s32 $0xFFFFFF80  }
0xa9: {  	_ =	swait.ge [sflag:s26], $0x80  }
0xaa: {  	[sflag:s26] =	ssyncset.done $0x0  }
0xab: {  	[sflag:s26] =	ssyncadd.s32 $0xFFFFFF80  }
0xac: {  	_ =	swait.ge [sflag:s26], $0x80  }
0xad: {  	[sflag:s26] =	ssyncset.done $0x0  }
0xae: {  	[sflag:s26] =	ssyncadd.s32 $0xFFFFFF80  }
0xaf: {  	_ =	swait.ge [sflag:s26], $0x80  }
0xb0: {  	[sflag:s26] =	ssyncset.done $0x0  }
0xb1: {  	[sflag:s26] =	ssyncadd.s32 $0xFFFFFF80  }
0xb2: {  	_ =	swait.ge [sflag:s26], $0x80  }
0xb3: {  	[sflag:s26] =	ssyncset.done $0x0  }
0xb4: {  	[sflag:s26] =	ssyncadd.s32 $0xFFFFFF80  }
0xb5: {  	_ =	swait.ge [sflag:s26], $0x80  }
0xb6: {  	[sflag:s26] =	ssyncset.done $0x0  }
0xb7: {  	[sflag:s26] =	ssyncadd.s32 $0xFFFFFF80  }
0xb8: {  	_ =	swait.ge [sflag:s26], $0x80  }
0xb9: {  	[sflag:s26] =	ssyncset.done $0x0  }
0xba: {  	[sflag:s26] =	ssyncadd.s32 $0xFFFFFF80  }
0xbb: {  	_ =	swait.ge [sflag:s26], $0x80  }
0xbc: {  	[sflag:s26] =	ssyncset.done $0x0  }
0xbd: {  	[sflag:s26] =	ssyncadd.s32 $0xFFFFFF80  }
0xbe: {  	_ =	swait.ge [sflag:s26], $0x80  }
0xbf: {  	[sflag:s26] =	ssyncset.done $0x0  }
0xc0: {  	[sflag:s26] =	ssyncadd.s32 $0xFFFFFF80  }
0xc1: {  	_ =	swait.ge [sflag:s26], $0x80  }
0xc2: {  	[sflag:s26] =	ssyncset.done $0x0  }
0xc3: {  	[sflag:s26] =	ssyncadd.s32 $0xFFFFFF80  }
0xc4: {  	_ =	swait.ge [sflag:s26], $0x80  }
0xc5: {  	[sflag:s26] =	ssyncset.done $0x0  }
0xc6: {  	[sflag:s26] =	ssyncadd.s32 $0xFFFFFF80  }
0xc7: {  	_ =	swait.ge [sflag:s26], $0x80  }
0xc8: {  	[sflag:s26] =	ssyncset.done $0x0  }
0xc9: {  	[sflag:s26] =	ssyncadd.s32 $0xFFFFFF80  }
0xca: {  	_ =	swait.ge [sflag:s26], $0x80  }
0xcb: {  	[sflag:s26] =	ssyncset.done $0x0  }
0xcc: {  	[sflag:s26] =	ssyncadd.s32 $0xFFFFFF80  }
0xcd: {  	_ =	swait.ge [sflag:s26], $0x80  }
0xce: {  	[sflag:s26] =	ssyncset.done $0x0  }
0xcf: {  	[sflag:s26] =	ssyncadd.s32 $0xFFFFFF80  }
0xd0: {  	_ =	swait.ge [sflag:s26], $0x80  }
0xd1: {  	[sflag:s26] =	ssyncset.done $0x0  }
0xd2: {  	[sflag:s26] =	ssyncadd.s32 $0xFFFFFF80  }
0xd3: {  	_ =	swait.ge [sflag:s26], $0x80  }
0xd4: {  	[sflag:s26] =	ssyncset.done $0x0  }
0xd5: {  	[sflag:s26] =	ssyncadd.s32 $0xFFFFFF80  }
0xd6: {  	_ =	swait.ge [sflag:s26], $0x80  }
0xd7: {  	[sflag:s26] =	ssyncset.done $0x0  }
0xd8: {  	[sflag:s26] =	ssyncadd.s32 $0xFFFFFF80  }
0xd9: {  	_ =	swait.ge [sflag:s26], $0x80  }
0xda: {  	[sflag:s26] =	ssyncset.done $0x0  }
0xdb: {  	[sflag:s26] =	ssyncadd.s32 $0xFFFFFF80  }
0xdc: {  	_ =	swait.ge [sflag:s26], $0x80  }
0xdd: {  	[sflag:s26] =	ssyncset.done $0x0  }
0xde: {  	[sflag:s26] =	ssyncadd.s32 $0xFFFFFF80  }
0xdf: {  	_ =	swait.ge [sflag:s26], $0x80  }
0xe0: {  	[sflag:s26] =	ssyncset.done $0x0  }
0xe1: {  	[sflag:s26] =	ssyncadd.s32 $0xFFFFFF80  }
0xe2: {  	s0 =	simm.s32 $0x0;
	v0 =	vld [tilespmem:$0x10800]  }
0xe3: {  	v1 =	vld [tilespmem:s0+$0x10400]  }
0xe4: {  	v2 =	vld [tilespmem:s0+$0x10600]  }
0xe5: {  	v3 =	vld [tilespmem:s0+$0x400]  }
0xe6: {  	v4 =	vld [tilespmem:s0+$0x8400]  }
0xe7: {  	v5 =	vld [tilespmem:s0+$0x600]  }
0xe8: {  	v6 =	vld [tilespmem:s0+$0x8600]  }
0xe9: {  	v7 =	vld [tilespmem:s0+$0x8800];
	v1 =	vadd.f32 v2, v1  }
0xea: {  	v2 =	vld [tilespmem:s0+$0x800]  }
0xeb: {  	v8 =	vld [tilespmem:s0+$0x8A00];
	v3 =	vmul.f32 v4, v3;
	v1 =	vadd.f32 v1, v0  }
0xec: {  	v4 =	vld [tilespmem:s0+$0xA00]  }
0xed: {  	v1 =	vadd.f32 v3, v1;
	v3 =	vmul.f32 v6, v5;
	v5 =	vld [tilespmem:s0+$0xC00]  }
0xee: {  	v6 =	vld [tilespmem:s0+$0x8C00]  }
0xef: {  	v2 =	vmul.f32 v7, v2;
	v7 =	vld [tilespmem:s0+$0x8E00];
	v1 =	vadd.f32 v3, v1  }
0xf0: {  	v3 =	vld [tilespmem:s0+$0xE00]  }
0xf1: {  	v1 =	vadd.f32 v2, v1;
	v2 =	vmul.f32 v8, v4;
	v4 =	vld [tilespmem:s0+$0x1000]  }
0xf2: {  	v8 =	vld [tilespmem:s0+$0x9000]  }
0xf3: {  	v1 =	vadd.f32 v2, v1;
	v2 =	vmul.f32 v6, v5;
	v5 =	vld [tilespmem:s0+$0x1200]  }
0xf4: {  	v6 =	vld [tilespmem:s0+$0x9200]  }
0xf5: {  	v1 =	vadd.f32 v2, v1;
	v2 =	vmul.f32 v7, v3;
	v3 =	vld [tilespmem:s0+$0x1400]  }
0xf6: {  	v7 =	vld [tilespmem:s0+$0x9400]  }
0xf7: {  	v1 =	vadd.f32 v2, v1;
	v2 =	vmul.f32 v8, v4;
	v4 =	vld [tilespmem:s0+$0x1600]  }
0xf8: {  	v8 =	vld [tilespmem:s0+$0x9600]  }
0xf9: {  	v1 =	vadd.f32 v2, v1;
	v2 =	vmul.f32 v6, v5;
	v5 =	vld [tilespmem:s0+$0x1800]  }
0xfa: {  	v6 =	vld [tilespmem:s0+$0x9800]  }
0xfb: {  	v1 =	vadd.f32 v2, v1;
	v2 =	vmul.f32 v7, v3;
	v3 =	vld [tilespmem:s0+$0x1A00]  }
0xfc: {  	v7 =	vld [tilespmem:s0+$0x9A00]  }
0xfd: {  	v1 =	vadd.f32 v2, v1;
	v2 =	vmul.f32 v8, v4;
	v4 =	vld [tilespmem:s0+$0x1C00]  }
0xfe: {  	v8 =	vld [tilespmem:s0+$0x9C00]  }
0xff: {  	v1 =	vadd.f32 v2, v1;
	v2 =	vmul.f32 v6, v5;
	v5 =	vld [tilespmem:s0+$0x1E00]  }
0x100: {  	v6 =	vld [tilespmem:s0+$0x9E00]  }
0x101: {  	v1 =	vadd.f32 v2, v1;
	v2 =	vmul.f32 v7, v3;
	v3 =	vld [tilespmem:s0+$0x2000]  }
0x102: {  	v7 =	vld [tilespmem:s0+$0xA000]  }
0x103: {  	v1 =	vadd.f32 v2, v1;
	v2 =	vmul.f32 v8, v4;
	v4 =	vld [tilespmem:s0+$0x2200]  }
0x104: {  	v8 =	vld [tilespmem:s0+$0xA200]  }
0x105: {  	v1 =	vadd.f32 v2, v1;
	v2 =	vmul.f32 v6, v5;
	v5 =	vld [tilespmem:s0+$0x2400]  }
0x106: {  	v6 =	vld [tilespmem:s0+$0xA400]  }
0x107: {  	v1 =	vadd.f32 v2, v1;
	v2 =	vmul.f32 v7, v3;
	v3 =	vld [tilespmem:s0+$0x2600]  }
0x108: {  	v7 =	vld [tilespmem:s0+$0xA600]  }
0x109: {  	v1 =	vadd.f32 v2, v1;
	v2 =	vmul.f32 v8, v4;
	v4 =	vld [tilespmem:s0+$0x2800]  }
0x10a: {  	v8 =	vld [tilespmem:s0+$0xA800]  }
0x10b: {  	v1 =	vadd.f32 v2, v1;
	v2 =	vmul.f32 v6, v5;
	v5 =	vld [tilespmem:s0+$0x2A00]  }
0x10c: {  	v6 =	vld [tilespmem:s0+$0xAA00]  }
0x10d: {  	v1 =	vadd.f32 v2, v1;
	v2 =	vmul.f32 v7, v3;
	v3 =	vld [tilespmem:s0+$0x2C00]  }
0x10e: {  	v7 =	vld [tilespmem:s0+$0xAC00]  }
0x10f: {  	v1 =	vadd.f32 v2, v1;
	v2 =	vmul.f32 v8, v4;
	v4 =	vld [tilespmem:s0+$0x2E00]  }
0x110: {  	v8 =	vld [tilespmem:s0+$0xAE00]  }
0x111: {  	v1 =	vadd.f32 v2, v1;
	v2 =	vmul.f32 v6, v5;
	v5 =	vld [tilespmem:s0+$0x3000]  }
0x112: {  	v6 =	vld [tilespmem:s0+$0xB000]  }
0x113: {  	v1 =	vadd.f32 v2, v1;
	v2 =	vmul.f32 v7, v3;
	v3 =	vld [tilespmem:s0+$0x3200]  }
0x114: {  	v7 =	vld [tilespmem:s0+$0xB200]  }
0x115: {  	v1 =	vadd.f32 v2, v1;
	v2 =	vmul.f32 v8, v4;
	v4 =	vld [tilespmem:s0+$0x3400]  }
0x116: {  	v8 =	vld [tilespmem:s0+$0xB400]  }
0x117: {  	v1 =	vadd.f32 v2, v1;
	v2 =	vmul.f32 v6, v5;
	v5 =	vld [tilespmem:s0+$0x3600]  }
0x118: {  	v6 =	vld [tilespmem:s0+$0xB600]  }
0x119: {  	v1 =	vadd.f32 v2, v1;
	v2 =	vmul.f32 v7, v3;
	v3 =	vld [tilespmem:s0+$0x3800]  }
0x11a: {  	v7 =	vld [tilespmem:s0+$0xB800]  }
0x11b: {  	v1 =	vadd.f32 v2, v1;
	v2 =	vmul.f32 v8, v4;
	v4 =	vld [tilespmem:s0+$0x3A00]  }
0x11c: {  	v8 =	vld [tilespmem:s0+$0xBA00]  }
0x11d: {  	v1 =	vadd.f32 v2, v1;
	v2 =	vmul.f32 v6, v5;
	v5 =	vld [tilespmem:s0+$0x3C00]  }
0x11e: {  	v6 =	vld [tilespmem:s0+$0xBC00]  }
0x11f: {  	v1 =	vadd.f32 v2, v1;
	v2 =	vmul.f32 v7, v3;
	v3 =	vld [tilespmem:s0+$0x3E00]  }
0x120: {  	v7 =	vld [tilespmem:s0+$0xBE00]  }
0x121: {  	v1 =	vadd.f32 v2, v1;
	v2 =	vmul.f32 v8, v4;
	v4 =	vld [tilespmem:s0+$0x4000]  }
0x122: {  	v8 =	vld [tilespmem:s0+$0xC000]  }
0x123: {  	v1 =	vadd.f32 v2, v1;
	v2 =	vmul.f32 v6, v5;
	v5 =	vld [tilespmem:s0+$0x4200]  }
0x124: {  	v6 =	vld [tilespmem:s0+$0xC200]  }
0x125: {  	v1 =	vadd.f32 v2, v1;
	v2 =	vmul.f32 v7, v3;
	v3 =	vld [tilespmem:s0+$0x4400]  }
0x126: {  	v7 =	vld [tilespmem:s0+$0xC400]  }
0x127: {  	v1 =	vadd.f32 v2, v1;
	v2 =	vmul.f32 v8, v4;
	v4 =	vld [tilespmem:s0+$0x4600]  }
0x128: {  	v8 =	vld [tilespmem:s0+$0xC600]  }
0x129: {  	v1 =	vadd.f32 v2, v1;
	v2 =	vmul.f32 v6, v5;
	v5 =	vld [tilespmem:s0+$0x4800]  }
0x12a: {  	v6 =	vld [tilespmem:s0+$0xC800]  }
0x12b: {  	v1 =	vadd.f32 v2, v1;
	v2 =	vmul.f32 v7, v3;
	v3 =	vld [tilespmem:s0+$0x4A00]  }
0x12c: {  	v7 =	vld [tilespmem:s0+$0xCA00]  }
0x12d: {  	v1 =	vadd.f32 v2, v1;
	v2 =	vmul.f32 v8, v4;
	v4 =	vld [tilespmem:s0+$0x4C00]  }
0x12e: {  	v8 =	vld [tilespmem:s0+$0xCC00]  }
0x12f: {  	v1 =	vadd.f32 v2, v1;
	v2 =	vmul.f32 v6, v5;
	v5 =	vld [tilespmem:s0+$0x4E00]  }
0x130: {  	v6 =	vld [tilespmem:s0+$0xCE00]  }
0x131: {  	v1 =	vadd.f32 v2, v1;
	v2 =	vmul.f32 v7, v3;
	v3 =	vld [tilespmem:s0+$0x5000]  }
0x132: {  	v7 =	vld [tilespmem:s0+$0xD000]  }
0x133: {  	v1 =	vadd.f32 v2, v1;
	v2 =	vmul.f32 v8, v4;
	v4 =	vld [tilespmem:s0+$0x5200]  }
0x134: {  	v8 =	vld [tilespmem:s0+$0xD200]  }
0x135: {  	v1 =	vadd.f32 v2, v1;
	v2 =	vmul.f32 v6, v5;
	v5 =	vld [tilespmem:s0+$0x5400]  }
0x136: {  	v6 =	vld [tilespmem:s0+$0xD400]  }
0x137: {  	v1 =	vadd.f32 v2, v1;
	v2 =	vmul.f32 v7, v3;
	v3 =	vld [tilespmem:s0+$0x5600]  }
0x138: {  	v7 =	vld [tilespmem:s0+$0xD600]  }
0x139: {  	v1 =	vadd.f32 v2, v1;
	v2 =	vmul.f32 v8, v4;
	v4 =	vld [tilespmem:s0+$0x5800]  }
0x13a: {  	v8 =	vld [tilespmem:s0+$0xD800]  }
0x13b: {  	v1 =	vadd.f32 v2, v1;
	v2 =	vmul.f32 v6, v5;
	v5 =	vld [tilespmem:s0+$0x5A00]  }
0x13c: {  	v6 =	vld [tilespmem:s0+$0xDA00]  }
0x13d: {  	v1 =	vadd.f32 v2, v1;
	v2 =	vmul.f32 v7, v3;
	v3 =	vld [tilespmem:s0+$0x5C00]  }
0x13e: {  	v7 =	vld [tilespmem:s0+$0xDC00]  }
0x13f: {  	v1 =	vadd.f32 v2, v1;
	v2 =	vmul.f32 v8, v4;
	v4 =	vld [tilespmem:s0+$0x5E00]  }
0x140: {  	v8 =	vld [tilespmem:s0+$0xDE00]  }
0x141: {  	v1 =	vadd.f32 v2, v1;
	v2 =	vmul.f32 v6, v5;
	v5 =	vld [tilespmem:s0+$0x6000]  }
0x142: {  	v6 =	vld [tilespmem:s0+$0xE000]  }
0x143: {  	v1 =	vadd.f32 v2, v1;
	v2 =	vmul.f32 v7, v3;
	v3 =	vld [tilespmem:s0+$0x6200]  }
0x144: {  	v7 =	vld [tilespmem:s0+$0xE200]  }
0x145: {  	v1 =	vadd.f32 v2, v1;
	v2 =	vmul.f32 v8, v4;
	v4 =	vld [tilespmem:s0+$0x6400]  }
0x146: {  	v8 =	vld [tilespmem:s0+$0xE400]  }
0x147: {  	v1 =	vadd.f32 v2, v1;
	v2 =	vmul.f32 v6, v5;
	v5 =	vld [tilespmem:s0+$0x6600]  }
0x148: {  	v6 =	vld [tilespmem:s0+$0xE600]  }
0x149: {  	v1 =	vadd.f32 v2, v1;
	v2 =	vmul.f32 v7, v3;
	v3 =	vld [tilespmem:s0+$0x6800]  }
0x14a: {  	v7 =	vld [tilespmem:s0+$0xE800]  }
0x14b: {  	v1 =	vadd.f32 v2, v1;
	v2 =	vmul.f32 v8, v4;
	v4 =	vld [tilespmem:s0+$0x6A00]  }
0x14c: {  	v8 =	vld [tilespmem:s0+$0xEA00]  }
0x14d: {  	v1 =	vadd.f32 v2, v1;
	v2 =	vmul.f32 v6, v5;
	v5 =	vld [tilespmem:s0+$0x6C00]  }
0x14e: {  	v6 =	vld [tilespmem:s0+$0xEC00]  }
0x14f: {  	v1 =	vadd.f32 v2, v1;
	v2 =	vmul.f32 v7, v3;
	v3 =	vld [tilespmem:s0+$0x6E00]  }
0x150: {  	v7 =	vld [tilespmem:s0+$0xEE00]  }
0x151: {  	v1 =	vadd.f32 v2, v1;
	v2 =	vmul.f32 v8, v4;
	v4 =	vld [tilespmem:s0+$0x7000]  }
0x152: {  	v8 =	vld [tilespmem:s0+$0xF000]  }
0x153: {  	v1 =	vadd.f32 v2, v1;
	v2 =	vmul.f32 v6, v5;
	v5 =	vld [tilespmem:s0+$0x7200]  }
0x154: {  	v6 =	vld [tilespmem:s0+$0xF200]  }
0x155: {  	v1 =	vadd.f32 v2, v1;
	v2 =	vmul.f32 v7, v3;
	v3 =	vld [tilespmem:s0+$0x7400]  }
0x156: {  	v7 =	vld [tilespmem:s0+$0xF400]  }
0x157: {  	v1 =	vadd.f32 v2, v1;
	v2 =	vmul.f32 v8, v4;
	v4 =	vld [tilespmem:s0+$0x7600]  }
0x158: {  	v8 =	vld [tilespmem:s0+$0xF600]  }
0x159: {  	v1 =	vadd.f32 v2, v1;
	v2 =	vmul.f32 v6, v5;
	v5 =	vld [tilespmem:s0+$0x7800]  }
0x15a: {  	v6 =	vld [tilespmem:s0+$0xF800]  }
0x15b: {  	v1 =	vadd.f32 v2, v1;
	v2 =	vmul.f32 v7, v3;
	v3 =	vld [tilespmem:s0+$0x7A00]  }
0x15c: {  	v7 =	vld [tilespmem:s0+$0xFA00]  }
0x15d: {  	v9 =	vld [tilespmem:s0+$0xFC00];
	v1 =	vadd.f32 v2, v1;
	v2 =	vmul.f32 v8, v4  }
0x15e: {  	v8 =	vld [tilespmem:s0+$0x7C00]  }
0x15f: {  	v10 =	vld [tilespmem:s0+$0x7E00];
	v1 =	vadd.f32 v2, v1;
	v2 =	vmul.f32 v6, v5  }
0x160: {  	v11 =	vld [tilespmem:s0+$0xFE00]  }
0x161: {  	v4 =	vld [tilespmem:s0+$0x10000];
	v3 =	vmul.f32 v7, v3;
	v2 =	vadd.f32 v2, v1  }
0x162: {  	v1 =	vld [tilespmem:s0+$0x8000]  }
0x163: {  	v5 =	vld [tilespmem:s0+$0x10200];
	v7 =	vmul.f32 v9, v8;
	v6 =	vadd.f32 v3, v2  }
0x164: {  	s16 =	simm.s32 $0x10;
	v2 =	vld [tilespmem:s0+$0x8200]  }
0x165: {  	s2 =	simm.s32 $0x80;
	v3 =	vld [tilespmem:s16+$0x10400];
	v6 =	vadd.f32 v7, v6;
	v7 =	vmul.f32 v11, v10  }
.LBB2_4:
0x166: {  	p0 =	sne.s32 s2, $0x7C0;
	v8 =	vld [tilespmem:s16+$0x10600]  }
0x167: {  	v9 =	vld [tilespmem:s16+$0x400];
	v6 =	vadd.f32 v7, v6;
	v1 =	vmul.f32 v4, v1  }
0x168: {  	v4 =	vld [tilespmem:s16+$0x8400]  }
0x169: {  	v7 =	vld [tilespmem:s16+$0x600];
	v1 =	vadd.f32 v1, v6;
	v2 =	vmul.f32 v5, v2  }
0x16a: {  	v5 =	vld [tilespmem:s16+$0x8600]  }
0x16b: {  	v3 =	vadd.f32 v8, v3;
	v6 =	vld [tilespmem:s16+$0x800];
	v1 =	vadd.f32 v2, v1  }
0x16c: {  	v2 =	vld [tilespmem:s16+$0x8800]  }
0x16d: {  	v3 =	vadd.f32 v3, v0;
	v4 =	vmul.f32 v4, v9;
	v8 =	vld [tilespmem:s16+$0xA00];
	[tilespmem:s0+$0x10810] =	vst v1;
	s0 =	smov.u32 s16  }
0x16e: {  	v1 =	vld [tilespmem:s0+$0x8A00]  }
0x16f: {  	v3 =	vadd.f32 v4, v3;
	v4 =	vmul.f32 v5, v7;
	v5 =	vld [tilespmem:s0+$0xC00]  }
0x170: {  	v7 =	vld [tilespmem:s0+$0x8C00]  }
0x171: {  	v3 =	vadd.f32 v4, v3;
	v2 =	vmul.f32 v2, v6;
	v4 =	vld [tilespmem:s0+$0xE00]  }
0x172: {  	v6 =	vld [tilespmem:s0+$0x8E00]  }
0x173: {  	v2 =	vadd.f32 v2, v3;
	v1 =	vmul.f32 v1, v8;
	v3 =	vld [tilespmem:s0+$0x1000]  }
0x174: {  	v8 =	vld [tilespmem:s0+$0x9000]  }
0x175: {  	v1 =	vadd.f32 v1, v2;
	v2 =	vmul.f32 v7, v5;
	v5 =	vld [tilespmem:s0+$0x1200]  }
0x176: {  	v7 =	vld [tilespmem:s0+$0x9200]  }
0x177: {  	v1 =	vadd.f32 v2, v1;
	v2 =	vmul.f32 v6, v4;
	v4 =	vld [tilespmem:s0+$0x1400]  }
0x178: {  	v6 =	vld [tilespmem:s0+$0x9400]  }
0x179: {  	v1 =	vadd.f32 v2, v1;
	v2 =	vmul.f32 v8, v3;
	v3 =	vld [tilespmem:s0+$0x1600]  }
0x17a: {  	v8 =	vld [tilespmem:s0+$0x9600]  }
0x17b: {  	v1 =	vadd.f32 v2, v1;
	v2 =	vmul.f32 v7, v5;
	v5 =	vld [tilespmem:s0+$0x1800]  }
0x17c: {  	v7 =	vld [tilespmem:s0+$0x9800]  }
0x17d: {  	v1 =	vadd.f32 v2, v1;
	v2 =	vmul.f32 v6, v4;
	v4 =	vld [tilespmem:s0+$0x1A00]  }
0x17e: {  	v6 =	vld [tilespmem:s0+$0x9A00]  }
0x17f: {  	v1 =	vadd.f32 v2, v1;
	v2 =	vmul.f32 v8, v3;
	v3 =	vld [tilespmem:s0+$0x1C00]  }
0x180: {  	v8 =	vld [tilespmem:s0+$0x9C00]  }
0x181: {  	v1 =	vadd.f32 v2, v1;
	v2 =	vmul.f32 v7, v5;
	v5 =	vld [tilespmem:s0+$0x1E00]  }
0x182: {  	v7 =	vld [tilespmem:s0+$0x9E00]  }
0x183: {  	v1 =	vadd.f32 v2, v1;
	v2 =	vmul.f32 v6, v4;
	v4 =	vld [tilespmem:s0+$0x2000]  }
0x184: {  	v6 =	vld [tilespmem:s0+$0xA000]  }
0x185: {  	v1 =	vadd.f32 v2, v1;
	v2 =	vmul.f32 v8, v3;
	v3 =	vld [tilespmem:s0+$0x2200]  }
0x186: {  	v8 =	vld [tilespmem:s0+$0xA200]  }
0x187: {  	v1 =	vadd.f32 v2, v1;
	v2 =	vmul.f32 v7, v5;
	v5 =	vld [tilespmem:s0+$0x2400]  }
0x188: {  	v7 =	vld [tilespmem:s0+$0xA400]  }
0x189: {  	v1 =	vadd.f32 v2, v1;
	v2 =	vmul.f32 v6, v4;
	v4 =	vld [tilespmem:s0+$0x2600]  }
0x18a: {  	v6 =	vld [tilespmem:s0+$0xA600]  }
0x18b: {  	v1 =	vadd.f32 v2, v1;
	v2 =	vmul.f32 v8, v3;
	v3 =	vld [tilespmem:s0+$0x2800]  }
0x18c: {  	v8 =	vld [tilespmem:s0+$0xA800]  }
0x18d: {  	v1 =	vadd.f32 v2, v1;
	v2 =	vmul.f32 v7, v5;
	v5 =	vld [tilespmem:s0+$0x2A00]  }
0x18e: {  	v7 =	vld [tilespmem:s0+$0xAA00]  }
0x18f: {  	v1 =	vadd.f32 v2, v1;
	v2 =	vmul.f32 v6, v4;
	v4 =	vld [tilespmem:s0+$0x2C00]  }
0x190: {  	v6 =	vld [tilespmem:s0+$0xAC00]  }
0x191: {  	v1 =	vadd.f32 v2, v1;
	v2 =	vmul.f32 v8, v3;
	v3 =	vld [tilespmem:s0+$0x2E00]  }
0x192: {  	v8 =	vld [tilespmem:s0+$0xAE00]  }
0x193: {  	v1 =	vadd.f32 v2, v1;
	v2 =	vmul.f32 v7, v5;
	v5 =	vld [tilespmem:s0+$0x3000]  }
0x194: {  	v7 =	vld [tilespmem:s0+$0xB000]  }
0x195: {  	v1 =	vadd.f32 v2, v1;
	v2 =	vmul.f32 v6, v4;
	v4 =	vld [tilespmem:s0+$0x3200]  }
0x196: {  	v6 =	vld [tilespmem:s0+$0xB200]  }
0x197: {  	v1 =	vadd.f32 v2, v1;
	v2 =	vmul.f32 v8, v3;
	v3 =	vld [tilespmem:s0+$0x3400]  }
0x198: {  	v8 =	vld [tilespmem:s0+$0xB400]  }
0x199: {  	v1 =	vadd.f32 v2, v1;
	v2 =	vmul.f32 v7, v5;
	v5 =	vld [tilespmem:s0+$0x3600]  }
0x19a: {  	v7 =	vld [tilespmem:s0+$0xB600]  }
0x19b: {  	v1 =	vadd.f32 v2, v1;
	v2 =	vmul.f32 v6, v4;
	v4 =	vld [tilespmem:s0+$0x3800]  }
0x19c: {  	v6 =	vld [tilespmem:s0+$0xB800]  }
0x19d: {  	v1 =	vadd.f32 v2, v1;
	v2 =	vmul.f32 v8, v3;
	v3 =	vld [tilespmem:s0+$0x3A00]  }
0x19e: {  	v8 =	vld [tilespmem:s0+$0xBA00]  }
0x19f: {  	v1 =	vadd.f32 v2, v1;
	v2 =	vmul.f32 v7, v5;
	v5 =	vld [tilespmem:s0+$0x3C00]  }
0x1a0: {  	v7 =	vld [tilespmem:s0+$0xBC00]  }
0x1a1: {  	v1 =	vadd.f32 v2, v1;
	v2 =	vmul.f32 v6, v4;
	v4 =	vld [tilespmem:s0+$0x3E00]  }
0x1a2: {  	v6 =	vld [tilespmem:s0+$0xBE00]  }
0x1a3: {  	v1 =	vadd.f32 v2, v1;
	v2 =	vmul.f32 v8, v3;
	v3 =	vld [tilespmem:s0+$0x4000]  }
0x1a4: {  	v8 =	vld [tilespmem:s0+$0xC000]  }
0x1a5: {  	v1 =	vadd.f32 v2, v1;
	v2 =	vmul.f32 v7, v5;
	v5 =	vld [tilespmem:s0+$0x4200]  }
0x1a6: {  	v7 =	vld [tilespmem:s0+$0xC200]  }
0x1a7: {  	v1 =	vadd.f32 v2, v1;
	v2 =	vmul.f32 v6, v4;
	v4 =	vld [tilespmem:s0+$0x4400]  }
0x1a8: {  	v6 =	vld [tilespmem:s0+$0xC400]  }
0x1a9: {  	v1 =	vadd.f32 v2, v1;
	v2 =	vmul.f32 v8, v3;
	v3 =	vld [tilespmem:s0+$0x4600]  }
0x1aa: {  	v8 =	vld [tilespmem:s0+$0xC600]  }
0x1ab: {  	v1 =	vadd.f32 v2, v1;
	v2 =	vmul.f32 v7, v5;
	v5 =	vld [tilespmem:s0+$0x4800]  }
0x1ac: {  	v7 =	vld [tilespmem:s0+$0xC800]  }
0x1ad: {  	v1 =	vadd.f32 v2, v1;
	v2 =	vmul.f32 v6, v4;
	v4 =	vld [tilespmem:s0+$0x4A00]  }
0x1ae: {  	v6 =	vld [tilespmem:s0+$0xCA00]  }
0x1af: {  	v1 =	vadd.f32 v2, v1;
	v2 =	vmul.f32 v8, v3;
	v3 =	vld [tilespmem:s0+$0x4C00]  }
0x1b0: {  	v8 =	vld [tilespmem:s0+$0xCC00]  }
0x1b1: {  	v1 =	vadd.f32 v2, v1;
	v2 =	vmul.f32 v7, v5;
	v5 =	vld [tilespmem:s0+$0x4E00]  }
0x1b2: {  	v7 =	vld [tilespmem:s0+$0xCE00]  }
0x1b3: {  	v1 =	vadd.f32 v2, v1;
	v2 =	vmul.f32 v6, v4;
	v4 =	vld [tilespmem:s0+$0x5000]  }
0x1b4: {  	v6 =	vld [tilespmem:s0+$0xD000]  }
0x1b5: {  	v1 =	vadd.f32 v2, v1;
	v2 =	vmul.f32 v8, v3;
	v3 =	vld [tilespmem:s0+$0x5200]  }
0x1b6: {  	v8 =	vld [tilespmem:s0+$0xD200]  }
0x1b7: {  	v1 =	vadd.f32 v2, v1;
	v2 =	vmul.f32 v7, v5;
	v5 =	vld [tilespmem:s0+$0x5400]  }
0x1b8: {  	v7 =	vld [tilespmem:s0+$0xD400]  }
0x1b9: {  	v1 =	vadd.f32 v2, v1;
	v2 =	vmul.f32 v6, v4;
	v4 =	vld [tilespmem:s0+$0x5600]  }
0x1ba: {  	v6 =	vld [tilespmem:s0+$0xD600]  }
0x1bb: {  	v1 =	vadd.f32 v2, v1;
	v2 =	vmul.f32 v8, v3;
	v3 =	vld [tilespmem:s0+$0x5800]  }
0x1bc: {  	v8 =	vld [tilespmem:s0+$0xD800]  }
0x1bd: {  	v1 =	vadd.f32 v2, v1;
	v2 =	vmul.f32 v7, v5;
	v5 =	vld [tilespmem:s0+$0x5A00]  }
0x1be: {  	v7 =	vld [tilespmem:s0+$0xDA00]  }
0x1bf: {  	v1 =	vadd.f32 v2, v1;
	v2 =	vmul.f32 v6, v4;
	v4 =	vld [tilespmem:s0+$0x5C00]  }
0x1c0: {  	v6 =	vld [tilespmem:s0+$0xDC00]  }
0x1c1: {  	v1 =	vadd.f32 v2, v1;
	v2 =	vmul.f32 v8, v3;
	v3 =	vld [tilespmem:s0+$0x5E00]  }
0x1c2: {  	v8 =	vld [tilespmem:s0+$0xDE00]  }
0x1c3: {  	v1 =	vadd.f32 v2, v1;
	v2 =	vmul.f32 v7, v5;
	v5 =	vld [tilespmem:s0+$0x6000]  }
0x1c4: {  	v7 =	vld [tilespmem:s0+$0xE000]  }
0x1c5: {  	v1 =	vadd.f32 v2, v1;
	v2 =	vmul.f32 v6, v4;
	v4 =	vld [tilespmem:s0+$0x6200]  }
0x1c6: {  	v6 =	vld [tilespmem:s0+$0xE200]  }
0x1c7: {  	v1 =	vadd.f32 v2, v1;
	v2 =	vmul.f32 v8, v3;
	v3 =	vld [tilespmem:s0+$0x6400]  }
0x1c8: {  	v8 =	vld [tilespmem:s0+$0xE400]  }
0x1c9: {  	v1 =	vadd.f32 v2, v1;
	v2 =	vmul.f32 v7, v5;
	v5 =	vld [tilespmem:s0+$0x6600]  }
0x1ca: {  	v7 =	vld [tilespmem:s0+$0xE600]  }
0x1cb: {  	v1 =	vadd.f32 v2, v1;
	v2 =	vmul.f32 v6, v4;
	v4 =	vld [tilespmem:s0+$0x6800]  }
0x1cc: {  	v6 =	vld [tilespmem:s0+$0xE800]  }
0x1cd: {  	v1 =	vadd.f32 v2, v1;
	v2 =	vmul.f32 v8, v3;
	v3 =	vld [tilespmem:s0+$0x6A00]  }
0x1ce: {  	v8 =	vld [tilespmem:s0+$0xEA00]  }
0x1cf: {  	v1 =	vadd.f32 v2, v1;
	v2 =	vmul.f32 v7, v5;
	v5 =	vld [tilespmem:s0+$0x6C00]  }
0x1d0: {  	v7 =	vld [tilespmem:s0+$0xEC00]  }
0x1d1: {  	v1 =	vadd.f32 v2, v1;
	v2 =	vmul.f32 v6, v4;
	v4 =	vld [tilespmem:s0+$0x6E00]  }
0x1d2: {  	v6 =	vld [tilespmem:s0+$0xEE00]  }
0x1d3: {  	v1 =	vadd.f32 v2, v1;
	v2 =	vmul.f32 v8, v3;
	v3 =	vld [tilespmem:s0+$0x7000]  }
0x1d4: {  	v8 =	vld [tilespmem:s0+$0xF000]  }
0x1d5: {  	v1 =	vadd.f32 v2, v1;
	v2 =	vmul.f32 v7, v5;
	v5 =	vld [tilespmem:s0+$0x7200]  }
0x1d6: {  	v7 =	vld [tilespmem:s0+$0xF200]  }
0x1d7: {  	v1 =	vadd.f32 v2, v1;
	v2 =	vmul.f32 v6, v4;
	v4 =	vld [tilespmem:s0+$0x7400]  }
0x1d8: {  	v6 =	vld [tilespmem:s0+$0xF400]  }
0x1d9: {  	v1 =	vadd.f32 v2, v1;
	v2 =	vmul.f32 v8, v3;
	v3 =	vld [tilespmem:s0+$0x7600]  }
0x1da: {  	v8 =	vld [tilespmem:s0+$0xF600]  }
0x1db: {  	v1 =	vadd.f32 v2, v1;
	v2 =	vmul.f32 v7, v5;
	v5 =	vld [tilespmem:s0+$0x7800]  }
0x1dc: {  	v7 =	vld [tilespmem:s0+$0xF800]  }
0x1dd: {  	v1 =	vadd.f32 v2, v1;
	v2 =	vmul.f32 v6, v4;
	v4 =	vld [tilespmem:s0+$0x7A00]  }
0x1de: {  	v6 =	vld [tilespmem:s0+$0xFA00]  }
0x1df: {  	v1 =	vadd.f32 v2, v1;
	v2 =	vmul.f32 v8, v3;
	v3 =	vld [tilespmem:s0+$0x7C00]  }
0x1e0: {  	v8 =	vld [tilespmem:s0+$0xFC00]  }
0x1e1: {  	v1 =	vadd.f32 v2, v1;
	v2 =	vmul.f32 v7, v5;
	v7 =	vld [tilespmem:s0+$0x7E00]  }
0x1e2: {  	v9 =	vld [tilespmem:s0+$0xFE00]  }
.Ltmp1:
0x1e3: {  	v2 =	vadd.f32 v2, v1;
	v5 =	vmul.f32 v6, v4;
	v1 =	vld [tilespmem:s0+$0x8000];
	(pc) =	sbr.rel @p0 .LBB2_4-.Ltmp1, $4  }
0x1e4: {  	v4 =	vld [tilespmem:s0+$0x10000]  }
0x1e5: {  	v6 =	vadd.f32 v5, v2;
	v8 =	vmul.f32 v8, v3;
	v2 =	vld [tilespmem:s0+$0x8200]  }
0x1e6: {  	s16 =	sshra.s32 s2, $0x2;
	v5 =	vld [tilespmem:s0+$0x10200]  }
0x1e7: {  	s2 =	sadd.s32 $0x40, s2;
	v3 =	vld [tilespmem:s16+$0x10400];
	v6 =	vadd.f32 v8, v6;
	v7 =	vmul.f32 v9, v7  }
0x1e8: {  	v8 =	vld [tilespmem:s16+$0x10600]  }
0x1e9: {  	v9 =	vld [tilespmem:s16+$0x400];
	v6 =	vadd.f32 v7, v6;
	v1 =	vmul.f32 v4, v1  }
0x1ea: {  	v42 =	vld [tilespmem:s16+$0x8400]  }
0x1eb: {  	v43 =	vld [tilespmem:s16+$0x600];
	v1 =	vadd.f32 v1, v6;
	v2 =	vmul.f32 v5, v2  }
0x1ec: {  	v44 =	vld [tilespmem:s16+$0x8600]  }
0x1ed: {  	v45 =	vld [tilespmem:s16+$0x800];
	v3 =	vadd.f32 v8, v3;
	v1 =	vadd.f32 v2, v1  }
0x1ee: {  	v46 =	vld [tilespmem:s16+$0x8800]  }
0x1ef: {  	v47 =	vld [tilespmem:s16+$0xA00];
	v48 =	vmul.f32 v42, v9;
	v0 =	vadd.f32 v3, v0;
	[tilespmem:s0+$0x10810] =	vst v1  }
0x1f0: {  	v1 =	vld [tilespmem:s16+$0x8A00]  }
0x1f1: {  	v49 =	vmul.f32 v44, v43;
	v50 =	vld [tilespmem:s16+$0xC00];
	v0 =	vadd.f32 v48, v0  }
0x1f2: {  	v51 =	vld [tilespmem:s16+$0x8C00]  }
0x1f3: {  	v2 =	vmul.f32 v46, v45;
	v52 =	vld [tilespmem:s16+$0xE00];
	v0 =	vadd.f32 v49, v0  }
0x1f4: {  	v53 =	vld [tilespmem:s16+$0x8E00]  }
0x1f5: {  	v54 =	vld [tilespmem:s16+$0x1000];
	v0 =	vadd.f32 v2, v0;
	v1 =	vmul.f32 v1, v47  }
0x1f6: {  	v55 =	vld [tilespmem:s16+$0x9000]  }
0x1f7: {  	v57 =	vld [tilespmem:s16+$0x1200];
	v56 =	vmul.f32 v51, v50;
	v0 =	vadd.f32 v1, v0  }
0x1f8: {  	v58 =	vld [tilespmem:s16+$0x9200]  }
0x1f9: {  	v60 =	vld [tilespmem:s16+$0x1400];
	v59 =	vmul.f32 v53, v52;
	v0 =	vadd.f32 v56, v0  }
0x1fa: {  	v61 =	vld [tilespmem:s16+$0x9400]  }
0x1fb: {  	v63 =	vld [tilespmem:s16+$0x1600];
	v62 =	vmul.f32 v55, v54;
	v0 =	vadd.f32 v59, v0  }
0x1fc: {  	v9 =	vld [tilespmem:s16+$0x9600]  }
0x1fd: {  	v11 =	vld [tilespmem:s16+$0x1800];
	v10 =	vmul.f32 v58, v57;
	v0 =	vadd.f32 v62, v0  }
0x1fe: {  	v12 =	vld [tilespmem:s16+$0x9800]  }
0x1ff: {  	v14 =	vld [tilespmem:s16+$0x1A00];
	v13 =	vmul.f32 v61, v60;
	v0 =	vadd.f32 v10, v0  }
0x200: {  	v15 =	vld [tilespmem:s16+$0x9A00]  }
0x201: {  	v17 =	vld [tilespmem:s16+$0x1C00];
	v16 =	vmul.f32 v9, v63;
	v0 =	vadd.f32 v13, v0  }
0x202: {  	v18 =	vld [tilespmem:s16+$0x9C00]  }
0x203: {  	v20 =	vld [tilespmem:s16+$0x1E00];
	v19 =	vmul.f32 v12, v11;
	v0 =	vadd.f32 v16, v0  }
0x204: {  	v21 =	vld [tilespmem:s16+$0x9E00]  }
0x205: {  	v23 =	vld [tilespmem:s16+$0x2000];
	v22 =	vmul.f32 v15, v14;
	v0 =	vadd.f32 v19, v0  }
0x206: {  	v24 =	vld [tilespmem:s16+$0xA000]  }
0x207: {  	v26 =	vld [tilespmem:s16+$0x2200];
	v25 =	vmul.f32 v18, v17;
	v0 =	vadd.f32 v22, v0  }
0x208: {  	v27 =	vld [tilespmem:s16+$0xA200]  }
0x209: {  	v29 =	vld [tilespmem:s16+$0x2400];
	v28 =	vmul.f32 v21, v20;
	v0 =	vadd.f32 v25, v0  }
0x20a: {  	v30 =	vld [tilespmem:s16+$0xA400]  }
0x20b: {  	v32 =	vld [tilespmem:s16+$0x2600];
	v31 =	vmul.f32 v24, v23;
	v0 =	vadd.f32 v28, v0  }
0x20c: {  	v33 =	vld [tilespmem:s16+$0xA600]  }
0x20d: {  	v35 =	vld [tilespmem:s16+$0x2800];
	v34 =	vmul.f32 v27, v26;
	v0 =	vadd.f32 v31, v0  }
0x20e: {  	v36 =	vld [tilespmem:s16+$0xA800]  }
0x20f: {  	v38 =	vld [tilespmem:s16+$0x2A00];
	v37 =	vmul.f32 v30, v29;
	v0 =	vadd.f32 v34, v0  }
0x210: {  	v39 =	vld [tilespmem:s16+$0xAA00]  }
0x211: {  	v41 =	vld [tilespmem:s16+$0x2C00];
	v40 =	vmul.f32 v33, v32;
	v0 =	vadd.f32 v37, v0  }
0x212: {  	v42 =	vld [tilespmem:s16+$0xAC00]  }
0x213: {  	v44 =	vld [tilespmem:s16+$0x2E00];
	v43 =	vmul.f32 v36, v35;
	v0 =	vadd.f32 v40, v0  }
0x214: {  	v45 =	vld [tilespmem:s16+$0xAE00]  }
0x215: {  	v48 =	vld [tilespmem:s16+$0xB000];
	v46 =	vmul.f32 v39, v38;
	v0 =	vadd.f32 v43, v0  }
0x216: {  	v47 =	vld [tilespmem:s16+$0x3000]  }
0x217: {  	v49 =	vmul.f32 v42, v41;
	v50 =	vld [tilespmem:s16+$0x3200];
	v0 =	vadd.f32 v46, v0  }
0x218: {  	v51 =	vld [tilespmem:s16+$0xB200]  }
0x219: {  	v52 =	vmul.f32 v45, v44;
	v53 =	vld [tilespmem:s16+$0x3400];
	v0 =	vadd.f32 v49, v0  }
0x21a: {  	v54 =	vld [tilespmem:s16+$0xB400]  }
0x21b: {  	v57 =	vld [tilespmem:s16+$0xB600];
	v55 =	vmul.f32 v48, v47;
	v0 =	vadd.f32 v52, v0  }
0x21c: {  	v56 =	vld [tilespmem:s16+$0x3600]  }
0x21d: {  	v60 =	vld [tilespmem:s16+$0xB800];
	v58 =	vmul.f32 v51, v50;
	v0 =	vadd.f32 v55, v0  }
0x21e: {  	v59 =	vld [tilespmem:s16+$0x3800]  }
0x21f: {  	v63 =	vld [tilespmem:s16+$0xBA00];
	v61 =	vmul.f32 v54, v53;
	v0 =	vadd.f32 v58, v0  }
0x220: {  	v62 =	vld [tilespmem:s16+$0x3A00]  }
0x221: {  	v9 =	vld [tilespmem:s16+$0x3C00];
	v8 =	vmul.f32 v57, v56;
	v0 =	vadd.f32 v61, v0  }
0x222: {  	v10 =	vld [tilespmem:s16+$0xBC00]  }
0x223: {  	v12 =	vld [tilespmem:s16+$0x3E00];
	v11 =	vmul.f32 v60, v59;
	v0 =	vadd.f32 v8, v0  }
0x224: {  	v13 =	vld [tilespmem:s16+$0xBE00]  }
0x225: {  	v15 =	vld [tilespmem:s16+$0x4000];
	v14 =	vmul.f32 v63, v62;
	v0 =	vadd.f32 v11, v0  }
0x226: {  	v16 =	vld [tilespmem:s16+$0xC000]  }
0x227: {  	v18 =	vld [tilespmem:s16+$0x4200];
	v17 =	vmul.f32 v10, v9;
	v0 =	vadd.f32 v14, v0  }
0x228: {  	v19 =	vld [tilespmem:s16+$0xC200]  }
0x229: {  	v21 =	vld [tilespmem:s16+$0x4400];
	v20 =	vmul.f32 v13, v12;
	v0 =	vadd.f32 v17, v0  }
0x22a: {  	v22 =	vld [tilespmem:s16+$0xC400]  }
0x22b: {  	v24 =	vld [tilespmem:s16+$0x4600];
	v23 =	vmul.f32 v16, v15;
	v0 =	vadd.f32 v20, v0  }
0x22c: {  	v25 =	vld [tilespmem:s16+$0xC600]  }
0x22d: {  	v27 =	vld [tilespmem:s16+$0x4800];
	v26 =	vmul.f32 v19, v18;
	v0 =	vadd.f32 v23, v0  }
0x22e: {  	v28 =	vld [tilespmem:s16+$0xC800]  }
0x22f: {  	v30 =	vld [tilespmem:s16+$0x4A00];
	v29 =	vmul.f32 v22, v21;
	v0 =	vadd.f32 v26, v0  }
0x230: {  	v31 =	vld [tilespmem:s16+$0xCA00]  }
0x231: {  	v33 =	vld [tilespmem:s16+$0x4C00];
	v32 =	vmul.f32 v25, v24;
	v0 =	vadd.f32 v29, v0  }
0x232: {  	v34 =	vld [tilespmem:s16+$0xCC00]  }
0x233: {  	v36 =	vld [tilespmem:s16+$0x4E00];
	v35 =	vmul.f32 v28, v27;
	v0 =	vadd.f32 v32, v0  }
0x234: {  	v37 =	vld [tilespmem:s16+$0xCE00]  }
0x235: {  	v39 =	vld [tilespmem:s16+$0x5000];
	v38 =	vmul.f32 v31, v30;
	v0 =	vadd.f32 v35, v0  }
0x236: {  	v40 =	vld [tilespmem:s16+$0xD000]  }
0x237: {  	v42 =	vld [tilespmem:s16+$0x5200];
	v41 =	vmul.f32 v34, v33;
	v0 =	vadd.f32 v38, v0  }
0x238: {  	v43 =	vld [tilespmem:s16+$0xD200]  }
0x239: {  	v45 =	vld [tilespmem:s16+$0x5400];
	v44 =	vmul.f32 v37, v36;
	v0 =	vadd.f32 v41, v0  }
0x23a: {  	v46 =	vld [tilespmem:s16+$0xD400]  }
0x23b: {  	v48 =	vld [tilespmem:s16+$0x5600];
	v47 =	vmul.f32 v40, v39;
	v0 =	vadd.f32 v44, v0  }
0x23c: {  	v49 =	vld [tilespmem:s16+$0xD600]  }
0x23d: {  	v51 =	vld [tilespmem:s16+$0x5800];
	v50 =	vmul.f32 v43, v42;
	v0 =	vadd.f32 v47, v0  }
0x23e: {  	v52 =	vld [tilespmem:s16+$0xD800]  }
0x23f: {  	v54 =	vld [tilespmem:s16+$0x5A00];
	v53 =	vmul.f32 v46, v45;
	v0 =	vadd.f32 v50, v0  }
0x240: {  	v55 =	vld [tilespmem:s16+$0xDA00]  }
0x241: {  	v57 =	vld [tilespmem:s16+$0x5C00];
	v56 =	vmul.f32 v49, v48;
	v0 =	vadd.f32 v53, v0  }
0x242: {  	v58 =	vld [tilespmem:s16+$0xDC00]  }
0x243: {  	v60 =	vld [tilespmem:s16+$0x5E00];
	v59 =	vmul.f32 v52, v51;
	v0 =	vadd.f32 v56, v0  }
0x244: {  	v61 =	vld [tilespmem:s16+$0xDE00]  }
0x245: {  	v63 =	vld [tilespmem:s16+$0x6000];
	v62 =	vmul.f32 v55, v54;
	v0 =	vadd.f32 v59, v0  }
0x246: {  	v9 =	vld [tilespmem:s16+$0xE000]  }
0x247: {  	v12 =	vld [tilespmem:s16+$0xE200];
	v10 =	vmul.f32 v58, v57;
	v0 =	vadd.f32 v62, v0  }
0x248: {  	v11 =	vld [tilespmem:s16+$0x6200]  }
0x249: {  	v15 =	vld [tilespmem:s16+$0xE400];
	v13 =	vmul.f32 v61, v60;
	v0 =	vadd.f32 v10, v0  }
0x24a: {  	v14 =	vld [tilespmem:s16+$0x6400]  }
0x24b: {  	v16 =	vmul.f32 v9, v63;
	v18 =	vld [tilespmem:s16+$0xE600];
	v0 =	vadd.f32 v13, v0  }
0x24c: {  	v17 =	vld [tilespmem:s16+$0x6600]  }
0x24d: {  	v21 =	vld [tilespmem:s16+$0xE800];
	v19 =	vmul.f32 v12, v11;
	v0 =	vadd.f32 v16, v0  }
0x24e: {  	v20 =	vld [tilespmem:s16+$0x6800]  }
0x24f: {  	v24 =	vld [tilespmem:s16+$0xEA00];
	v22 =	vmul.f32 v15, v14;
	v0 =	vadd.f32 v19, v0  }
0x250: {  	v23 =	vld [tilespmem:s16+$0x6A00]  }
0x251: {  	v27 =	vld [tilespmem:s16+$0xEC00];
	v25 =	vmul.f32 v18, v17;
	v0 =	vadd.f32 v22, v0  }
0x252: {  	v26 =	vld [tilespmem:s16+$0x6C00]  }
0x253: {  	v30 =	vld [tilespmem:s16+$0xEE00];
	v28 =	vmul.f32 v21, v20;
	v0 =	vadd.f32 v25, v0  }
0x254: {  	v29 =	vld [tilespmem:s16+$0x6E00]  }
0x255: {  	v33 =	vld [tilespmem:s16+$0xF000];
	v31 =	vmul.f32 v24, v23;
	v0 =	vadd.f32 v28, v0  }
0x256: {  	v32 =	vld [tilespmem:s16+$0x7000]  }
0x257: {  	v36 =	vld [tilespmem:s16+$0xF200];
	v34 =	vmul.f32 v27, v26;
	v0 =	vadd.f32 v31, v0  }
0x258: {  	v35 =	vld [tilespmem:s16+$0x7200]  }
0x259: {  	v39 =	vld [tilespmem:s16+$0xF400];
	v37 =	vmul.f32 v30, v29;
	v0 =	vadd.f32 v34, v0  }
0x25a: {  	v38 =	vld [tilespmem:s16+$0x7400]  }
0x25b: {  	v42 =	vld [tilespmem:s16+$0xF600];
	v40 =	vmul.f32 v33, v32;
	v0 =	vadd.f32 v37, v0  }
0x25c: {  	v41 =	vld [tilespmem:s16+$0x7600]  }
0x25d: {  	v45 =	vld [tilespmem:s16+$0xF800];
	v43 =	vmul.f32 v36, v35;
	v0 =	vadd.f32 v40, v0  }
0x25e: {  	v44 =	vld [tilespmem:s16+$0x7800]  }
0x25f: {  	v48 =	vld [tilespmem:s16+$0xFA00];
	v46 =	vmul.f32 v39, v38;
	v0 =	vadd.f32 v43, v0  }
0x260: {  	v47 =	vld [tilespmem:s16+$0x7A00]  }
0x261: {  	v51 =	vld [tilespmem:s16+$0xFC00];
	v49 =	vmul.f32 v42, v41;
	v0 =	vadd.f32 v46, v0  }
0x262: {  	v50 =	vld [tilespmem:s16+$0x7C00]  }
0x263: {  	v54 =	vld [tilespmem:s16+$0xFE00];
	v52 =	vmul.f32 v45, v44;
	v0 =	vadd.f32 v49, v0  }
0x264: {  	v53 =	vld [tilespmem:s16+$0x7E00]  }
0x265: {  	v57 =	vld [tilespmem:s16+$0x10000];
	v55 =	vmul.f32 v48, v47;
	v0 =	vadd.f32 v52, v0  }
0x266: {  	v56 =	vld [tilespmem:s16+$0x8000]  }
0x267: {  	v60 =	vld [tilespmem:s16+$0x10200];
	v58 =	vmul.f32 v51, v50;
	v0 =	vadd.f32 v55, v0  }
0x268: {  	v59 =	vld [tilespmem:s16+$0x8200]  }
0x269: {  	v61 =	vmul.f32 v54, v53;
	v0 =	vadd.f32 v58, v0;
	_ =	sdelay $0x1  }
0x26a: {  	v62 =	vmul.f32 v57, v56;
	v0 =	vadd.f32 v61, v0;
	_ =	sdelay $0x1  }
0x26b: {  	v63 =	vmul.f32 v60, v59;
	v0 =	vadd.f32 v62, v0;
	_ =	sdelay $0x1  }
0x26c: {  	s31 =	sadd.s32 $0x1, s31;
	v0 =	vadd.f32 v63, v0  }
0x26d: {  	p0 =	sne.s32 s31, s11  }
.Ltmp2:
0x26e: {  	[tilespmem:s16+$0x10810] =	vst v0;
	(pc) =	sbr.rel @p0 .LBB2_1-.Ltmp2, $4  }
0x26f: {  	[hbm4b:s10+s1] =	stream.linear.scatter [tilespmem:s29], [sflag:$0x2], $0x200, $0x38;
	[tilespmem:$0x10A10] =	vst v63  }
0x270: {  	_ =	swait.ge [sflag:s14], $0x200  }
0x271: {  	[sflag:s14] =	ssyncset.done $0x0  }
0x272: {  	[sflag:s14] =	ssyncadd.s32 $0xFFFFFE00  }
0x273: {  	_ =	sfence.sel $0x180000  }
0x274: {  	[bflag:$0x0] =	sbarrier.arrive $0xFFFF  }
0x275: {  	_ =	strace $0x9000004A  }
0x276: {  	s0 =	stileid.u32;
	[bflag:$0x2] =	sbarrier.arrive $0xFFFF  }
0x277: {  	p0 =	sne.s32 s0, $0x0;
	s0 =	rddreg [dreg:$0x4]  }
0x278: {  	s0 =	sadd.s32 @!p0 $0x100000, s0  }
0x279: {  	[sflag:s0] =	ssyncadd.tile.s32 @!p0 $0x1;
	_ =	shalt  }
.Lfunc_end2:
_tile_overlayer_lowered:
.L_overlay_start_2:
0x27a: {  	(tag) =	ssettag $0x2  }
0x27b: {  	s0 =	rddreg [dreg:$0x0];
	s2 =	stileid.u32  }
0x27c: {  	s1 =	rddreg [dreg:$0x1];
	p0 =	sne.s32 s2, $0x0  }
0x27d: {  	s3 =	rddreg [dreg:$0x2];
	[bflag:$0x3] =	sbarrier.arrive $0xFFFF;
	s2 =	simm.s32 @!p0 $0x1C02  }
0x27e: {  	[timem:s3], [sflag:s2] =	dma.local @!p0 [hbm:s0], s1  }
0x27f: {  	s0 =	simm.s32 @!p0 $0x2  }
0x280: {  	_ =	swait.ge @!p0 [sflag:s0], s1  }
0x281: {  	s1 =	ssub.s32 @!p0 $0x0, s1;
	[sflag:s0] =	ssyncset.done @!p0 $0x0  }
0x282: {  	[sflag:s0] =	ssyncadd.s32 @!p0 s1  }
0x283: {  	[bflag:$0x3] =	sbarrier.arrive $0xFFFF  }
0x284: {  	_ =	shalt  }

</sc_bundles>
